<compile_context>
chip_gen: v7x
topology: tpu7x:2x2x1
jax: 0.10.2.dev20260603
libtpu: 0.0.44.dev20260713+nightly
codegen_flags: <defaults>
</compile_context>

<pallas_src>
import functools

import jax
import jax.numpy as jnp
from jax import lax
from jax.experimental import pallas as pl
from jax.experimental.pallas import tpu as pltpu
from jax.experimental.pallas import tpu_sc as plsc

B, NUM_LABELS, LABEL_DIM, H, W = 16, 1024, 64, 128, 128
LANES = 16
BH = B // 2
RB = 8
CG = 16
CPG = CG // 2
NCG = LABEL_DIM // CG
VPR = W // LANES
NVB = 4


def _sc_body(idx_hbm, table_hbm, pos_hbm, out_hbm, table_v, idx_v, pos_v,
             out_v, sem, psem):
    wid = lax.axis_index("s") * 2 + lax.axis_index("c")
    b0 = lax.rem(wid, 2) * BH
    h0 = lax.div(wid, 2) * RB
    pltpu.sync_copy(table_hbm, table_v)
    pltpu.sync_copy(idx_hbm.at[pl.ds(b0, BH), 0, pl.ds(h0, RB), :], idx_v)
    pltpu.async_copy(
        pos_hbm.at[0, pl.ds(0, CG), pl.ds(h0, RB), :], pos_v.at[0], psem)

    def cg_body(cg, _):
        c0 = cg * CG
        pp = lax.rem(cg, 2)
        pltpu.make_async_copy(
            pos_hbm.at[0, pl.ds(c0, CG), pl.ds(h0, RB), :], pos_v.at[pp],
            psem).wait()

        @pl.when(cg + 1 < NCG)
        def _prefetch_pos():
            pltpu.async_copy(
                pos_hbm.at[0, pl.ds(c0 + CG, CG), pl.ds(h0, RB), :],
                pos_v.at[1 - pp], psem)

        def b_body(b, _):
            parity = lax.rem(b, 2)

            @pl.when(jnp.logical_or(cg > 0, b >= 2))
            def _wait_prev():
                pltpu.make_async_copy(
                    out_v.at[parity],
                    out_hbm.at[b0 + b, pl.ds(c0, CG), pl.ds(h0, RB), :],
                    sem).wait()

            for vb in range(NVB):
                fib = [idx_v[b, 2 * vb + v // VPR,
                             pl.ds((v % VPR) * LANES, LANES)]
                       for v in range(2 * VPR)]

                @plsc.parallel_loop(0, CPG, unroll=4)
                def _cp_body(cp):
                    cpv = jnp.full(
                        (LANES,), (cg * CPG + cp) * NUM_LABELS, jnp.int32)
                    for v in range(2 * VPR):
                        r, off = 2 * vb + v // VPR, (v % VPR) * LANES
                        sl = pl.ds(off, LANES)
                        pair = plsc.load_gather(table_v, [fib[v] + cpv])
                        lo, hi = plsc.unpack(
                            plsc.bitcast(pair, jnp.bfloat16),
                            format=plsc.PackFormat.INTERLEAVED)
                        out_v[parity, 2 * cp, r, sl] = (
                            lo * pos_v[pp, 2 * cp, r, sl])
                        out_v[parity, 2 * cp + 1, r, sl] = (
                            hi * pos_v[pp, 2 * cp + 1, r, sl])

            pltpu.async_copy(
                out_v.at[parity],
                out_hbm.at[b0 + b, pl.ds(c0, CG), pl.ds(h0, RB), :], sem)
            return 0

        lax.fori_loop(0, BH, b_body, 0)
        return 0

    lax.fori_loop(0, NCG, cg_body, 0)

    for tail in range(2):
        pltpu.make_async_copy(
            out_v.at[tail], out_hbm.at[tail, pl.ds(0, CG), pl.ds(h0, RB), :],
            sem).wait()


def kernel(label_map, label_embed_weight, pos_modulation):
    wt = label_embed_weight.astype(jnp.bfloat16).T
    pairs = wt.reshape(LABEL_DIM // 2, 2, NUM_LABELS).transpose(0, 2, 1)
    packed = jax.lax.bitcast_convert_type(pairs, jnp.float32)
    table_packed = packed.reshape(LABEL_DIM // 2 * NUM_LABELS)

    run = functools.partial(
        pl.kernel,
        mesh=plsc.VectorSubcoreMesh(core_axis_name="c", subcore_axis_name="s"),
        out_type=jax.ShapeDtypeStruct((B, LABEL_DIM, H, W), jnp.float32),
        scratch_types=[
            pltpu.VMEM((LABEL_DIM // 2 * NUM_LABELS,), jnp.float32),
            pltpu.VMEM((BH, RB, W), jnp.int32),
            pltpu.VMEM((2, CG, RB, W), jnp.float32),
            pltpu.VMEM((2, CG, RB, W), jnp.float32),
            pltpu.SemaphoreType.DMA,
            pltpu.SemaphoreType.DMA,
        ],
        compiler_params=pltpu.CompilerParams(
            needs_layout_passes=False, skip_device_barrier=True),
    )(_sc_body)
    return run(label_map, table_packed, pos_modulation)

# --- scband reference (transcript-rebuilt; emitter-appended) ---
"""Pipeline reference for scband-position-modulated-label-embedding-57982058496545 (READ-ONLY COPY).

The authoritative reference and input builder live on the scoring server;
editing this copy changes nothing except your own understanding.
"""

import jax, jax.numpy as jnp
import numpy as np

B, NUM_LABELS, LABEL_DIM, POS_DIM, H, W = 16, 1024, 64, 64, 128, 128


def setup_inputs(seed: int = 0) -> dict:
    key = jax.random.key(seed)
    k1, k2, k3 = jax.random.split(key, 3)
    label_map = jax.random.randint(k1, (B, 1, H, W), 0, NUM_LABELS, dtype=jnp.int32)
    # nn.Embedding weight, with padding_idx=0 row zeroed
    label_embed_weight = jax.random.normal(k2, (NUM_LABELS, LABEL_DIM), dtype=jnp.float32)
    label_embed_weight = label_embed_weight.at[0].set(0.0)
    # nn.Parameter(torch.randn(1, pos_dim, H, W))
    pos_modulation = jax.random.normal(k3, (1, POS_DIM, H, W), dtype=jnp.float32)
    return {
        "label_map": label_map,
        "label_embed_weight": label_embed_weight,
        "pos_modulation": pos_modulation,
    }


def reference(label_map, label_embed_weight, pos_modulation):
    # label_dim == pos_dim -> align_proj is Identity
    b = label_map.shape[0]
    idx = label_map[:, 0, :, :]  # squeeze(1) -> [B, H, W]
    # embedding lookup (padding_idx=0 row is zero)
    label_emb = jnp.take(label_embed_weight, idx, axis=0)  # [B, H, W, label_dim]
    # expand + permute(0, 2, 3, 1)
    pos_mod = jnp.broadcast_to(pos_modulation, (b,) + pos_modulation.shape[1:])
    pos_mod = jnp.transpose(pos_mod, (0, 2, 3, 1))  # [B, H, W, pos_dim]
    mod_feat = label_emb * pos_mod  # [B, H, W, label_dim]
    return jnp.transpose(mod_feat, (0, 3, 1, 2))  # [B, label_dim, H, W]

if __name__ == "__main__":
    import jax
    _d = setup_inputs()
    print(jax.jit(kernel)(*tuple(_d.values())))

</pallas_src>

<mosaic_0001>
#map = affine_map<(d0, d1) -> (0, 0, 0, 0)>
#map1 = affine_map<(d0, d1) -> (0)>
module attributes {stable_mosaic.version = 14 : i64} {
  func.func @_sc_body(%arg0: i32, %arg1: i32, %arg2: memref<16x1x128x128xi32, #tpu.memory_space<hbm>>, %arg3: memref<32768xf32, #tpu.memory_space<hbm>>, %arg4: memref<1x64x128x128xf32, #tpu.memory_space<hbm>>, %arg5: memref<16x64x128x128xf32, #tpu.memory_space<hbm>>, %arg6: memref<32768xf32, #tpu.memory_space<vmem>>, %arg7: memref<8x8x128xi32, #tpu.memory_space<vmem>>, %arg8: memref<2x16x8x128xf32, #tpu.memory_space<vmem>>, %arg9: memref<2x16x8x128xf32, #tpu.memory_space<vmem>>, %arg10: memref<!tpu.dma_semaphore, #tpu.memory_space<semaphore_mem>>, %arg11: memref<!tpu.dma_semaphore, #tpu.memory_space<semaphore_mem>>) attributes {dimension_semantics = [#tpu.dimension_semantics<core_parallel>, #tpu.dimension_semantics<subcore_parallel>], iteration_bounds = array<i64: 2, 16>, scalar_prefetch = 0 : i64, scratch_operands = 6 : i64, tpu.core_type = #tpu.core_type<sc_vector_subcore>, window_params = [{transform_indices = #map}, {transform_indices = #map1}, {transform_indices = #map}, {transform_indices = #map}]} {
    %mul3A = arith.constant 2 : i32
    %mul3A_0 = arith.muli %arg1, %mul3A : i32
    %add3A = arith.addi %mul3A_0, %arg0 : i32
    %rem3A = arith.constant 2 : i32
    %rem3A_1 = arith.remsi %add3A, %rem3A : i32
    %mul3A_2 = arith.constant 8 : i32
    %mul3A_3 = arith.muli %rem3A_1, %mul3A_2 : i32
    %div3A = arith.constant 2 : i32
    %div3A_4 = arith.divsi %add3A, %div3A : i32
    %mul3A_5 = arith.constant 8 : i32
    %mul3A_6 = arith.muli %div3A_4, %mul3A_5 : i32
    "tpu.region"() ({
      %run_scoped3A_71 = tpu.sem_alloc : memref<!tpu.dma_semaphore, #tpu.memory_space<semaphore_mem>>
      tpu.enqueue_dma source(%arg3 : memref<32768xf32, #tpu.memory_space<hbm>>) target(%arg6 : memref<32768xf32, #tpu.memory_space<vmem>>) target_semaphore(%run_scoped3A_71 : memref<!tpu.dma_semaphore, #tpu.memory_space<semaphore_mem>>)
      tpu.wait_dma2 semaphore(%run_scoped3A_71 : memref<!tpu.dma_semaphore, #tpu.memory_space<semaphore_mem>>) src(%arg3 : memref<32768xf32, #tpu.memory_space<hbm>>) dst(%arg6 : memref<32768xf32, #tpu.memory_space<vmem>>)
      tpu.yield
    }) : () -> ()
    %run_scoped3A = arith.constant 0 : i32
    "tpu.region"() ({
      %run_scoped3A_71 = tpu.sem_alloc : memref<!tpu.dma_semaphore, #tpu.memory_space<semaphore_mem>>
      %dma_start3A_72 = arith.constant 0 : i32
      %dma_start3A_73 = tpu.memref_slice %arg2[%mul3A_3, %run_scoped3A, %mul3A_6, %dma_start3A_72] : memref<16x1x128x128xi32, #tpu.memory_space<hbm>> -> memref<8x1x8x128xi32, #tpu.memory_space<hbm>>
      %dma_start3A_74 = tpu.memref_squeeze %dma_start3A_73 : memref<8x1x8x128xi32, #tpu.memory_space<hbm>> -> memref<8x8x128xi32, #tpu.memory_space<hbm>>
      %dma_start3A_75 = arith.constant 0 : i32
      %dma_start3A_76 = tpu.memref_slice %arg2[%mul3A_3, %run_scoped3A, %mul3A_6, %dma_start3A_75] : memref<16x1x128x128xi32, #tpu.memory_space<hbm>> -> memref<8x1x8x128xi32, #tpu.memory_space<hbm>>
      %dma_start3A_77 = tpu.memref_squeeze %dma_start3A_76 : memref<8x1x8x128xi32, #tpu.memory_space<hbm>> -> memref<8x8x128xi32, #tpu.memory_space<hbm>>
      tpu.enqueue_dma source(%dma_start3A_77 : memref<8x8x128xi32, #tpu.memory_space<hbm>>) target(%arg7 : memref<8x8x128xi32, #tpu.memory_space<vmem>>) target_semaphore(%run_scoped3A_71 : memref<!tpu.dma_semaphore, #tpu.memory_space<semaphore_mem>>)
      %dma_wait3A_78 = arith.constant 0 : i32
      %dma_wait3A_79 = tpu.memref_slice %arg2[%mul3A_3, %run_scoped3A, %mul3A_6, %dma_wait3A_78] : memref<16x1x128x128xi32, #tpu.memory_space<hbm>> -> memref<8x1x8x128xi32, #tpu.memory_space<hbm>>
      %dma_wait3A_80 = tpu.memref_squeeze %dma_wait3A_79 : memref<8x1x8x128xi32, #tpu.memory_space<hbm>> -> memref<8x8x128xi32, #tpu.memory_space<hbm>>
      %dma_wait3A_81 = arith.constant 0 : i32
      %dma_wait3A_82 = tpu.memref_slice %arg2[%mul3A_3, %run_scoped3A, %mul3A_6, %dma_wait3A_81] : memref<16x1x128x128xi32, #tpu.memory_space<hbm>> -> memref<8x1x8x128xi32, #tpu.memory_space<hbm>>
      %dma_wait3A_83 = tpu.memref_squeeze %dma_wait3A_82 : memref<8x1x8x128xi32, #tpu.memory_space<hbm>> -> memref<8x8x128xi32, #tpu.memory_space<hbm>>
      tpu.wait_dma2 semaphore(%run_scoped3A_71 : memref<!tpu.dma_semaphore, #tpu.memory_space<semaphore_mem>>) src(%dma_wait3A_83 : memref<8x8x128xi32, #tpu.memory_space<hbm>>) dst(%arg7 : memref<8x8x128xi32, #tpu.memory_space<vmem>>)
      tpu.yield
    }) : () -> ()
    %dma_start3A = arith.constant 0 : i32
    %dma_start3A_7 = arith.constant 0 : i32
    %dma_start3A_8 = arith.constant 0 : i32
    %dma_start3A_9 = arith.constant 0 : i32
    %dma_start3A_10 = arith.constant 0 : i32
    %dma_start3A_11 = tpu.memref_slice %arg8[%dma_start3A_7, %dma_start3A_8, %dma_start3A_9, %dma_start3A_10] : memref<2x16x8x128xf32, #tpu.memory_space<vmem>> -> memref<1x16x8x128xf32, #tpu.memory_space<vmem>>
    %dma_start3A_12 = tpu.memref_squeeze %dma_start3A_11 : memref<1x16x8x128xf32, #tpu.memory_space<vmem>> -> memref<16x8x128xf32, #tpu.memory_space<vmem>>
    %dma_start3A_13 = arith.constant 0 : i32
    %dma_start3A_14 = arith.constant 0 : i32
    %dma_start3A_15 = tpu.memref_slice %arg4[%dma_start3A, %dma_start3A_13, %mul3A_6, %dma_start3A_14] : memref<1x64x128x128xf32, #tpu.memory_space<hbm>> -> memref<1x16x8x128xf32, #tpu.memory_space<hbm>>
    %dma_start3A_16 = tpu.memref_squeeze %dma_start3A_15 : memref<1x16x8x128xf32, #tpu.memory_space<hbm>> -> memref<16x8x128xf32, #tpu.memory_space<hbm>>
    %dma_start3A_17 = arith.constant 0 : i32
    %dma_start3A_18 = arith.constant 0 : i32
    %dma_start3A_19 = arith.constant 0 : i32
    %dma_start3A_20 = tpu.memref_slice %arg8[%dma_start3A_7, %dma_start3A_17, %dma_start3A_18, %dma_start3A_19] : memref<2x16x8x128xf32, #tpu.memory_space<vmem>> -> memref<1x16x8x128xf32, #tpu.memory_space<vmem>>
    %dma_start3A_21 = tpu.memref_squeeze %dma_start3A_20 : memref<1x16x8x128xf32, #tpu.memory_space<vmem>> -> memref<16x8x128xf32, #tpu.memory_space<vmem>>
    %dma_start3A_22 = arith.constant 0 : i32
    %dma_start3A_23 = arith.constant 0 : i32
    %dma_start3A_24 = tpu.memref_slice %arg4[%dma_start3A, %dma_start3A_22, %mul3A_6, %dma_start3A_23] : memref<1x64x128x128xf32, #tpu.memory_space<hbm>> -> memref<1x16x8x128xf32, #tpu.memory_space<hbm>>
    %dma_start3A_25 = tpu.memref_squeeze %dma_start3A_24 : memref<1x16x8x128xf32, #tpu.memory_space<hbm>> -> memref<16x8x128xf32, #tpu.memory_space<hbm>>
    tpu.enqueue_dma source(%dma_start3A_25 : memref<16x8x128xf32, #tpu.memory_space<hbm>>) target(%dma_start3A_21 : memref<16x8x128xf32, #tpu.memory_space<vmem>>) target_semaphore(%arg11 : memref<!tpu.dma_semaphore, #tpu.memory_space<semaphore_mem>>)
    %scan3A = arith.constant 0 : i32
    %scan3A_26 = arith.constant 0 : i32
    %scan3A_27 = arith.constant 4 : i32
    %scan3A_28 = arith.addi %scan3A_26, %scan3A_27 : i32
    %scan3A_29 = arith.constant 1 : i32
    %scan3A_30 = scf.for %scan3A_71 = %scan3A_26 to %scan3A_28 step %scan3A_29 iter_args(%scan3A_72 = %scan3A) -> (i32)  : i32 {
      %mul3A_73 = arith.constant 16 : i32
      %mul3A_74 = arith.muli %scan3A_71, %mul3A_73 : i32
      %rem3A_75 = arith.constant 2 : i32
      %rem3A_76 = arith.remsi %scan3A_71, %rem3A_75 : i32
      %dma_wait3A_77 = arith.constant 0 : i32
      %dma_wait3A_78 = arith.constant 0 : i32
      %dma_wait3A_79 = arith.constant 0 : i32
      %dma_wait3A_80 = arith.constant 0 : i32
      %dma_wait3A_81 = tpu.memref_slice %arg8[%rem3A_76, %dma_wait3A_78, %dma_wait3A_79, %dma_wait3A_80] : memref<2x16x8x128xf32, #tpu.memory_space<vmem>> -> memref<1x16x8x128xf32, #tpu.memory_space<vmem>>
      %dma_wait3A_82 = tpu.memref_squeeze %dma_wait3A_81 : memref<1x16x8x128xf32, #tpu.memory_space<vmem>> -> memref<16x8x128xf32, #tpu.memory_space<vmem>>
      %dma_wait3A_83 = arith.constant 0 : i32
      %dma_wait3A_84 = tpu.memref_slice %arg4[%dma_wait3A_77, %mul3A_74, %mul3A_6, %dma_wait3A_83] : memref<1x64x128x128xf32, #tpu.memory_space<hbm>> -> memref<1x16x8x128xf32, #tpu.memory_space<hbm>>
      %dma_wait3A_85 = tpu.memref_squeeze %dma_wait3A_84 : memref<1x16x8x128xf32, #tpu.memory_space<hbm>> -> memref<16x8x128xf32, #tpu.memory_space<hbm>>
      %dma_wait3A_86 = arith.constant 0 : i32
      %dma_wait3A_87 = arith.constant 0 : i32
      %dma_wait3A_88 = arith.constant 0 : i32
      %dma_wait3A_89 = tpu.memref_slice %arg8[%rem3A_76, %dma_wait3A_86, %dma_wait3A_87, %dma_wait3A_88] : memref<2x16x8x128xf32, #tpu.memory_space<vmem>> -> memref<1x16x8x128xf32, #tpu.memory_space<vmem>>
      %dma_wait3A_90 = tpu.memref_squeeze %dma_wait3A_89 : memref<1x16x8x128xf32, #tpu.memory_space<vmem>> -> memref<16x8x128xf32, #tpu.memory_space<vmem>>
      %dma_wait3A_91 = arith.constant 0 : i32
      %dma_wait3A_92 = tpu.memref_slice %arg4[%dma_wait3A_77, %mul3A_74, %mul3A_6, %dma_wait3A_91] : memref<1x64x128x128xf32, #tpu.memory_space<hbm>> -> memref<1x16x8x128xf32, #tpu.memory_space<hbm>>
      %dma_wait3A_93 = tpu.memref_squeeze %dma_wait3A_92 : memref<1x16x8x128xf32, #tpu.memory_space<hbm>> -> memref<16x8x128xf32, #tpu.memory_space<hbm>>
      tpu.wait_dma2 semaphore(%arg11 : memref<!tpu.dma_semaphore, #tpu.memory_space<semaphore_mem>>) src(%dma_wait3A_93 : memref<16x8x128xf32, #tpu.memory_space<hbm>>) dst(%dma_wait3A_90 : memref<16x8x128xf32, #tpu.memory_space<vmem>>)
      %add3A_94 = arith.constant 1 : i32
      %add3A_95 = arith.addi %scan3A_71, %add3A_94 : i32
      %lt3A = arith.constant 4 : i32
      %lt3A_96 = arith.cmpi slt, %add3A_95, %lt3A : i32
      %convert_element_type3A = arith.extui %lt3A_96 : i1 to i32
      %cond3A = arith.constant 0 : i32
      %cond3A_97 = arith.cmpi ne, %convert_element_type3A, %cond3A : i32
      scf.if %cond3A_97 {
        %add3A_106 = arith.constant 16 : i32
        %add3A_107 = arith.addi %mul3A_74, %add3A_106 : i32
        %sub3A = arith.constant 1 : i32
        %sub3A_108 = arith.subi %sub3A, %rem3A_76 : i32
        %dma_start3A_109 = arith.constant 0 : i32
        %dma_start3A_110 = arith.constant 0 : i32
        %dma_start3A_111 = arith.constant 0 : i32
        %dma_start3A_112 = arith.constant 0 : i32
        %dma_start3A_113 = tpu.memref_slice %arg8[%sub3A_108, %dma_start3A_110, %dma_start3A_111, %dma_start3A_112] : memref<2x16x8x128xf32, #tpu.memory_space<vmem>> -> memref<1x16x8x128xf32, #tpu.memory_space<vmem>>
        %dma_start3A_114 = tpu.memref_squeeze %dma_start3A_113 : memref<1x16x8x128xf32, #tpu.memory_space<vmem>> -> memref<16x8x128xf32, #tpu.memory_space<vmem>>
        %dma_start3A_115 = arith.constant 0 : i32
        %dma_start3A_116 = tpu.memref_slice %arg4[%dma_start3A_109, %add3A_107, %mul3A_6, %dma_start3A_115] : memref<1x64x128x128xf32, #tpu.memory_space<hbm>> -> memref<1x16x8x128xf32, #tpu.memory_space<hbm>>
        %dma_start3A_117 = tpu.memref_squeeze %dma_start3A_116 : memref<1x16x8x128xf32, #tpu.memory_space<hbm>> -> memref<16x8x128xf32, #tpu.memory_space<hbm>>
        %dma_start3A_118 = arith.constant 0 : i32
        %dma_start3A_119 = arith.constant 0 : i32
        %dma_start3A_120 = arith.constant 0 : i32
        %dma_start3A_121 = tpu.memref_slice %arg8[%sub3A_108, %dma_start3A_118, %dma_start3A_119, %dma_start3A_120] : memref<2x16x8x128xf32, #tpu.memory_space<vmem>> -> memref<1x16x8x128xf32, #tpu.memory_space<vmem>>
        %dma_start3A_122 = tpu.memref_squeeze %dma_start3A_121 : memref<1x16x8x128xf32, #tpu.memory_space<vmem>> -> memref<16x8x128xf32, #tpu.memory_space<vmem>>
        %dma_start3A_123 = arith.constant 0 : i32
        %dma_start3A_124 = tpu.memref_slice %arg4[%dma_start3A_109, %add3A_107, %mul3A_6, %dma_start3A_123] : memref<1x64x128x128xf32, #tpu.memory_space<hbm>> -> memref<1x16x8x128xf32, #tpu.memory_space<hbm>>
        %dma_start3A_125 = tpu.memref_squeeze %dma_start3A_124 : memref<1x16x8x128xf32, #tpu.memory_space<hbm>> -> memref<16x8x128xf32, #tpu.memory_space<hbm>>
        tpu.enqueue_dma source(%dma_start3A_125 : memref<16x8x128xf32, #tpu.memory_space<hbm>>) target(%dma_start3A_122 : memref<16x8x128xf32, #tpu.memory_space<vmem>>) target_semaphore(%arg11 : memref<!tpu.dma_semaphore, #tpu.memory_space<semaphore_mem>>)
      } else {
      }
      %scan3A_98 = arith.constant 0 : i32
      %scan3A_99 = arith.constant 0 : i32
      %scan3A_100 = arith.constant 8 : i32
      %scan3A_101 = arith.addi %scan3A_99, %scan3A_100 : i32
      %scan3A_102 = arith.constant 1 : i32
      %scan3A_103 = scf.for %scan3A_106 = %scan3A_99 to %scan3A_101 step %scan3A_102 iter_args(%scan3A_107 = %scan3A_98) -> (i32)  : i32 {
        %rem3A_108 = arith.constant 2 : i32
        %rem3A_109 = arith.remsi %scan3A_106, %rem3A_108 : i32
        %gt3A = arith.constant 0 : i32
        %gt3A_110 = arith.cmpi sgt, %scan3A_71, %gt3A : i32
        %ge3A = arith.constant 2 : i32
        %ge3A_111 = arith.cmpi sge, %scan3A_106, %ge3A : i32
        %or3A = arith.ori %gt3A_110, %ge3A_111 : i1
        %convert_element_type3A_112 = arith.extui %or3A : i1 to i32
        %cond3A_113 = arith.constant 0 : i32
        %cond3A_114 = arith.cmpi ne, %convert_element_type3A_112, %cond3A_113 : i32
        scf.if %cond3A_114 {
          %add3A_463 = arith.addi %mul3A_3, %scan3A_106 : i32
          %dma_wait3A_464 = arith.constant 0 : i32
          %dma_wait3A_465 = arith.constant 0 : i32
          %dma_wait3A_466 = arith.constant 0 : i32
          %dma_wait3A_467 = tpu.memref_slice %arg9[%rem3A_109, %dma_wait3A_464, %dma_wait3A_465, %dma_wait3A_466] : memref<2x16x8x128xf32, #tpu.memory_space<vmem>> -> memref<1x16x8x128xf32, #tpu.memory_space<vmem>>
          %dma_wait3A_468 = tpu.memref_squeeze %dma_wait3A_467 : memref<1x16x8x128xf32, #tpu.memory_space<vmem>> -> memref<16x8x128xf32, #tpu.memory_space<vmem>>
          %dma_wait3A_469 = arith.constant 0 : i32
          %dma_wait3A_470 = tpu.memref_slice %arg5[%add3A_463, %mul3A_74, %mul3A_6, %dma_wait3A_469] : memref<16x64x128x128xf32, #tpu.memory_space<hbm>> -> memref<1x16x8x128xf32, #tpu.memory_space<hbm>>
          %dma_wait3A_471 = tpu.memref_squeeze %dma_wait3A_470 : memref<1x16x8x128xf32, #tpu.memory_space<hbm>> -> memref<16x8x128xf32, #tpu.memory_space<hbm>>
          %dma_wait3A_472 = arith.constant 0 : i32
          %dma_wait3A_473 = tpu.memref_slice %arg5[%add3A_463, %mul3A_74, %mul3A_6, %dma_wait3A_472] : memref<16x64x128x128xf32, #tpu.memory_space<hbm>> -> memref<1x16x8x128xf32, #tpu.memory_space<hbm>>
          %dma_wait3A_474 = tpu.memref_squeeze %dma_wait3A_473 : memref<1x16x8x128xf32, #tpu.memory_space<hbm>> -> memref<16x8x128xf32, #tpu.memory_space<hbm>>
          %dma_wait3A_475 = arith.constant 0 : i32
          %dma_wait3A_476 = arith.constant 0 : i32
          %dma_wait3A_477 = arith.constant 0 : i32
          %dma_wait3A_478 = tpu.memref_slice %arg9[%rem3A_109, %dma_wait3A_475, %dma_wait3A_476, %dma_wait3A_477] : memref<2x16x8x128xf32, #tpu.memory_space<vmem>> -> memref<1x16x8x128xf32, #tpu.memory_space<vmem>>
          %dma_wait3A_479 = tpu.memref_squeeze %dma_wait3A_478 : memref<1x16x8x128xf32, #tpu.memory_space<vmem>> -> memref<16x8x128xf32, #tpu.memory_space<vmem>>
          tpu.wait_dma2 semaphore(%arg10 : memref<!tpu.dma_semaphore, #tpu.memory_space<semaphore_mem>>) src(%dma_wait3A_479 : memref<16x8x128xf32, #tpu.memory_space<vmem>>) dst(%dma_wait3A_474 : memref<16x8x128xf32, #tpu.memory_space<hbm>>)
        } else {
        }
        %get3A = arith.constant 0 : i32
        %get3A_115 = arith.index_cast %scan3A_106 : i32 to index
        %get3A_116 = arith.index_cast %get3A : i32 to index
        %get3A_117 = arith.constant 0 : index
        %get3A_118 = tpu.vector_load %arg7[%get3A_115, %get3A_116, %get3A_117] {strides = array<i32>} : memref<8x8x128xi32, #tpu.memory_space<vmem>>, vector<16xi32>,
        %get3A_119 = arith.constant 0 : i32
        %get3A_120 = arith.index_cast %scan3A_106 : i32 to index
        %get3A_121 = arith.index_cast %get3A_119 : i32 to index
        %get3A_122 = arith.constant 16 : index
        %get3A_123 = tpu.vector_load %arg7[%get3A_120, %get3A_121, %get3A_122] {strides = array<i32>} : memref<8x8x128xi32, #tpu.memory_space<vmem>>, vector<16xi32>,
        %get3A_124 = arith.constant 0 : i32
        %get3A_125 = arith.index_cast %scan3A_106 : i32 to index
        %get3A_126 = arith.index_cast %get3A_124 : i32 to index
        %get3A_127 = arith.constant 32 : index
        %get3A_128 = tpu.vector_load %arg7[%get3A_125, %get3A_126, %get3A_127] {strides = array<i32>} : memref<8x8x128xi32, #tpu.memory_space<vmem>>, vector<16xi32>,
        %get3A_129 = arith.constant 0 : i32
        %get3A_130 = arith.index_cast %scan3A_106 : i32 to index
        %get3A_131 = arith.index_cast %get3A_129 : i32 to index
        %get3A_132 = arith.constant 48 : index
        %get3A_133 = tpu.vector_load %arg7[%get3A_130, %get3A_131, %get3A_132] {strides = array<i32>} : memref<8x8x128xi32, #tpu.memory_space<vmem>>, vector<16xi32>,
        %get3A_134 = arith.constant 0 : i32
        %get3A_135 = arith.index_cast %scan3A_106 : i32 to index
        %get3A_136 = arith.index_cast %get3A_134 : i32 to index
        %get3A_137 = arith.constant 64 : index
        %get3A_138 = tpu.vector_load %arg7[%get3A_135, %get3A_136, %get3A_137] {strides = array<i32>} : memref<8x8x128xi32, #tpu.memory_space<vmem>>, vector<16xi32>,
        %get3A_139 = arith.constant 0 : i32
        %get3A_140 = arith.index_cast %scan3A_106 : i32 to index
        %get3A_141 = arith.index_cast %get3A_139 : i32 to index
        %get3A_142 = arith.constant 80 : index
        %get3A_143 = tpu.vector_load %arg7[%get3A_140, %get3A_141, %get3A_142] {strides = array<i32>} : memref<8x8x128xi32, #tpu.memory_space<vmem>>, vector<16xi32>,
        %get3A_144 = arith.constant 0 : i32
        %get3A_145 = arith.index_cast %scan3A_106 : i32 to index
        %get3A_146 = arith.index_cast %get3A_144 : i32 to index
        %get3A_147 = arith.constant 96 : index
        %get3A_148 = tpu.vector_load %arg7[%get3A_145, %get3A_146, %get3A_147] {strides = array<i32>} : memref<8x8x128xi32, #tpu.memory_space<vmem>>, vector<16xi32>,
        %get3A_149 = arith.constant 0 : i32
        %get3A_150 = arith.index_cast %scan3A_106 : i32 to index
        %get3A_151 = arith.index_cast %get3A_149 : i32 to index
        %get3A_152 = arith.constant 112 : index
        %get3A_153 = tpu.vector_load %arg7[%get3A_150, %get3A_151, %get3A_152] {strides = array<i32>} : memref<8x8x128xi32, #tpu.memory_space<vmem>>, vector<16xi32>,
        %get3A_154 = arith.constant 1 : i32
        %get3A_155 = arith.index_cast %scan3A_106 : i32 to index
        %get3A_156 = arith.index_cast %get3A_154 : i32 to index
        %get3A_157 = arith.constant 0 : index
        %get3A_158 = tpu.vector_load %arg7[%get3A_155, %get3A_156, %get3A_157] {strides = array<i32>} : memref<8x8x128xi32, #tpu.memory_space<vmem>>, vector<16xi32>,
        %get3A_159 = arith.constant 1 : i32
        %get3A_160 = arith.index_cast %scan3A_106 : i32 to index
        %get3A_161 = arith.index_cast %get3A_159 : i32 to index
        %get3A_162 = arith.constant 16 : index
        %get3A_163 = tpu.vector_load %arg7[%get3A_160, %get3A_161, %get3A_162] {strides = array<i32>} : memref<8x8x128xi32, #tpu.memory_space<vmem>>, vector<16xi32>,
        %get3A_164 = arith.constant 1 : i32
        %get3A_165 = arith.index_cast %scan3A_106 : i32 to index
        %get3A_166 = arith.index_cast %get3A_164 : i32 to index
        %get3A_167 = arith.constant 32 : index
        %get3A_168 = tpu.vector_load %arg7[%get3A_165, %get3A_166, %get3A_167] {strides = array<i32>} : memref<8x8x128xi32, #tpu.memory_space<vmem>>, vector<16xi32>,
        %get3A_169 = arith.constant 1 : i32
        %get3A_170 = arith.index_cast %scan3A_106 : i32 to index
        %get3A_171 = arith.index_cast %get3A_169 : i32 to index
        %get3A_172 = arith.constant 48 : index
        %get3A_173 = tpu.vector_load %arg7[%get3A_170, %get3A_171, %get3A_172] {strides = array<i32>} : memref<8x8x128xi32, #tpu.memory_space<vmem>>, vector<16xi32>,
        %get3A_174 = arith.constant 1 : i32
        %get3A_175 = arith.index_cast %scan3A_106 : i32 to index
        %get3A_176 = arith.index_cast %get3A_174 : i32 to index
        %get3A_177 = arith.constant 64 : index
        %get3A_178 = tpu.vector_load %arg7[%get3A_175, %get3A_176, %get3A_177] {strides = array<i32>} : memref<8x8x128xi32, #tpu.memory_space<vmem>>, vector<16xi32>,
        %get3A_179 = arith.constant 1 : i32
        %get3A_180 = arith.index_cast %scan3A_106 : i32 to index
        %get3A_181 = arith.index_cast %get3A_179 : i32 to index
        %get3A_182 = arith.constant 80 : index
        %get3A_183 = tpu.vector_load %arg7[%get3A_180, %get3A_181, %get3A_182] {strides = array<i32>} : memref<8x8x128xi32, #tpu.memory_space<vmem>>, vector<16xi32>,
        %get3A_184 = arith.constant 1 : i32
        %get3A_185 = arith.index_cast %scan3A_106 : i32 to index
        %get3A_186 = arith.index_cast %get3A_184 : i32 to index
        %get3A_187 = arith.constant 96 : index
        %get3A_188 = tpu.vector_load %arg7[%get3A_185, %get3A_186, %get3A_187] {strides = array<i32>} : memref<8x8x128xi32, #tpu.memory_space<vmem>>, vector<16xi32>,
        %get3A_189 = arith.constant 1 : i32
        %get3A_190 = arith.index_cast %scan3A_106 : i32 to index
        %get3A_191 = arith.index_cast %get3A_189 : i32 to index
        %get3A_192 = arith.constant 112 : index
        %get3A_193 = tpu.vector_load %arg7[%get3A_190, %get3A_191, %get3A_192] {strides = array<i32>} : memref<8x8x128xi32, #tpu.memory_space<vmem>>, vector<16xi32>,
        %parallel_loop3A = arith.constant 0 : i32
        %parallel_loop3A_194 = arith.constant 8 : i32
        %parallel_loop3A_195 = arith.constant 1 : i32
        scf.for %parallel_loop3A_463 = %parallel_loop3A to %parallel_loop3A_194 step %parallel_loop3A_195  : i32 {
          %parallel_loop3A_464 = arith.constant 8 : i32
          %parallel_loop3A_465 = arith.muli %scan3A_71, %parallel_loop3A_464 : i32
          %parallel_loop3A_466 = arith.addi %parallel_loop3A_465, %parallel_loop3A_463 : i32
          %parallel_loop3A_467 = arith.constant 1024 : i32
          %parallel_loop3A_468 = arith.muli %parallel_loop3A_466, %parallel_loop3A_467 : i32
          %parallel_loop3A_469 = vector.broadcast %parallel_loop3A_468 : i32 to vector<16xi32>
          %parallel_loop3A_470 = arith.addi %get3A_118, %parallel_loop3A_469 : vector<16xi32>
          %parallel_loop3A_471 = tpu.vector_load_idx %arg6[%parallel_loop3A_470] : memref<32768xf32, #tpu.memory_space<vmem>>[vector<16xi32>], vector<16xf32>,
          %parallel_loop3A_472 = vector.bitcast %parallel_loop3A_471 : vector<16xf32> to vector<32xbf16>
          %parallel_loop3A_473 = tpu.unpack_subelements %parallel_loop3A_472, 0 {pack_format = #tpu.pack_format<interleaved>} : vector<32xbf16> -> vector<16xf32>
          %parallel_loop3A_474 = tpu.unpack_subelements %parallel_loop3A_472, 1 {pack_format = #tpu.pack_format<interleaved>} : vector<32xbf16> -> vector<16xf32>
          %parallel_loop3A_475 = arith.constant 2 : i32
          %parallel_loop3A_476 = arith.muli %parallel_loop3A_475, %parallel_loop3A_463 : i32
          %parallel_loop3A_477 = arith.constant 0 : i32
          %parallel_loop3A_478 = arith.index_cast %rem3A_76 : i32 to index
          %parallel_loop3A_479 = arith.index_cast %parallel_loop3A_476 : i32 to index
          %parallel_loop3A_480 = arith.index_cast %parallel_loop3A_477 : i32 to index
          %parallel_loop3A_481 = arith.constant 0 : index
          %parallel_loop3A_482 = tpu.vector_load %arg8[%parallel_loop3A_478, %parallel_loop3A_479, %parallel_loop3A_480, %parallel_loop3A_481] {strides = array<i32>} : memref<2x16x8x128xf32, #tpu.memory_space<vmem>>, vector<16xf32>,
          %parallel_loop3A_483 = arith.mulf %parallel_loop3A_473, %parallel_loop3A_482 : vector<16xf32>
          %parallel_loop3A_484 = arith.constant 2 : i32
          %parallel_loop3A_485 = arith.muli %parallel_loop3A_484, %parallel_loop3A_463 : i32
          %parallel_loop3A_486 = arith.constant 0 : i32
          %parallel_loop3A_487 = arith.index_cast %rem3A_109 : i32 to index
          %parallel_loop3A_488 = arith.index_cast %parallel_loop3A_485 : i32 to index
          %parallel_loop3A_489 = arith.index_cast %parallel_loop3A_486 : i32 to index
          %parallel_loop3A_490 = arith.constant 0 : index
          %parallel_loop3A_491 = tpu.vector_load %arg9[%parallel_loop3A_487, %parallel_loop3A_488, %parallel_loop3A_489, %parallel_loop3A_490] {strides = array<i32>} : memref<2x16x8x128xf32, #tpu.memory_space<vmem>>, vector<16xf32>,
          tpu.vector_store %arg9[%parallel_loop3A_487, %parallel_loop3A_488, %parallel_loop3A_489, %parallel_loop3A_490], %parallel_loop3A_483 {strides = array<i32>} : memref<2x16x8x128xf32, #tpu.memory_space<vmem>>, vector<16xf32>,
          %parallel_loop3A_492 = arith.constant 2 : i32
          %parallel_loop3A_493 = arith.muli %parallel_loop3A_492, %parallel_loop3A_463 : i32
          %parallel_loop3A_494 = arith.constant 1 : i32
          %parallel_loop3A_495 = arith.addi %parallel_loop3A_493, %parallel_loop3A_494 : i32
          %parallel_loop3A_496 = arith.constant 0 : i32
          %parallel_loop3A_497 = arith.index_cast %rem3A_76 : i32 to index
          %parallel_loop3A_498 = arith.index_cast %parallel_loop3A_495 : i32 to index
          %parallel_loop3A_499 = arith.index_cast %parallel_loop3A_496 : i32 to index
          %parallel_loop3A_500 = arith.constant 0 : index
          %parallel_loop3A_501 = tpu.vector_load %arg8[%parallel_loop3A_497, %parallel_loop3A_498, %parallel_loop3A_499, %parallel_loop3A_500] {strides = array<i32>} : memref<2x16x8x128xf32, #tpu.memory_space<vmem>>, vector<16xf32>,
          %parallel_loop3A_502 = arith.mulf %parallel_loop3A_474, %parallel_loop3A_501 : vector<16xf32>
          %parallel_loop3A_503 = arith.constant 2 : i32
          %parallel_loop3A_504 = arith.muli %parallel_loop3A_503, %parallel_loop3A_463 : i32
          %parallel_loop3A_505 = arith.constant 1 : i32
          %parallel_loop3A_506 = arith.addi %parallel_loop3A_504, %parallel_loop3A_505 : i32
          %parallel_loop3A_507 = arith.constant 0 : i32
          %parallel_loop3A_508 = arith.index_cast %rem3A_109 : i32 to index
          %parallel_loop3A_509 = arith.index_cast %parallel_loop3A_506 : i32 to index
          %parallel_loop3A_510 = arith.index_cast %parallel_loop3A_507 : i32 to index
          %parallel_loop3A_511 = arith.constant 0 : index
          %parallel_loop3A_512 = tpu.vector_load %arg9[%parallel_loop3A_508, %parallel_loop3A_509, %parallel_loop3A_510, %parallel_loop3A_511] {strides = array<i32>} : memref<2x16x8x128xf32, #tpu.memory_space<vmem>>, vector<16xf32>,
          tpu.vector_store %arg9[%parallel_loop3A_508, %parallel_loop3A_509, %parallel_loop3A_510, %parallel_loop3A_511], %parallel_loop3A_502 {strides = array<i32>} : memref<2x16x8x128xf32, #tpu.memory_space<vmem>>, vector<16xf32>,
          %parallel_loop3A_513 = arith.addi %get3A_123, %parallel_loop3A_469 : vector<16xi32>
          %parallel_loop3A_514 = tpu.vector_load_idx %arg6[%parallel_loop3A_513] : memref<32768xf32, #tpu.memory_space<vmem>>[vector<16xi32>], vector<16xf32>,
          %parallel_loop3A_515 = vector.bitcast %parallel_loop3A_514 : vector<16xf32> to vector<32xbf16>
          %parallel_loop3A_516 = tpu.unpack_subelements %parallel_loop3A_515, 0 {pack_format = #tpu.pack_format<interleaved>} : vector<32xbf16> -> vector<16xf32>
          %parallel_loop3A_517 = tpu.unpack_subelements %parallel_loop3A_515, 1 {pack_format = #tpu.pack_format<interleaved>} : vector<32xbf16> -> vector<16xf32>
          %parallel_loop3A_518 = arith.constant 2 : i32
          %parallel_loop3A_519 = arith.muli %parallel_loop3A_518, %parallel_loop3A_463 : i32
          %parallel_loop3A_520 = arith.constant 0 : i32
          %parallel_loop3A_521 = arith.index_cast %rem3A_76 : i32 to index
          %parallel_loop3A_522 = arith.index_cast %parallel_loop3A_519 : i32 to index
          %parallel_loop3A_523 = arith.index_cast %parallel_loop3A_520 : i32 to index
          %parallel_loop3A_524 = arith.constant 16 : index
          %parallel_loop3A_525 = tpu.vector_load %arg8[%parallel_loop3A_521, %parallel_loop3A_522, %parallel_loop3A_523, %parallel_loop3A_524] {strides = array<i32>} : memref<2x16x8x128xf32, #tpu.memory_space<vmem>>, vector<16xf32>,
          %parallel_loop3A_526 = arith.mulf %parallel_loop3A_516, %parallel_loop3A_525 : vector<16xf32>
          %parallel_loop3A_527 = arith.constant 2 : i32
          %parallel_loop3A_528 = arith.muli %parallel_loop3A_527, %parallel_loop3A_463 : i32
          %parallel_loop3A_529 = arith.constant 0 : i32
          %parallel_loop3A_530 = arith.index_cast %rem3A_109 : i32 to index
          %parallel_loop3A_531 = arith.index_cast %parallel_loop3A_528 : i32 to index
          %parallel_loop3A_532 = arith.index_cast %parallel_loop3A_529 : i32 to index
          %parallel_loop3A_533 = arith.constant 16 : index
          %parallel_loop3A_534 = tpu.vector_load %arg9[%parallel_loop3A_530, %parallel_loop3A_531, %parallel_loop3A_532, %parallel_loop3A_533] {strides = array<i32>} : memref<2x16x8x128xf32, #tpu.memory_space<vmem>>, vector<16xf32>,
          tpu.vector_store %arg9[%parallel_loop3A_530, %parallel_loop3A_531, %parallel_loop3A_532, %parallel_loop3A_533], %parallel_loop3A_526 {strides = array<i32>} : memref<2x16x8x128xf32, #tpu.memory_space<vmem>>, vector<16xf32>,
          %parallel_loop3A_535 = arith.constant 2 : i32
          %parallel_loop3A_536 = arith.muli %parallel_loop3A_535, %parallel_loop3A_463 : i32
          %parallel_loop3A_537 = arith.constant 1 : i32
          %parallel_loop3A_538 = arith.addi %parallel_loop3A_536, %parallel_loop3A_537 : i32
          %parallel_loop3A_539 = arith.constant 0 : i32
          %parallel_loop3A_540 = arith.index_cast %rem3A_76 : i32 to index
          %parallel_loop3A_541 = arith.index_cast %parallel_loop3A_538 : i32 to index
          %parallel_loop3A_542 = arith.index_cast %parallel_loop3A_539 : i32 to index
          %parallel_loop3A_543 = arith.constant 16 : index
          %parallel_loop3A_544 = tpu.vector_load %arg8[%parallel_loop3A_540, %parallel_loop3A_541, %parallel_loop3A_542, %parallel_loop3A_543] {strides = array<i32>} : memref<2x16x8x128xf32, #tpu.memory_space<vmem>>, vector<16xf32>,
          %parallel_loop3A_545 = arith.mulf %parallel_loop3A_517, %parallel_loop3A_544 : vector<16xf32>
          %parallel_loop3A_546 = arith.constant 2 : i32
          %parallel_loop3A_547 = arith.muli %parallel_loop3A_546, %parallel_loop3A_463 : i32
          %parallel_loop3A_548 = arith.constant 1 : i32
          %parallel_loop3A_549 = arith.addi %parallel_loop3A_547, %parallel_loop3A_548 : i32
          %parallel_loop3A_550 = arith.constant 0 : i32
          %parallel_loop3A_551 = arith.index_cast %rem3A_109 : i32 to index
          %parallel_loop3A_552 = arith.index_cast %parallel_loop3A_549 : i32 to index
          %parallel_loop3A_553 = arith.index_cast %parallel_loop3A_550 : i32 to index
          %parallel_loop3A_554 = arith.constant 16 : index
          %parallel_loop3A_555 = tpu.vector_load %arg9[%parallel_loop3A_551, %parallel_loop3A_552, %parallel_loop3A_553, %parallel_loop3A_554] {strides = array<i32>} : memref<2x16x8x128xf32, #tpu.memory_space<vmem>>, vector<16xf32>,
          tpu.vector_store %arg9[%parallel_loop3A_551, %parallel_loop3A_552, %parallel_loop3A_553, %parallel_loop3A_554], %parallel_loop3A_545 {strides = array<i32>} : memref<2x16x8x128xf32, #tpu.memory_space<vmem>>, vector<16xf32>,
          %parallel_loop3A_556 = arith.addi %get3A_128, %parallel_loop3A_469 : vector<16xi32>
          %parallel_loop3A_557 = tpu.vector_load_idx %arg6[%parallel_loop3A_556] : memref<32768xf32, #tpu.memory_space<vmem>>[vector<16xi32>], vector<16xf32>,
          %parallel_loop3A_558 = vector.bitcast %parallel_loop3A_557 : vector<16xf32> to vector<32xbf16>
          %parallel_loop3A_559 = tpu.unpack_subelements %parallel_loop3A_558, 0 {pack_format = #tpu.pack_format<interleaved>} : vector<32xbf16> -> vector<16xf32>
          %parallel_loop3A_560 = tpu.unpack_subelements %parallel_loop3A_558, 1 {pack_format = #tpu.pack_format<interleaved>} : vector<32xbf16> -> vector<16xf32>
          %parallel_loop3A_561 = arith.constant 2 : i32
          %parallel_loop3A_562 = arith.muli %parallel_loop3A_561, %parallel_loop3A_463 : i32
          %parallel_loop3A_563 = arith.constant 0 : i32
          %parallel_loop3A_564 = arith.index_cast %rem3A_76 : i32 to index
          %parallel_loop3A_565 = arith.index_cast %parallel_loop3A_562 : i32 to index
          %parallel_loop3A_566 = arith.index_cast %parallel_loop3A_563 : i32 to index
          %parallel_loop3A_567 = arith.constant 32 : index
          %parallel_loop3A_568 = tpu.vector_load %arg8[%parallel_loop3A_564, %parallel_loop3A_565, %parallel_loop3A_566, %parallel_loop3A_567] {strides = array<i32>} : memref<2x16x8x128xf32, #tpu.memory_space<vmem>>, vector<16xf32>,
          %parallel_loop3A_569 = arith.mulf %parallel_loop3A_559, %parallel_loop3A_568 : vector<16xf32>
          %parallel_loop3A_570 = arith.constant 2 : i32
          %parallel_loop3A_571 = arith.muli %parallel_loop3A_570, %parallel_loop3A_463 : i32
          %parallel_loop3A_572 = arith.constant 0 : i32
          %parallel_loop3A_573 = arith.index_cast %rem3A_109 : i32 to index
          %parallel_loop3A_574 = arith.index_cast %parallel_loop3A_571 : i32 to index
          %parallel_loop3A_575 = arith.index_cast %parallel_loop3A_572 : i32 to index
          %parallel_loop3A_576 = arith.constant 32 : index
          %parallel_loop3A_577 = tpu.vector_load %arg9[%parallel_loop3A_573, %parallel_loop3A_574, %parallel_loop3A_575, %parallel_loop3A_576] {strides = array<i32>} : memref<2x16x8x128xf32, #tpu.memory_space<vmem>>, vector<16xf32>,
          tpu.vector_store %arg9[%parallel_loop3A_573, %parallel_loop3A_574, %parallel_loop3A_575, %parallel_loop3A_576], %parallel_loop3A_569 {strides = array<i32>} : memref<2x16x8x128xf32, #tpu.memory_space<vmem>>, vector<16xf32>,
          %parallel_loop3A_578 = arith.constant 2 : i32
          %parallel_loop3A_579 = arith.muli %parallel_loop3A_578, %parallel_loop3A_463 : i32
          %parallel_loop3A_580 = arith.constant 1 : i32
          %parallel_loop3A_581 = arith.addi %parallel_loop3A_579, %parallel_loop3A_580 : i32
          %parallel_loop3A_582 = arith.constant 0 : i32
          %parallel_loop3A_583 = arith.index_cast %rem3A_76 : i32 to index
          %parallel_loop3A_584 = arith.index_cast %parallel_loop3A_581 : i32 to index
          %parallel_loop3A_585 = arith.index_cast %parallel_loop3A_582 : i32 to index
          %parallel_loop3A_586 = arith.constant 32 : index
          %parallel_loop3A_587 = tpu.vector_load %arg8[%parallel_loop3A_583, %parallel_loop3A_584, %parallel_loop3A_585, %parallel_loop3A_586] {strides = array<i32>} : memref<2x16x8x128xf32, #tpu.memory_space<vmem>>, vector<16xf32>,
          %parallel_loop3A_588 = arith.mulf %parallel_loop3A_560, %parallel_loop3A_587 : vector<16xf32>
          %parallel_loop3A_589 = arith.constant 2 : i32
          %parallel_loop3A_590 = arith.muli %parallel_loop3A_589, %parallel_loop3A_463 : i32
          %parallel_loop3A_591 = arith.constant 1 : i32
          %parallel_loop3A_592 = arith.addi %parallel_loop3A_590, %parallel_loop3A_591 : i32
          %parallel_loop3A_593 = arith.constant 0 : i32
          %parallel_loop3A_594 = arith.index_cast %rem3A_109 : i32 to index
          %parallel_loop3A_595 = arith.index_cast %parallel_loop3A_592 : i32 to index
          %parallel_loop3A_596 = arith.index_cast %parallel_loop3A_593 : i32 to index
          %parallel_loop3A_597 = arith.constant 32 : index
          %parallel_loop3A_598 = tpu.vector_load %arg9[%parallel_loop3A_594, %parallel_loop3A_595, %parallel_loop3A_596, %parallel_loop3A_597] {strides = array<i32>} : memref<2x16x8x128xf32, #tpu.memory_space<vmem>>, vector<16xf32>,
          tpu.vector_store %arg9[%parallel_loop3A_594, %parallel_loop3A_595, %parallel_loop3A_596, %parallel_loop3A_597], %parallel_loop3A_588 {strides = array<i32>} : memref<2x16x8x128xf32, #tpu.memory_space<vmem>>, vector<16xf32>,
          %parallel_loop3A_599 = arith.addi %get3A_133, %parallel_loop3A_469 : vector<16xi32>
          %parallel_loop3A_600 = tpu.vector_load_idx %arg6[%parallel_loop3A_599] : memref<32768xf32, #tpu.memory_space<vmem>>[vector<16xi32>], vector<16xf32>,
          %parallel_loop3A_601 = vector.bitcast %parallel_loop3A_600 : vector<16xf32> to vector<32xbf16>
          %parallel_loop3A_602 = tpu.unpack_subelements %parallel_loop3A_601, 0 {pack_format = #tpu.pack_format<interleaved>} : vector<32xbf16> -> vector<16xf32>
          %parallel_loop3A_603 = tpu.unpack_subelements %parallel_loop3A_601, 1 {pack_format = #tpu.pack_format<interleaved>} : vector<32xbf16> -> vector<16xf32>
          %parallel_loop3A_604 = arith.constant 2 : i32
          %parallel_loop3A_605 = arith.muli %parallel_loop3A_604, %parallel_loop3A_463 : i32
          %parallel_loop3A_606 = arith.constant 0 : i32
          %parallel_loop3A_607 = arith.index_cast %rem3A_76 : i32 to index
          %parallel_loop3A_608 = arith.index_cast %parallel_loop3A_605 : i32 to index
          %parallel_loop3A_609 = arith.index_cast %parallel_loop3A_606 : i32 to index
          %parallel_loop3A_610 = arith.constant 48 : index
          %parallel_loop3A_611 = tpu.vector_load %arg8[%parallel_loop3A_607, %parallel_loop3A_608, %parallel_loop3A_609, %parallel_loop3A_610] {strides = array<i32>} : memref<2x16x8x128xf32, #tpu.memory_space<vmem>>, vector<16xf32>,
          %parallel_loop3A_612 = arith.mulf %parallel_loop3A_602, %parallel_loop3A_611 : vector<16xf32>
          %parallel_loop3A_613 = arith.constant 2 : i32
          %parallel_loop3A_614 = arith.muli %parallel_loop3A_613, %parallel_loop3A_463 : i32
          %parallel_loop3A_615 = arith.constant 0 : i32
          %parallel_loop3A_616 = arith.index_cast %rem3A_109 : i32 to index
          %parallel_loop3A_617 = arith.index_cast %parallel_loop3A_614 : i32 to index
          %parallel_loop3A_618 = arith.index_cast %parallel_loop3A_615 : i32 to index
          %parallel_loop3A_619 = arith.constant 48 : index
          %parallel_loop3A_620 = tpu.vector_load %arg9[%parallel_loop3A_616, %parallel_loop3A_617, %parallel_loop3A_618, %parallel_loop3A_619] {strides = array<i32>} : memref<2x16x8x128xf32, #tpu.memory_space<vmem>>, vector<16xf32>,
          tpu.vector_store %arg9[%parallel_loop3A_616, %parallel_loop3A_617, %parallel_loop3A_618, %parallel_loop3A_619], %parallel_loop3A_612 {strides = array<i32>} : memref<2x16x8x128xf32, #tpu.memory_space<vmem>>, vector<16xf32>,
          %parallel_loop3A_621 = arith.constant 2 : i32
          %parallel_loop3A_622 = arith.muli %parallel_loop3A_621, %parallel_loop3A_463 : i32
          %parallel_loop3A_623 = arith.constant 1 : i32
          %parallel_loop3A_624 = arith.addi %parallel_loop3A_622, %parallel_loop3A_623 : i32
          %parallel_loop3A_625 = arith.constant 0 : i32
          %parallel_loop3A_626 = arith.index_cast %rem3A_76 : i32 to index
          %parallel_loop3A_627 = arith.index_cast %parallel_loop3A_624 : i32 to index
          %parallel_loop3A_628 = arith.index_cast %parallel_loop3A_625 : i32 to index
          %parallel_loop3A_629 = arith.constant 48 : index
          %parallel_loop3A_630 = tpu.vector_load %arg8[%parallel_loop3A_626, %parallel_loop3A_627, %parallel_loop3A_628, %parallel_loop3A_629] {strides = array<i32>} : memref<2x16x8x128xf32, #tpu.memory_space<vmem>>, vector<16xf32>,
          %parallel_loop3A_631 = arith.mulf %parallel_loop3A_603, %parallel_loop3A_630 : vector<16xf32>
          %parallel_loop3A_632 = arith.constant 2 : i32
          %parallel_loop3A_633 = arith.muli %parallel_loop3A_632, %parallel_loop3A_463 : i32
          %parallel_loop3A_634 = arith.constant 1 : i32
          %parallel_loop3A_635 = arith.addi %parallel_loop3A_633, %parallel_loop3A_634 : i32
          %parallel_loop3A_636 = arith.constant 0 : i32
          %parallel_loop3A_637 = arith.index_cast %rem3A_109 : i32 to index
          %parallel_loop3A_638 = arith.index_cast %parallel_loop3A_635 : i32 to index
          %parallel_loop3A_639 = arith.index_cast %parallel_loop3A_636 : i32 to index
          %parallel_loop3A_640 = arith.constant 48 : index
          %parallel_loop3A_641 = tpu.vector_load %arg9[%parallel_loop3A_637, %parallel_loop3A_638, %parallel_loop3A_639, %parallel_loop3A_640] {strides = array<i32>} : memref<2x16x8x128xf32, #tpu.memory_space<vmem>>, vector<16xf32>,
          tpu.vector_store %arg9[%parallel_loop3A_637, %parallel_loop3A_638, %parallel_loop3A_639, %parallel_loop3A_640], %parallel_loop3A_631 {strides = array<i32>} : memref<2x16x8x128xf32, #tpu.memory_space<vmem>>, vector<16xf32>,
          %parallel_loop3A_642 = arith.addi %get3A_138, %parallel_loop3A_469 : vector<16xi32>
          %parallel_loop3A_643 = tpu.vector_load_idx %arg6[%parallel_loop3A_642] : memref<32768xf32, #tpu.memory_space<vmem>>[vector<16xi32>], vector<16xf32>,
          %parallel_loop3A_644 = vector.bitcast %parallel_loop3A_643 : vector<16xf32> to vector<32xbf16>
          %parallel_loop3A_645 = tpu.unpack_subelements %parallel_loop3A_644, 0 {pack_format = #tpu.pack_format<interleaved>} : vector<32xbf16> -> vector<16xf32>
          %parallel_loop3A_646 = tpu.unpack_subelements %parallel_loop3A_644, 1 {pack_format = #tpu.pack_format<interleaved>} : vector<32xbf16> -> vector<16xf32>
          %parallel_loop3A_647 = arith.constant 2 : i32
          %parallel_loop3A_648 = arith.muli %parallel_loop3A_647, %parallel_loop3A_463 : i32
          %parallel_loop3A_649 = arith.constant 0 : i32
          %parallel_loop3A_650 = arith.index_cast %rem3A_76 : i32 to index
          %parallel_loop3A_651 = arith.index_cast %parallel_loop3A_648 : i32 to index
          %parallel_loop3A_652 = arith.index_cast %parallel_loop3A_649 : i32 to index
          %parallel_loop3A_653 = arith.constant 64 : index
          %parallel_loop3A_654 = tpu.vector_load %arg8[%parallel_loop3A_650, %parallel_loop3A_651, %parallel_loop3A_652, %parallel_loop3A_653] {strides = array<i32>} : memref<2x16x8x128xf32, #tpu.memory_space<vmem>>, vector<16xf32>,
          %parallel_loop3A_655 = arith.mulf %parallel_loop3A_645, %parallel_loop3A_654 : vector<16xf32>
          %parallel_loop3A_656 = arith.constant 2 : i32
          %parallel_loop3A_657 = arith.muli %parallel_loop3A_656, %parallel_loop3A_463 : i32
          %parallel_loop3A_658 = arith.constant 0 : i32
          %parallel_loop3A_659 = arith.index_cast %rem3A_109 : i32 to index
          %parallel_loop3A_660 = arith.index_cast %parallel_loop3A_657 : i32 to index
          %parallel_loop3A_661 = arith.index_cast %parallel_loop3A_658 : i32 to index
          %parallel_loop3A_662 = arith.constant 64 : index
          %parallel_loop3A_663 = tpu.vector_load %arg9[%parallel_loop3A_659, %parallel_loop3A_660, %parallel_loop3A_661, %parallel_loop3A_662] {strides = array<i32>} : memref<2x16x8x128xf32, #tpu.memory_space<vmem>>, vector<16xf32>,
          tpu.vector_store %arg9[%parallel_loop3A_659, %parallel_loop3A_660, %parallel_loop3A_661, %parallel_loop3A_662], %parallel_loop3A_655 {strides = array<i32>} : memref<2x16x8x128xf32, #tpu.memory_space<vmem>>, vector<16xf32>,
          %parallel_loop3A_664 = arith.constant 2 : i32
          %parallel_loop3A_665 = arith.muli %parallel_loop3A_664, %parallel_loop3A_463 : i32
          %parallel_loop3A_666 = arith.constant 1 : i32
          %parallel_loop3A_667 = arith.addi %parallel_loop3A_665, %parallel_loop3A_666 : i32
          %parallel_loop3A_668 = arith.constant 0 : i32
          %parallel_loop3A_669 = arith.index_cast %rem3A_76 : i32 to index
          %parallel_loop3A_670 = arith.index_cast %parallel_loop3A_667 : i32 to index
          %parallel_loop3A_671 = arith.index_cast %parallel_loop3A_668 : i32 to index
          %parallel_loop3A_672 = arith.constant 64 : index
          %parallel_loop3A_673 = tpu.vector_load %arg8[%parallel_loop3A_669, %parallel_loop3A_670, %parallel_loop3A_671, %parallel_loop3A_672] {strides = array<i32>} : memref<2x16x8x128xf32, #tpu.memory_space<vmem>>, vector<16xf32>,
          %parallel_loop3A_674 = arith.mulf %parallel_loop3A_646, %parallel_loop3A_673 : vector<16xf32>
          %parallel_loop3A_675 = arith.constant 2 : i32
          %parallel_loop3A_676 = arith.muli %parallel_loop3A_675, %parallel_loop3A_463 : i32
          %parallel_loop3A_677 = arith.constant 1 : i32
          %parallel_loop3A_678 = arith.addi %parallel_loop3A_676, %parallel_loop3A_677 : i32
          %parallel_loop3A_679 = arith.constant 0 : i32
          %parallel_loop3A_680 = arith.index_cast %rem3A_109 : i32 to index
          %parallel_loop3A_681 = arith.index_cast %parallel_loop3A_678 : i32 to index
          %parallel_loop3A_682 = arith.index_cast %parallel_loop3A_679 : i32 to index
          %parallel_loop3A_683 = arith.constant 64 : index
          %parallel_loop3A_684 = tpu.vector_load %arg9[%parallel_loop3A_680, %parallel_loop3A_681, %parallel_loop3A_682, %parallel_loop3A_683] {strides = array<i32>} : memref<2x16x8x128xf32, #tpu.memory_space<vmem>>, vector<16xf32>,
          tpu.vector_store %arg9[%parallel_loop3A_680, %parallel_loop3A_681, %parallel_loop3A_682, %parallel_loop3A_683], %parallel_loop3A_674 {strides = array<i32>} : memref<2x16x8x128xf32, #tpu.memory_space<vmem>>, vector<16xf32>,
          %parallel_loop3A_685 = arith.addi %get3A_143, %parallel_loop3A_469 : vector<16xi32>
          %parallel_loop3A_686 = tpu.vector_load_idx %arg6[%parallel_loop3A_685] : memref<32768xf32, #tpu.memory_space<vmem>>[vector<16xi32>], vector<16xf32>,
          %parallel_loop3A_687 = vector.bitcast %parallel_loop3A_686 : vector<16xf32> to vector<32xbf16>
          %parallel_loop3A_688 = tpu.unpack_subelements %parallel_loop3A_687, 0 {pack_format = #tpu.pack_format<interleaved>} : vector<32xbf16> -> vector<16xf32>
          %parallel_loop3A_689 = tpu.unpack_subelements %parallel_loop3A_687, 1 {pack_format = #tpu.pack_format<interleaved>} : vector<32xbf16> -> vector<16xf32>
          %parallel_loop3A_690 = arith.constant 2 : i32
          %parallel_loop3A_691 = arith.muli %parallel_loop3A_690, %parallel_loop3A_463 : i32
          %parallel_loop3A_692 = arith.constant 0 : i32
          %parallel_loop3A_693 = arith.index_cast %rem3A_76 : i32 to index
          %parallel_loop3A_694 = arith.index_cast %parallel_loop3A_691 : i32 to index
          %parallel_loop3A_695 = arith.index_cast %parallel_loop3A_692 : i32 to index
          %parallel_loop3A_696 = arith.constant 80 : index
          %parallel_loop3A_697 = tpu.vector_load %arg8[%parallel_loop3A_693, %parallel_loop3A_694, %parallel_loop3A_695, %parallel_loop3A_696] {strides = array<i32>} : memref<2x16x8x128xf32, #tpu.memory_space<vmem>>, vector<16xf32>,
          %parallel_loop3A_698 = arith.mulf %parallel_loop3A_688, %parallel_loop3A_697 : vector<16xf32>
          %parallel_loop3A_699 = arith.constant 2 : i32
          %parallel_loop3A_700 = arith.muli %parallel_loop3A_699, %parallel_loop3A_463 : i32
          %parallel_loop3A_701 = arith.constant 0 : i32
          %parallel_loop3A_702 = arith.index_cast %rem3A_109 : i32 to index
          %parallel_loop3A_703 = arith.index_cast %parallel_loop3A_700 : i32 to index
          %parallel_loop3A_704 = arith.index_cast %parallel_loop3A_701 : i32 to index
          %parallel_loop3A_705 = arith.constant 80 : index
          %parallel_loop3A_706 = tpu.vector_load %arg9[%parallel_loop3A_702, %parallel_loop3A_703, %parallel_loop3A_704, %parallel_loop3A_705] {strides = array<i32>} : memref<2x16x8x128xf32, #tpu.memory_space<vmem>>, vector<16xf32>,
          tpu.vector_store %arg9[%parallel_loop3A_702, %parallel_loop3A_703, %parallel_loop3A_704, %parallel_loop3A_705], %parallel_loop3A_698 {strides = array<i32>} : memref<2x16x8x128xf32, #tpu.memory_space<vmem>>, vector<16xf32>,
          %parallel_loop3A_707 = arith.constant 2 : i32
          %parallel_loop3A_708 = arith.muli %parallel_loop3A_707, %parallel_loop3A_463 : i32
          %parallel_loop3A_709 = arith.constant 1 : i32
          %parallel_loop3A_710 = arith.addi %parallel_loop3A_708, %parallel_loop3A_709 : i32
          %parallel_loop3A_711 = arith.constant 0 : i32
          %parallel_loop3A_712 = arith.index_cast %rem3A_76 : i32 to index
          %parallel_loop3A_713 = arith.index_cast %parallel_loop3A_710 : i32 to index
          %parallel_loop3A_714 = arith.index_cast %parallel_loop3A_711 : i32 to index
          %parallel_loop3A_715 = arith.constant 80 : index
          %parallel_loop3A_716 = tpu.vector_load %arg8[%parallel_loop3A_712, %parallel_loop3A_713, %parallel_loop3A_714, %parallel_loop3A_715] {strides = array<i32>} : memref<2x16x8x128xf32, #tpu.memory_space<vmem>>, vector<16xf32>,
          %parallel_loop3A_717 = arith.mulf %parallel_loop3A_689, %parallel_loop3A_716 : vector<16xf32>
          %parallel_loop3A_718 = arith.constant 2 : i32
          %parallel_loop3A_719 = arith.muli %parallel_loop3A_718, %parallel_loop3A_463 : i32
          %parallel_loop3A_720 = arith.constant 1 : i32
          %parallel_loop3A_721 = arith.addi %parallel_loop3A_719, %parallel_loop3A_720 : i32
          %parallel_loop3A_722 = arith.constant 0 : i32
          %parallel_loop3A_723 = arith.index_cast %rem3A_109 : i32 to index
          %parallel_loop3A_724 = arith.index_cast %parallel_loop3A_721 : i32 to index
          %parallel_loop3A_725 = arith.index_cast %parallel_loop3A_722 : i32 to index
          %parallel_loop3A_726 = arith.constant 80 : index
          %parallel_loop3A_727 = tpu.vector_load %arg9[%parallel_loop3A_723, %parallel_loop3A_724, %parallel_loop3A_725, %parallel_loop3A_726] {strides = array<i32>} : memref<2x16x8x128xf32, #tpu.memory_space<vmem>>, vector<16xf32>,
          tpu.vector_store %arg9[%parallel_loop3A_723, %parallel_loop3A_724, %parallel_loop3A_725, %parallel_loop3A_726], %parallel_loop3A_717 {strides = array<i32>} : memref<2x16x8x128xf32, #tpu.memory_space<vmem>>, vector<16xf32>,
          %parallel_loop3A_728 = arith.addi %get3A_148, %parallel_loop3A_469 : vector<16xi32>
          %parallel_loop3A_729 = tpu.vector_load_idx %arg6[%parallel_loop3A_728] : memref<32768xf32, #tpu.memory_space<vmem>>[vector<16xi32>], vector<16xf32>,
          %parallel_loop3A_730 = vector.bitcast %parallel_loop3A_729 : vector<16xf32> to vector<32xbf16>
          %parallel_loop3A_731 = tpu.unpack_subelements %parallel_loop3A_730, 0 {pack_format = #tpu.pack_format<interleaved>} : vector<32xbf16> -> vector<16xf32>
          %parallel_loop3A_732 = tpu.unpack_subelements %parallel_loop3A_730, 1 {pack_format = #tpu.pack_format<interleaved>} : vector<32xbf16> -> vector<16xf32>
          %parallel_loop3A_733 = arith.constant 2 : i32
          %parallel_loop3A_734 = arith.muli %parallel_loop3A_733, %parallel_loop3A_463 : i32
          %parallel_loop3A_735 = arith.constant 0 : i32
          %parallel_loop3A_736 = arith.index_cast %rem3A_76 : i32 to index
          %parallel_loop3A_737 = arith.index_cast %parallel_loop3A_734 : i32 to index
          %parallel_loop3A_738 = arith.index_cast %parallel_loop3A_735 : i32 to index
          %parallel_loop3A_739 = arith.constant 96 : index
          %parallel_loop3A_740 = tpu.vector_load %arg8[%parallel_loop3A_736, %parallel_loop3A_737, %parallel_loop3A_738, %parallel_loop3A_739] {strides = array<i32>} : memref<2x16x8x128xf32, #tpu.memory_space<vmem>>, vector<16xf32>,
          %parallel_loop3A_741 = arith.mulf %parallel_loop3A_731, %parallel_loop3A_740 : vector<16xf32>
          %parallel_loop3A_742 = arith.constant 2 : i32
          %parallel_loop3A_743 = arith.muli %parallel_loop3A_742, %parallel_loop3A_463 : i32
          %parallel_loop3A_744 = arith.constant 0 : i32
          %parallel_loop3A_745 = arith.index_cast %rem3A_109 : i32 to index
          %parallel_loop3A_746 = arith.index_cast %parallel_loop3A_743 : i32 to index
          %parallel_loop3A_747 = arith.index_cast %parallel_loop3A_744 : i32 to index
          %parallel_loop3A_748 = arith.constant 96 : index
          %parallel_loop3A_749 = tpu.vector_load %arg9[%parallel_loop3A_745, %parallel_loop3A_746, %parallel_loop3A_747, %parallel_loop3A_748] {strides = array<i32>} : memref<2x16x8x128xf32, #tpu.memory_space<vmem>>, vector<16xf32>,
          tpu.vector_store %arg9[%parallel_loop3A_745, %parallel_loop3A_746, %parallel_loop3A_747, %parallel_loop3A_748], %parallel_loop3A_741 {strides = array<i32>} : memref<2x16x8x128xf32, #tpu.memory_space<vmem>>, vector<16xf32>,
          %parallel_loop3A_750 = arith.constant 2 : i32
          %parallel_loop3A_751 = arith.muli %parallel_loop3A_750, %parallel_loop3A_463 : i32
          %parallel_loop3A_752 = arith.constant 1 : i32
          %parallel_loop3A_753 = arith.addi %parallel_loop3A_751, %parallel_loop3A_752 : i32
          %parallel_loop3A_754 = arith.constant 0 : i32
          %parallel_loop3A_755 = arith.index_cast %rem3A_76 : i32 to index
          %parallel_loop3A_756 = arith.index_cast %parallel_loop3A_753 : i32 to index
          %parallel_loop3A_757 = arith.index_cast %parallel_loop3A_754 : i32 to index
          %parallel_loop3A_758 = arith.constant 96 : index
          %parallel_loop3A_759 = tpu.vector_load %arg8[%parallel_loop3A_755, %parallel_loop3A_756, %parallel_loop3A_757, %parallel_loop3A_758] {strides = array<i32>} : memref<2x16x8x128xf32, #tpu.memory_space<vmem>>, vector<16xf32>,
          %parallel_loop3A_760 = arith.mulf %parallel_loop3A_732, %parallel_loop3A_759 : vector<16xf32>
          %parallel_loop3A_761 = arith.constant 2 : i32
          %parallel_loop3A_762 = arith.muli %parallel_loop3A_761, %parallel_loop3A_463 : i32
          %parallel_loop3A_763 = arith.constant 1 : i32
          %parallel_loop3A_764 = arith.addi %parallel_loop3A_762, %parallel_loop3A_763 : i32
          %parallel_loop3A_765 = arith.constant 0 : i32
          %parallel_loop3A_766 = arith.index_cast %rem3A_109 : i32 to index
          %parallel_loop3A_767 = arith.index_cast %parallel_loop3A_764 : i32 to index
          %parallel_loop3A_768 = arith.index_cast %parallel_loop3A_765 : i32 to index
          %parallel_loop3A_769 = arith.constant 96 : index
          %parallel_loop3A_770 = tpu.vector_load %arg9[%parallel_loop3A_766, %parallel_loop3A_767, %parallel_loop3A_768, %parallel_loop3A_769] {strides = array<i32>} : memref<2x16x8x128xf32, #tpu.memory_space<vmem>>, vector<16xf32>,
          tpu.vector_store %arg9[%parallel_loop3A_766, %parallel_loop3A_767, %parallel_loop3A_768, %parallel_loop3A_769], %parallel_loop3A_760 {strides = array<i32>} : memref<2x16x8x128xf32, #tpu.memory_space<vmem>>, vector<16xf32>,
          %parallel_loop3A_771 = arith.addi %get3A_153, %parallel_loop3A_469 : vector<16xi32>
          %parallel_loop3A_772 = tpu.vector_load_idx %arg6[%parallel_loop3A_771] : memref<32768xf32, #tpu.memory_space<vmem>>[vector<16xi32>], vector<16xf32>,
          %parallel_loop3A_773 = vector.bitcast %parallel_loop3A_772 : vector<16xf32> to vector<32xbf16>
          %parallel_loop3A_774 = tpu.unpack_subelements %parallel_loop3A_773, 0 {pack_format = #tpu.pack_format<interleaved>} : vector<32xbf16> -> vector<16xf32>
          %parallel_loop3A_775 = tpu.unpack_subelements %parallel_loop3A_773, 1 {pack_format = #tpu.pack_format<interleaved>} : vector<32xbf16> -> vector<16xf32>
          %parallel_loop3A_776 = arith.constant 2 : i32
          %parallel_loop3A_777 = arith.muli %parallel_loop3A_776, %parallel_loop3A_463 : i32
          %parallel_loop3A_778 = arith.constant 0 : i32
          %parallel_loop3A_779 = arith.index_cast %rem3A_76 : i32 to index
          %parallel_loop3A_780 = arith.index_cast %parallel_loop3A_777 : i32 to index
          %parallel_loop3A_781 = arith.index_cast %parallel_loop3A_778 : i32 to index
          %parallel_loop3A_782 = arith.constant 112 : index
          %parallel_loop3A_783 = tpu.vector_load %arg8[%parallel_loop3A_779, %parallel_loop3A_780, %parallel_loop3A_781, %parallel_loop3A_782] {strides = array<i32>} : memref<2x16x8x128xf32, #tpu.memory_space<vmem>>, vector<16xf32>,
          %parallel_loop3A_784 = arith.mulf %parallel_loop3A_774, %parallel_loop3A_783 : vector<16xf32>
          %parallel_loop3A_785 = arith.constant 2 : i32
          %parallel_loop3A_786 = arith.muli %parallel_loop3A_785, %parallel_loop3A_463 : i32
          %parallel_loop3A_787 = arith.constant 0 : i32
          %parallel_loop3A_788 = arith.index_cast %rem3A_109 : i32 to index
          %parallel_loop3A_789 = arith.index_cast %parallel_loop3A_786 : i32 to index
          %parallel_loop3A_790 = arith.index_cast %parallel_loop3A_787 : i32 to index
          %parallel_loop3A_791 = arith.constant 112 : index
          %parallel_loop3A_792 = tpu.vector_load %arg9[%parallel_loop3A_788, %parallel_loop3A_789, %parallel_loop3A_790, %parallel_loop3A_791] {strides = array<i32>} : memref<2x16x8x128xf32, #tpu.memory_space<vmem>>, vector<16xf32>,
          tpu.vector_store %arg9[%parallel_loop3A_788, %parallel_loop3A_789, %parallel_loop3A_790, %parallel_loop3A_791], %parallel_loop3A_784 {strides = array<i32>} : memref<2x16x8x128xf32, #tpu.memory_space<vmem>>, vector<16xf32>,
          %parallel_loop3A_793 = arith.constant 2 : i32
          %parallel_loop3A_794 = arith.muli %parallel_loop3A_793, %parallel_loop3A_463 : i32
          %parallel_loop3A_795 = arith.constant 1 : i32
          %parallel_loop3A_796 = arith.addi %parallel_loop3A_794, %parallel_loop3A_795 : i32
          %parallel_loop3A_797 = arith.constant 0 : i32
          %parallel_loop3A_798 = arith.index_cast %rem3A_76 : i32 to index
          %parallel_loop3A_799 = arith.index_cast %parallel_loop3A_796 : i32 to index
          %parallel_loop3A_800 = arith.index_cast %parallel_loop3A_797 : i32 to index
          %parallel_loop3A_801 = arith.constant 112 : index
          %parallel_loop3A_802 = tpu.vector_load %arg8[%parallel_loop3A_798, %parallel_loop3A_799, %parallel_loop3A_800, %parallel_loop3A_801] {strides = array<i32>} : memref<2x16x8x128xf32, #tpu.memory_space<vmem>>, vector<16xf32>,
          %parallel_loop3A_803 = arith.mulf %parallel_loop3A_775, %parallel_loop3A_802 : vector<16xf32>
          %parallel_loop3A_804 = arith.constant 2 : i32
          %parallel_loop3A_805 = arith.muli %parallel_loop3A_804, %parallel_loop3A_463 : i32
          %parallel_loop3A_806 = arith.constant 1 : i32
          %parallel_loop3A_807 = arith.addi %parallel_loop3A_805, %parallel_loop3A_806 : i32
          %parallel_loop3A_808 = arith.constant 0 : i32
          %parallel_loop3A_809 = arith.index_cast %rem3A_109 : i32 to index
          %parallel_loop3A_810 = arith.index_cast %parallel_loop3A_807 : i32 to index
          %parallel_loop3A_811 = arith.index_cast %parallel_loop3A_808 : i32 to index
          %parallel_loop3A_812 = arith.constant 112 : index
          %parallel_loop3A_813 = tpu.vector_load %arg9[%parallel_loop3A_809, %parallel_loop3A_810, %parallel_loop3A_811, %parallel_loop3A_812] {strides = array<i32>} : memref<2x16x8x128xf32, #tpu.memory_space<vmem>>, vector<16xf32>,
          tpu.vector_store %arg9[%parallel_loop3A_809, %parallel_loop3A_810, %parallel_loop3A_811, %parallel_loop3A_812], %parallel_loop3A_803 {strides = array<i32>} : memref<2x16x8x128xf32, #tpu.memory_space<vmem>>, vector<16xf32>,
          %parallel_loop3A_814 = arith.addi %get3A_158, %parallel_loop3A_469 : vector<16xi32>
          %parallel_loop3A_815 = tpu.vector_load_idx %arg6[%parallel_loop3A_814] : memref<32768xf32, #tpu.memory_space<vmem>>[vector<16xi32>], vector<16xf32>,
          %parallel_loop3A_816 = vector.bitcast %parallel_loop3A_815 : vector<16xf32> to vector<32xbf16>
          %parallel_loop3A_817 = tpu.unpack_subelements %parallel_loop3A_816, 0 {pack_format = #tpu.pack_format<interleaved>} : vector<32xbf16> -> vector<16xf32>
          %parallel_loop3A_818 = tpu.unpack_subelements %parallel_loop3A_816, 1 {pack_format = #tpu.pack_format<interleaved>} : vector<32xbf16> -> vector<16xf32>
          %parallel_loop3A_819 = arith.constant 2 : i32
          %parallel_loop3A_820 = arith.muli %parallel_loop3A_819, %parallel_loop3A_463 : i32
          %parallel_loop3A_821 = arith.constant 1 : i32
          %parallel_loop3A_822 = arith.index_cast %rem3A_76 : i32 to index
          %parallel_loop3A_823 = arith.index_cast %parallel_loop3A_820 : i32 to index
          %parallel_loop3A_824 = arith.index_cast %parallel_loop3A_821 : i32 to index
          %parallel_loop3A_825 = arith.constant 0 : index
          %parallel_loop3A_826 = tpu.vector_load %arg8[%parallel_loop3A_822, %parallel_loop3A_823, %parallel_loop3A_824, %parallel_loop3A_825] {strides = array<i32>} : memref<2x16x8x128xf32, #tpu.memory_space<vmem>>, vector<16xf32>,
          %parallel_loop3A_827 = arith.mulf %parallel_loop3A_817, %parallel_loop3A_826 : vector<16xf32>
          %parallel_loop3A_828 = arith.constant 2 : i32
          %parallel_loop3A_829 = arith.muli %parallel_loop3A_828, %parallel_loop3A_463 : i32
          %parallel_loop3A_830 = arith.constant 1 : i32
          %parallel_loop3A_831 = arith.index_cast %rem3A_109 : i32 to index
          %parallel_loop3A_832 = arith.index_cast %parallel_loop3A_829 : i32 to index
          %parallel_loop3A_833 = arith.index_cast %parallel_loop3A_830 : i32 to index
          %parallel_loop3A_834 = arith.constant 0 : index
          %parallel_loop3A_835 = tpu.vector_load %arg9[%parallel_loop3A_831, %parallel_loop3A_832, %parallel_loop3A_833, %parallel_loop3A_834] {strides = array<i32>} : memref<2x16x8x128xf32, #tpu.memory_space<vmem>>, vector<16xf32>,
          tpu.vector_store %arg9[%parallel_loop3A_831, %parallel_loop3A_832, %parallel_loop3A_833, %parallel_loop3A_834], %parallel_loop3A_827 {strides = array<i32>} : memref<2x16x8x128xf32, #tpu.memory_space<vmem>>, vector<16xf32>,
          %parallel_loop3A_836 = arith.constant 2 : i32
          %parallel_loop3A_837 = arith.muli %parallel_loop3A_836, %parallel_loop3A_463 : i32
          %parallel_loop3A_838 = arith.constant 1 : i32
          %parallel_loop3A_839 = arith.addi %parallel_loop3A_837, %parallel_loop3A_838 : i32
          %parallel_loop3A_840 = arith.constant 1 : i32
          %parallel_loop3A_841 = arith.index_cast %rem3A_76 : i32 to index
          %parallel_loop3A_842 = arith.index_cast %parallel_loop3A_839 : i32 to index
          %parallel_loop3A_843 = arith.index_cast %parallel_loop3A_840 : i32 to index
          %parallel_loop3A_844 = arith.constant 0 : index
          %parallel_loop3A_845 = tpu.vector_load %arg8[%parallel_loop3A_841, %parallel_loop3A_842, %parallel_loop3A_843, %parallel_loop3A_844] {strides = array<i32>} : memref<2x16x8x128xf32, #tpu.memory_space<vmem>>, vector<16xf32>,
          %parallel_loop3A_846 = arith.mulf %parallel_loop3A_818, %parallel_loop3A_845 : vector<16xf32>
          %parallel_loop3A_847 = arith.constant 2 : i32
          %parallel_loop3A_848 = arith.muli %parallel_loop3A_847, %parallel_loop3A_463 : i32
          %parallel_loop3A_849 = arith.constant 1 : i32
          %parallel_loop3A_850 = arith.addi %parallel_loop3A_848, %parallel_loop3A_849 : i32
          %parallel_loop3A_851 = arith.constant 1 : i32
          %parallel_loop3A_852 = arith.index_cast %rem3A_109 : i32 to index
          %parallel_loop3A_853 = arith.index_cast %parallel_loop3A_850 : i32 to index
          %parallel_loop3A_854 = arith.index_cast %parallel_loop3A_851 : i32 to index
          %parallel_loop3A_855 = arith.constant 0 : index
          %parallel_loop3A_856 = tpu.vector_load %arg9[%parallel_loop3A_852, %parallel_loop3A_853, %parallel_loop3A_854, %parallel_loop3A_855] {strides = array<i32>} : memref<2x16x8x128xf32, #tpu.memory_space<vmem>>, vector<16xf32>,
          tpu.vector_store %arg9[%parallel_loop3A_852, %parallel_loop3A_853, %parallel_loop3A_854, %parallel_loop3A_855], %parallel_loop3A_846 {strides = array<i32>} : memref<2x16x8x128xf32, #tpu.memory_space<vmem>>, vector<16xf32>,
          %parallel_loop3A_857 = arith.addi %get3A_163, %parallel_loop3A_469 : vector<16xi32>
          %parallel_loop3A_858 = tpu.vector_load_idx %arg6[%parallel_loop3A_857] : memref<32768xf32, #tpu.memory_space<vmem>>[vector<16xi32>], vector<16xf32>,
          %parallel_loop3A_859 = vector.bitcast %parallel_loop3A_858 : vector<16xf32> to vector<32xbf16>
          %parallel_loop3A_860 = tpu.unpack_subelements %parallel_loop3A_859, 0 {pack_format = #tpu.pack_format<interleaved>} : vector<32xbf16> -> vector<16xf32>
          %parallel_loop3A_861 = tpu.unpack_subelements %parallel_loop3A_859, 1 {pack_format = #tpu.pack_format<interleaved>} : vector<32xbf16> -> vector<16xf32>
          %parallel_loop3A_862 = arith.constant 2 : i32
          %parallel_loop3A_863 = arith.muli %parallel_loop3A_862, %parallel_loop3A_463 : i32
          %parallel_loop3A_864 = arith.constant 1 : i32
          %parallel_loop3A_865 = arith.index_cast %rem3A_76 : i32 to index
          %parallel_loop3A_866 = arith.index_cast %parallel_loop3A_863 : i32 to index
          %parallel_loop3A_867 = arith.index_cast %parallel_loop3A_864 : i32 to index
          %parallel_loop3A_868 = arith.constant 16 : index
          %parallel_loop3A_869 = tpu.vector_load %arg8[%parallel_loop3A_865, %parallel_loop3A_866, %parallel_loop3A_867, %parallel_loop3A_868] {strides = array<i32>} : memref<2x16x8x128xf32, #tpu.memory_space<vmem>>, vector<16xf32>,
          %parallel_loop3A_870 = arith.mulf %parallel_loop3A_860, %parallel_loop3A_869 : vector<16xf32>
          %parallel_loop3A_871 = arith.constant 2 : i32
          %parallel_loop3A_872 = arith.muli %parallel_loop3A_871, %parallel_loop3A_463 : i32
          %parallel_loop3A_873 = arith.constant 1 : i32
          %parallel_loop3A_874 = arith.index_cast %rem3A_109 : i32 to index
          %parallel_loop3A_875 = arith.index_cast %parallel_loop3A_872 : i32 to index
          %parallel_loop3A_876 = arith.index_cast %parallel_loop3A_873 : i32 to index
          %parallel_loop3A_877 = arith.constant 16 : index
          %parallel_loop3A_878 = tpu.vector_load %arg9[%parallel_loop3A_874, %parallel_loop3A_875, %parallel_loop3A_876, %parallel_loop3A_877] {strides = array<i32>} : memref<2x16x8x128xf32, #tpu.memory_space<vmem>>, vector<16xf32>,
          tpu.vector_store %arg9[%parallel_loop3A_874, %parallel_loop3A_875, %parallel_loop3A_876, %parallel_loop3A_877], %parallel_loop3A_870 {strides = array<i32>} : memref<2x16x8x128xf32, #tpu.memory_space<vmem>>, vector<16xf32>,
          %parallel_loop3A_879 = arith.constant 2 : i32
          %parallel_loop3A_880 = arith.muli %parallel_loop3A_879, %parallel_loop3A_463 : i32
          %parallel_loop3A_881 = arith.constant 1 : i32
          %parallel_loop3A_882 = arith.addi %parallel_loop3A_880, %parallel_loop3A_881 : i32
          %parallel_loop3A_883 = arith.constant 1 : i32
          %parallel_loop3A_884 = arith.index_cast %rem3A_76 : i32 to index
          %parallel_loop3A_885 = arith.index_cast %parallel_loop3A_882 : i32 to index
          %parallel_loop3A_886 = arith.index_cast %parallel_loop3A_883 : i32 to index
          %parallel_loop3A_887 = arith.constant 16 : index
          %parallel_loop3A_888 = tpu.vector_load %arg8[%parallel_loop3A_884, %parallel_loop3A_885, %parallel_loop3A_886, %parallel_loop3A_887] {strides = array<i32>} : memref<2x16x8x128xf32, #tpu.memory_space<vmem>>, vector<16xf32>,
          %parallel_loop3A_889 = arith.mulf %parallel_loop3A_861, %parallel_loop3A_888 : vector<16xf32>
          %parallel_loop3A_890 = arith.constant 2 : i32
          %parallel_loop3A_891 = arith.muli %parallel_loop3A_890, %parallel_loop3A_463 : i32
          %parallel_loop3A_892 = arith.constant 1 : i32
          %parallel_loop3A_893 = arith.addi %parallel_loop3A_891, %parallel_loop3A_892 : i32
          %parallel_loop3A_894 = arith.constant 1 : i32
          %parallel_loop3A_895 = arith.index_cast %rem3A_109 : i32 to index
          %parallel_loop3A_896 = arith.index_cast %parallel_loop3A_893 : i32 to index
          %parallel_loop3A_897 = arith.index_cast %parallel_loop3A_894 : i32 to index
          %parallel_loop3A_898 = arith.constant 16 : index
          %parallel_loop3A_899 = tpu.vector_load %arg9[%parallel_loop3A_895, %parallel_loop3A_896, %parallel_loop3A_897, %parallel_loop3A_898] {strides = array<i32>} : memref<2x16x8x128xf32, #tpu.memory_space<vmem>>, vector<16xf32>,
          tpu.vector_store %arg9[%parallel_loop3A_895, %parallel_loop3A_896, %parallel_loop3A_897, %parallel_loop3A_898], %parallel_loop3A_889 {strides = array<i32>} : memref<2x16x8x128xf32, #tpu.memory_space<vmem>>, vector<16xf32>,
          %parallel_loop3A_900 = arith.addi %get3A_168, %parallel_loop3A_469 : vector<16xi32>
          %parallel_loop3A_901 = tpu.vector_load_idx %arg6[%parallel_loop3A_900] : memref<32768xf32, #tpu.memory_space<vmem>>[vector<16xi32>], vector<16xf32>,
          %parallel_loop3A_902 = vector.bitcast %parallel_loop3A_901 : vector<16xf32> to vector<32xbf16>
          %parallel_loop3A_903 = tpu.unpack_subelements %parallel_loop3A_902, 0 {pack_format = #tpu.pack_format<interleaved>} : vector<32xbf16> -> vector<16xf32>
          %parallel_loop3A_904 = tpu.unpack_subelements %parallel_loop3A_902, 1 {pack_format = #tpu.pack_format<interleaved>} : vector<32xbf16> -> vector<16xf32>
          %parallel_loop3A_905 = arith.constant 2 : i32
          %parallel_loop3A_906 = arith.muli %parallel_loop3A_905, %parallel_loop3A_463 : i32
          %parallel_loop3A_907 = arith.constant 1 : i32
          %parallel_loop3A_908 = arith.index_cast %rem3A_76 : i32 to index
          %parallel_loop3A_909 = arith.index_cast %parallel_loop3A_906 : i32 to index
          %parallel_loop3A_910 = arith.index_cast %parallel_loop3A_907 : i32 to index
          %parallel_loop3A_911 = arith.constant 32 : index
          %parallel_loop3A_912 = tpu.vector_load %arg8[%parallel_loop3A_908, %parallel_loop3A_909, %parallel_loop3A_910, %parallel_loop3A_911] {strides = array<i32>} : memref<2x16x8x128xf32, #tpu.memory_space<vmem>>, vector<16xf32>,
          %parallel_loop3A_913 = arith.mulf %parallel_loop3A_903, %parallel_loop3A_912 : vector<16xf32>
          %parallel_loop3A_914 = arith.constant 2 : i32
          %parallel_loop3A_915 = arith.muli %parallel_loop3A_914, %parallel_loop3A_463 : i32
          %parallel_loop3A_916 = arith.constant 1 : i32
          %parallel_loop3A_917 = arith.index_cast %rem3A_109 : i32 to index
          %parallel_loop3A_918 = arith.index_cast %parallel_loop3A_915 : i32 to index
          %parallel_loop3A_919 = arith.index_cast %parallel_loop3A_916 : i32 to index
          %parallel_loop3A_920 = arith.constant 32 : index
          %parallel_loop3A_921 = tpu.vector_load %arg9[%parallel_loop3A_917, %parallel_loop3A_918, %parallel_loop3A_919, %parallel_loop3A_920] {strides = array<i32>} : memref<2x16x8x128xf32, #tpu.memory_space<vmem>>, vector<16xf32>,
          tpu.vector_store %arg9[%parallel_loop3A_917, %parallel_loop3A_918, %parallel_loop3A_919, %parallel_loop3A_920], %parallel_loop3A_913 {strides = array<i32>} : memref<2x16x8x128xf32, #tpu.memory_space<vmem>>, vector<16xf32>,
          %parallel_loop3A_922 = arith.constant 2 : i32
          %parallel_loop3A_923 = arith.muli %parallel_loop3A_922, %parallel_loop3A_463 : i32
          %parallel_loop3A_924 = arith.constant 1 : i32
          %parallel_loop3A_925 = arith.addi %parallel_loop3A_923, %parallel_loop3A_924 : i32
          %parallel_loop3A_926 = arith.constant 1 : i32
          %parallel_loop3A_927 = arith.index_cast %rem3A_76 : i32 to index
          %parallel_loop3A_928 = arith.index_cast %parallel_loop3A_925 : i32 to index
          %parallel_loop3A_929 = arith.index_cast %parallel_loop3A_926 : i32 to index
          %parallel_loop3A_930 = arith.constant 32 : index
          %parallel_loop3A_931 = tpu.vector_load %arg8[%parallel_loop3A_927, %parallel_loop3A_928, %parallel_loop3A_929, %parallel_loop3A_930] {strides = array<i32>} : memref<2x16x8x128xf32, #tpu.memory_space<vmem>>, vector<16xf32>,
          %parallel_loop3A_932 = arith.mulf %parallel_loop3A_904, %parallel_loop3A_931 : vector<16xf32>
          %parallel_loop3A_933 = arith.constant 2 : i32
          %parallel_loop3A_934 = arith.muli %parallel_loop3A_933, %parallel_loop3A_463 : i32
          %parallel_loop3A_935 = arith.constant 1 : i32
          %parallel_loop3A_936 = arith.addi %parallel_loop3A_934, %parallel_loop3A_935 : i32
          %parallel_loop3A_937 = arith.constant 1 : i32
          %parallel_loop3A_938 = arith.index_cast %rem3A_109 : i32 to index
          %parallel_loop3A_939 = arith.index_cast %parallel_loop3A_936 : i32 to index
          %parallel_loop3A_940 = arith.index_cast %parallel_loop3A_937 : i32 to index
          %parallel_loop3A_941 = arith.constant 32 : index
          %parallel_loop3A_942 = tpu.vector_load %arg9[%parallel_loop3A_938, %parallel_loop3A_939, %parallel_loop3A_940, %parallel_loop3A_941] {strides = array<i32>} : memref<2x16x8x128xf32, #tpu.memory_space<vmem>>, vector<16xf32>,
          tpu.vector_store %arg9[%parallel_loop3A_938, %parallel_loop3A_939, %parallel_loop3A_940, %parallel_loop3A_941], %parallel_loop3A_932 {strides = array<i32>} : memref<2x16x8x128xf32, #tpu.memory_space<vmem>>, vector<16xf32>,
          %parallel_loop3A_943 = arith.addi %get3A_173, %parallel_loop3A_469 : vector<16xi32>
          %parallel_loop3A_944 = tpu.vector_load_idx %arg6[%parallel_loop3A_943] : memref<32768xf32, #tpu.memory_space<vmem>>[vector<16xi32>], vector<16xf32>,
          %parallel_loop3A_945 = vector.bitcast %parallel_loop3A_944 : vector<16xf32> to vector<32xbf16>
          %parallel_loop3A_946 = tpu.unpack_subelements %parallel_loop3A_945, 0 {pack_format = #tpu.pack_format<interleaved>} : vector<32xbf16> -> vector<16xf32>
          %parallel_loop3A_947 = tpu.unpack_subelements %parallel_loop3A_945, 1 {pack_format = #tpu.pack_format<interleaved>} : vector<32xbf16> -> vector<16xf32>
          %parallel_loop3A_948 = arith.constant 2 : i32
          %parallel_loop3A_949 = arith.muli %parallel_loop3A_948, %parallel_loop3A_463 : i32
          %parallel_loop3A_950 = arith.constant 1 : i32
          %parallel_loop3A_951 = arith.index_cast %rem3A_76 : i32 to index
          %parallel_loop3A_952 = arith.index_cast %parallel_loop3A_949 : i32 to index
          %parallel_loop3A_953 = arith.index_cast %parallel_loop3A_950 : i32 to index
          %parallel_loop3A_954 = arith.constant 48 : index
          %parallel_loop3A_955 = tpu.vector_load %arg8[%parallel_loop3A_951, %parallel_loop3A_952, %parallel_loop3A_953, %parallel_loop3A_954] {strides = array<i32>} : memref<2x16x8x128xf32, #tpu.memory_space<vmem>>, vector<16xf32>,
          %parallel_loop3A_956 = arith.mulf %parallel_loop3A_946, %parallel_loop3A_955 : vector<16xf32>
          %parallel_loop3A_957 = arith.constant 2 : i32
          %parallel_loop3A_958 = arith.muli %parallel_loop3A_957, %parallel_loop3A_463 : i32
          %parallel_loop3A_959 = arith.constant 1 : i32
          %parallel_loop3A_960 = arith.index_cast %rem3A_109 : i32 to index
          %parallel_loop3A_961 = arith.index_cast %parallel_loop3A_958 : i32 to index
          %parallel_loop3A_962 = arith.index_cast %parallel_loop3A_959 : i32 to index
          %parallel_loop3A_963 = arith.constant 48 : index
          %parallel_loop3A_964 = tpu.vector_load %arg9[%parallel_loop3A_960, %parallel_loop3A_961, %parallel_loop3A_962, %parallel_loop3A_963] {strides = array<i32>} : memref<2x16x8x128xf32, #tpu.memory_space<vmem>>, vector<16xf32>,
          tpu.vector_store %arg9[%parallel_loop3A_960, %parallel_loop3A_961, %parallel_loop3A_962, %parallel_loop3A_963], %parallel_loop3A_956 {strides = array<i32>} : memref<2x16x8x128xf32, #tpu.memory_space<vmem>>, vector<16xf32>,
          %parallel_loop3A_965 = arith.constant 2 : i32
          %parallel_loop3A_966 = arith.muli %parallel_loop3A_965, %parallel_loop3A_463 : i32
          %parallel_loop3A_967 = arith.constant 1 : i32
          %parallel_loop3A_968 = arith.addi %parallel_loop3A_966, %parallel_loop3A_967 : i32
          %parallel_loop3A_969 = arith.constant 1 : i32
          %parallel_loop3A_970 = arith.index_cast %rem3A_76 : i32 to index
          %parallel_loop3A_971 = arith.index_cast %parallel_loop3A_968 : i32 to index
          %parallel_loop3A_972 = arith.index_cast %parallel_loop3A_969 : i32 to index
          %parallel_loop3A_973 = arith.constant 48 : index
          %parallel_loop3A_974 = tpu.vector_load %arg8[%parallel_loop3A_970, %parallel_loop3A_971, %parallel_loop3A_972, %parallel_loop3A_973] {strides = array<i32>} : memref<2x16x8x128xf32, #tpu.memory_space<vmem>>, vector<16xf32>,
          %parallel_loop3A_975 = arith.mulf %parallel_loop3A_947, %parallel_loop3A_974 : vector<16xf32>
          %parallel_loop3A_976 = arith.constant 2 : i32
          %parallel_loop3A_977 = arith.muli %parallel_loop3A_976, %parallel_loop3A_463 : i32
          %parallel_loop3A_978 = arith.constant 1 : i32
          %parallel_loop3A_979 = arith.addi %parallel_loop3A_977, %parallel_loop3A_978 : i32
          %parallel_loop3A_980 = arith.constant 1 : i32
          %parallel_loop3A_981 = arith.index_cast %rem3A_109 : i32 to index
          %parallel_loop3A_982 = arith.index_cast %parallel_loop3A_979 : i32 to index
          %parallel_loop3A_983 = arith.index_cast %parallel_loop3A_980 : i32 to index
          %parallel_loop3A_984 = arith.constant 48 : index
          %parallel_loop3A_985 = tpu.vector_load %arg9[%parallel_loop3A_981, %parallel_loop3A_982, %parallel_loop3A_983, %parallel_loop3A_984] {strides = array<i32>} : memref<2x16x8x128xf32, #tpu.memory_space<vmem>>, vector<16xf32>,
          tpu.vector_store %arg9[%parallel_loop3A_981, %parallel_loop3A_982, %parallel_loop3A_983, %parallel_loop3A_984], %parallel_loop3A_975 {strides = array<i32>} : memref<2x16x8x128xf32, #tpu.memory_space<vmem>>, vector<16xf32>,
          %parallel_loop3A_986 = arith.addi %get3A_178, %parallel_loop3A_469 : vector<16xi32>
          %parallel_loop3A_987 = tpu.vector_load_idx %arg6[%parallel_loop3A_986] : memref<32768xf32, #tpu.memory_space<vmem>>[vector<16xi32>], vector<16xf32>,
          %parallel_loop3A_988 = vector.bitcast %parallel_loop3A_987 : vector<16xf32> to vector<32xbf16>
          %parallel_loop3A_989 = tpu.unpack_subelements %parallel_loop3A_988, 0 {pack_format = #tpu.pack_format<interleaved>} : vector<32xbf16> -> vector<16xf32>
          %parallel_loop3A_990 = tpu.unpack_subelements %parallel_loop3A_988, 1 {pack_format = #tpu.pack_format<interleaved>} : vector<32xbf16> -> vector<16xf32>
          %parallel_loop3A_991 = arith.constant 2 : i32
          %parallel_loop3A_992 = arith.muli %parallel_loop3A_991, %parallel_loop3A_463 : i32
          %parallel_loop3A_993 = arith.constant 1 : i32
          %parallel_loop3A_994 = arith.index_cast %rem3A_76 : i32 to index
          %parallel_loop3A_995 = arith.index_cast %parallel_loop3A_992 : i32 to index
          %parallel_loop3A_996 = arith.index_cast %parallel_loop3A_993 : i32 to index
          %parallel_loop3A_997 = arith.constant 64 : index
          %parallel_loop3A_998 = tpu.vector_load %arg8[%parallel_loop3A_994, %parallel_loop3A_995, %parallel_loop3A_996, %parallel_loop3A_997] {strides = array<i32>} : memref<2x16x8x128xf32, #tpu.memory_space<vmem>>, vector<16xf32>,
          %parallel_loop3A_999 = arith.mulf %parallel_loop3A_989, %parallel_loop3A_998 : vector<16xf32>
          %parallel_loop3A_1000 = arith.constant 2 : i32
          %parallel_loop3A_1001 = arith.muli %parallel_loop3A_1000, %parallel_loop3A_463 : i32
          %parallel_loop3A_1002 = arith.constant 1 : i32
          %parallel_loop3A_1003 = arith.index_cast %rem3A_109 : i32 to index
          %parallel_loop3A_1004 = arith.index_cast %parallel_loop3A_1001 : i32 to index
          %parallel_loop3A_1005 = arith.index_cast %parallel_loop3A_1002 : i32 to index
          %parallel_loop3A_1006 = arith.constant 64 : index
          %parallel_loop3A_1007 = tpu.vector_load %arg9[%parallel_loop3A_1003, %parallel_loop3A_1004, %parallel_loop3A_1005, %parallel_loop3A_1006] {strides = array<i32>} : memref<2x16x8x128xf32, #tpu.memory_space<vmem>>, vector<16xf32>,
          tpu.vector_store %arg9[%parallel_loop3A_1003, %parallel_loop3A_1004, %parallel_loop3A_1005, %parallel_loop3A_1006], %parallel_loop3A_999 {strides = array<i32>} : memref<2x16x8x128xf32, #tpu.memory_space<vmem>>, vector<16xf32>,
          %parallel_loop3A_1008 = arith.constant 2 : i32
          %parallel_loop3A_1009 = arith.muli %parallel_loop3A_1008, %parallel_loop3A_463 : i32
          %parallel_loop3A_1010 = arith.constant 1 : i32
          %parallel_loop3A_1011 = arith.addi %parallel_loop3A_1009, %parallel_loop3A_1010 : i32
          %parallel_loop3A_1012 = arith.constant 1 : i32
          %parallel_loop3A_1013 = arith.index_cast %rem3A_76 : i32 to index
          %parallel_loop3A_1014 = arith.index_cast %parallel_loop3A_1011 : i32 to index
          %parallel_loop3A_1015 = arith.index_cast %parallel_loop3A_1012 : i32 to index
          %parallel_loop3A_1016 = arith.constant 64 : index
          %parallel_loop3A_1017 = tpu.vector_load %arg8[%parallel_loop3A_1013, %parallel_loop3A_1014, %parallel_loop3A_1015, %parallel_loop3A_1016] {strides = array<i32>} : memref<2x16x8x128xf32, #tpu.memory_space<vmem>>, vector<16xf32>,
          %parallel_loop3A_1018 = arith.mulf %parallel_loop3A_990, %parallel_loop3A_1017 : vector<16xf32>
          %parallel_loop3A_1019 = arith.constant 2 : i32
          %parallel_loop3A_1020 = arith.muli %parallel_loop3A_1019, %parallel_loop3A_463 : i32
          %parallel_loop3A_1021 = arith.constant 1 : i32
          %parallel_loop3A_1022 = arith.addi %parallel_loop3A_1020, %parallel_loop3A_1021 : i32
          %parallel_loop3A_1023 = arith.constant 1 : i32
          %parallel_loop3A_1024 = arith.index_cast %rem3A_109 : i32 to index
          %parallel_loop3A_1025 = arith.index_cast %parallel_loop3A_1022 : i32 to index
          %parallel_loop3A_1026 = arith.index_cast %parallel_loop3A_1023 : i32 to index
          %parallel_loop3A_1027 = arith.constant 64 : index
          %parallel_loop3A_1028 = tpu.vector_load %arg9[%parallel_loop3A_1024, %parallel_loop3A_1025, %parallel_loop3A_1026, %parallel_loop3A_1027] {strides = array<i32>} : memref<2x16x8x128xf32, #tpu.memory_space<vmem>>, vector<16xf32>,
          tpu.vector_store %arg9[%parallel_loop3A_1024, %parallel_loop3A_1025, %parallel_loop3A_1026, %parallel_loop3A_1027], %parallel_loop3A_1018 {strides = array<i32>} : memref<2x16x8x128xf32, #tpu.memory_space<vmem>>, vector<16xf32>,
          %parallel_loop3A_1029 = arith.addi %get3A_183, %parallel_loop3A_469 : vector<16xi32>
          %parallel_loop3A_1030 = tpu.vector_load_idx %arg6[%parallel_loop3A_1029] : memref<32768xf32, #tpu.memory_space<vmem>>[vector<16xi32>], vector<16xf32>,
          %parallel_loop3A_1031 = vector.bitcast %parallel_loop3A_1030 : vector<16xf32> to vector<32xbf16>
          %parallel_loop3A_1032 = tpu.unpack_subelements %parallel_loop3A_1031, 0 {pack_format = #tpu.pack_format<interleaved>} : vector<32xbf16> -> vector<16xf32>
          %parallel_loop3A_1033 = tpu.unpack_subelements %parallel_loop3A_1031, 1 {pack_format = #tpu.pack_format<interleaved>} : vector<32xbf16> -> vector<16xf32>
          %parallel_loop3A_1034 = arith.constant 2 : i32
          %parallel_loop3A_1035 = arith.muli %parallel_loop3A_1034, %parallel_loop3A_463 : i32
          %parallel_loop3A_1036 = arith.constant 1 : i32
          %parallel_loop3A_1037 = arith.index_cast %rem3A_76 : i32 to index
          %parallel_loop3A_1038 = arith.index_cast %parallel_loop3A_1035 : i32 to index
          %parallel_loop3A_1039 = arith.index_cast %parallel_loop3A_1036 : i32 to index
          %parallel_loop3A_1040 = arith.constant 80 : index
          %parallel_loop3A_1041 = tpu.vector_load %arg8[%parallel_loop3A_1037, %parallel_loop3A_1038, %parallel_loop3A_1039, %parallel_loop3A_1040] {strides = array<i32>} : memref<2x16x8x128xf32, #tpu.memory_space<vmem>>, vector<16xf32>,
          %parallel_loop3A_1042 = arith.mulf %parallel_loop3A_1032, %parallel_loop3A_1041 : vector<16xf32>
          %parallel_loop3A_1043 = arith.constant 2 : i32
          %parallel_loop3A_1044 = arith.muli %parallel_loop3A_1043, %parallel_loop3A_463 : i32
          %parallel_loop3A_1045 = arith.constant 1 : i32
          %parallel_loop3A_1046 = arith.index_cast %rem3A_109 : i32 to index
          %parallel_loop3A_1047 = arith.index_cast %parallel_loop3A_1044 : i32 to index
          %parallel_loop3A_1048 = arith.index_cast %parallel_loop3A_1045 : i32 to index
          %parallel_loop3A_1049 = arith.constant 80 : index
          %parallel_loop3A_1050 = tpu.vector_load %arg9[%parallel_loop3A_1046, %parallel_loop3A_1047, %parallel_loop3A_1048, %parallel_loop3A_1049] {strides = array<i32>} : memref<2x16x8x128xf32, #tpu.memory_space<vmem>>, vector<16xf32>,
          tpu.vector_store %arg9[%parallel_loop3A_1046, %parallel_loop3A_1047, %parallel_loop3A_1048, %parallel_loop3A_1049], %parallel_loop3A_1042 {strides = array<i32>} : memref<2x16x8x128xf32, #tpu.memory_space<vmem>>, vector<16xf32>,
          %parallel_loop3A_1051 = arith.constant 2 : i32
          %parallel_loop3A_1052 = arith.muli %parallel_loop3A_1051, %parallel_loop3A_463 : i32
          %parallel_loop3A_1053 = arith.constant 1 : i32
          %parallel_loop3A_1054 = arith.addi %parallel_loop3A_1052, %parallel_loop3A_1053 : i32
          %parallel_loop3A_1055 = arith.constant 1 : i32
          %parallel_loop3A_1056 = arith.index_cast %rem3A_76 : i32 to index
          %parallel_loop3A_1057 = arith.index_cast %parallel_loop3A_1054 : i32 to index
          %parallel_loop3A_1058 = arith.index_cast %parallel_loop3A_1055 : i32 to index
          %parallel_loop3A_1059 = arith.constant 80 : index
          %parallel_loop3A_1060 = tpu.vector_load %arg8[%parallel_loop3A_1056, %parallel_loop3A_1057, %parallel_loop3A_1058, %parallel_loop3A_1059] {strides = array<i32>} : memref<2x16x8x128xf32, #tpu.memory_space<vmem>>, vector<16xf32>,
          %parallel_loop3A_1061 = arith.mulf %parallel_loop3A_1033, %parallel_loop3A_1060 : vector<16xf32>
          %parallel_loop3A_1062 = arith.constant 2 : i32
          %parallel_loop3A_1063 = arith.muli %parallel_loop3A_1062, %parallel_loop3A_463 : i32
          %parallel_loop3A_1064 = arith.constant 1 : i32
          %parallel_loop3A_1065 = arith.addi %parallel_loop3A_1063, %parallel_loop3A_1064 : i32
          %parallel_loop3A_1066 = arith.constant 1 : i32
          %parallel_loop3A_1067 = arith.index_cast %rem3A_109 : i32 to index
          %parallel_loop3A_1068 = arith.index_cast %parallel_loop3A_1065 : i32 to index
          %parallel_loop3A_1069 = arith.index_cast %parallel_loop3A_1066 : i32 to index
          %parallel_loop3A_1070 = arith.constant 80 : index
          %parallel_loop3A_1071 = tpu.vector_load %arg9[%parallel_loop3A_1067, %parallel_loop3A_1068, %parallel_loop3A_1069, %parallel_loop3A_1070] {strides = array<i32>} : memref<2x16x8x128xf32, #tpu.memory_space<vmem>>, vector<16xf32>,
          tpu.vector_store %arg9[%parallel_loop3A_1067, %parallel_loop3A_1068, %parallel_loop3A_1069, %parallel_loop3A_1070], %parallel_loop3A_1061 {strides = array<i32>} : memref<2x16x8x128xf32, #tpu.memory_space<vmem>>, vector<16xf32>,
          %parallel_loop3A_1072 = arith.addi %get3A_188, %parallel_loop3A_469 : vector<16xi32>
          %parallel_loop3A_1073 = tpu.vector_load_idx %arg6[%parallel_loop3A_1072] : memref<32768xf32, #tpu.memory_space<vmem>>[vector<16xi32>], vector<16xf32>,
          %parallel_loop3A_1074 = vector.bitcast %parallel_loop3A_1073 : vector<16xf32> to vector<32xbf16>
          %parallel_loop3A_1075 = tpu.unpack_subelements %parallel_loop3A_1074, 0 {pack_format = #tpu.pack_format<interleaved>} : vector<32xbf16> -> vector<16xf32>
          %parallel_loop3A_1076 = tpu.unpack_subelements %parallel_loop3A_1074, 1 {pack_format = #tpu.pack_format<interleaved>} : vector<32xbf16> -> vector<16xf32>
          %parallel_loop3A_1077 = arith.constant 2 : i32
          %parallel_loop3A_1078 = arith.muli %parallel_loop3A_1077, %parallel_loop3A_463 : i32
          %parallel_loop3A_1079 = arith.constant 1 : i32
          %parallel_loop3A_1080 = arith.index_cast %rem3A_76 : i32 to index
          %parallel_loop3A_1081 = arith.index_cast %parallel_loop3A_1078 : i32 to index
          %parallel_loop3A_1082 = arith.index_cast %parallel_loop3A_1079 : i32 to index
          %parallel_loop3A_1083 = arith.constant 96 : index
          %parallel_loop3A_1084 = tpu.vector_load %arg8[%parallel_loop3A_1080, %parallel_loop3A_1081, %parallel_loop3A_1082, %parallel_loop3A_1083] {strides = array<i32>} : memref<2x16x8x128xf32, #tpu.memory_space<vmem>>, vector<16xf32>,
          %parallel_loop3A_1085 = arith.mulf %parallel_loop3A_1075, %parallel_loop3A_1084 : vector<16xf32>
          %parallel_loop3A_1086 = arith.constant 2 : i32
          %parallel_loop3A_1087 = arith.muli %parallel_loop3A_1086, %parallel_loop3A_463 : i32
          %parallel_loop3A_1088 = arith.constant 1 : i32
          %parallel_loop3A_1089 = arith.index_cast %rem3A_109 : i32 to index
          %parallel_loop3A_1090 = arith.index_cast %parallel_loop3A_1087 : i32 to index
          %parallel_loop3A_1091 = arith.index_cast %parallel_loop3A_1088 : i32 to index
          %parallel_loop3A_1092 = arith.constant 96 : index
          %parallel_loop3A_1093 = tpu.vector_load %arg9[%parallel_loop3A_1089, %parallel_loop3A_1090, %parallel_loop3A_1091, %parallel_loop3A_1092] {strides = array<i32>} : memref<2x16x8x128xf32, #tpu.memory_space<vmem>>, vector<16xf32>,
          tpu.vector_store %arg9[%parallel_loop3A_1089, %parallel_loop3A_1090, %parallel_loop3A_1091, %parallel_loop3A_1092], %parallel_loop3A_1085 {strides = array<i32>} : memref<2x16x8x128xf32, #tpu.memory_space<vmem>>, vector<16xf32>,
          %parallel_loop3A_1094 = arith.constant 2 : i32
          %parallel_loop3A_1095 = arith.muli %parallel_loop3A_1094, %parallel_loop3A_463 : i32
          %parallel_loop3A_1096 = arith.constant 1 : i32
          %parallel_loop3A_1097 = arith.addi %parallel_loop3A_1095, %parallel_loop3A_1096 : i32
          %parallel_loop3A_1098 = arith.constant 1 : i32
          %parallel_loop3A_1099 = arith.index_cast %rem3A_76 : i32 to index
          %parallel_loop3A_1100 = arith.index_cast %parallel_loop3A_1097 : i32 to index
          %parallel_loop3A_1101 = arith.index_cast %parallel_loop3A_1098 : i32 to index
          %parallel_loop3A_1102 = arith.constant 96 : index
          %parallel_loop3A_1103 = tpu.vector_load %arg8[%parallel_loop3A_1099, %parallel_loop3A_1100, %parallel_loop3A_1101, %parallel_loop3A_1102] {strides = array<i32>} : memref<2x16x8x128xf32, #tpu.memory_space<vmem>>, vector<16xf32>,
          %parallel_loop3A_1104 = arith.mulf %parallel_loop3A_1076, %parallel_loop3A_1103 : vector<16xf32>
          %parallel_loop3A_1105 = arith.constant 2 : i32
          %parallel_loop3A_1106 = arith.muli %parallel_loop3A_1105, %parallel_loop3A_463 : i32
          %parallel_loop3A_1107 = arith.constant 1 : i32
          %parallel_loop3A_1108 = arith.addi %parallel_loop3A_1106, %parallel_loop3A_1107 : i32
          %parallel_loop3A_1109 = arith.constant 1 : i32
          %parallel_loop3A_1110 = arith.index_cast %rem3A_109 : i32 to index
          %parallel_loop3A_1111 = arith.index_cast %parallel_loop3A_1108 : i32 to index
          %parallel_loop3A_1112 = arith.index_cast %parallel_loop3A_1109 : i32 to index
          %parallel_loop3A_1113 = arith.constant 96 : index
          %parallel_loop3A_1114 = tpu.vector_load %arg9[%parallel_loop3A_1110, %parallel_loop3A_1111, %parallel_loop3A_1112, %parallel_loop3A_1113] {strides = array<i32>} : memref<2x16x8x128xf32, #tpu.memory_space<vmem>>, vector<16xf32>,
          tpu.vector_store %arg9[%parallel_loop3A_1110, %parallel_loop3A_1111, %parallel_loop3A_1112, %parallel_loop3A_1113], %parallel_loop3A_1104 {strides = array<i32>} : memref<2x16x8x128xf32, #tpu.memory_space<vmem>>, vector<16xf32>,
          %parallel_loop3A_1115 = arith.addi %get3A_193, %parallel_loop3A_469 : vector<16xi32>
          %parallel_loop3A_1116 = tpu.vector_load_idx %arg6[%parallel_loop3A_1115] : memref<32768xf32, #tpu.memory_space<vmem>>[vector<16xi32>], vector<16xf32>,
          %parallel_loop3A_1117 = vector.bitcast %parallel_loop3A_1116 : vector<16xf32> to vector<32xbf16>
          %parallel_loop3A_1118 = tpu.unpack_subelements %parallel_loop3A_1117, 0 {pack_format = #tpu.pack_format<interleaved>} : vector<32xbf16> -> vector<16xf32>
          %parallel_loop3A_1119 = tpu.unpack_subelements %parallel_loop3A_1117, 1 {pack_format = #tpu.pack_format<interleaved>} : vector<32xbf16> -> vector<16xf32>
          %parallel_loop3A_1120 = arith.constant 2 : i32
          %parallel_loop3A_1121 = arith.muli %parallel_loop3A_1120, %parallel_loop3A_463 : i32
          %parallel_loop3A_1122 = arith.constant 1 : i32
          %parallel_loop3A_1123 = arith.index_cast %rem3A_76 : i32 to index
          %parallel_loop3A_1124 = arith.index_cast %parallel_loop3A_1121 : i32 to index
          %parallel_loop3A_1125 = arith.index_cast %parallel_loop3A_1122 : i32 to index
          %parallel_loop3A_1126 = arith.constant 112 : index
          %parallel_loop3A_1127 = tpu.vector_load %arg8[%parallel_loop3A_1123, %parallel_loop3A_1124, %parallel_loop3A_1125, %parallel_loop3A_1126] {strides = array<i32>} : memref<2x16x8x128xf32, #tpu.memory_space<vmem>>, vector<16xf32>,
          %parallel_loop3A_1128 = arith.mulf %parallel_loop3A_1118, %parallel_loop3A_1127 : vector<16xf32>
          %parallel_loop3A_1129 = arith.constant 2 : i32
          %parallel_loop3A_1130 = arith.muli %parallel_loop3A_1129, %parallel_loop3A_463 : i32
          %parallel_loop3A_1131 = arith.constant 1 : i32
          %parallel_loop3A_1132 = arith.index_cast %rem3A_109 : i32 to index
          %parallel_loop3A_1133 = arith.index_cast %parallel_loop3A_1130 : i32 to index
          %parallel_loop3A_1134 = arith.index_cast %parallel_loop3A_1131 : i32 to index
          %parallel_loop3A_1135 = arith.constant 112 : index
          %parallel_loop3A_1136 = tpu.vector_load %arg9[%parallel_loop3A_1132, %parallel_loop3A_1133, %parallel_loop3A_1134, %parallel_loop3A_1135] {strides = array<i32>} : memref<2x16x8x128xf32, #tpu.memory_space<vmem>>, vector<16xf32>,
          tpu.vector_store %arg9[%parallel_loop3A_1132, %parallel_loop3A_1133, %parallel_loop3A_1134, %parallel_loop3A_1135], %parallel_loop3A_1128 {strides = array<i32>} : memref<2x16x8x128xf32, #tpu.memory_space<vmem>>, vector<16xf32>,
          %parallel_loop3A_1137 = arith.constant 2 : i32
          %parallel_loop3A_1138 = arith.muli %parallel_loop3A_1137, %parallel_loop3A_463 : i32
          %parallel_loop3A_1139 = arith.constant 1 : i32
          %parallel_loop3A_1140 = arith.addi %parallel_loop3A_1138, %parallel_loop3A_1139 : i32
          %parallel_loop3A_1141 = arith.constant 1 : i32
          %parallel_loop3A_1142 = arith.index_cast %rem3A_76 : i32 to index
          %parallel_loop3A_1143 = arith.index_cast %parallel_loop3A_1140 : i32 to index
          %parallel_loop3A_1144 = arith.index_cast %parallel_loop3A_1141 : i32 to index
          %parallel_loop3A_1145 = arith.constant 112 : index
          %parallel_loop3A_1146 = tpu.vector_load %arg8[%parallel_loop3A_1142, %parallel_loop3A_1143, %parallel_loop3A_1144, %parallel_loop3A_1145] {strides = array<i32>} : memref<2x16x8x128xf32, #tpu.memory_space<vmem>>, vector<16xf32>,
          %parallel_loop3A_1147 = arith.mulf %parallel_loop3A_1119, %parallel_loop3A_1146 : vector<16xf32>
          %parallel_loop3A_1148 = arith.constant 2 : i32
          %parallel_loop3A_1149 = arith.muli %parallel_loop3A_1148, %parallel_loop3A_463 : i32
          %parallel_loop3A_1150 = arith.constant 1 : i32
          %parallel_loop3A_1151 = arith.addi %parallel_loop3A_1149, %parallel_loop3A_1150 : i32
          %parallel_loop3A_1152 = arith.constant 1 : i32
          %parallel_loop3A_1153 = arith.index_cast %rem3A_109 : i32 to index
          %parallel_loop3A_1154 = arith.index_cast %parallel_loop3A_1151 : i32 to index
          %parallel_loop3A_1155 = arith.index_cast %parallel_loop3A_1152 : i32 to index
          %parallel_loop3A_1156 = arith.constant 112 : index
          %parallel_loop3A_1157 = tpu.vector_load %arg9[%parallel_loop3A_1153, %parallel_loop3A_1154, %parallel_loop3A_1155, %parallel_loop3A_1156] {strides = array<i32>} : memref<2x16x8x128xf32, #tpu.memory_space<vmem>>, vector<16xf32>,
          tpu.vector_store %arg9[%parallel_loop3A_1153, %parallel_loop3A_1154, %parallel_loop3A_1155, %parallel_loop3A_1156], %parallel_loop3A_1147 {strides = array<i32>} : memref<2x16x8x128xf32, #tpu.memory_space<vmem>>, vector<16xf32>,
        } {sc.loop_unroll_factor = 4 : i64, sc.parallel_access}
        %get3A_196 = arith.constant 2 : i32
        %get3A_197 = arith.index_cast %scan3A_106 : i32 to index
        %get3A_198 = arith.index_cast %get3A_196 : i32 to index
        %get3A_199 = arith.constant 0 : index
        %get3A_200 = tpu.vector_load %arg7[%get3A_197, %get3A_198, %get3A_199] {strides = array<i32>} : memref<8x8x128xi32, #tpu.memory_space<vmem>>, vector<16xi32>,
        %get3A_201 = arith.constant 2 : i32
        %get3A_202 = arith.index_cast %scan3A_106 : i32 to index
        %get3A_203 = arith.index_cast %get3A_201 : i32 to index
        %get3A_204 = arith.constant 16 : index
        %get3A_205 = tpu.vector_load %arg7[%get3A_202, %get3A_203, %get3A_204] {strides = array<i32>} : memref<8x8x128xi32, #tpu.memory_space<vmem>>, vector<16xi32>,
        %get3A_206 = arith.constant 2 : i32
        %get3A_207 = arith.index_cast %scan3A_106 : i32 to index
        %get3A_208 = arith.index_cast %get3A_206 : i32 to index
        %get3A_209 = arith.constant 32 : index
        %get3A_210 = tpu.vector_load %arg7[%get3A_207, %get3A_208, %get3A_209] {strides = array<i32>} : memref<8x8x128xi32, #tpu.memory_space<vmem>>, vector<16xi32>,
        %get3A_211 = arith.constant 2 : i32
        %get3A_212 = arith.index_cast %scan3A_106 : i32 to index
        %get3A_213 = arith.index_cast %get3A_211 : i32 to index
        %get3A_214 = arith.constant 48 : index
        %get3A_215 = tpu.vector_load %arg7[%get3A_212, %get3A_213, %get3A_214] {strides = array<i32>} : memref<8x8x128xi32, #tpu.memory_space<vmem>>, vector<16xi32>,
        %get3A_216 = arith.constant 2 : i32
        %get3A_217 = arith.index_cast %scan3A_106 : i32 to index
        %get3A_218 = arith.index_cast %get3A_216 : i32 to index
        %get3A_219 = arith.constant 64 : index
        %get3A_220 = tpu.vector_load %arg7[%get3A_217, %get3A_218, %get3A_219] {strides = array<i32>} : memref<8x8x128xi32, #tpu.memory_space<vmem>>, vector<16xi32>,
        %get3A_221 = arith.constant 2 : i32
        %get3A_222 = arith.index_cast %scan3A_106 : i32 to index
        %get3A_223 = arith.index_cast %get3A_221 : i32 to index
        %get3A_224 = arith.constant 80 : index
        %get3A_225 = tpu.vector_load %arg7[%get3A_222, %get3A_223, %get3A_224] {strides = array<i32>} : memref<8x8x128xi32, #tpu.memory_space<vmem>>, vector<16xi32>,
        %get3A_226 = arith.constant 2 : i32
        %get3A_227 = arith.index_cast %scan3A_106 : i32 to index
        %get3A_228 = arith.index_cast %get3A_226 : i32 to index
        %get3A_229 = arith.constant 96 : index
        %get3A_230 = tpu.vector_load %arg7[%get3A_227, %get3A_228, %get3A_229] {strides = array<i32>} : memref<8x8x128xi32, #tpu.memory_space<vmem>>, vector<16xi32>,
        %get3A_231 = arith.constant 2 : i32
        %get3A_232 = arith.index_cast %scan3A_106 : i32 to index
        %get3A_233 = arith.index_cast %get3A_231 : i32 to index
        %get3A_234 = arith.constant 112 : index
        %get3A_235 = tpu.vector_load %arg7[%get3A_232, %get3A_233, %get3A_234] {strides = array<i32>} : memref<8x8x128xi32, #tpu.memory_space<vmem>>, vector<16xi32>,
        %get3A_236 = arith.constant 3 : i32
        %get3A_237 = arith.index_cast %scan3A_106 : i32 to index
        %get3A_238 = arith.index_cast %get3A_236 : i32 to index
        %get3A_239 = arith.constant 0 : index
        %get3A_240 = tpu.vector_load %arg7[%get3A_237, %get3A_238, %get3A_239] {strides = array<i32>} : memref<8x8x128xi32, #tpu.memory_space<vmem>>, vector<16xi32>,
        %get3A_241 = arith.constant 3 : i32
        %get3A_242 = arith.index_cast %scan3A_106 : i32 to index
        %get3A_243 = arith.index_cast %get3A_241 : i32 to index
        %get3A_244 = arith.constant 16 : index
        %get3A_245 = tpu.vector_load %arg7[%get3A_242, %get3A_243, %get3A_244] {strides = array<i32>} : memref<8x8x128xi32, #tpu.memory_space<vmem>>, vector<16xi32>,
        %get3A_246 = arith.constant 3 : i32
        %get3A_247 = arith.index_cast %scan3A_106 : i32 to index
        %get3A_248 = arith.index_cast %get3A_246 : i32 to index
        %get3A_249 = arith.constant 32 : index
        %get3A_250 = tpu.vector_load %arg7[%get3A_247, %get3A_248, %get3A_249] {strides = array<i32>} : memref<8x8x128xi32, #tpu.memory_space<vmem>>, vector<16xi32>,
        %get3A_251 = arith.constant 3 : i32
        %get3A_252 = arith.index_cast %scan3A_106 : i32 to index
        %get3A_253 = arith.index_cast %get3A_251 : i32 to index
        %get3A_254 = arith.constant 48 : index
        %get3A_255 = tpu.vector_load %arg7[%get3A_252, %get3A_253, %get3A_254] {strides = array<i32>} : memref<8x8x128xi32, #tpu.memory_space<vmem>>, vector<16xi32>,
        %get3A_256 = arith.constant 3 : i32
        %get3A_257 = arith.index_cast %scan3A_106 : i32 to index
        %get3A_258 = arith.index_cast %get3A_256 : i32 to index
        %get3A_259 = arith.constant 64 : index
        %get3A_260 = tpu.vector_load %arg7[%get3A_257, %get3A_258, %get3A_259] {strides = array<i32>} : memref<8x8x128xi32, #tpu.memory_space<vmem>>, vector<16xi32>,
        %get3A_261 = arith.constant 3 : i32
        %get3A_262 = arith.index_cast %scan3A_106 : i32 to index
        %get3A_263 = arith.index_cast %get3A_261 : i32 to index
        %get3A_264 = arith.constant 80 : index
        %get3A_265 = tpu.vector_load %arg7[%get3A_262, %get3A_263, %get3A_264] {strides = array<i32>} : memref<8x8x128xi32, #tpu.memory_space<vmem>>, vector<16xi32>,
        %get3A_266 = arith.constant 3 : i32
        %get3A_267 = arith.index_cast %scan3A_106 : i32 to index
        %get3A_268 = arith.index_cast %get3A_266 : i32 to index
        %get3A_269 = arith.constant 96 : index
        %get3A_270 = tpu.vector_load %arg7[%get3A_267, %get3A_268, %get3A_269] {strides = array<i32>} : memref<8x8x128xi32, #tpu.memory_space<vmem>>, vector<16xi32>,
        %get3A_271 = arith.constant 3 : i32
        %get3A_272 = arith.index_cast %scan3A_106 : i32 to index
        %get3A_273 = arith.index_cast %get3A_271 : i32 to index
        %get3A_274 = arith.constant 112 : index
        %get3A_275 = tpu.vector_load %arg7[%get3A_272, %get3A_273, %get3A_274] {strides = array<i32>} : memref<8x8x128xi32, #tpu.memory_space<vmem>>, vector<16xi32>,
        %parallel_loop3A_276 = arith.constant 0 : i32
        %parallel_loop3A_277 = arith.constant 8 : i32
        %parallel_loop3A_278 = arith.constant 1 : i32
        scf.for %parallel_loop3A_463 = %parallel_loop3A_276 to %parallel_loop3A_277 step %parallel_loop3A_278  : i32 {
          %parallel_loop3A_464 = arith.constant 8 : i32
          %parallel_loop3A_465 = arith.muli %scan3A_71, %parallel_loop3A_464 : i32
          %parallel_loop3A_466 = arith.addi %parallel_loop3A_465, %parallel_loop3A_463 : i32
          %parallel_loop3A_467 = arith.constant 1024 : i32
          %parallel_loop3A_468 = arith.muli %parallel_loop3A_466, %parallel_loop3A_467 : i32
          %parallel_loop3A_469 = vector.broadcast %parallel_loop3A_468 : i32 to vector<16xi32>
          %parallel_loop3A_470 = arith.addi %get3A_200, %parallel_loop3A_469 : vector<16xi32>
          %parallel_loop3A_471 = tpu.vector_load_idx %arg6[%parallel_loop3A_470] : memref<32768xf32, #tpu.memory_space<vmem>>[vector<16xi32>], vector<16xf32>,
          %parallel_loop3A_472 = vector.bitcast %parallel_loop3A_471 : vector<16xf32> to vector<32xbf16>
          %parallel_loop3A_473 = tpu.unpack_subelements %parallel_loop3A_472, 0 {pack_format = #tpu.pack_format<interleaved>} : vector<32xbf16> -> vector<16xf32>
          %parallel_loop3A_474 = tpu.unpack_subelements %parallel_loop3A_472, 1 {pack_format = #tpu.pack_format<interleaved>} : vector<32xbf16> -> vector<16xf32>
          %parallel_loop3A_475 = arith.constant 2 : i32
          %parallel_loop3A_476 = arith.muli %parallel_loop3A_475, %parallel_loop3A_463 : i32
          %parallel_loop3A_477 = arith.constant 2 : i32
          %parallel_loop3A_478 = arith.index_cast %rem3A_76 : i32 to index
          %parallel_loop3A_479 = arith.index_cast %parallel_loop3A_476 : i32 to index
          %parallel_loop3A_480 = arith.index_cast %parallel_loop3A_477 : i32 to index
          %parallel_loop3A_481 = arith.constant 0 : index
          %parallel_loop3A_482 = tpu.vector_load %arg8[%parallel_loop3A_478, %parallel_loop3A_479, %parallel_loop3A_480, %parallel_loop3A_481] {strides = array<i32>} : memref<2x16x8x128xf32, #tpu.memory_space<vmem>>, vector<16xf32>,
          %parallel_loop3A_483 = arith.mulf %parallel_loop3A_473, %parallel_loop3A_482 : vector<16xf32>
          %parallel_loop3A_484 = arith.constant 2 : i32
          %parallel_loop3A_485 = arith.muli %parallel_loop3A_484, %parallel_loop3A_463 : i32
          %parallel_loop3A_486 = arith.constant 2 : i32
          %parallel_loop3A_487 = arith.index_cast %rem3A_109 : i32 to index
          %parallel_loop3A_488 = arith.index_cast %parallel_loop3A_485 : i32 to index
          %parallel_loop3A_489 = arith.index_cast %parallel_loop3A_486 : i32 to index
          %parallel_loop3A_490 = arith.constant 0 : index
          %parallel_loop3A_491 = tpu.vector_load %arg9[%parallel_loop3A_487, %parallel_loop3A_488, %parallel_loop3A_489, %parallel_loop3A_490] {strides = array<i32>} : memref<2x16x8x128xf32, #tpu.memory_space<vmem>>, vector<16xf32>,
          tpu.vector_store %arg9[%parallel_loop3A_487, %parallel_loop3A_488, %parallel_loop3A_489, %parallel_loop3A_490], %parallel_loop3A_483 {strides = array<i32>} : memref<2x16x8x128xf32, #tpu.memory_space<vmem>>, vector<16xf32>,
          %parallel_loop3A_492 = arith.constant 2 : i32
          %parallel_loop3A_493 = arith.muli %parallel_loop3A_492, %parallel_loop3A_463 : i32
          %parallel_loop3A_494 = arith.constant 1 : i32
          %parallel_loop3A_495 = arith.addi %parallel_loop3A_493, %parallel_loop3A_494 : i32
          %parallel_loop3A_496 = arith.constant 2 : i32
          %parallel_loop3A_497 = arith.index_cast %rem3A_76 : i32 to index
          %parallel_loop3A_498 = arith.index_cast %parallel_loop3A_495 : i32 to index
          %parallel_loop3A_499 = arith.index_cast %parallel_loop3A_496 : i32 to index
          %parallel_loop3A_500 = arith.constant 0 : index
          %parallel_loop3A_501 = tpu.vector_load %arg8[%parallel_loop3A_497, %parallel_loop3A_498, %parallel_loop3A_499, %parallel_loop3A_500] {strides = array<i32>} : memref<2x16x8x128xf32, #tpu.memory_space<vmem>>, vector<16xf32>,
          %parallel_loop3A_502 = arith.mulf %parallel_loop3A_474, %parallel_loop3A_501 : vector<16xf32>
          %parallel_loop3A_503 = arith.constant 2 : i32
          %parallel_loop3A_504 = arith.muli %parallel_loop3A_503, %parallel_loop3A_463 : i32
          %parallel_loop3A_505 = arith.constant 1 : i32
          %parallel_loop3A_506 = arith.addi %parallel_loop3A_504, %parallel_loop3A_505 : i32
          %parallel_loop3A_507 = arith.constant 2 : i32
          %parallel_loop3A_508 = arith.index_cast %rem3A_109 : i32 to index
          %parallel_loop3A_509 = arith.index_cast %parallel_loop3A_506 : i32 to index
          %parallel_loop3A_510 = arith.index_cast %parallel_loop3A_507 : i32 to index
          %parallel_loop3A_511 = arith.constant 0 : index
          %parallel_loop3A_512 = tpu.vector_load %arg9[%parallel_loop3A_508, %parallel_loop3A_509, %parallel_loop3A_510, %parallel_loop3A_511] {strides = array<i32>} : memref<2x16x8x128xf32, #tpu.memory_space<vmem>>, vector<16xf32>,
          tpu.vector_store %arg9[%parallel_loop3A_508, %parallel_loop3A_509, %parallel_loop3A_510, %parallel_loop3A_511], %parallel_loop3A_502 {strides = array<i32>} : memref<2x16x8x128xf32, #tpu.memory_space<vmem>>, vector<16xf32>,
          %parallel_loop3A_513 = arith.addi %get3A_205, %parallel_loop3A_469 : vector<16xi32>
          %parallel_loop3A_514 = tpu.vector_load_idx %arg6[%parallel_loop3A_513] : memref<32768xf32, #tpu.memory_space<vmem>>[vector<16xi32>], vector<16xf32>,
          %parallel_loop3A_515 = vector.bitcast %parallel_loop3A_514 : vector<16xf32> to vector<32xbf16>
          %parallel_loop3A_516 = tpu.unpack_subelements %parallel_loop3A_515, 0 {pack_format = #tpu.pack_format<interleaved>} : vector<32xbf16> -> vector<16xf32>
          %parallel_loop3A_517 = tpu.unpack_subelements %parallel_loop3A_515, 1 {pack_format = #tpu.pack_format<interleaved>} : vector<32xbf16> -> vector<16xf32>
          %parallel_loop3A_518 = arith.constant 2 : i32
          %parallel_loop3A_519 = arith.muli %parallel_loop3A_518, %parallel_loop3A_463 : i32
          %parallel_loop3A_520 = arith.constant 2 : i32
          %parallel_loop3A_521 = arith.index_cast %rem3A_76 : i32 to index
          %parallel_loop3A_522 = arith.index_cast %parallel_loop3A_519 : i32 to index
          %parallel_loop3A_523 = arith.index_cast %parallel_loop3A_520 : i32 to index
          %parallel_loop3A_524 = arith.constant 16 : index
          %parallel_loop3A_525 = tpu.vector_load %arg8[%parallel_loop3A_521, %parallel_loop3A_522, %parallel_loop3A_523, %parallel_loop3A_524] {strides = array<i32>} : memref<2x16x8x128xf32, #tpu.memory_space<vmem>>, vector<16xf32>,
          %parallel_loop3A_526 = arith.mulf %parallel_loop3A_516, %parallel_loop3A_525 : vector<16xf32>
          %parallel_loop3A_527 = arith.constant 2 : i32
          %parallel_loop3A_528 = arith.muli %parallel_loop3A_527, %parallel_loop3A_463 : i32
          %parallel_loop3A_529 = arith.constant 2 : i32
          %parallel_loop3A_530 = arith.index_cast %rem3A_109 : i32 to index
          %parallel_loop3A_531 = arith.index_cast %parallel_loop3A_528 : i32 to index
          %parallel_loop3A_532 = arith.index_cast %parallel_loop3A_529 : i32 to index
          %parallel_loop3A_533 = arith.constant 16 : index
          %parallel_loop3A_534 = tpu.vector_load %arg9[%parallel_loop3A_530, %parallel_loop3A_531, %parallel_loop3A_532, %parallel_loop3A_533] {strides = array<i32>} : memref<2x16x8x128xf32, #tpu.memory_space<vmem>>, vector<16xf32>,
          tpu.vector_store %arg9[%parallel_loop3A_530, %parallel_loop3A_531, %parallel_loop3A_532, %parallel_loop3A_533], %parallel_loop3A_526 {strides = array<i32>} : memref<2x16x8x128xf32, #tpu.memory_space<vmem>>, vector<16xf32>,
          %parallel_loop3A_535 = arith.constant 2 : i32
          %parallel_loop3A_536 = arith.muli %parallel_loop3A_535, %parallel_loop3A_463 : i32
          %parallel_loop3A_537 = arith.constant 1 : i32
          %parallel_loop3A_538 = arith.addi %parallel_loop3A_536, %parallel_loop3A_537 : i32
          %parallel_loop3A_539 = arith.constant 2 : i32
          %parallel_loop3A_540 = arith.index_cast %rem3A_76 : i32 to index
          %parallel_loop3A_541 = arith.index_cast %parallel_loop3A_538 : i32 to index
          %parallel_loop3A_542 = arith.index_cast %parallel_loop3A_539 : i32 to index
          %parallel_loop3A_543 = arith.constant 16 : index
          %parallel_loop3A_544 = tpu.vector_load %arg8[%parallel_loop3A_540, %parallel_loop3A_541, %parallel_loop3A_542, %parallel_loop3A_543] {strides = array<i32>} : memref<2x16x8x128xf32, #tpu.memory_space<vmem>>, vector<16xf32>,
          %parallel_loop3A_545 = arith.mulf %parallel_loop3A_517, %parallel_loop3A_544 : vector<16xf32>
          %parallel_loop3A_546 = arith.constant 2 : i32
          %parallel_loop3A_547 = arith.muli %parallel_loop3A_546, %parallel_loop3A_463 : i32
          %parallel_loop3A_548 = arith.constant 1 : i32
          %parallel_loop3A_549 = arith.addi %parallel_loop3A_547, %parallel_loop3A_548 : i32
          %parallel_loop3A_550 = arith.constant 2 : i32
          %parallel_loop3A_551 = arith.index_cast %rem3A_109 : i32 to index
          %parallel_loop3A_552 = arith.index_cast %parallel_loop3A_549 : i32 to index
          %parallel_loop3A_553 = arith.index_cast %parallel_loop3A_550 : i32 to index
          %parallel_loop3A_554 = arith.constant 16 : index
          %parallel_loop3A_555 = tpu.vector_load %arg9[%parallel_loop3A_551, %parallel_loop3A_552, %parallel_loop3A_553, %parallel_loop3A_554] {strides = array<i32>} : memref<2x16x8x128xf32, #tpu.memory_space<vmem>>, vector<16xf32>,
          tpu.vector_store %arg9[%parallel_loop3A_551, %parallel_loop3A_552, %parallel_loop3A_553, %parallel_loop3A_554], %parallel_loop3A_545 {strides = array<i32>} : memref<2x16x8x128xf32, #tpu.memory_space<vmem>>, vector<16xf32>,
          %parallel_loop3A_556 = arith.addi %get3A_210, %parallel_loop3A_469 : vector<16xi32>
          %parallel_loop3A_557 = tpu.vector_load_idx %arg6[%parallel_loop3A_556] : memref<32768xf32, #tpu.memory_space<vmem>>[vector<16xi32>], vector<16xf32>,
          %parallel_loop3A_558 = vector.bitcast %parallel_loop3A_557 : vector<16xf32> to vector<32xbf16>
          %parallel_loop3A_559 = tpu.unpack_subelements %parallel_loop3A_558, 0 {pack_format = #tpu.pack_format<interleaved>} : vector<32xbf16> -> vector<16xf32>
          %parallel_loop3A_560 = tpu.unpack_subelements %parallel_loop3A_558, 1 {pack_format = #tpu.pack_format<interleaved>} : vector<32xbf16> -> vector<16xf32>
          %parallel_loop3A_561 = arith.constant 2 : i32
          %parallel_loop3A_562 = arith.muli %parallel_loop3A_561, %parallel_loop3A_463 : i32
          %parallel_loop3A_563 = arith.constant 2 : i32
          %parallel_loop3A_564 = arith.index_cast %rem3A_76 : i32 to index
          %parallel_loop3A_565 = arith.index_cast %parallel_loop3A_562 : i32 to index
          %parallel_loop3A_566 = arith.index_cast %parallel_loop3A_563 : i32 to index
          %parallel_loop3A_567 = arith.constant 32 : index
          %parallel_loop3A_568 = tpu.vector_load %arg8[%parallel_loop3A_564, %parallel_loop3A_565, %parallel_loop3A_566, %parallel_loop3A_567] {strides = array<i32>} : memref<2x16x8x128xf32, #tpu.memory_space<vmem>>, vector<16xf32>,
          %parallel_loop3A_569 = arith.mulf %parallel_loop3A_559, %parallel_loop3A_568 : vector<16xf32>
          %parallel_loop3A_570 = arith.constant 2 : i32
          %parallel_loop3A_571 = arith.muli %parallel_loop3A_570, %parallel_loop3A_463 : i32
          %parallel_loop3A_572 = arith.constant 2 : i32
          %parallel_loop3A_573 = arith.index_cast %rem3A_109 : i32 to index
          %parallel_loop3A_574 = arith.index_cast %parallel_loop3A_571 : i32 to index
          %parallel_loop3A_575 = arith.index_cast %parallel_loop3A_572 : i32 to index
          %parallel_loop3A_576 = arith.constant 32 : index
          %parallel_loop3A_577 = tpu.vector_load %arg9[%parallel_loop3A_573, %parallel_loop3A_574, %parallel_loop3A_575, %parallel_loop3A_576] {strides = array<i32>} : memref<2x16x8x128xf32, #tpu.memory_space<vmem>>, vector<16xf32>,
          tpu.vector_store %arg9[%parallel_loop3A_573, %parallel_loop3A_574, %parallel_loop3A_575, %parallel_loop3A_576], %parallel_loop3A_569 {strides = array<i32>} : memref<2x16x8x128xf32, #tpu.memory_space<vmem>>, vector<16xf32>,
          %parallel_loop3A_578 = arith.constant 2 : i32
          %parallel_loop3A_579 = arith.muli %parallel_loop3A_578, %parallel_loop3A_463 : i32
          %parallel_loop3A_580 = arith.constant 1 : i32
          %parallel_loop3A_581 = arith.addi %parallel_loop3A_579, %parallel_loop3A_580 : i32
          %parallel_loop3A_582 = arith.constant 2 : i32
          %parallel_loop3A_583 = arith.index_cast %rem3A_76 : i32 to index
          %parallel_loop3A_584 = arith.index_cast %parallel_loop3A_581 : i32 to index
          %parallel_loop3A_585 = arith.index_cast %parallel_loop3A_582 : i32 to index
          %parallel_loop3A_586 = arith.constant 32 : index
          %parallel_loop3A_587 = tpu.vector_load %arg8[%parallel_loop3A_583, %parallel_loop3A_584, %parallel_loop3A_585, %parallel_loop3A_586] {strides = array<i32>} : memref<2x16x8x128xf32, #tpu.memory_space<vmem>>, vector<16xf32>,
          %parallel_loop3A_588 = arith.mulf %parallel_loop3A_560, %parallel_loop3A_587 : vector<16xf32>
          %parallel_loop3A_589 = arith.constant 2 : i32
          %parallel_loop3A_590 = arith.muli %parallel_loop3A_589, %parallel_loop3A_463 : i32
          %parallel_loop3A_591 = arith.constant 1 : i32
          %parallel_loop3A_592 = arith.addi %parallel_loop3A_590, %parallel_loop3A_591 : i32
          %parallel_loop3A_593 = arith.constant 2 : i32
          %parallel_loop3A_594 = arith.index_cast %rem3A_109 : i32 to index
          %parallel_loop3A_595 = arith.index_cast %parallel_loop3A_592 : i32 to index
          %parallel_loop3A_596 = arith.index_cast %parallel_loop3A_593 : i32 to index
          %parallel_loop3A_597 = arith.constant 32 : index
          %parallel_loop3A_598 = tpu.vector_load %arg9[%parallel_loop3A_594, %parallel_loop3A_595, %parallel_loop3A_596, %parallel_loop3A_597] {strides = array<i32>} : memref<2x16x8x128xf32, #tpu.memory_space<vmem>>, vector<16xf32>,
          tpu.vector_store %arg9[%parallel_loop3A_594, %parallel_loop3A_595, %parallel_loop3A_596, %parallel_loop3A_597], %parallel_loop3A_588 {strides = array<i32>} : memref<2x16x8x128xf32, #tpu.memory_space<vmem>>, vector<16xf32>,
          %parallel_loop3A_599 = arith.addi %get3A_215, %parallel_loop3A_469 : vector<16xi32>
          %parallel_loop3A_600 = tpu.vector_load_idx %arg6[%parallel_loop3A_599] : memref<32768xf32, #tpu.memory_space<vmem>>[vector<16xi32>], vector<16xf32>,
          %parallel_loop3A_601 = vector.bitcast %parallel_loop3A_600 : vector<16xf32> to vector<32xbf16>
          %parallel_loop3A_602 = tpu.unpack_subelements %parallel_loop3A_601, 0 {pack_format = #tpu.pack_format<interleaved>} : vector<32xbf16> -> vector<16xf32>
          %parallel_loop3A_603 = tpu.unpack_subelements %parallel_loop3A_601, 1 {pack_format = #tpu.pack_format<interleaved>} : vector<32xbf16> -> vector<16xf32>
          %parallel_loop3A_604 = arith.constant 2 : i32
          %parallel_loop3A_605 = arith.muli %parallel_loop3A_604, %parallel_loop3A_463 : i32
          %parallel_loop3A_606 = arith.constant 2 : i32
          %parallel_loop3A_607 = arith.index_cast %rem3A_76 : i32 to index
          %parallel_loop3A_608 = arith.index_cast %parallel_loop3A_605 : i32 to index
          %parallel_loop3A_609 = arith.index_cast %parallel_loop3A_606 : i32 to index
          %parallel_loop3A_610 = arith.constant 48 : index
          %parallel_loop3A_611 = tpu.vector_load %arg8[%parallel_loop3A_607, %parallel_loop3A_608, %parallel_loop3A_609, %parallel_loop3A_610] {strides = array<i32>} : memref<2x16x8x128xf32, #tpu.memory_space<vmem>>, vector<16xf32>,
          %parallel_loop3A_612 = arith.mulf %parallel_loop3A_602, %parallel_loop3A_611 : vector<16xf32>
          %parallel_loop3A_613 = arith.constant 2 : i32
          %parallel_loop3A_614 = arith.muli %parallel_loop3A_613, %parallel_loop3A_463 : i32
          %parallel_loop3A_615 = arith.constant 2 : i32
          %parallel_loop3A_616 = arith.index_cast %rem3A_109 : i32 to index
          %parallel_loop3A_617 = arith.index_cast %parallel_loop3A_614 : i32 to index
          %parallel_loop3A_618 = arith.index_cast %parallel_loop3A_615 : i32 to index
          %parallel_loop3A_619 = arith.constant 48 : index
          %parallel_loop3A_620 = tpu.vector_load %arg9[%parallel_loop3A_616, %parallel_loop3A_617, %parallel_loop3A_618, %parallel_loop3A_619] {strides = array<i32>} : memref<2x16x8x128xf32, #tpu.memory_space<vmem>>, vector<16xf32>,
          tpu.vector_store %arg9[%parallel_loop3A_616, %parallel_loop3A_617, %parallel_loop3A_618, %parallel_loop3A_619], %parallel_loop3A_612 {strides = array<i32>} : memref<2x16x8x128xf32, #tpu.memory_space<vmem>>, vector<16xf32>,
          %parallel_loop3A_621 = arith.constant 2 : i32
          %parallel_loop3A_622 = arith.muli %parallel_loop3A_621, %parallel_loop3A_463 : i32
          %parallel_loop3A_623 = arith.constant 1 : i32
          %parallel_loop3A_624 = arith.addi %parallel_loop3A_622, %parallel_loop3A_623 : i32
          %parallel_loop3A_625 = arith.constant 2 : i32
          %parallel_loop3A_626 = arith.index_cast %rem3A_76 : i32 to index
          %parallel_loop3A_627 = arith.index_cast %parallel_loop3A_624 : i32 to index
          %parallel_loop3A_628 = arith.index_cast %parallel_loop3A_625 : i32 to index
          %parallel_loop3A_629 = arith.constant 48 : index
          %parallel_loop3A_630 = tpu.vector_load %arg8[%parallel_loop3A_626, %parallel_loop3A_627, %parallel_loop3A_628, %parallel_loop3A_629] {strides = array<i32>} : memref<2x16x8x128xf32, #tpu.memory_space<vmem>>, vector<16xf32>,
          %parallel_loop3A_631 = arith.mulf %parallel_loop3A_603, %parallel_loop3A_630 : vector<16xf32>
          %parallel_loop3A_632 = arith.constant 2 : i32
          %parallel_loop3A_633 = arith.muli %parallel_loop3A_632, %parallel_loop3A_463 : i32
          %parallel_loop3A_634 = arith.constant 1 : i32
          %parallel_loop3A_635 = arith.addi %parallel_loop3A_633, %parallel_loop3A_634 : i32
          %parallel_loop3A_636 = arith.constant 2 : i32
          %parallel_loop3A_637 = arith.index_cast %rem3A_109 : i32 to index
          %parallel_loop3A_638 = arith.index_cast %parallel_loop3A_635 : i32 to index
          %parallel_loop3A_639 = arith.index_cast %parallel_loop3A_636 : i32 to index
          %parallel_loop3A_640 = arith.constant 48 : index
          %parallel_loop3A_641 = tpu.vector_load %arg9[%parallel_loop3A_637, %parallel_loop3A_638, %parallel_loop3A_639, %parallel_loop3A_640] {strides = array<i32>} : memref<2x16x8x128xf32, #tpu.memory_space<vmem>>, vector<16xf32>,
          tpu.vector_store %arg9[%parallel_loop3A_637, %parallel_loop3A_638, %parallel_loop3A_639, %parallel_loop3A_640], %parallel_loop3A_631 {strides = array<i32>} : memref<2x16x8x128xf32, #tpu.memory_space<vmem>>, vector<16xf32>,
          %parallel_loop3A_642 = arith.addi %get3A_220, %parallel_loop3A_469 : vector<16xi32>
          %parallel_loop3A_643 = tpu.vector_load_idx %arg6[%parallel_loop3A_642] : memref<32768xf32, #tpu.memory_space<vmem>>[vector<16xi32>], vector<16xf32>,
          %parallel_loop3A_644 = vector.bitcast %parallel_loop3A_643 : vector<16xf32> to vector<32xbf16>
          %parallel_loop3A_645 = tpu.unpack_subelements %parallel_loop3A_644, 0 {pack_format = #tpu.pack_format<interleaved>} : vector<32xbf16> -> vector<16xf32>
          %parallel_loop3A_646 = tpu.unpack_subelements %parallel_loop3A_644, 1 {pack_format = #tpu.pack_format<interleaved>} : vector<32xbf16> -> vector<16xf32>
          %parallel_loop3A_647 = arith.constant 2 : i32
          %parallel_loop3A_648 = arith.muli %parallel_loop3A_647, %parallel_loop3A_463 : i32
          %parallel_loop3A_649 = arith.constant 2 : i32
          %parallel_loop3A_650 = arith.index_cast %rem3A_76 : i32 to index
          %parallel_loop3A_651 = arith.index_cast %parallel_loop3A_648 : i32 to index
          %parallel_loop3A_652 = arith.index_cast %parallel_loop3A_649 : i32 to index
          %parallel_loop3A_653 = arith.constant 64 : index
          %parallel_loop3A_654 = tpu.vector_load %arg8[%parallel_loop3A_650, %parallel_loop3A_651, %parallel_loop3A_652, %parallel_loop3A_653] {strides = array<i32>} : memref<2x16x8x128xf32, #tpu.memory_space<vmem>>, vector<16xf32>,
          %parallel_loop3A_655 = arith.mulf %parallel_loop3A_645, %parallel_loop3A_654 : vector<16xf32>
          %parallel_loop3A_656 = arith.constant 2 : i32
          %parallel_loop3A_657 = arith.muli %parallel_loop3A_656, %parallel_loop3A_463 : i32
          %parallel_loop3A_658 = arith.constant 2 : i32
          %parallel_loop3A_659 = arith.index_cast %rem3A_109 : i32 to index
          %parallel_loop3A_660 = arith.index_cast %parallel_loop3A_657 : i32 to index
          %parallel_loop3A_661 = arith.index_cast %parallel_loop3A_658 : i32 to index
          %parallel_loop3A_662 = arith.constant 64 : index
          %parallel_loop3A_663 = tpu.vector_load %arg9[%parallel_loop3A_659, %parallel_loop3A_660, %parallel_loop3A_661, %parallel_loop3A_662] {strides = array<i32>} : memref<2x16x8x128xf32, #tpu.memory_space<vmem>>, vector<16xf32>,
          tpu.vector_store %arg9[%parallel_loop3A_659, %parallel_loop3A_660, %parallel_loop3A_661, %parallel_loop3A_662], %parallel_loop3A_655 {strides = array<i32>} : memref<2x16x8x128xf32, #tpu.memory_space<vmem>>, vector<16xf32>,
          %parallel_loop3A_664 = arith.constant 2 : i32
          %parallel_loop3A_665 = arith.muli %parallel_loop3A_664, %parallel_loop3A_463 : i32
          %parallel_loop3A_666 = arith.constant 1 : i32
          %parallel_loop3A_667 = arith.addi %parallel_loop3A_665, %parallel_loop3A_666 : i32
          %parallel_loop3A_668 = arith.constant 2 : i32
          %parallel_loop3A_669 = arith.index_cast %rem3A_76 : i32 to index
          %parallel_loop3A_670 = arith.index_cast %parallel_loop3A_667 : i32 to index
          %parallel_loop3A_671 = arith.index_cast %parallel_loop3A_668 : i32 to index
          %parallel_loop3A_672 = arith.constant 64 : index
          %parallel_loop3A_673 = tpu.vector_load %arg8[%parallel_loop3A_669, %parallel_loop3A_670, %parallel_loop3A_671, %parallel_loop3A_672] {strides = array<i32>} : memref<2x16x8x128xf32, #tpu.memory_space<vmem>>, vector<16xf32>,
          %parallel_loop3A_674 = arith.mulf %parallel_loop3A_646, %parallel_loop3A_673 : vector<16xf32>
          %parallel_loop3A_675 = arith.constant 2 : i32
          %parallel_loop3A_676 = arith.muli %parallel_loop3A_675, %parallel_loop3A_463 : i32
          %parallel_loop3A_677 = arith.constant 1 : i32
          %parallel_loop3A_678 = arith.addi %parallel_loop3A_676, %parallel_loop3A_677 : i32
          %parallel_loop3A_679 = arith.constant 2 : i32
          %parallel_loop3A_680 = arith.index_cast %rem3A_109 : i32 to index
          %parallel_loop3A_681 = arith.index_cast %parallel_loop3A_678 : i32 to index
          %parallel_loop3A_682 = arith.index_cast %parallel_loop3A_679 : i32 to index
          %parallel_loop3A_683 = arith.constant 64 : index
          %parallel_loop3A_684 = tpu.vector_load %arg9[%parallel_loop3A_680, %parallel_loop3A_681, %parallel_loop3A_682, %parallel_loop3A_683] {strides = array<i32>} : memref<2x16x8x128xf32, #tpu.memory_space<vmem>>, vector<16xf32>,
          tpu.vector_store %arg9[%parallel_loop3A_680, %parallel_loop3A_681, %parallel_loop3A_682, %parallel_loop3A_683], %parallel_loop3A_674 {strides = array<i32>} : memref<2x16x8x128xf32, #tpu.memory_space<vmem>>, vector<16xf32>,
          %parallel_loop3A_685 = arith.addi %get3A_225, %parallel_loop3A_469 : vector<16xi32>
          %parallel_loop3A_686 = tpu.vector_load_idx %arg6[%parallel_loop3A_685] : memref<32768xf32, #tpu.memory_space<vmem>>[vector<16xi32>], vector<16xf32>,
          %parallel_loop3A_687 = vector.bitcast %parallel_loop3A_686 : vector<16xf32> to vector<32xbf16>
          %parallel_loop3A_688 = tpu.unpack_subelements %parallel_loop3A_687, 0 {pack_format = #tpu.pack_format<interleaved>} : vector<32xbf16> -> vector<16xf32>
          %parallel_loop3A_689 = tpu.unpack_subelements %parallel_loop3A_687, 1 {pack_format = #tpu.pack_format<interleaved>} : vector<32xbf16> -> vector<16xf32>
          %parallel_loop3A_690 = arith.constant 2 : i32
          %parallel_loop3A_691 = arith.muli %parallel_loop3A_690, %parallel_loop3A_463 : i32
          %parallel_loop3A_692 = arith.constant 2 : i32
          %parallel_loop3A_693 = arith.index_cast %rem3A_76 : i32 to index
          %parallel_loop3A_694 = arith.index_cast %parallel_loop3A_691 : i32 to index
          %parallel_loop3A_695 = arith.index_cast %parallel_loop3A_692 : i32 to index
          %parallel_loop3A_696 = arith.constant 80 : index
          %parallel_loop3A_697 = tpu.vector_load %arg8[%parallel_loop3A_693, %parallel_loop3A_694, %parallel_loop3A_695, %parallel_loop3A_696] {strides = array<i32>} : memref<2x16x8x128xf32, #tpu.memory_space<vmem>>, vector<16xf32>,
          %parallel_loop3A_698 = arith.mulf %parallel_loop3A_688, %parallel_loop3A_697 : vector<16xf32>
          %parallel_loop3A_699 = arith.constant 2 : i32
          %parallel_loop3A_700 = arith.muli %parallel_loop3A_699, %parallel_loop3A_463 : i32
          %parallel_loop3A_701 = arith.constant 2 : i32
          %parallel_loop3A_702 = arith.index_cast %rem3A_109 : i32 to index
          %parallel_loop3A_703 = arith.index_cast %parallel_loop3A_700 : i32 to index
          %parallel_loop3A_704 = arith.index_cast %parallel_loop3A_701 : i32 to index
          %parallel_loop3A_705 = arith.constant 80 : index
          %parallel_loop3A_706 = tpu.vector_load %arg9[%parallel_loop3A_702, %parallel_loop3A_703, %parallel_loop3A_704, %parallel_loop3A_705] {strides = array<i32>} : memref<2x16x8x128xf32, #tpu.memory_space<vmem>>, vector<16xf32>,
          tpu.vector_store %arg9[%parallel_loop3A_702, %parallel_loop3A_703, %parallel_loop3A_704, %parallel_loop3A_705], %parallel_loop3A_698 {strides = array<i32>} : memref<2x16x8x128xf32, #tpu.memory_space<vmem>>, vector<16xf32>,
          %parallel_loop3A_707 = arith.constant 2 : i32
          %parallel_loop3A_708 = arith.muli %parallel_loop3A_707, %parallel_loop3A_463 : i32
          %parallel_loop3A_709 = arith.constant 1 : i32
          %parallel_loop3A_710 = arith.addi %parallel_loop3A_708, %parallel_loop3A_709 : i32
          %parallel_loop3A_711 = arith.constant 2 : i32
          %parallel_loop3A_712 = arith.index_cast %rem3A_76 : i32 to index
          %parallel_loop3A_713 = arith.index_cast %parallel_loop3A_710 : i32 to index
          %parallel_loop3A_714 = arith.index_cast %parallel_loop3A_711 : i32 to index
          %parallel_loop3A_715 = arith.constant 80 : index
          %parallel_loop3A_716 = tpu.vector_load %arg8[%parallel_loop3A_712, %parallel_loop3A_713, %parallel_loop3A_714, %parallel_loop3A_715] {strides = array<i32>} : memref<2x16x8x128xf32, #tpu.memory_space<vmem>>, vector<16xf32>,
          %parallel_loop3A_717 = arith.mulf %parallel_loop3A_689, %parallel_loop3A_716 : vector<16xf32>
          %parallel_loop3A_718 = arith.constant 2 : i32
          %parallel_loop3A_719 = arith.muli %parallel_loop3A_718, %parallel_loop3A_463 : i32
          %parallel_loop3A_720 = arith.constant 1 : i32
          %parallel_loop3A_721 = arith.addi %parallel_loop3A_719, %parallel_loop3A_720 : i32
          %parallel_loop3A_722 = arith.constant 2 : i32
          %parallel_loop3A_723 = arith.index_cast %rem3A_109 : i32 to index
          %parallel_loop3A_724 = arith.index_cast %parallel_loop3A_721 : i32 to index
          %parallel_loop3A_725 = arith.index_cast %parallel_loop3A_722 : i32 to index
          %parallel_loop3A_726 = arith.constant 80 : index
          %parallel_loop3A_727 = tpu.vector_load %arg9[%parallel_loop3A_723, %parallel_loop3A_724, %parallel_loop3A_725, %parallel_loop3A_726] {strides = array<i32>} : memref<2x16x8x128xf32, #tpu.memory_space<vmem>>, vector<16xf32>,
          tpu.vector_store %arg9[%parallel_loop3A_723, %parallel_loop3A_724, %parallel_loop3A_725, %parallel_loop3A_726], %parallel_loop3A_717 {strides = array<i32>} : memref<2x16x8x128xf32, #tpu.memory_space<vmem>>, vector<16xf32>,
          %parallel_loop3A_728 = arith.addi %get3A_230, %parallel_loop3A_469 : vector<16xi32>
          %parallel_loop3A_729 = tpu.vector_load_idx %arg6[%parallel_loop3A_728] : memref<32768xf32, #tpu.memory_space<vmem>>[vector<16xi32>], vector<16xf32>,
          %parallel_loop3A_730 = vector.bitcast %parallel_loop3A_729 : vector<16xf32> to vector<32xbf16>
          %parallel_loop3A_731 = tpu.unpack_subelements %parallel_loop3A_730, 0 {pack_format = #tpu.pack_format<interleaved>} : vector<32xbf16> -> vector<16xf32>
          %parallel_loop3A_732 = tpu.unpack_subelements %parallel_loop3A_730, 1 {pack_format = #tpu.pack_format<interleaved>} : vector<32xbf16> -> vector<16xf32>
          %parallel_loop3A_733 = arith.constant 2 : i32
          %parallel_loop3A_734 = arith.muli %parallel_loop3A_733, %parallel_loop3A_463 : i32
          %parallel_loop3A_735 = arith.constant 2 : i32
          %parallel_loop3A_736 = arith.index_cast %rem3A_76 : i32 to index
          %parallel_loop3A_737 = arith.index_cast %parallel_loop3A_734 : i32 to index
          %parallel_loop3A_738 = arith.index_cast %parallel_loop3A_735 : i32 to index
          %parallel_loop3A_739 = arith.constant 96 : index
          %parallel_loop3A_740 = tpu.vector_load %arg8[%parallel_loop3A_736, %parallel_loop3A_737, %parallel_loop3A_738, %parallel_loop3A_739] {strides = array<i32>} : memref<2x16x8x128xf32, #tpu.memory_space<vmem>>, vector<16xf32>,
          %parallel_loop3A_741 = arith.mulf %parallel_loop3A_731, %parallel_loop3A_740 : vector<16xf32>
          %parallel_loop3A_742 = arith.constant 2 : i32
          %parallel_loop3A_743 = arith.muli %parallel_loop3A_742, %parallel_loop3A_463 : i32
          %parallel_loop3A_744 = arith.constant 2 : i32
          %parallel_loop3A_745 = arith.index_cast %rem3A_109 : i32 to index
          %parallel_loop3A_746 = arith.index_cast %parallel_loop3A_743 : i32 to index
          %parallel_loop3A_747 = arith.index_cast %parallel_loop3A_744 : i32 to index
          %parallel_loop3A_748 = arith.constant 96 : index
          %parallel_loop3A_749 = tpu.vector_load %arg9[%parallel_loop3A_745, %parallel_loop3A_746, %parallel_loop3A_747, %parallel_loop3A_748] {strides = array<i32>} : memref<2x16x8x128xf32, #tpu.memory_space<vmem>>, vector<16xf32>,
          tpu.vector_store %arg9[%parallel_loop3A_745, %parallel_loop3A_746, %parallel_loop3A_747, %parallel_loop3A_748], %parallel_loop3A_741 {strides = array<i32>} : memref<2x16x8x128xf32, #tpu.memory_space<vmem>>, vector<16xf32>,
          %parallel_loop3A_750 = arith.constant 2 : i32
          %parallel_loop3A_751 = arith.muli %parallel_loop3A_750, %parallel_loop3A_463 : i32
          %parallel_loop3A_752 = arith.constant 1 : i32
          %parallel_loop3A_753 = arith.addi %parallel_loop3A_751, %parallel_loop3A_752 : i32
          %parallel_loop3A_754 = arith.constant 2 : i32
          %parallel_loop3A_755 = arith.index_cast %rem3A_76 : i32 to index
          %parallel_loop3A_756 = arith.index_cast %parallel_loop3A_753 : i32 to index
          %parallel_loop3A_757 = arith.index_cast %parallel_loop3A_754 : i32 to index
          %parallel_loop3A_758 = arith.constant 96 : index
          %parallel_loop3A_759 = tpu.vector_load %arg8[%parallel_loop3A_755, %parallel_loop3A_756, %parallel_loop3A_757, %parallel_loop3A_758] {strides = array<i32>} : memref<2x16x8x128xf32, #tpu.memory_space<vmem>>, vector<16xf32>,
          %parallel_loop3A_760 = arith.mulf %parallel_loop3A_732, %parallel_loop3A_759 : vector<16xf32>
          %parallel_loop3A_761 = arith.constant 2 : i32
          %parallel_loop3A_762 = arith.muli %parallel_loop3A_761, %parallel_loop3A_463 : i32
          %parallel_loop3A_763 = arith.constant 1 : i32
          %parallel_loop3A_764 = arith.addi %parallel_loop3A_762, %parallel_loop3A_763 : i32
          %parallel_loop3A_765 = arith.constant 2 : i32
          %parallel_loop3A_766 = arith.index_cast %rem3A_109 : i32 to index
          %parallel_loop3A_767 = arith.index_cast %parallel_loop3A_764 : i32 to index
          %parallel_loop3A_768 = arith.index_cast %parallel_loop3A_765 : i32 to index
          %parallel_loop3A_769 = arith.constant 96 : index
          %parallel_loop3A_770 = tpu.vector_load %arg9[%parallel_loop3A_766, %parallel_loop3A_767, %parallel_loop3A_768, %parallel_loop3A_769] {strides = array<i32>} : memref<2x16x8x128xf32, #tpu.memory_space<vmem>>, vector<16xf32>,
          tpu.vector_store %arg9[%parallel_loop3A_766, %parallel_loop3A_767, %parallel_loop3A_768, %parallel_loop3A_769], %parallel_loop3A_760 {strides = array<i32>} : memref<2x16x8x128xf32, #tpu.memory_space<vmem>>, vector<16xf32>,
          %parallel_loop3A_771 = arith.addi %get3A_235, %parallel_loop3A_469 : vector<16xi32>
          %parallel_loop3A_772 = tpu.vector_load_idx %arg6[%parallel_loop3A_771] : memref<32768xf32, #tpu.memory_space<vmem>>[vector<16xi32>], vector<16xf32>,
          %parallel_loop3A_773 = vector.bitcast %parallel_loop3A_772 : vector<16xf32> to vector<32xbf16>
          %parallel_loop3A_774 = tpu.unpack_subelements %parallel_loop3A_773, 0 {pack_format = #tpu.pack_format<interleaved>} : vector<32xbf16> -> vector<16xf32>
          %parallel_loop3A_775 = tpu.unpack_subelements %parallel_loop3A_773, 1 {pack_format = #tpu.pack_format<interleaved>} : vector<32xbf16> -> vector<16xf32>
          %parallel_loop3A_776 = arith.constant 2 : i32
          %parallel_loop3A_777 = arith.muli %parallel_loop3A_776, %parallel_loop3A_463 : i32
          %parallel_loop3A_778 = arith.constant 2 : i32
          %parallel_loop3A_779 = arith.index_cast %rem3A_76 : i32 to index
          %parallel_loop3A_780 = arith.index_cast %parallel_loop3A_777 : i32 to index
          %parallel_loop3A_781 = arith.index_cast %parallel_loop3A_778 : i32 to index
          %parallel_loop3A_782 = arith.constant 112 : index
          %parallel_loop3A_783 = tpu.vector_load %arg8[%parallel_loop3A_779, %parallel_loop3A_780, %parallel_loop3A_781, %parallel_loop3A_782] {strides = array<i32>} : memref<2x16x8x128xf32, #tpu.memory_space<vmem>>, vector<16xf32>,
          %parallel_loop3A_784 = arith.mulf %parallel_loop3A_774, %parallel_loop3A_783 : vector<16xf32>
          %parallel_loop3A_785 = arith.constant 2 : i32
          %parallel_loop3A_786 = arith.muli %parallel_loop3A_785, %parallel_loop3A_463 : i32
          %parallel_loop3A_787 = arith.constant 2 : i32
          %parallel_loop3A_788 = arith.index_cast %rem3A_109 : i32 to index
          %parallel_loop3A_789 = arith.index_cast %parallel_loop3A_786 : i32 to index
          %parallel_loop3A_790 = arith.index_cast %parallel_loop3A_787 : i32 to index
          %parallel_loop3A_791 = arith.constant 112 : index
          %parallel_loop3A_792 = tpu.vector_load %arg9[%parallel_loop3A_788, %parallel_loop3A_789, %parallel_loop3A_790, %parallel_loop3A_791] {strides = array<i32>} : memref<2x16x8x128xf32, #tpu.memory_space<vmem>>, vector<16xf32>,
          tpu.vector_store %arg9[%parallel_loop3A_788, %parallel_loop3A_789, %parallel_loop3A_790, %parallel_loop3A_791], %parallel_loop3A_784 {strides = array<i32>} : memref<2x16x8x128xf32, #tpu.memory_space<vmem>>, vector<16xf32>,
          %parallel_loop3A_793 = arith.constant 2 : i32
          %parallel_loop3A_794 = arith.muli %parallel_loop3A_793, %parallel_loop3A_463 : i32
          %parallel_loop3A_795 = arith.constant 1 : i32
          %parallel_loop3A_796 = arith.addi %parallel_loop3A_794, %parallel_loop3A_795 : i32
          %parallel_loop3A_797 = arith.constant 2 : i32
          %parallel_loop3A_798 = arith.index_cast %rem3A_76 : i32 to index
          %parallel_loop3A_799 = arith.index_cast %parallel_loop3A_796 : i32 to index
          %parallel_loop3A_800 = arith.index_cast %parallel_loop3A_797 : i32 to index
          %parallel_loop3A_801 = arith.constant 112 : index
          %parallel_loop3A_802 = tpu.vector_load %arg8[%parallel_loop3A_798, %parallel_loop3A_799, %parallel_loop3A_800, %parallel_loop3A_801] {strides = array<i32>} : memref<2x16x8x128xf32, #tpu.memory_space<vmem>>, vector<16xf32>,
          %parallel_loop3A_803 = arith.mulf %parallel_loop3A_775, %parallel_loop3A_802 : vector<16xf32>
          %parallel_loop3A_804 = arith.constant 2 : i32
          %parallel_loop3A_805 = arith.muli %parallel_loop3A_804, %parallel_loop3A_463 : i32
          %parallel_loop3A_806 = arith.constant 1 : i32
          %parallel_loop3A_807 = arith.addi %parallel_loop3A_805, %parallel_loop3A_806 : i32
          %parallel_loop3A_808 = arith.constant 2 : i32
          %parallel_loop3A_809 = arith.index_cast %rem3A_109 : i32 to index
          %parallel_loop3A_810 = arith.index_cast %parallel_loop3A_807 : i32 to index
          %parallel_loop3A_811 = arith.index_cast %parallel_loop3A_808 : i32 to index
          %parallel_loop3A_812 = arith.constant 112 : index
          %parallel_loop3A_813 = tpu.vector_load %arg9[%parallel_loop3A_809, %parallel_loop3A_810, %parallel_loop3A_811, %parallel_loop3A_812] {strides = array<i32>} : memref<2x16x8x128xf32, #tpu.memory_space<vmem>>, vector<16xf32>,
          tpu.vector_store %arg9[%parallel_loop3A_809, %parallel_loop3A_810, %parallel_loop3A_811, %parallel_loop3A_812], %parallel_loop3A_803 {strides = array<i32>} : memref<2x16x8x128xf32, #tpu.memory_space<vmem>>, vector<16xf32>,
          %parallel_loop3A_814 = arith.addi %get3A_240, %parallel_loop3A_469 : vector<16xi32>
          %parallel_loop3A_815 = tpu.vector_load_idx %arg6[%parallel_loop3A_814] : memref<32768xf32, #tpu.memory_space<vmem>>[vector<16xi32>], vector<16xf32>,
          %parallel_loop3A_816 = vector.bitcast %parallel_loop3A_815 : vector<16xf32> to vector<32xbf16>
          %parallel_loop3A_817 = tpu.unpack_subelements %parallel_loop3A_816, 0 {pack_format = #tpu.pack_format<interleaved>} : vector<32xbf16> -> vector<16xf32>
          %parallel_loop3A_818 = tpu.unpack_subelements %parallel_loop3A_816, 1 {pack_format = #tpu.pack_format<interleaved>} : vector<32xbf16> -> vector<16xf32>
          %parallel_loop3A_819 = arith.constant 2 : i32
          %parallel_loop3A_820 = arith.muli %parallel_loop3A_819, %parallel_loop3A_463 : i32
          %parallel_loop3A_821 = arith.constant 3 : i32
          %parallel_loop3A_822 = arith.index_cast %rem3A_76 : i32 to index
          %parallel_loop3A_823 = arith.index_cast %parallel_loop3A_820 : i32 to index
          %parallel_loop3A_824 = arith.index_cast %parallel_loop3A_821 : i32 to index
          %parallel_loop3A_825 = arith.constant 0 : index
          %parallel_loop3A_826 = tpu.vector_load %arg8[%parallel_loop3A_822, %parallel_loop3A_823, %parallel_loop3A_824, %parallel_loop3A_825] {strides = array<i32>} : memref<2x16x8x128xf32, #tpu.memory_space<vmem>>, vector<16xf32>,
          %parallel_loop3A_827 = arith.mulf %parallel_loop3A_817, %parallel_loop3A_826 : vector<16xf32>
          %parallel_loop3A_828 = arith.constant 2 : i32
          %parallel_loop3A_829 = arith.muli %parallel_loop3A_828, %parallel_loop3A_463 : i32
          %parallel_loop3A_830 = arith.constant 3 : i32
          %parallel_loop3A_831 = arith.index_cast %rem3A_109 : i32 to index
          %parallel_loop3A_832 = arith.index_cast %parallel_loop3A_829 : i32 to index
          %parallel_loop3A_833 = arith.index_cast %parallel_loop3A_830 : i32 to index
          %parallel_loop3A_834 = arith.constant 0 : index
          %parallel_loop3A_835 = tpu.vector_load %arg9[%parallel_loop3A_831, %parallel_loop3A_832, %parallel_loop3A_833, %parallel_loop3A_834] {strides = array<i32>} : memref<2x16x8x128xf32, #tpu.memory_space<vmem>>, vector<16xf32>,
          tpu.vector_store %arg9[%parallel_loop3A_831, %parallel_loop3A_832, %parallel_loop3A_833, %parallel_loop3A_834], %parallel_loop3A_827 {strides = array<i32>} : memref<2x16x8x128xf32, #tpu.memory_space<vmem>>, vector<16xf32>,
          %parallel_loop3A_836 = arith.constant 2 : i32
          %parallel_loop3A_837 = arith.muli %parallel_loop3A_836, %parallel_loop3A_463 : i32
          %parallel_loop3A_838 = arith.constant 1 : i32
          %parallel_loop3A_839 = arith.addi %parallel_loop3A_837, %parallel_loop3A_838 : i32
          %parallel_loop3A_840 = arith.constant 3 : i32
          %parallel_loop3A_841 = arith.index_cast %rem3A_76 : i32 to index
          %parallel_loop3A_842 = arith.index_cast %parallel_loop3A_839 : i32 to index
          %parallel_loop3A_843 = arith.index_cast %parallel_loop3A_840 : i32 to index
          %parallel_loop3A_844 = arith.constant 0 : index
          %parallel_loop3A_845 = tpu.vector_load %arg8[%parallel_loop3A_841, %parallel_loop3A_842, %parallel_loop3A_843, %parallel_loop3A_844] {strides = array<i32>} : memref<2x16x8x128xf32, #tpu.memory_space<vmem>>, vector<16xf32>,
          %parallel_loop3A_846 = arith.mulf %parallel_loop3A_818, %parallel_loop3A_845 : vector<16xf32>
          %parallel_loop3A_847 = arith.constant 2 : i32
          %parallel_loop3A_848 = arith.muli %parallel_loop3A_847, %parallel_loop3A_463 : i32
          %parallel_loop3A_849 = arith.constant 1 : i32
          %parallel_loop3A_850 = arith.addi %parallel_loop3A_848, %parallel_loop3A_849 : i32
          %parallel_loop3A_851 = arith.constant 3 : i32
          %parallel_loop3A_852 = arith.index_cast %rem3A_109 : i32 to index
          %parallel_loop3A_853 = arith.index_cast %parallel_loop3A_850 : i32 to index
          %parallel_loop3A_854 = arith.index_cast %parallel_loop3A_851 : i32 to index
          %parallel_loop3A_855 = arith.constant 0 : index
          %parallel_loop3A_856 = tpu.vector_load %arg9[%parallel_loop3A_852, %parallel_loop3A_853, %parallel_loop3A_854, %parallel_loop3A_855] {strides = array<i32>} : memref<2x16x8x128xf32, #tpu.memory_space<vmem>>, vector<16xf32>,
          tpu.vector_store %arg9[%parallel_loop3A_852, %parallel_loop3A_853, %parallel_loop3A_854, %parallel_loop3A_855], %parallel_loop3A_846 {strides = array<i32>} : memref<2x16x8x128xf32, #tpu.memory_space<vmem>>, vector<16xf32>,
          %parallel_loop3A_857 = arith.addi %get3A_245, %parallel_loop3A_469 : vector<16xi32>
          %parallel_loop3A_858 = tpu.vector_load_idx %arg6[%parallel_loop3A_857] : memref<32768xf32, #tpu.memory_space<vmem>>[vector<16xi32>], vector<16xf32>,
          %parallel_loop3A_859 = vector.bitcast %parallel_loop3A_858 : vector<16xf32> to vector<32xbf16>
          %parallel_loop3A_860 = tpu.unpack_subelements %parallel_loop3A_859, 0 {pack_format = #tpu.pack_format<interleaved>} : vector<32xbf16> -> vector<16xf32>
          %parallel_loop3A_861 = tpu.unpack_subelements %parallel_loop3A_859, 1 {pack_format = #tpu.pack_format<interleaved>} : vector<32xbf16> -> vector<16xf32>
          %parallel_loop3A_862 = arith.constant 2 : i32
          %parallel_loop3A_863 = arith.muli %parallel_loop3A_862, %parallel_loop3A_463 : i32
          %parallel_loop3A_864 = arith.constant 3 : i32
          %parallel_loop3A_865 = arith.index_cast %rem3A_76 : i32 to index
          %parallel_loop3A_866 = arith.index_cast %parallel_loop3A_863 : i32 to index
          %parallel_loop3A_867 = arith.index_cast %parallel_loop3A_864 : i32 to index
          %parallel_loop3A_868 = arith.constant 16 : index
          %parallel_loop3A_869 = tpu.vector_load %arg8[%parallel_loop3A_865, %parallel_loop3A_866, %parallel_loop3A_867, %parallel_loop3A_868] {strides = array<i32>} : memref<2x16x8x128xf32, #tpu.memory_space<vmem>>, vector<16xf32>,
          %parallel_loop3A_870 = arith.mulf %parallel_loop3A_860, %parallel_loop3A_869 : vector<16xf32>
          %parallel_loop3A_871 = arith.constant 2 : i32
          %parallel_loop3A_872 = arith.muli %parallel_loop3A_871, %parallel_loop3A_463 : i32
          %parallel_loop3A_873 = arith.constant 3 : i32
          %parallel_loop3A_874 = arith.index_cast %rem3A_109 : i32 to index
          %parallel_loop3A_875 = arith.index_cast %parallel_loop3A_872 : i32 to index
          %parallel_loop3A_876 = arith.index_cast %parallel_loop3A_873 : i32 to index
          %parallel_loop3A_877 = arith.constant 16 : index
          %parallel_loop3A_878 = tpu.vector_load %arg9[%parallel_loop3A_874, %parallel_loop3A_875, %parallel_loop3A_876, %parallel_loop3A_877] {strides = array<i32>} : memref<2x16x8x128xf32, #tpu.memory_space<vmem>>, vector<16xf32>,
          tpu.vector_store %arg9[%parallel_loop3A_874, %parallel_loop3A_875, %parallel_loop3A_876, %parallel_loop3A_877], %parallel_loop3A_870 {strides = array<i32>} : memref<2x16x8x128xf32, #tpu.memory_space<vmem>>, vector<16xf32>,
          %parallel_loop3A_879 = arith.constant 2 : i32
          %parallel_loop3A_880 = arith.muli %parallel_loop3A_879, %parallel_loop3A_463 : i32
          %parallel_loop3A_881 = arith.constant 1 : i32
          %parallel_loop3A_882 = arith.addi %parallel_loop3A_880, %parallel_loop3A_881 : i32
          %parallel_loop3A_883 = arith.constant 3 : i32
          %parallel_loop3A_884 = arith.index_cast %rem3A_76 : i32 to index
          %parallel_loop3A_885 = arith.index_cast %parallel_loop3A_882 : i32 to index
          %parallel_loop3A_886 = arith.index_cast %parallel_loop3A_883 : i32 to index
          %parallel_loop3A_887 = arith.constant 16 : index
          %parallel_loop3A_888 = tpu.vector_load %arg8[%parallel_loop3A_884, %parallel_loop3A_885, %parallel_loop3A_886, %parallel_loop3A_887] {strides = array<i32>} : memref<2x16x8x128xf32, #tpu.memory_space<vmem>>, vector<16xf32>,
          %parallel_loop3A_889 = arith.mulf %parallel_loop3A_861, %parallel_loop3A_888 : vector<16xf32>
          %parallel_loop3A_890 = arith.constant 2 : i32
          %parallel_loop3A_891 = arith.muli %parallel_loop3A_890, %parallel_loop3A_463 : i32
          %parallel_loop3A_892 = arith.constant 1 : i32
          %parallel_loop3A_893 = arith.addi %parallel_loop3A_891, %parallel_loop3A_892 : i32
          %parallel_loop3A_894 = arith.constant 3 : i32
          %parallel_loop3A_895 = arith.index_cast %rem3A_109 : i32 to index
          %parallel_loop3A_896 = arith.index_cast %parallel_loop3A_893 : i32 to index
          %parallel_loop3A_897 = arith.index_cast %parallel_loop3A_894 : i32 to index
          %parallel_loop3A_898 = arith.constant 16 : index
          %parallel_loop3A_899 = tpu.vector_load %arg9[%parallel_loop3A_895, %parallel_loop3A_896, %parallel_loop3A_897, %parallel_loop3A_898] {strides = array<i32>} : memref<2x16x8x128xf32, #tpu.memory_space<vmem>>, vector<16xf32>,
          tpu.vector_store %arg9[%parallel_loop3A_895, %parallel_loop3A_896, %parallel_loop3A_897, %parallel_loop3A_898], %parallel_loop3A_889 {strides = array<i32>} : memref<2x16x8x128xf32, #tpu.memory_space<vmem>>, vector<16xf32>,
          %parallel_loop3A_900 = arith.addi %get3A_250, %parallel_loop3A_469 : vector<16xi32>
          %parallel_loop3A_901 = tpu.vector_load_idx %arg6[%parallel_loop3A_900] : memref<32768xf32, #tpu.memory_space<vmem>>[vector<16xi32>], vector<16xf32>,
          %parallel_loop3A_902 = vector.bitcast %parallel_loop3A_901 : vector<16xf32> to vector<32xbf16>
          %parallel_loop3A_903 = tpu.unpack_subelements %parallel_loop3A_902, 0 {pack_format = #tpu.pack_format<interleaved>} : vector<32xbf16> -> vector<16xf32>
          %parallel_loop3A_904 = tpu.unpack_subelements %parallel_loop3A_902, 1 {pack_format = #tpu.pack_format<interleaved>} : vector<32xbf16> -> vector<16xf32>
          %parallel_loop3A_905 = arith.constant 2 : i32
          %parallel_loop3A_906 = arith.muli %parallel_loop3A_905, %parallel_loop3A_463 : i32
          %parallel_loop3A_907 = arith.constant 3 : i32
          %parallel_loop3A_908 = arith.index_cast %rem3A_76 : i32 to index
          %parallel_loop3A_909 = arith.index_cast %parallel_loop3A_906 : i32 to index
          %parallel_loop3A_910 = arith.index_cast %parallel_loop3A_907 : i32 to index
          %parallel_loop3A_911 = arith.constant 32 : index
          %parallel_loop3A_912 = tpu.vector_load %arg8[%parallel_loop3A_908, %parallel_loop3A_909, %parallel_loop3A_910, %parallel_loop3A_911] {strides = array<i32>} : memref<2x16x8x128xf32, #tpu.memory_space<vmem>>, vector<16xf32>,
          %parallel_loop3A_913 = arith.mulf %parallel_loop3A_903, %parallel_loop3A_912 : vector<16xf32>
          %parallel_loop3A_914 = arith.constant 2 : i32
          %parallel_loop3A_915 = arith.muli %parallel_loop3A_914, %parallel_loop3A_463 : i32
          %parallel_loop3A_916 = arith.constant 3 : i32
          %parallel_loop3A_917 = arith.index_cast %rem3A_109 : i32 to index
          %parallel_loop3A_918 = arith.index_cast %parallel_loop3A_915 : i32 to index
          %parallel_loop3A_919 = arith.index_cast %parallel_loop3A_916 : i32 to index
          %parallel_loop3A_920 = arith.constant 32 : index
          %parallel_loop3A_921 = tpu.vector_load %arg9[%parallel_loop3A_917, %parallel_loop3A_918, %parallel_loop3A_919, %parallel_loop3A_920] {strides = array<i32>} : memref<2x16x8x128xf32, #tpu.memory_space<vmem>>, vector<16xf32>,
          tpu.vector_store %arg9[%parallel_loop3A_917, %parallel_loop3A_918, %parallel_loop3A_919, %parallel_loop3A_920], %parallel_loop3A_913 {strides = array<i32>} : memref<2x16x8x128xf32, #tpu.memory_space<vmem>>, vector<16xf32>,
          %parallel_loop3A_922 = arith.constant 2 : i32
          %parallel_loop3A_923 = arith.muli %parallel_loop3A_922, %parallel_loop3A_463 : i32
          %parallel_loop3A_924 = arith.constant 1 : i32
          %parallel_loop3A_925 = arith.addi %parallel_loop3A_923, %parallel_loop3A_924 : i32
          %parallel_loop3A_926 = arith.constant 3 : i32
          %parallel_loop3A_927 = arith.index_cast %rem3A_76 : i32 to index
          %parallel_loop3A_928 = arith.index_cast %parallel_loop3A_925 : i32 to index
          %parallel_loop3A_929 = arith.index_cast %parallel_loop3A_926 : i32 to index
          %parallel_loop3A_930 = arith.constant 32 : index
          %parallel_loop3A_931 = tpu.vector_load %arg8[%parallel_loop3A_927, %parallel_loop3A_928, %parallel_loop3A_929, %parallel_loop3A_930] {strides = array<i32>} : memref<2x16x8x128xf32, #tpu.memory_space<vmem>>, vector<16xf32>,
          %parallel_loop3A_932 = arith.mulf %parallel_loop3A_904, %parallel_loop3A_931 : vector<16xf32>
          %parallel_loop3A_933 = arith.constant 2 : i32
          %parallel_loop3A_934 = arith.muli %parallel_loop3A_933, %parallel_loop3A_463 : i32
          %parallel_loop3A_935 = arith.constant 1 : i32
          %parallel_loop3A_936 = arith.addi %parallel_loop3A_934, %parallel_loop3A_935 : i32
          %parallel_loop3A_937 = arith.constant 3 : i32
          %parallel_loop3A_938 = arith.index_cast %rem3A_109 : i32 to index
          %parallel_loop3A_939 = arith.index_cast %parallel_loop3A_936 : i32 to index
          %parallel_loop3A_940 = arith.index_cast %parallel_loop3A_937 : i32 to index
          %parallel_loop3A_941 = arith.constant 32 : index
          %parallel_loop3A_942 = tpu.vector_load %arg9[%parallel_loop3A_938, %parallel_loop3A_939, %parallel_loop3A_940, %parallel_loop3A_941] {strides = array<i32>} : memref<2x16x8x128xf32, #tpu.memory_space<vmem>>, vector<16xf32>,
          tpu.vector_store %arg9[%parallel_loop3A_938, %parallel_loop3A_939, %parallel_loop3A_940, %parallel_loop3A_941], %parallel_loop3A_932 {strides = array<i32>} : memref<2x16x8x128xf32, #tpu.memory_space<vmem>>, vector<16xf32>,
          %parallel_loop3A_943 = arith.addi %get3A_255, %parallel_loop3A_469 : vector<16xi32>
          %parallel_loop3A_944 = tpu.vector_load_idx %arg6[%parallel_loop3A_943] : memref<32768xf32, #tpu.memory_space<vmem>>[vector<16xi32>], vector<16xf32>,
          %parallel_loop3A_945 = vector.bitcast %parallel_loop3A_944 : vector<16xf32> to vector<32xbf16>
          %parallel_loop3A_946 = tpu.unpack_subelements %parallel_loop3A_945, 0 {pack_format = #tpu.pack_format<interleaved>} : vector<32xbf16> -> vector<16xf32>
          %parallel_loop3A_947 = tpu.unpack_subelements %parallel_loop3A_945, 1 {pack_format = #tpu.pack_format<interleaved>} : vector<32xbf16> -> vector<16xf32>
          %parallel_loop3A_948 = arith.constant 2 : i32
          %parallel_loop3A_949 = arith.muli %parallel_loop3A_948, %parallel_loop3A_463 : i32
          %parallel_loop3A_950 = arith.constant 3 : i32
          %parallel_loop3A_951 = arith.index_cast %rem3A_76 : i32 to index
          %parallel_loop3A_952 = arith.index_cast %parallel_loop3A_949 : i32 to index
          %parallel_loop3A_953 = arith.index_cast %parallel_loop3A_950 : i32 to index
          %parallel_loop3A_954 = arith.constant 48 : index
          %parallel_loop3A_955 = tpu.vector_load %arg8[%parallel_loop3A_951, %parallel_loop3A_952, %parallel_loop3A_953, %parallel_loop3A_954] {strides = array<i32>} : memref<2x16x8x128xf32, #tpu.memory_space<vmem>>, vector<16xf32>,
          %parallel_loop3A_956 = arith.mulf %parallel_loop3A_946, %parallel_loop3A_955 : vector<16xf32>
          %parallel_loop3A_957 = arith.constant 2 : i32
          %parallel_loop3A_958 = arith.muli %parallel_loop3A_957, %parallel_loop3A_463 : i32
          %parallel_loop3A_959 = arith.constant 3 : i32
          %parallel_loop3A_960 = arith.index_cast %rem3A_109 : i32 to index
          %parallel_loop3A_961 = arith.index_cast %parallel_loop3A_958 : i32 to index
          %parallel_loop3A_962 = arith.index_cast %parallel_loop3A_959 : i32 to index
          %parallel_loop3A_963 = arith.constant 48 : index
          %parallel_loop3A_964 = tpu.vector_load %arg9[%parallel_loop3A_960, %parallel_loop3A_961, %parallel_loop3A_962, %parallel_loop3A_963] {strides = array<i32>} : memref<2x16x8x128xf32, #tpu.memory_space<vmem>>, vector<16xf32>,
          tpu.vector_store %arg9[%parallel_loop3A_960, %parallel_loop3A_961, %parallel_loop3A_962, %parallel_loop3A_963], %parallel_loop3A_956 {strides = array<i32>} : memref<2x16x8x128xf32, #tpu.memory_space<vmem>>, vector<16xf32>,
          %parallel_loop3A_965 = arith.constant 2 : i32
          %parallel_loop3A_966 = arith.muli %parallel_loop3A_965, %parallel_loop3A_463 : i32
          %parallel_loop3A_967 = arith.constant 1 : i32
          %parallel_loop3A_968 = arith.addi %parallel_loop3A_966, %parallel_loop3A_967 : i32
          %parallel_loop3A_969 = arith.constant 3 : i32
          %parallel_loop3A_970 = arith.index_cast %rem3A_76 : i32 to index
          %parallel_loop3A_971 = arith.index_cast %parallel_loop3A_968 : i32 to index
          %parallel_loop3A_972 = arith.index_cast %parallel_loop3A_969 : i32 to index
          %parallel_loop3A_973 = arith.constant 48 : index
          %parallel_loop3A_974 = tpu.vector_load %arg8[%parallel_loop3A_970, %parallel_loop3A_971, %parallel_loop3A_972, %parallel_loop3A_973] {strides = array<i32>} : memref<2x16x8x128xf32, #tpu.memory_space<vmem>>, vector<16xf32>,
          %parallel_loop3A_975 = arith.mulf %parallel_loop3A_947, %parallel_loop3A_974 : vector<16xf32>
          %parallel_loop3A_976 = arith.constant 2 : i32
          %parallel_loop3A_977 = arith.muli %parallel_loop3A_976, %parallel_loop3A_463 : i32
          %parallel_loop3A_978 = arith.constant 1 : i32
          %parallel_loop3A_979 = arith.addi %parallel_loop3A_977, %parallel_loop3A_978 : i32
          %parallel_loop3A_980 = arith.constant 3 : i32
          %parallel_loop3A_981 = arith.index_cast %rem3A_109 : i32 to index
          %parallel_loop3A_982 = arith.index_cast %parallel_loop3A_979 : i32 to index
          %parallel_loop3A_983 = arith.index_cast %parallel_loop3A_980 : i32 to index
          %parallel_loop3A_984 = arith.constant 48 : index
          %parallel_loop3A_985 = tpu.vector_load %arg9[%parallel_loop3A_981, %parallel_loop3A_982, %parallel_loop3A_983, %parallel_loop3A_984] {strides = array<i32>} : memref<2x16x8x128xf32, #tpu.memory_space<vmem>>, vector<16xf32>,
          tpu.vector_store %arg9[%parallel_loop3A_981, %parallel_loop3A_982, %parallel_loop3A_983, %parallel_loop3A_984], %parallel_loop3A_975 {strides = array<i32>} : memref<2x16x8x128xf32, #tpu.memory_space<vmem>>, vector<16xf32>,
          %parallel_loop3A_986 = arith.addi %get3A_260, %parallel_loop3A_469 : vector<16xi32>
          %parallel_loop3A_987 = tpu.vector_load_idx %arg6[%parallel_loop3A_986] : memref<32768xf32, #tpu.memory_space<vmem>>[vector<16xi32>], vector<16xf32>,
          %parallel_loop3A_988 = vector.bitcast %parallel_loop3A_987 : vector<16xf32> to vector<32xbf16>
          %parallel_loop3A_989 = tpu.unpack_subelements %parallel_loop3A_988, 0 {pack_format = #tpu.pack_format<interleaved>} : vector<32xbf16> -> vector<16xf32>
          %parallel_loop3A_990 = tpu.unpack_subelements %parallel_loop3A_988, 1 {pack_format = #tpu.pack_format<interleaved>} : vector<32xbf16> -> vector<16xf32>
          %parallel_loop3A_991 = arith.constant 2 : i32
          %parallel_loop3A_992 = arith.muli %parallel_loop3A_991, %parallel_loop3A_463 : i32
          %parallel_loop3A_993 = arith.constant 3 : i32
          %parallel_loop3A_994 = arith.index_cast %rem3A_76 : i32 to index
          %parallel_loop3A_995 = arith.index_cast %parallel_loop3A_992 : i32 to index
          %parallel_loop3A_996 = arith.index_cast %parallel_loop3A_993 : i32 to index
          %parallel_loop3A_997 = arith.constant 64 : index
          %parallel_loop3A_998 = tpu.vector_load %arg8[%parallel_loop3A_994, %parallel_loop3A_995, %parallel_loop3A_996, %parallel_loop3A_997] {strides = array<i32>} : memref<2x16x8x128xf32, #tpu.memory_space<vmem>>, vector<16xf32>,
          %parallel_loop3A_999 = arith.mulf %parallel_loop3A_989, %parallel_loop3A_998 : vector<16xf32>
          %parallel_loop3A_1000 = arith.constant 2 : i32
          %parallel_loop3A_1001 = arith.muli %parallel_loop3A_1000, %parallel_loop3A_463 : i32
          %parallel_loop3A_1002 = arith.constant 3 : i32
          %parallel_loop3A_1003 = arith.index_cast %rem3A_109 : i32 to index
          %parallel_loop3A_1004 = arith.index_cast %parallel_loop3A_1001 : i32 to index
          %parallel_loop3A_1005 = arith.index_cast %parallel_loop3A_1002 : i32 to index
          %parallel_loop3A_1006 = arith.constant 64 : index
          %parallel_loop3A_1007 = tpu.vector_load %arg9[%parallel_loop3A_1003, %parallel_loop3A_1004, %parallel_loop3A_1005, %parallel_loop3A_1006] {strides = array<i32>} : memref<2x16x8x128xf32, #tpu.memory_space<vmem>>, vector<16xf32>,
          tpu.vector_store %arg9[%parallel_loop3A_1003, %parallel_loop3A_1004, %parallel_loop3A_1005, %parallel_loop3A_1006], %parallel_loop3A_999 {strides = array<i32>} : memref<2x16x8x128xf32, #tpu.memory_space<vmem>>, vector<16xf32>,
          %parallel_loop3A_1008 = arith.constant 2 : i32
          %parallel_loop3A_1009 = arith.muli %parallel_loop3A_1008, %parallel_loop3A_463 : i32
          %parallel_loop3A_1010 = arith.constant 1 : i32
          %parallel_loop3A_1011 = arith.addi %parallel_loop3A_1009, %parallel_loop3A_1010 : i32
          %parallel_loop3A_1012 = arith.constant 3 : i32
          %parallel_loop3A_1013 = arith.index_cast %rem3A_76 : i32 to index
          %parallel_loop3A_1014 = arith.index_cast %parallel_loop3A_1011 : i32 to index
          %parallel_loop3A_1015 = arith.index_cast %parallel_loop3A_1012 : i32 to index
          %parallel_loop3A_1016 = arith.constant 64 : index
          %parallel_loop3A_1017 = tpu.vector_load %arg8[%parallel_loop3A_1013, %parallel_loop3A_1014, %parallel_loop3A_1015, %parallel_loop3A_1016] {strides = array<i32>} : memref<2x16x8x128xf32, #tpu.memory_space<vmem>>, vector<16xf32>,
          %parallel_loop3A_1018 = arith.mulf %parallel_loop3A_990, %parallel_loop3A_1017 : vector<16xf32>
          %parallel_loop3A_1019 = arith.constant 2 : i32
          %parallel_loop3A_1020 = arith.muli %parallel_loop3A_1019, %parallel_loop3A_463 : i32
          %parallel_loop3A_1021 = arith.constant 1 : i32
          %parallel_loop3A_1022 = arith.addi %parallel_loop3A_1020, %parallel_loop3A_1021 : i32
          %parallel_loop3A_1023 = arith.constant 3 : i32
          %parallel_loop3A_1024 = arith.index_cast %rem3A_109 : i32 to index
          %parallel_loop3A_1025 = arith.index_cast %parallel_loop3A_1022 : i32 to index
          %parallel_loop3A_1026 = arith.index_cast %parallel_loop3A_1023 : i32 to index
          %parallel_loop3A_1027 = arith.constant 64 : index
          %parallel_loop3A_1028 = tpu.vector_load %arg9[%parallel_loop3A_1024, %parallel_loop3A_1025, %parallel_loop3A_1026, %parallel_loop3A_1027] {strides = array<i32>} : memref<2x16x8x128xf32, #tpu.memory_space<vmem>>, vector<16xf32>,
          tpu.vector_store %arg9[%parallel_loop3A_1024, %parallel_loop3A_1025, %parallel_loop3A_1026, %parallel_loop3A_1027], %parallel_loop3A_1018 {strides = array<i32>} : memref<2x16x8x128xf32, #tpu.memory_space<vmem>>, vector<16xf32>,
          %parallel_loop3A_1029 = arith.addi %get3A_265, %parallel_loop3A_469 : vector<16xi32>
          %parallel_loop3A_1030 = tpu.vector_load_idx %arg6[%parallel_loop3A_1029] : memref<32768xf32, #tpu.memory_space<vmem>>[vector<16xi32>], vector<16xf32>,
          %parallel_loop3A_1031 = vector.bitcast %parallel_loop3A_1030 : vector<16xf32> to vector<32xbf16>
          %parallel_loop3A_1032 = tpu.unpack_subelements %parallel_loop3A_1031, 0 {pack_format = #tpu.pack_format<interleaved>} : vector<32xbf16> -> vector<16xf32>
          %parallel_loop3A_1033 = tpu.unpack_subelements %parallel_loop3A_1031, 1 {pack_format = #tpu.pack_format<interleaved>} : vector<32xbf16> -> vector<16xf32>
          %parallel_loop3A_1034 = arith.constant 2 : i32
          %parallel_loop3A_1035 = arith.muli %parallel_loop3A_1034, %parallel_loop3A_463 : i32
          %parallel_loop3A_1036 = arith.constant 3 : i32
          %parallel_loop3A_1037 = arith.index_cast %rem3A_76 : i32 to index
          %parallel_loop3A_1038 = arith.index_cast %parallel_loop3A_1035 : i32 to index
          %parallel_loop3A_1039 = arith.index_cast %parallel_loop3A_1036 : i32 to index
          %parallel_loop3A_1040 = arith.constant 80 : index
          %parallel_loop3A_1041 = tpu.vector_load %arg8[%parallel_loop3A_1037, %parallel_loop3A_1038, %parallel_loop3A_1039, %parallel_loop3A_1040] {strides = array<i32>} : memref<2x16x8x128xf32, #tpu.memory_space<vmem>>, vector<16xf32>,
          %parallel_loop3A_1042 = arith.mulf %parallel_loop3A_1032, %parallel_loop3A_1041 : vector<16xf32>
          %parallel_loop3A_1043 = arith.constant 2 : i32
          %parallel_loop3A_1044 = arith.muli %parallel_loop3A_1043, %parallel_loop3A_463 : i32
          %parallel_loop3A_1045 = arith.constant 3 : i32
          %parallel_loop3A_1046 = arith.index_cast %rem3A_109 : i32 to index
          %parallel_loop3A_1047 = arith.index_cast %parallel_loop3A_1044 : i32 to index
          %parallel_loop3A_1048 = arith.index_cast %parallel_loop3A_1045 : i32 to index
          %parallel_loop3A_1049 = arith.constant 80 : index
          %parallel_loop3A_1050 = tpu.vector_load %arg9[%parallel_loop3A_1046, %parallel_loop3A_1047, %parallel_loop3A_1048, %parallel_loop3A_1049] {strides = array<i32>} : memref<2x16x8x128xf32, #tpu.memory_space<vmem>>, vector<16xf32>,
          tpu.vector_store %arg9[%parallel_loop3A_1046, %parallel_loop3A_1047, %parallel_loop3A_1048, %parallel_loop3A_1049], %parallel_loop3A_1042 {strides = array<i32>} : memref<2x16x8x128xf32, #tpu.memory_space<vmem>>, vector<16xf32>,
          %parallel_loop3A_1051 = arith.constant 2 : i32
          %parallel_loop3A_1052 = arith.muli %parallel_loop3A_1051, %parallel_loop3A_463 : i32
          %parallel_loop3A_1053 = arith.constant 1 : i32
          %parallel_loop3A_1054 = arith.addi %parallel_loop3A_1052, %parallel_loop3A_1053 : i32
          %parallel_loop3A_1055 = arith.constant 3 : i32
          %parallel_loop3A_1056 = arith.index_cast %rem3A_76 : i32 to index
          %parallel_loop3A_1057 = arith.index_cast %parallel_loop3A_1054 : i32 to index
          %parallel_loop3A_1058 = arith.index_cast %parallel_loop3A_1055 : i32 to index
          %parallel_loop3A_1059 = arith.constant 80 : index
          %parallel_loop3A_1060 = tpu.vector_load %arg8[%parallel_loop3A_1056, %parallel_loop3A_1057, %parallel_loop3A_1058, %parallel_loop3A_1059] {strides = array<i32>} : memref<2x16x8x128xf32, #tpu.memory_space<vmem>>, vector<16xf32>,
          %parallel_loop3A_1061 = arith.mulf %parallel_loop3A_1033, %parallel_loop3A_1060 : vector<16xf32>
          %parallel_loop3A_1062 = arith.constant 2 : i32
          %parallel_loop3A_1063 = arith.muli %parallel_loop3A_1062, %parallel_loop3A_463 : i32
          %parallel_loop3A_1064 = arith.constant 1 : i32
          %parallel_loop3A_1065 = arith.addi %parallel_loop3A_1063, %parallel_loop3A_1064 : i32
          %parallel_loop3A_1066 = arith.constant 3 : i32
          %parallel_loop3A_1067 = arith.index_cast %rem3A_109 : i32 to index
          %parallel_loop3A_1068 = arith.index_cast %parallel_loop3A_1065 : i32 to index
          %parallel_loop3A_1069 = arith.index_cast %parallel_loop3A_1066 : i32 to index
          %parallel_loop3A_1070 = arith.constant 80 : index
          %parallel_loop3A_1071 = tpu.vector_load %arg9[%parallel_loop3A_1067, %parallel_loop3A_1068, %parallel_loop3A_1069, %parallel_loop3A_1070] {strides = array<i32>} : memref<2x16x8x128xf32, #tpu.memory_space<vmem>>, vector<16xf32>,
          tpu.vector_store %arg9[%parallel_loop3A_1067, %parallel_loop3A_1068, %parallel_loop3A_1069, %parallel_loop3A_1070], %parallel_loop3A_1061 {strides = array<i32>} : memref<2x16x8x128xf32, #tpu.memory_space<vmem>>, vector<16xf32>,
          %parallel_loop3A_1072 = arith.addi %get3A_270, %parallel_loop3A_469 : vector<16xi32>
          %parallel_loop3A_1073 = tpu.vector_load_idx %arg6[%parallel_loop3A_1072] : memref<32768xf32, #tpu.memory_space<vmem>>[vector<16xi32>], vector<16xf32>,
          %parallel_loop3A_1074 = vector.bitcast %parallel_loop3A_1073 : vector<16xf32> to vector<32xbf16>
          %parallel_loop3A_1075 = tpu.unpack_subelements %parallel_loop3A_1074, 0 {pack_format = #tpu.pack_format<interleaved>} : vector<32xbf16> -> vector<16xf32>
          %parallel_loop3A_1076 = tpu.unpack_subelements %parallel_loop3A_1074, 1 {pack_format = #tpu.pack_format<interleaved>} : vector<32xbf16> -> vector<16xf32>
          %parallel_loop3A_1077 = arith.constant 2 : i32
          %parallel_loop3A_1078 = arith.muli %parallel_loop3A_1077, %parallel_loop3A_463 : i32
          %parallel_loop3A_1079 = arith.constant 3 : i32
          %parallel_loop3A_1080 = arith.index_cast %rem3A_76 : i32 to index
          %parallel_loop3A_1081 = arith.index_cast %parallel_loop3A_1078 : i32 to index
          %parallel_loop3A_1082 = arith.index_cast %parallel_loop3A_1079 : i32 to index
          %parallel_loop3A_1083 = arith.constant 96 : index
          %parallel_loop3A_1084 = tpu.vector_load %arg8[%parallel_loop3A_1080, %parallel_loop3A_1081, %parallel_loop3A_1082, %parallel_loop3A_1083] {strides = array<i32>} : memref<2x16x8x128xf32, #tpu.memory_space<vmem>>, vector<16xf32>,
          %parallel_loop3A_1085 = arith.mulf %parallel_loop3A_1075, %parallel_loop3A_1084 : vector<16xf32>
          %parallel_loop3A_1086 = arith.constant 2 : i32
          %parallel_loop3A_1087 = arith.muli %parallel_loop3A_1086, %parallel_loop3A_463 : i32
          %parallel_loop3A_1088 = arith.constant 3 : i32
          %parallel_loop3A_1089 = arith.index_cast %rem3A_109 : i32 to index
          %parallel_loop3A_1090 = arith.index_cast %parallel_loop3A_1087 : i32 to index
          %parallel_loop3A_1091 = arith.index_cast %parallel_loop3A_1088 : i32 to index
          %parallel_loop3A_1092 = arith.constant 96 : index
          %parallel_loop3A_1093 = tpu.vector_load %arg9[%parallel_loop3A_1089, %parallel_loop3A_1090, %parallel_loop3A_1091, %parallel_loop3A_1092] {strides = array<i32>} : memref<2x16x8x128xf32, #tpu.memory_space<vmem>>, vector<16xf32>,
          tpu.vector_store %arg9[%parallel_loop3A_1089, %parallel_loop3A_1090, %parallel_loop3A_1091, %parallel_loop3A_1092], %parallel_loop3A_1085 {strides = array<i32>} : memref<2x16x8x128xf32, #tpu.memory_space<vmem>>, vector<16xf32>,
          %parallel_loop3A_1094 = arith.constant 2 : i32
          %parallel_loop3A_1095 = arith.muli %parallel_loop3A_1094, %parallel_loop3A_463 : i32
          %parallel_loop3A_1096 = arith.constant 1 : i32
          %parallel_loop3A_1097 = arith.addi %parallel_loop3A_1095, %parallel_loop3A_1096 : i32
          %parallel_loop3A_1098 = arith.constant 3 : i32
          %parallel_loop3A_1099 = arith.index_cast %rem3A_76 : i32 to index
          %parallel_loop3A_1100 = arith.index_cast %parallel_loop3A_1097 : i32 to index
          %parallel_loop3A_1101 = arith.index_cast %parallel_loop3A_1098 : i32 to index
          %parallel_loop3A_1102 = arith.constant 96 : index
          %parallel_loop3A_1103 = tpu.vector_load %arg8[%parallel_loop3A_1099, %parallel_loop3A_1100, %parallel_loop3A_1101, %parallel_loop3A_1102] {strides = array<i32>} : memref<2x16x8x128xf32, #tpu.memory_space<vmem>>, vector<16xf32>,
          %parallel_loop3A_1104 = arith.mulf %parallel_loop3A_1076, %parallel_loop3A_1103 : vector<16xf32>
          %parallel_loop3A_1105 = arith.constant 2 : i32
          %parallel_loop3A_1106 = arith.muli %parallel_loop3A_1105, %parallel_loop3A_463 : i32
          %parallel_loop3A_1107 = arith.constant 1 : i32
          %parallel_loop3A_1108 = arith.addi %parallel_loop3A_1106, %parallel_loop3A_1107 : i32
          %parallel_loop3A_1109 = arith.constant 3 : i32
          %parallel_loop3A_1110 = arith.index_cast %rem3A_109 : i32 to index
          %parallel_loop3A_1111 = arith.index_cast %parallel_loop3A_1108 : i32 to index
          %parallel_loop3A_1112 = arith.index_cast %parallel_loop3A_1109 : i32 to index
          %parallel_loop3A_1113 = arith.constant 96 : index
          %parallel_loop3A_1114 = tpu.vector_load %arg9[%parallel_loop3A_1110, %parallel_loop3A_1111, %parallel_loop3A_1112, %parallel_loop3A_1113] {strides = array<i32>} : memref<2x16x8x128xf32, #tpu.memory_space<vmem>>, vector<16xf32>,
          tpu.vector_store %arg9[%parallel_loop3A_1110, %parallel_loop3A_1111, %parallel_loop3A_1112, %parallel_loop3A_1113], %parallel_loop3A_1104 {strides = array<i32>} : memref<2x16x8x128xf32, #tpu.memory_space<vmem>>, vector<16xf32>,
          %parallel_loop3A_1115 = arith.addi %get3A_275, %parallel_loop3A_469 : vector<16xi32>
          %parallel_loop3A_1116 = tpu.vector_load_idx %arg6[%parallel_loop3A_1115] : memref<32768xf32, #tpu.memory_space<vmem>>[vector<16xi32>], vector<16xf32>,
          %parallel_loop3A_1117 = vector.bitcast %parallel_loop3A_1116 : vector<16xf32> to vector<32xbf16>
          %parallel_loop3A_1118 = tpu.unpack_subelements %parallel_loop3A_1117, 0 {pack_format = #tpu.pack_format<interleaved>} : vector<32xbf16> -> vector<16xf32>
          %parallel_loop3A_1119 = tpu.unpack_subelements %parallel_loop3A_1117, 1 {pack_format = #tpu.pack_format<interleaved>} : vector<32xbf16> -> vector<16xf32>
          %parallel_loop3A_1120 = arith.constant 2 : i32
          %parallel_loop3A_1121 = arith.muli %parallel_loop3A_1120, %parallel_loop3A_463 : i32
          %parallel_loop3A_1122 = arith.constant 3 : i32
          %parallel_loop3A_1123 = arith.index_cast %rem3A_76 : i32 to index
          %parallel_loop3A_1124 = arith.index_cast %parallel_loop3A_1121 : i32 to index
          %parallel_loop3A_1125 = arith.index_cast %parallel_loop3A_1122 : i32 to index
          %parallel_loop3A_1126 = arith.constant 112 : index
          %parallel_loop3A_1127 = tpu.vector_load %arg8[%parallel_loop3A_1123, %parallel_loop3A_1124, %parallel_loop3A_1125, %parallel_loop3A_1126] {strides = array<i32>} : memref<2x16x8x128xf32, #tpu.memory_space<vmem>>, vector<16xf32>,
          %parallel_loop3A_1128 = arith.mulf %parallel_loop3A_1118, %parallel_loop3A_1127 : vector<16xf32>
          %parallel_loop3A_1129 = arith.constant 2 : i32
          %parallel_loop3A_1130 = arith.muli %parallel_loop3A_1129, %parallel_loop3A_463 : i32
          %parallel_loop3A_1131 = arith.constant 3 : i32
          %parallel_loop3A_1132 = arith.index_cast %rem3A_109 : i32 to index
          %parallel_loop3A_1133 = arith.index_cast %parallel_loop3A_1130 : i32 to index
          %parallel_loop3A_1134 = arith.index_cast %parallel_loop3A_1131 : i32 to index
          %parallel_loop3A_1135 = arith.constant 112 : index
          %parallel_loop3A_1136 = tpu.vector_load %arg9[%parallel_loop3A_1132, %parallel_loop3A_1133, %parallel_loop3A_1134, %parallel_loop3A_1135] {strides = array<i32>} : memref<2x16x8x128xf32, #tpu.memory_space<vmem>>, vector<16xf32>,
          tpu.vector_store %arg9[%parallel_loop3A_1132, %parallel_loop3A_1133, %parallel_loop3A_1134, %parallel_loop3A_1135], %parallel_loop3A_1128 {strides = array<i32>} : memref<2x16x8x128xf32, #tpu.memory_space<vmem>>, vector<16xf32>,
          %parallel_loop3A_1137 = arith.constant 2 : i32
          %parallel_loop3A_1138 = arith.muli %parallel_loop3A_1137, %parallel_loop3A_463 : i32
          %parallel_loop3A_1139 = arith.constant 1 : i32
          %parallel_loop3A_1140 = arith.addi %parallel_loop3A_1138, %parallel_loop3A_1139 : i32
          %parallel_loop3A_1141 = arith.constant 3 : i32
          %parallel_loop3A_1142 = arith.index_cast %rem3A_76 : i32 to index
          %parallel_loop3A_1143 = arith.index_cast %parallel_loop3A_1140 : i32 to index
          %parallel_loop3A_1144 = arith.index_cast %parallel_loop3A_1141 : i32 to index
          %parallel_loop3A_1145 = arith.constant 112 : index
          %parallel_loop3A_1146 = tpu.vector_load %arg8[%parallel_loop3A_1142, %parallel_loop3A_1143, %parallel_loop3A_1144, %parallel_loop3A_1145] {strides = array<i32>} : memref<2x16x8x128xf32, #tpu.memory_space<vmem>>, vector<16xf32>,
          %parallel_loop3A_1147 = arith.mulf %parallel_loop3A_1119, %parallel_loop3A_1146 : vector<16xf32>
          %parallel_loop3A_1148 = arith.constant 2 : i32
          %parallel_loop3A_1149 = arith.muli %parallel_loop3A_1148, %parallel_loop3A_463 : i32
          %parallel_loop3A_1150 = arith.constant 1 : i32
          %parallel_loop3A_1151 = arith.addi %parallel_loop3A_1149, %parallel_loop3A_1150 : i32
          %parallel_loop3A_1152 = arith.constant 3 : i32
          %parallel_loop3A_1153 = arith.index_cast %rem3A_109 : i32 to index
          %parallel_loop3A_1154 = arith.index_cast %parallel_loop3A_1151 : i32 to index
          %parallel_loop3A_1155 = arith.index_cast %parallel_loop3A_1152 : i32 to index
          %parallel_loop3A_1156 = arith.constant 112 : index
          %parallel_loop3A_1157 = tpu.vector_load %arg9[%parallel_loop3A_1153, %parallel_loop3A_1154, %parallel_loop3A_1155, %parallel_loop3A_1156] {strides = array<i32>} : memref<2x16x8x128xf32, #tpu.memory_space<vmem>>, vector<16xf32>,
          tpu.vector_store %arg9[%parallel_loop3A_1153, %parallel_loop3A_1154, %parallel_loop3A_1155, %parallel_loop3A_1156], %parallel_loop3A_1147 {strides = array<i32>} : memref<2x16x8x128xf32, #tpu.memory_space<vmem>>, vector<16xf32>,
        } {sc.loop_unroll_factor = 4 : i64, sc.parallel_access}
        %get3A_279 = arith.constant 4 : i32
        %get3A_280 = arith.index_cast %scan3A_106 : i32 to index
        %get3A_281 = arith.index_cast %get3A_279 : i32 to index
        %get3A_282 = arith.constant 0 : index
        %get3A_283 = tpu.vector_load %arg7[%get3A_280, %get3A_281, %get3A_282] {strides = array<i32>} : memref<8x8x128xi32, #tpu.memory_space<vmem>>, vector<16xi32>,
        %get3A_284 = arith.constant 4 : i32
        %get3A_285 = arith.index_cast %scan3A_106 : i32 to index
        %get3A_286 = arith.index_cast %get3A_284 : i32 to index
        %get3A_287 = arith.constant 16 : index
        %get3A_288 = tpu.vector_load %arg7[%get3A_285, %get3A_286, %get3A_287] {strides = array<i32>} : memref<8x8x128xi32, #tpu.memory_space<vmem>>, vector<16xi32>,
        %get3A_289 = arith.constant 4 : i32
        %get3A_290 = arith.index_cast %scan3A_106 : i32 to index
        %get3A_291 = arith.index_cast %get3A_289 : i32 to index
        %get3A_292 = arith.constant 32 : index
        %get3A_293 = tpu.vector_load %arg7[%get3A_290, %get3A_291, %get3A_292] {strides = array<i32>} : memref<8x8x128xi32, #tpu.memory_space<vmem>>, vector<16xi32>,
        %get3A_294 = arith.constant 4 : i32
        %get3A_295 = arith.index_cast %scan3A_106 : i32 to index
        %get3A_296 = arith.index_cast %get3A_294 : i32 to index
        %get3A_297 = arith.constant 48 : index
        %get3A_298 = tpu.vector_load %arg7[%get3A_295, %get3A_296, %get3A_297] {strides = array<i32>} : memref<8x8x128xi32, #tpu.memory_space<vmem>>, vector<16xi32>,
        %get3A_299 = arith.constant 4 : i32
        %get3A_300 = arith.index_cast %scan3A_106 : i32 to index
        %get3A_301 = arith.index_cast %get3A_299 : i32 to index
        %get3A_302 = arith.constant 64 : index
        %get3A_303 = tpu.vector_load %arg7[%get3A_300, %get3A_301, %get3A_302] {strides = array<i32>} : memref<8x8x128xi32, #tpu.memory_space<vmem>>, vector<16xi32>,
        %get3A_304 = arith.constant 4 : i32
        %get3A_305 = arith.index_cast %scan3A_106 : i32 to index
        %get3A_306 = arith.index_cast %get3A_304 : i32 to index
        %get3A_307 = arith.constant 80 : index
        %get3A_308 = tpu.vector_load %arg7[%get3A_305, %get3A_306, %get3A_307] {strides = array<i32>} : memref<8x8x128xi32, #tpu.memory_space<vmem>>, vector<16xi32>,
        %get3A_309 = arith.constant 4 : i32
        %get3A_310 = arith.index_cast %scan3A_106 : i32 to index
        %get3A_311 = arith.index_cast %get3A_309 : i32 to index
        %get3A_312 = arith.constant 96 : index
        %get3A_313 = tpu.vector_load %arg7[%get3A_310, %get3A_311, %get3A_312] {strides = array<i32>} : memref<8x8x128xi32, #tpu.memory_space<vmem>>, vector<16xi32>,
        %get3A_314 = arith.constant 4 : i32
        %get3A_315 = arith.index_cast %scan3A_106 : i32 to index
        %get3A_316 = arith.index_cast %get3A_314 : i32 to index
        %get3A_317 = arith.constant 112 : index
        %get3A_318 = tpu.vector_load %arg7[%get3A_315, %get3A_316, %get3A_317] {strides = array<i32>} : memref<8x8x128xi32, #tpu.memory_space<vmem>>, vector<16xi32>,
        %get3A_319 = arith.constant 5 : i32
        %get3A_320 = arith.index_cast %scan3A_106 : i32 to index
        %get3A_321 = arith.index_cast %get3A_319 : i32 to index
        %get3A_322 = arith.constant 0 : index
        %get3A_323 = tpu.vector_load %arg7[%get3A_320, %get3A_321, %get3A_322] {strides = array<i32>} : memref<8x8x128xi32, #tpu.memory_space<vmem>>, vector<16xi32>,
        %get3A_324 = arith.constant 5 : i32
        %get3A_325 = arith.index_cast %scan3A_106 : i32 to index
        %get3A_326 = arith.index_cast %get3A_324 : i32 to index
        %get3A_327 = arith.constant 16 : index
        %get3A_328 = tpu.vector_load %arg7[%get3A_325, %get3A_326, %get3A_327] {strides = array<i32>} : memref<8x8x128xi32, #tpu.memory_space<vmem>>, vector<16xi32>,
        %get3A_329 = arith.constant 5 : i32
        %get3A_330 = arith.index_cast %scan3A_106 : i32 to index
        %get3A_331 = arith.index_cast %get3A_329 : i32 to index
        %get3A_332 = arith.constant 32 : index
        %get3A_333 = tpu.vector_load %arg7[%get3A_330, %get3A_331, %get3A_332] {strides = array<i32>} : memref<8x8x128xi32, #tpu.memory_space<vmem>>, vector<16xi32>,
        %get3A_334 = arith.constant 5 : i32
        %get3A_335 = arith.index_cast %scan3A_106 : i32 to index
        %get3A_336 = arith.index_cast %get3A_334 : i32 to index
        %get3A_337 = arith.constant 48 : index
        %get3A_338 = tpu.vector_load %arg7[%get3A_335, %get3A_336, %get3A_337] {strides = array<i32>} : memref<8x8x128xi32, #tpu.memory_space<vmem>>, vector<16xi32>,
        %get3A_339 = arith.constant 5 : i32
        %get3A_340 = arith.index_cast %scan3A_106 : i32 to index
        %get3A_341 = arith.index_cast %get3A_339 : i32 to index
        %get3A_342 = arith.constant 64 : index
        %get3A_343 = tpu.vector_load %arg7[%get3A_340, %get3A_341, %get3A_342] {strides = array<i32>} : memref<8x8x128xi32, #tpu.memory_space<vmem>>, vector<16xi32>,
        %get3A_344 = arith.constant 5 : i32
        %get3A_345 = arith.index_cast %scan3A_106 : i32 to index
        %get3A_346 = arith.index_cast %get3A_344 : i32 to index
        %get3A_347 = arith.constant 80 : index
        %get3A_348 = tpu.vector_load %arg7[%get3A_345, %get3A_346, %get3A_347] {strides = array<i32>} : memref<8x8x128xi32, #tpu.memory_space<vmem>>, vector<16xi32>,
        %get3A_349 = arith.constant 5 : i32
        %get3A_350 = arith.index_cast %scan3A_106 : i32 to index
        %get3A_351 = arith.index_cast %get3A_349 : i32 to index
        %get3A_352 = arith.constant 96 : index
        %get3A_353 = tpu.vector_load %arg7[%get3A_350, %get3A_351, %get3A_352] {strides = array<i32>} : memref<8x8x128xi32, #tpu.memory_space<vmem>>, vector<16xi32>,
        %get3A_354 = arith.constant 5 : i32
        %get3A_355 = arith.index_cast %scan3A_106 : i32 to index
        %get3A_356 = arith.index_cast %get3A_354 : i32 to index
        %get3A_357 = arith.constant 112 : index
        %get3A_358 = tpu.vector_load %arg7[%get3A_355, %get3A_356, %get3A_357] {strides = array<i32>} : memref<8x8x128xi32, #tpu.memory_space<vmem>>, vector<16xi32>,
        %parallel_loop3A_359 = arith.constant 0 : i32
        %parallel_loop3A_360 = arith.constant 8 : i32
        %parallel_loop3A_361 = arith.constant 1 : i32
        scf.for %parallel_loop3A_463 = %parallel_loop3A_359 to %parallel_loop3A_360 step %parallel_loop3A_361  : i32 {
          %parallel_loop3A_464 = arith.constant 8 : i32
          %parallel_loop3A_465 = arith.muli %scan3A_71, %parallel_loop3A_464 : i32
          %parallel_loop3A_466 = arith.addi %parallel_loop3A_465, %parallel_loop3A_463 : i32
          %parallel_loop3A_467 = arith.constant 1024 : i32
          %parallel_loop3A_468 = arith.muli %parallel_loop3A_466, %parallel_loop3A_467 : i32
          %parallel_loop3A_469 = vector.broadcast %parallel_loop3A_468 : i32 to vector<16xi32>
          %parallel_loop3A_470 = arith.addi %get3A_283, %parallel_loop3A_469 : vector<16xi32>
          %parallel_loop3A_471 = tpu.vector_load_idx %arg6[%parallel_loop3A_470] : memref<32768xf32, #tpu.memory_space<vmem>>[vector<16xi32>], vector<16xf32>,
          %parallel_loop3A_472 = vector.bitcast %parallel_loop3A_471 : vector<16xf32> to vector<32xbf16>
          %parallel_loop3A_473 = tpu.unpack_subelements %parallel_loop3A_472, 0 {pack_format = #tpu.pack_format<interleaved>} : vector<32xbf16> -> vector<16xf32>
          %parallel_loop3A_474 = tpu.unpack_subelements %parallel_loop3A_472, 1 {pack_format = #tpu.pack_format<interleaved>} : vector<32xbf16> -> vector<16xf32>
          %parallel_loop3A_475 = arith.constant 2 : i32
          %parallel_loop3A_476 = arith.muli %parallel_loop3A_475, %parallel_loop3A_463 : i32
          %parallel_loop3A_477 = arith.constant 4 : i32
          %parallel_loop3A_478 = arith.index_cast %rem3A_76 : i32 to index
          %parallel_loop3A_479 = arith.index_cast %parallel_loop3A_476 : i32 to index
          %parallel_loop3A_480 = arith.index_cast %parallel_loop3A_477 : i32 to index
          %parallel_loop3A_481 = arith.constant 0 : index
          %parallel_loop3A_482 = tpu.vector_load %arg8[%parallel_loop3A_478, %parallel_loop3A_479, %parallel_loop3A_480, %parallel_loop3A_481] {strides = array<i32>} : memref<2x16x8x128xf32, #tpu.memory_space<vmem>>, vector<16xf32>,
          %parallel_loop3A_483 = arith.mulf %parallel_loop3A_473, %parallel_loop3A_482 : vector<16xf32>
          %parallel_loop3A_484 = arith.constant 2 : i32
          %parallel_loop3A_485 = arith.muli %parallel_loop3A_484, %parallel_loop3A_463 : i32
          %parallel_loop3A_486 = arith.constant 4 : i32
          %parallel_loop3A_487 = arith.index_cast %rem3A_109 : i32 to index
          %parallel_loop3A_488 = arith.index_cast %parallel_loop3A_485 : i32 to index
          %parallel_loop3A_489 = arith.index_cast %parallel_loop3A_486 : i32 to index
          %parallel_loop3A_490 = arith.constant 0 : index
          %parallel_loop3A_491 = tpu.vector_load %arg9[%parallel_loop3A_487, %parallel_loop3A_488, %parallel_loop3A_489, %parallel_loop3A_490] {strides = array<i32>} : memref<2x16x8x128xf32, #tpu.memory_space<vmem>>, vector<16xf32>,
          tpu.vector_store %arg9[%parallel_loop3A_487, %parallel_loop3A_488, %parallel_loop3A_489, %parallel_loop3A_490], %parallel_loop3A_483 {strides = array<i32>} : memref<2x16x8x128xf32, #tpu.memory_space<vmem>>, vector<16xf32>,
          %parallel_loop3A_492 = arith.constant 2 : i32
          %parallel_loop3A_493 = arith.muli %parallel_loop3A_492, %parallel_loop3A_463 : i32
          %parallel_loop3A_494 = arith.constant 1 : i32
          %parallel_loop3A_495 = arith.addi %parallel_loop3A_493, %parallel_loop3A_494 : i32
          %parallel_loop3A_496 = arith.constant 4 : i32
          %parallel_loop3A_497 = arith.index_cast %rem3A_76 : i32 to index
          %parallel_loop3A_498 = arith.index_cast %parallel_loop3A_495 : i32 to index
          %parallel_loop3A_499 = arith.index_cast %parallel_loop3A_496 : i32 to index
          %parallel_loop3A_500 = arith.constant 0 : index
          %parallel_loop3A_501 = tpu.vector_load %arg8[%parallel_loop3A_497, %parallel_loop3A_498, %parallel_loop3A_499, %parallel_loop3A_500] {strides = array<i32>} : memref<2x16x8x128xf32, #tpu.memory_space<vmem>>, vector<16xf32>,
          %parallel_loop3A_502 = arith.mulf %parallel_loop3A_474, %parallel_loop3A_501 : vector<16xf32>
          %parallel_loop3A_503 = arith.constant 2 : i32
          %parallel_loop3A_504 = arith.muli %parallel_loop3A_503, %parallel_loop3A_463 : i32
          %parallel_loop3A_505 = arith.constant 1 : i32
          %parallel_loop3A_506 = arith.addi %parallel_loop3A_504, %parallel_loop3A_505 : i32
          %parallel_loop3A_507 = arith.constant 4 : i32
          %parallel_loop3A_508 = arith.index_cast %rem3A_109 : i32 to index
          %parallel_loop3A_509 = arith.index_cast %parallel_loop3A_506 : i32 to index
          %parallel_loop3A_510 = arith.index_cast %parallel_loop3A_507 : i32 to index
          %parallel_loop3A_511 = arith.constant 0 : index
          %parallel_loop3A_512 = tpu.vector_load %arg9[%parallel_loop3A_508, %parallel_loop3A_509, %parallel_loop3A_510, %parallel_loop3A_511] {strides = array<i32>} : memref<2x16x8x128xf32, #tpu.memory_space<vmem>>, vector<16xf32>,
          tpu.vector_store %arg9[%parallel_loop3A_508, %parallel_loop3A_509, %parallel_loop3A_510, %parallel_loop3A_511], %parallel_loop3A_502 {strides = array<i32>} : memref<2x16x8x128xf32, #tpu.memory_space<vmem>>, vector<16xf32>,
          %parallel_loop3A_513 = arith.addi %get3A_288, %parallel_loop3A_469 : vector<16xi32>
          %parallel_loop3A_514 = tpu.vector_load_idx %arg6[%parallel_loop3A_513] : memref<32768xf32, #tpu.memory_space<vmem>>[vector<16xi32>], vector<16xf32>,
          %parallel_loop3A_515 = vector.bitcast %parallel_loop3A_514 : vector<16xf32> to vector<32xbf16>
          %parallel_loop3A_516 = tpu.unpack_subelements %parallel_loop3A_515, 0 {pack_format = #tpu.pack_format<interleaved>} : vector<32xbf16> -> vector<16xf32>
          %parallel_loop3A_517 = tpu.unpack_subelements %parallel_loop3A_515, 1 {pack_format = #tpu.pack_format<interleaved>} : vector<32xbf16> -> vector<16xf32>
          %parallel_loop3A_518 = arith.constant 2 : i32
          %parallel_loop3A_519 = arith.muli %parallel_loop3A_518, %parallel_loop3A_463 : i32
          %parallel_loop3A_520 = arith.constant 4 : i32
          %parallel_loop3A_521 = arith.index_cast %rem3A_76 : i32 to index
          %parallel_loop3A_522 = arith.index_cast %parallel_loop3A_519 : i32 to index
          %parallel_loop3A_523 = arith.index_cast %parallel_loop3A_520 : i32 to index
          %parallel_loop3A_524 = arith.constant 16 : index
          %parallel_loop3A_525 = tpu.vector_load %arg8[%parallel_loop3A_521, %parallel_loop3A_522, %parallel_loop3A_523, %parallel_loop3A_524] {strides = array<i32>} : memref<2x16x8x128xf32, #tpu.memory_space<vmem>>, vector<16xf32>,
          %parallel_loop3A_526 = arith.mulf %parallel_loop3A_516, %parallel_loop3A_525 : vector<16xf32>
          %parallel_loop3A_527 = arith.constant 2 : i32
          %parallel_loop3A_528 = arith.muli %parallel_loop3A_527, %parallel_loop3A_463 : i32
          %parallel_loop3A_529 = arith.constant 4 : i32
          %parallel_loop3A_530 = arith.index_cast %rem3A_109 : i32 to index
          %parallel_loop3A_531 = arith.index_cast %parallel_loop3A_528 : i32 to index
          %parallel_loop3A_532 = arith.index_cast %parallel_loop3A_529 : i32 to index
          %parallel_loop3A_533 = arith.constant 16 : index
          %parallel_loop3A_534 = tpu.vector_load %arg9[%parallel_loop3A_530, %parallel_loop3A_531, %parallel_loop3A_532, %parallel_loop3A_533] {strides = array<i32>} : memref<2x16x8x128xf32, #tpu.memory_space<vmem>>, vector<16xf32>,
          tpu.vector_store %arg9[%parallel_loop3A_530, %parallel_loop3A_531, %parallel_loop3A_532, %parallel_loop3A_533], %parallel_loop3A_526 {strides = array<i32>} : memref<2x16x8x128xf32, #tpu.memory_space<vmem>>, vector<16xf32>,
          %parallel_loop3A_535 = arith.constant 2 : i32
          %parallel_loop3A_536 = arith.muli %parallel_loop3A_535, %parallel_loop3A_463 : i32
          %parallel_loop3A_537 = arith.constant 1 : i32
          %parallel_loop3A_538 = arith.addi %parallel_loop3A_536, %parallel_loop3A_537 : i32
          %parallel_loop3A_539 = arith.constant 4 : i32
          %parallel_loop3A_540 = arith.index_cast %rem3A_76 : i32 to index
          %parallel_loop3A_541 = arith.index_cast %parallel_loop3A_538 : i32 to index
          %parallel_loop3A_542 = arith.index_cast %parallel_loop3A_539 : i32 to index
          %parallel_loop3A_543 = arith.constant 16 : index
          %parallel_loop3A_544 = tpu.vector_load %arg8[%parallel_loop3A_540, %parallel_loop3A_541, %parallel_loop3A_542, %parallel_loop3A_543] {strides = array<i32>} : memref<2x16x8x128xf32, #tpu.memory_space<vmem>>, vector<16xf32>,
          %parallel_loop3A_545 = arith.mulf %parallel_loop3A_517, %parallel_loop3A_544 : vector<16xf32>
          %parallel_loop3A_546 = arith.constant 2 : i32
          %parallel_loop3A_547 = arith.muli %parallel_loop3A_546, %parallel_loop3A_463 : i32
          %parallel_loop3A_548 = arith.constant 1 : i32
          %parallel_loop3A_549 = arith.addi %parallel_loop3A_547, %parallel_loop3A_548 : i32
          %parallel_loop3A_550 = arith.constant 4 : i32
          %parallel_loop3A_551 = arith.index_cast %rem3A_109 : i32 to index
          %parallel_loop3A_552 = arith.index_cast %parallel_loop3A_549 : i32 to index
          %parallel_loop3A_553 = arith.index_cast %parallel_loop3A_550 : i32 to index
          %parallel_loop3A_554 = arith.constant 16 : index
          %parallel_loop3A_555 = tpu.vector_load %arg9[%parallel_loop3A_551, %parallel_loop3A_552, %parallel_loop3A_553, %parallel_loop3A_554] {strides = array<i32>} : memref<2x16x8x128xf32, #tpu.memory_space<vmem>>, vector<16xf32>,
          tpu.vector_store %arg9[%parallel_loop3A_551, %parallel_loop3A_552, %parallel_loop3A_553, %parallel_loop3A_554], %parallel_loop3A_545 {strides = array<i32>} : memref<2x16x8x128xf32, #tpu.memory_space<vmem>>, vector<16xf32>,
          %parallel_loop3A_556 = arith.addi %get3A_293, %parallel_loop3A_469 : vector<16xi32>
          %parallel_loop3A_557 = tpu.vector_load_idx %arg6[%parallel_loop3A_556] : memref<32768xf32, #tpu.memory_space<vmem>>[vector<16xi32>], vector<16xf32>,
          %parallel_loop3A_558 = vector.bitcast %parallel_loop3A_557 : vector<16xf32> to vector<32xbf16>
          %parallel_loop3A_559 = tpu.unpack_subelements %parallel_loop3A_558, 0 {pack_format = #tpu.pack_format<interleaved>} : vector<32xbf16> -> vector<16xf32>
          %parallel_loop3A_560 = tpu.unpack_subelements %parallel_loop3A_558, 1 {pack_format = #tpu.pack_format<interleaved>} : vector<32xbf16> -> vector<16xf32>
          %parallel_loop3A_561 = arith.constant 2 : i32
          %parallel_loop3A_562 = arith.muli %parallel_loop3A_561, %parallel_loop3A_463 : i32
          %parallel_loop3A_563 = arith.constant 4 : i32
          %parallel_loop3A_564 = arith.index_cast %rem3A_76 : i32 to index
          %parallel_loop3A_565 = arith.index_cast %parallel_loop3A_562 : i32 to index
          %parallel_loop3A_566 = arith.index_cast %parallel_loop3A_563 : i32 to index
          %parallel_loop3A_567 = arith.constant 32 : index
          %parallel_loop3A_568 = tpu.vector_load %arg8[%parallel_loop3A_564, %parallel_loop3A_565, %parallel_loop3A_566, %parallel_loop3A_567] {strides = array<i32>} : memref<2x16x8x128xf32, #tpu.memory_space<vmem>>, vector<16xf32>,
          %parallel_loop3A_569 = arith.mulf %parallel_loop3A_559, %parallel_loop3A_568 : vector<16xf32>
          %parallel_loop3A_570 = arith.constant 2 : i32
          %parallel_loop3A_571 = arith.muli %parallel_loop3A_570, %parallel_loop3A_463 : i32
          %parallel_loop3A_572 = arith.constant 4 : i32
          %parallel_loop3A_573 = arith.index_cast %rem3A_109 : i32 to index
          %parallel_loop3A_574 = arith.index_cast %parallel_loop3A_571 : i32 to index
          %parallel_loop3A_575 = arith.index_cast %parallel_loop3A_572 : i32 to index
          %parallel_loop3A_576 = arith.constant 32 : index
          %parallel_loop3A_577 = tpu.vector_load %arg9[%parallel_loop3A_573, %parallel_loop3A_574, %parallel_loop3A_575, %parallel_loop3A_576] {strides = array<i32>} : memref<2x16x8x128xf32, #tpu.memory_space<vmem>>, vector<16xf32>,
          tpu.vector_store %arg9[%parallel_loop3A_573, %parallel_loop3A_574, %parallel_loop3A_575, %parallel_loop3A_576], %parallel_loop3A_569 {strides = array<i32>} : memref<2x16x8x128xf32, #tpu.memory_space<vmem>>, vector<16xf32>,
          %parallel_loop3A_578 = arith.constant 2 : i32
          %parallel_loop3A_579 = arith.muli %parallel_loop3A_578, %parallel_loop3A_463 : i32
          %parallel_loop3A_580 = arith.constant 1 : i32
          %parallel_loop3A_581 = arith.addi %parallel_loop3A_579, %parallel_loop3A_580 : i32
          %parallel_loop3A_582 = arith.constant 4 : i32
          %parallel_loop3A_583 = arith.index_cast %rem3A_76 : i32 to index
          %parallel_loop3A_584 = arith.index_cast %parallel_loop3A_581 : i32 to index
          %parallel_loop3A_585 = arith.index_cast %parallel_loop3A_582 : i32 to index
          %parallel_loop3A_586 = arith.constant 32 : index
          %parallel_loop3A_587 = tpu.vector_load %arg8[%parallel_loop3A_583, %parallel_loop3A_584, %parallel_loop3A_585, %parallel_loop3A_586] {strides = array<i32>} : memref<2x16x8x128xf32, #tpu.memory_space<vmem>>, vector<16xf32>,
          %parallel_loop3A_588 = arith.mulf %parallel_loop3A_560, %parallel_loop3A_587 : vector<16xf32>
          %parallel_loop3A_589 = arith.constant 2 : i32
          %parallel_loop3A_590 = arith.muli %parallel_loop3A_589, %parallel_loop3A_463 : i32
          %parallel_loop3A_591 = arith.constant 1 : i32
          %parallel_loop3A_592 = arith.addi %parallel_loop3A_590, %parallel_loop3A_591 : i32
          %parallel_loop3A_593 = arith.constant 4 : i32
          %parallel_loop3A_594 = arith.index_cast %rem3A_109 : i32 to index
          %parallel_loop3A_595 = arith.index_cast %parallel_loop3A_592 : i32 to index
          %parallel_loop3A_596 = arith.index_cast %parallel_loop3A_593 : i32 to index
          %parallel_loop3A_597 = arith.constant 32 : index
          %parallel_loop3A_598 = tpu.vector_load %arg9[%parallel_loop3A_594, %parallel_loop3A_595, %parallel_loop3A_596, %parallel_loop3A_597] {strides = array<i32>} : memref<2x16x8x128xf32, #tpu.memory_space<vmem>>, vector<16xf32>,
          tpu.vector_store %arg9[%parallel_loop3A_594, %parallel_loop3A_595, %parallel_loop3A_596, %parallel_loop3A_597], %parallel_loop3A_588 {strides = array<i32>} : memref<2x16x8x128xf32, #tpu.memory_space<vmem>>, vector<16xf32>,
          %parallel_loop3A_599 = arith.addi %get3A_298, %parallel_loop3A_469 : vector<16xi32>
          %parallel_loop3A_600 = tpu.vector_load_idx %arg6[%parallel_loop3A_599] : memref<32768xf32, #tpu.memory_space<vmem>>[vector<16xi32>], vector<16xf32>,
          %parallel_loop3A_601 = vector.bitcast %parallel_loop3A_600 : vector<16xf32> to vector<32xbf16>
          %parallel_loop3A_602 = tpu.unpack_subelements %parallel_loop3A_601, 0 {pack_format = #tpu.pack_format<interleaved>} : vector<32xbf16> -> vector<16xf32>
          %parallel_loop3A_603 = tpu.unpack_subelements %parallel_loop3A_601, 1 {pack_format = #tpu.pack_format<interleaved>} : vector<32xbf16> -> vector<16xf32>
          %parallel_loop3A_604 = arith.constant 2 : i32
          %parallel_loop3A_605 = arith.muli %parallel_loop3A_604, %parallel_loop3A_463 : i32
          %parallel_loop3A_606 = arith.constant 4 : i32
          %parallel_loop3A_607 = arith.index_cast %rem3A_76 : i32 to index
          %parallel_loop3A_608 = arith.index_cast %parallel_loop3A_605 : i32 to index
          %parallel_loop3A_609 = arith.index_cast %parallel_loop3A_606 : i32 to index
          %parallel_loop3A_610 = arith.constant 48 : index
          %parallel_loop3A_611 = tpu.vector_load %arg8[%parallel_loop3A_607, %parallel_loop3A_608, %parallel_loop3A_609, %parallel_loop3A_610] {strides = array<i32>} : memref<2x16x8x128xf32, #tpu.memory_space<vmem>>, vector<16xf32>,
          %parallel_loop3A_612 = arith.mulf %parallel_loop3A_602, %parallel_loop3A_611 : vector<16xf32>
          %parallel_loop3A_613 = arith.constant 2 : i32
          %parallel_loop3A_614 = arith.muli %parallel_loop3A_613, %parallel_loop3A_463 : i32
          %parallel_loop3A_615 = arith.constant 4 : i32
          %parallel_loop3A_616 = arith.index_cast %rem3A_109 : i32 to index
          %parallel_loop3A_617 = arith.index_cast %parallel_loop3A_614 : i32 to index
          %parallel_loop3A_618 = arith.index_cast %parallel_loop3A_615 : i32 to index
          %parallel_loop3A_619 = arith.constant 48 : index
          %parallel_loop3A_620 = tpu.vector_load %arg9[%parallel_loop3A_616, %parallel_loop3A_617, %parallel_loop3A_618, %parallel_loop3A_619] {strides = array<i32>} : memref<2x16x8x128xf32, #tpu.memory_space<vmem>>, vector<16xf32>,
          tpu.vector_store %arg9[%parallel_loop3A_616, %parallel_loop3A_617, %parallel_loop3A_618, %parallel_loop3A_619], %parallel_loop3A_612 {strides = array<i32>} : memref<2x16x8x128xf32, #tpu.memory_space<vmem>>, vector<16xf32>,
          %parallel_loop3A_621 = arith.constant 2 : i32
          %parallel_loop3A_622 = arith.muli %parallel_loop3A_621, %parallel_loop3A_463 : i32
          %parallel_loop3A_623 = arith.constant 1 : i32
          %parallel_loop3A_624 = arith.addi %parallel_loop3A_622, %parallel_loop3A_623 : i32
          %parallel_loop3A_625 = arith.constant 4 : i32
          %parallel_loop3A_626 = arith.index_cast %rem3A_76 : i32 to index
          %parallel_loop3A_627 = arith.index_cast %parallel_loop3A_624 : i32 to index
          %parallel_loop3A_628 = arith.index_cast %parallel_loop3A_625 : i32 to index
          %parallel_loop3A_629 = arith.constant 48 : index
          %parallel_loop3A_630 = tpu.vector_load %arg8[%parallel_loop3A_626, %parallel_loop3A_627, %parallel_loop3A_628, %parallel_loop3A_629] {strides = array<i32>} : memref<2x16x8x128xf32, #tpu.memory_space<vmem>>, vector<16xf32>,
          %parallel_loop3A_631 = arith.mulf %parallel_loop3A_603, %parallel_loop3A_630 : vector<16xf32>
          %parallel_loop3A_632 = arith.constant 2 : i32
          %parallel_loop3A_633 = arith.muli %parallel_loop3A_632, %parallel_loop3A_463 : i32
          %parallel_loop3A_634 = arith.constant 1 : i32
          %parallel_loop3A_635 = arith.addi %parallel_loop3A_633, %parallel_loop3A_634 : i32
          %parallel_loop3A_636 = arith.constant 4 : i32
          %parallel_loop3A_637 = arith.index_cast %rem3A_109 : i32 to index
          %parallel_loop3A_638 = arith.index_cast %parallel_loop3A_635 : i32 to index
          %parallel_loop3A_639 = arith.index_cast %parallel_loop3A_636 : i32 to index
          %parallel_loop3A_640 = arith.constant 48 : index
          %parallel_loop3A_641 = tpu.vector_load %arg9[%parallel_loop3A_637, %parallel_loop3A_638, %parallel_loop3A_639, %parallel_loop3A_640] {strides = array<i32>} : memref<2x16x8x128xf32, #tpu.memory_space<vmem>>, vector<16xf32>,
          tpu.vector_store %arg9[%parallel_loop3A_637, %parallel_loop3A_638, %parallel_loop3A_639, %parallel_loop3A_640], %parallel_loop3A_631 {strides = array<i32>} : memref<2x16x8x128xf32, #tpu.memory_space<vmem>>, vector<16xf32>,
          %parallel_loop3A_642 = arith.addi %get3A_303, %parallel_loop3A_469 : vector<16xi32>
          %parallel_loop3A_643 = tpu.vector_load_idx %arg6[%parallel_loop3A_642] : memref<32768xf32, #tpu.memory_space<vmem>>[vector<16xi32>], vector<16xf32>,
          %parallel_loop3A_644 = vector.bitcast %parallel_loop3A_643 : vector<16xf32> to vector<32xbf16>
          %parallel_loop3A_645 = tpu.unpack_subelements %parallel_loop3A_644, 0 {pack_format = #tpu.pack_format<interleaved>} : vector<32xbf16> -> vector<16xf32>
          %parallel_loop3A_646 = tpu.unpack_subelements %parallel_loop3A_644, 1 {pack_format = #tpu.pack_format<interleaved>} : vector<32xbf16> -> vector<16xf32>
          %parallel_loop3A_647 = arith.constant 2 : i32
          %parallel_loop3A_648 = arith.muli %parallel_loop3A_647, %parallel_loop3A_463 : i32
          %parallel_loop3A_649 = arith.constant 4 : i32
          %parallel_loop3A_650 = arith.index_cast %rem3A_76 : i32 to index
          %parallel_loop3A_651 = arith.index_cast %parallel_loop3A_648 : i32 to index
          %parallel_loop3A_652 = arith.index_cast %parallel_loop3A_649 : i32 to index
          %parallel_loop3A_653 = arith.constant 64 : index
          %parallel_loop3A_654 = tpu.vector_load %arg8[%parallel_loop3A_650, %parallel_loop3A_651, %parallel_loop3A_652, %parallel_loop3A_653] {strides = array<i32>} : memref<2x16x8x128xf32, #tpu.memory_space<vmem>>, vector<16xf32>,
          %parallel_loop3A_655 = arith.mulf %parallel_loop3A_645, %parallel_loop3A_654 : vector<16xf32>
          %parallel_loop3A_656 = arith.constant 2 : i32
          %parallel_loop3A_657 = arith.muli %parallel_loop3A_656, %parallel_loop3A_463 : i32
          %parallel_loop3A_658 = arith.constant 4 : i32
          %parallel_loop3A_659 = arith.index_cast %rem3A_109 : i32 to index
          %parallel_loop3A_660 = arith.index_cast %parallel_loop3A_657 : i32 to index
          %parallel_loop3A_661 = arith.index_cast %parallel_loop3A_658 : i32 to index
          %parallel_loop3A_662 = arith.constant 64 : index
          %parallel_loop3A_663 = tpu.vector_load %arg9[%parallel_loop3A_659, %parallel_loop3A_660, %parallel_loop3A_661, %parallel_loop3A_662] {strides = array<i32>} : memref<2x16x8x128xf32, #tpu.memory_space<vmem>>, vector<16xf32>,
          tpu.vector_store %arg9[%parallel_loop3A_659, %parallel_loop3A_660, %parallel_loop3A_661, %parallel_loop3A_662], %parallel_loop3A_655 {strides = array<i32>} : memref<2x16x8x128xf32, #tpu.memory_space<vmem>>, vector<16xf32>,
          %parallel_loop3A_664 = arith.constant 2 : i32
          %parallel_loop3A_665 = arith.muli %parallel_loop3A_664, %parallel_loop3A_463 : i32
          %parallel_loop3A_666 = arith.constant 1 : i32
          %parallel_loop3A_667 = arith.addi %parallel_loop3A_665, %parallel_loop3A_666 : i32
          %parallel_loop3A_668 = arith.constant 4 : i32
          %parallel_loop3A_669 = arith.index_cast %rem3A_76 : i32 to index
          %parallel_loop3A_670 = arith.index_cast %parallel_loop3A_667 : i32 to index
          %parallel_loop3A_671 = arith.index_cast %parallel_loop3A_668 : i32 to index
          %parallel_loop3A_672 = arith.constant 64 : index
          %parallel_loop3A_673 = tpu.vector_load %arg8[%parallel_loop3A_669, %parallel_loop3A_670, %parallel_loop3A_671, %parallel_loop3A_672] {strides = array<i32>} : memref<2x16x8x128xf32, #tpu.memory_space<vmem>>, vector<16xf32>,
          %parallel_loop3A_674 = arith.mulf %parallel_loop3A_646, %parallel_loop3A_673 : vector<16xf32>
          %parallel_loop3A_675 = arith.constant 2 : i32
          %parallel_loop3A_676 = arith.muli %parallel_loop3A_675, %parallel_loop3A_463 : i32
          %parallel_loop3A_677 = arith.constant 1 : i32
          %parallel_loop3A_678 = arith.addi %parallel_loop3A_676, %parallel_loop3A_677 : i32
          %parallel_loop3A_679 = arith.constant 4 : i32
          %parallel_loop3A_680 = arith.index_cast %rem3A_109 : i32 to index
          %parallel_loop3A_681 = arith.index_cast %parallel_loop3A_678 : i32 to index
          %parallel_loop3A_682 = arith.index_cast %parallel_loop3A_679 : i32 to index
          %parallel_loop3A_683 = arith.constant 64 : index
          %parallel_loop3A_684 = tpu.vector_load %arg9[%parallel_loop3A_680, %parallel_loop3A_681, %parallel_loop3A_682, %parallel_loop3A_683] {strides = array<i32>} : memref<2x16x8x128xf32, #tpu.memory_space<vmem>>, vector<16xf32>,
          tpu.vector_store %arg9[%parallel_loop3A_680, %parallel_loop3A_681, %parallel_loop3A_682, %parallel_loop3A_683], %parallel_loop3A_674 {strides = array<i32>} : memref<2x16x8x128xf32, #tpu.memory_space<vmem>>, vector<16xf32>,
          %parallel_loop3A_685 = arith.addi %get3A_308, %parallel_loop3A_469 : vector<16xi32>
          %parallel_loop3A_686 = tpu.vector_load_idx %arg6[%parallel_loop3A_685] : memref<32768xf32, #tpu.memory_space<vmem>>[vector<16xi32>], vector<16xf32>,
          %parallel_loop3A_687 = vector.bitcast %parallel_loop3A_686 : vector<16xf32> to vector<32xbf16>
          %parallel_loop3A_688 = tpu.unpack_subelements %parallel_loop3A_687, 0 {pack_format = #tpu.pack_format<interleaved>} : vector<32xbf16> -> vector<16xf32>
          %parallel_loop3A_689 = tpu.unpack_subelements %parallel_loop3A_687, 1 {pack_format = #tpu.pack_format<interleaved>} : vector<32xbf16> -> vector<16xf32>
          %parallel_loop3A_690 = arith.constant 2 : i32
          %parallel_loop3A_691 = arith.muli %parallel_loop3A_690, %parallel_loop3A_463 : i32
          %parallel_loop3A_692 = arith.constant 4 : i32
          %parallel_loop3A_693 = arith.index_cast %rem3A_76 : i32 to index
          %parallel_loop3A_694 = arith.index_cast %parallel_loop3A_691 : i32 to index
          %parallel_loop3A_695 = arith.index_cast %parallel_loop3A_692 : i32 to index
          %parallel_loop3A_696 = arith.constant 80 : index
          %parallel_loop3A_697 = tpu.vector_load %arg8[%parallel_loop3A_693, %parallel_loop3A_694, %parallel_loop3A_695, %parallel_loop3A_696] {strides = array<i32>} : memref<2x16x8x128xf32, #tpu.memory_space<vmem>>, vector<16xf32>,
          %parallel_loop3A_698 = arith.mulf %parallel_loop3A_688, %parallel_loop3A_697 : vector<16xf32>
          %parallel_loop3A_699 = arith.constant 2 : i32
          %parallel_loop3A_700 = arith.muli %parallel_loop3A_699, %parallel_loop3A_463 : i32
          %parallel_loop3A_701 = arith.constant 4 : i32
          %parallel_loop3A_702 = arith.index_cast %rem3A_109 : i32 to index
          %parallel_loop3A_703 = arith.index_cast %parallel_loop3A_700 : i32 to index
          %parallel_loop3A_704 = arith.index_cast %parallel_loop3A_701 : i32 to index
          %parallel_loop3A_705 = arith.constant 80 : index
          %parallel_loop3A_706 = tpu.vector_load %arg9[%parallel_loop3A_702, %parallel_loop3A_703, %parallel_loop3A_704, %parallel_loop3A_705] {strides = array<i32>} : memref<2x16x8x128xf32, #tpu.memory_space<vmem>>, vector<16xf32>,
          tpu.vector_store %arg9[%parallel_loop3A_702, %parallel_loop3A_703, %parallel_loop3A_704, %parallel_loop3A_705], %parallel_loop3A_698 {strides = array<i32>} : memref<2x16x8x128xf32, #tpu.memory_space<vmem>>, vector<16xf32>,
          %parallel_loop3A_707 = arith.constant 2 : i32
          %parallel_loop3A_708 = arith.muli %parallel_loop3A_707, %parallel_loop3A_463 : i32
          %parallel_loop3A_709 = arith.constant 1 : i32
          %parallel_loop3A_710 = arith.addi %parallel_loop3A_708, %parallel_loop3A_709 : i32
          %parallel_loop3A_711 = arith.constant 4 : i32
          %parallel_loop3A_712 = arith.index_cast %rem3A_76 : i32 to index
          %parallel_loop3A_713 = arith.index_cast %parallel_loop3A_710 : i32 to index
          %parallel_loop3A_714 = arith.index_cast %parallel_loop3A_711 : i32 to index
          %parallel_loop3A_715 = arith.constant 80 : index
          %parallel_loop3A_716 = tpu.vector_load %arg8[%parallel_loop3A_712, %parallel_loop3A_713, %parallel_loop3A_714, %parallel_loop3A_715] {strides = array<i32>} : memref<2x16x8x128xf32, #tpu.memory_space<vmem>>, vector<16xf32>,
          %parallel_loop3A_717 = arith.mulf %parallel_loop3A_689, %parallel_loop3A_716 : vector<16xf32>
          %parallel_loop3A_718 = arith.constant 2 : i32
          %parallel_loop3A_719 = arith.muli %parallel_loop3A_718, %parallel_loop3A_463 : i32
          %parallel_loop3A_720 = arith.constant 1 : i32
          %parallel_loop3A_721 = arith.addi %parallel_loop3A_719, %parallel_loop3A_720 : i32
          %parallel_loop3A_722 = arith.constant 4 : i32
          %parallel_loop3A_723 = arith.index_cast %rem3A_109 : i32 to index
          %parallel_loop3A_724 = arith.index_cast %parallel_loop3A_721 : i32 to index
          %parallel_loop3A_725 = arith.index_cast %parallel_loop3A_722 : i32 to index
          %parallel_loop3A_726 = arith.constant 80 : index
          %parallel_loop3A_727 = tpu.vector_load %arg9[%parallel_loop3A_723, %parallel_loop3A_724, %parallel_loop3A_725, %parallel_loop3A_726] {strides = array<i32>} : memref<2x16x8x128xf32, #tpu.memory_space<vmem>>, vector<16xf32>,
          tpu.vector_store %arg9[%parallel_loop3A_723, %parallel_loop3A_724, %parallel_loop3A_725, %parallel_loop3A_726], %parallel_loop3A_717 {strides = array<i32>} : memref<2x16x8x128xf32, #tpu.memory_space<vmem>>, vector<16xf32>,
          %parallel_loop3A_728 = arith.addi %get3A_313, %parallel_loop3A_469 : vector<16xi32>
          %parallel_loop3A_729 = tpu.vector_load_idx %arg6[%parallel_loop3A_728] : memref<32768xf32, #tpu.memory_space<vmem>>[vector<16xi32>], vector<16xf32>,
          %parallel_loop3A_730 = vector.bitcast %parallel_loop3A_729 : vector<16xf32> to vector<32xbf16>
          %parallel_loop3A_731 = tpu.unpack_subelements %parallel_loop3A_730, 0 {pack_format = #tpu.pack_format<interleaved>} : vector<32xbf16> -> vector<16xf32>
          %parallel_loop3A_732 = tpu.unpack_subelements %parallel_loop3A_730, 1 {pack_format = #tpu.pack_format<interleaved>} : vector<32xbf16> -> vector<16xf32>
          %parallel_loop3A_733 = arith.constant 2 : i32
          %parallel_loop3A_734 = arith.muli %parallel_loop3A_733, %parallel_loop3A_463 : i32
          %parallel_loop3A_735 = arith.constant 4 : i32
          %parallel_loop3A_736 = arith.index_cast %rem3A_76 : i32 to index
          %parallel_loop3A_737 = arith.index_cast %parallel_loop3A_734 : i32 to index
          %parallel_loop3A_738 = arith.index_cast %parallel_loop3A_735 : i32 to index
          %parallel_loop3A_739 = arith.constant 96 : index
          %parallel_loop3A_740 = tpu.vector_load %arg8[%parallel_loop3A_736, %parallel_loop3A_737, %parallel_loop3A_738, %parallel_loop3A_739] {strides = array<i32>} : memref<2x16x8x128xf32, #tpu.memory_space<vmem>>, vector<16xf32>,
          %parallel_loop3A_741 = arith.mulf %parallel_loop3A_731, %parallel_loop3A_740 : vector<16xf32>
          %parallel_loop3A_742 = arith.constant 2 : i32
          %parallel_loop3A_743 = arith.muli %parallel_loop3A_742, %parallel_loop3A_463 : i32
          %parallel_loop3A_744 = arith.constant 4 : i32
          %parallel_loop3A_745 = arith.index_cast %rem3A_109 : i32 to index
          %parallel_loop3A_746 = arith.index_cast %parallel_loop3A_743 : i32 to index
          %parallel_loop3A_747 = arith.index_cast %parallel_loop3A_744 : i32 to index
          %parallel_loop3A_748 = arith.constant 96 : index
          %parallel_loop3A_749 = tpu.vector_load %arg9[%parallel_loop3A_745, %parallel_loop3A_746, %parallel_loop3A_747, %parallel_loop3A_748] {strides = array<i32>} : memref<2x16x8x128xf32, #tpu.memory_space<vmem>>, vector<16xf32>,
          tpu.vector_store %arg9[%parallel_loop3A_745, %parallel_loop3A_746, %parallel_loop3A_747, %parallel_loop3A_748], %parallel_loop3A_741 {strides = array<i32>} : memref<2x16x8x128xf32, #tpu.memory_space<vmem>>, vector<16xf32>,
          %parallel_loop3A_750 = arith.constant 2 : i32
          %parallel_loop3A_751 = arith.muli %parallel_loop3A_750, %parallel_loop3A_463 : i32
          %parallel_loop3A_752 = arith.constant 1 : i32
          %parallel_loop3A_753 = arith.addi %parallel_loop3A_751, %parallel_loop3A_752 : i32
          %parallel_loop3A_754 = arith.constant 4 : i32
          %parallel_loop3A_755 = arith.index_cast %rem3A_76 : i32 to index
          %parallel_loop3A_756 = arith.index_cast %parallel_loop3A_753 : i32 to index
          %parallel_loop3A_757 = arith.index_cast %parallel_loop3A_754 : i32 to index
          %parallel_loop3A_758 = arith.constant 96 : index
          %parallel_loop3A_759 = tpu.vector_load %arg8[%parallel_loop3A_755, %parallel_loop3A_756, %parallel_loop3A_757, %parallel_loop3A_758] {strides = array<i32>} : memref<2x16x8x128xf32, #tpu.memory_space<vmem>>, vector<16xf32>,
          %parallel_loop3A_760 = arith.mulf %parallel_loop3A_732, %parallel_loop3A_759 : vector<16xf32>
          %parallel_loop3A_761 = arith.constant 2 : i32
          %parallel_loop3A_762 = arith.muli %parallel_loop3A_761, %parallel_loop3A_463 : i32
          %parallel_loop3A_763 = arith.constant 1 : i32
          %parallel_loop3A_764 = arith.addi %parallel_loop3A_762, %parallel_loop3A_763 : i32
          %parallel_loop3A_765 = arith.constant 4 : i32
          %parallel_loop3A_766 = arith.index_cast %rem3A_109 : i32 to index
          %parallel_loop3A_767 = arith.index_cast %parallel_loop3A_764 : i32 to index
          %parallel_loop3A_768 = arith.index_cast %parallel_loop3A_765 : i32 to index
          %parallel_loop3A_769 = arith.constant 96 : index
          %parallel_loop3A_770 = tpu.vector_load %arg9[%parallel_loop3A_766, %parallel_loop3A_767, %parallel_loop3A_768, %parallel_loop3A_769] {strides = array<i32>} : memref<2x16x8x128xf32, #tpu.memory_space<vmem>>, vector<16xf32>,
          tpu.vector_store %arg9[%parallel_loop3A_766, %parallel_loop3A_767, %parallel_loop3A_768, %parallel_loop3A_769], %parallel_loop3A_760 {strides = array<i32>} : memref<2x16x8x128xf32, #tpu.memory_space<vmem>>, vector<16xf32>,
          %parallel_loop3A_771 = arith.addi %get3A_318, %parallel_loop3A_469 : vector<16xi32>
          %parallel_loop3A_772 = tpu.vector_load_idx %arg6[%parallel_loop3A_771] : memref<32768xf32, #tpu.memory_space<vmem>>[vector<16xi32>], vector<16xf32>,
          %parallel_loop3A_773 = vector.bitcast %parallel_loop3A_772 : vector<16xf32> to vector<32xbf16>
          %parallel_loop3A_774 = tpu.unpack_subelements %parallel_loop3A_773, 0 {pack_format = #tpu.pack_format<interleaved>} : vector<32xbf16> -> vector<16xf32>
          %parallel_loop3A_775 = tpu.unpack_subelements %parallel_loop3A_773, 1 {pack_format = #tpu.pack_format<interleaved>} : vector<32xbf16> -> vector<16xf32>
          %parallel_loop3A_776 = arith.constant 2 : i32
          %parallel_loop3A_777 = arith.muli %parallel_loop3A_776, %parallel_loop3A_463 : i32
          %parallel_loop3A_778 = arith.constant 4 : i32
          %parallel_loop3A_779 = arith.index_cast %rem3A_76 : i32 to index
          %parallel_loop3A_780 = arith.index_cast %parallel_loop3A_777 : i32 to index
          %parallel_loop3A_781 = arith.index_cast %parallel_loop3A_778 : i32 to index
          %parallel_loop3A_782 = arith.constant 112 : index
          %parallel_loop3A_783 = tpu.vector_load %arg8[%parallel_loop3A_779, %parallel_loop3A_780, %parallel_loop3A_781, %parallel_loop3A_782] {strides = array<i32>} : memref<2x16x8x128xf32, #tpu.memory_space<vmem>>, vector<16xf32>,
          %parallel_loop3A_784 = arith.mulf %parallel_loop3A_774, %parallel_loop3A_783 : vector<16xf32>
          %parallel_loop3A_785 = arith.constant 2 : i32
          %parallel_loop3A_786 = arith.muli %parallel_loop3A_785, %parallel_loop3A_463 : i32
          %parallel_loop3A_787 = arith.constant 4 : i32
          %parallel_loop3A_788 = arith.index_cast %rem3A_109 : i32 to index
          %parallel_loop3A_789 = arith.index_cast %parallel_loop3A_786 : i32 to index
          %parallel_loop3A_790 = arith.index_cast %parallel_loop3A_787 : i32 to index
          %parallel_loop3A_791 = arith.constant 112 : index
          %parallel_loop3A_792 = tpu.vector_load %arg9[%parallel_loop3A_788, %parallel_loop3A_789, %parallel_loop3A_790, %parallel_loop3A_791] {strides = array<i32>} : memref<2x16x8x128xf32, #tpu.memory_space<vmem>>, vector<16xf32>,
          tpu.vector_store %arg9[%parallel_loop3A_788, %parallel_loop3A_789, %parallel_loop3A_790, %parallel_loop3A_791], %parallel_loop3A_784 {strides = array<i32>} : memref<2x16x8x128xf32, #tpu.memory_space<vmem>>, vector<16xf32>,
          %parallel_loop3A_793 = arith.constant 2 : i32
          %parallel_loop3A_794 = arith.muli %parallel_loop3A_793, %parallel_loop3A_463 : i32
          %parallel_loop3A_795 = arith.constant 1 : i32
          %parallel_loop3A_796 = arith.addi %parallel_loop3A_794, %parallel_loop3A_795 : i32
          %parallel_loop3A_797 = arith.constant 4 : i32
          %parallel_loop3A_798 = arith.index_cast %rem3A_76 : i32 to index
          %parallel_loop3A_799 = arith.index_cast %parallel_loop3A_796 : i32 to index
          %parallel_loop3A_800 = arith.index_cast %parallel_loop3A_797 : i32 to index
          %parallel_loop3A_801 = arith.constant 112 : index
          %parallel_loop3A_802 = tpu.vector_load %arg8[%parallel_loop3A_798, %parallel_loop3A_799, %parallel_loop3A_800, %parallel_loop3A_801] {strides = array<i32>} : memref<2x16x8x128xf32, #tpu.memory_space<vmem>>, vector<16xf32>,
          %parallel_loop3A_803 = arith.mulf %parallel_loop3A_775, %parallel_loop3A_802 : vector<16xf32>
          %parallel_loop3A_804 = arith.constant 2 : i32
          %parallel_loop3A_805 = arith.muli %parallel_loop3A_804, %parallel_loop3A_463 : i32
          %parallel_loop3A_806 = arith.constant 1 : i32
          %parallel_loop3A_807 = arith.addi %parallel_loop3A_805, %parallel_loop3A_806 : i32
          %parallel_loop3A_808 = arith.constant 4 : i32
          %parallel_loop3A_809 = arith.index_cast %rem3A_109 : i32 to index
          %parallel_loop3A_810 = arith.index_cast %parallel_loop3A_807 : i32 to index
          %parallel_loop3A_811 = arith.index_cast %parallel_loop3A_808 : i32 to index
          %parallel_loop3A_812 = arith.constant 112 : index
          %parallel_loop3A_813 = tpu.vector_load %arg9[%parallel_loop3A_809, %parallel_loop3A_810, %parallel_loop3A_811, %parallel_loop3A_812] {strides = array<i32>} : memref<2x16x8x128xf32, #tpu.memory_space<vmem>>, vector<16xf32>,
          tpu.vector_store %arg9[%parallel_loop3A_809, %parallel_loop3A_810, %parallel_loop3A_811, %parallel_loop3A_812], %parallel_loop3A_803 {strides = array<i32>} : memref<2x16x8x128xf32, #tpu.memory_space<vmem>>, vector<16xf32>,
          %parallel_loop3A_814 = arith.addi %get3A_323, %parallel_loop3A_469 : vector<16xi32>
          %parallel_loop3A_815 = tpu.vector_load_idx %arg6[%parallel_loop3A_814] : memref<32768xf32, #tpu.memory_space<vmem>>[vector<16xi32>], vector<16xf32>,
          %parallel_loop3A_816 = vector.bitcast %parallel_loop3A_815 : vector<16xf32> to vector<32xbf16>
          %parallel_loop3A_817 = tpu.unpack_subelements %parallel_loop3A_816, 0 {pack_format = #tpu.pack_format<interleaved>} : vector<32xbf16> -> vector<16xf32>
          %parallel_loop3A_818 = tpu.unpack_subelements %parallel_loop3A_816, 1 {pack_format = #tpu.pack_format<interleaved>} : vector<32xbf16> -> vector<16xf32>
          %parallel_loop3A_819 = arith.constant 2 : i32
          %parallel_loop3A_820 = arith.muli %parallel_loop3A_819, %parallel_loop3A_463 : i32
          %parallel_loop3A_821 = arith.constant 5 : i32
          %parallel_loop3A_822 = arith.index_cast %rem3A_76 : i32 to index
          %parallel_loop3A_823 = arith.index_cast %parallel_loop3A_820 : i32 to index
          %parallel_loop3A_824 = arith.index_cast %parallel_loop3A_821 : i32 to index
          %parallel_loop3A_825 = arith.constant 0 : index
          %parallel_loop3A_826 = tpu.vector_load %arg8[%parallel_loop3A_822, %parallel_loop3A_823, %parallel_loop3A_824, %parallel_loop3A_825] {strides = array<i32>} : memref<2x16x8x128xf32, #tpu.memory_space<vmem>>, vector<16xf32>,
          %parallel_loop3A_827 = arith.mulf %parallel_loop3A_817, %parallel_loop3A_826 : vector<16xf32>
          %parallel_loop3A_828 = arith.constant 2 : i32
          %parallel_loop3A_829 = arith.muli %parallel_loop3A_828, %parallel_loop3A_463 : i32
          %parallel_loop3A_830 = arith.constant 5 : i32
          %parallel_loop3A_831 = arith.index_cast %rem3A_109 : i32 to index
          %parallel_loop3A_832 = arith.index_cast %parallel_loop3A_829 : i32 to index
          %parallel_loop3A_833 = arith.index_cast %parallel_loop3A_830 : i32 to index
          %parallel_loop3A_834 = arith.constant 0 : index
          %parallel_loop3A_835 = tpu.vector_load %arg9[%parallel_loop3A_831, %parallel_loop3A_832, %parallel_loop3A_833, %parallel_loop3A_834] {strides = array<i32>} : memref<2x16x8x128xf32, #tpu.memory_space<vmem>>, vector<16xf32>,
          tpu.vector_store %arg9[%parallel_loop3A_831, %parallel_loop3A_832, %parallel_loop3A_833, %parallel_loop3A_834], %parallel_loop3A_827 {strides = array<i32>} : memref<2x16x8x128xf32, #tpu.memory_space<vmem>>, vector<16xf32>,
          %parallel_loop3A_836 = arith.constant 2 : i32
          %parallel_loop3A_837 = arith.muli %parallel_loop3A_836, %parallel_loop3A_463 : i32
          %parallel_loop3A_838 = arith.constant 1 : i32
          %parallel_loop3A_839 = arith.addi %parallel_loop3A_837, %parallel_loop3A_838 : i32
          %parallel_loop3A_840 = arith.constant 5 : i32
          %parallel_loop3A_841 = arith.index_cast %rem3A_76 : i32 to index
          %parallel_loop3A_842 = arith.index_cast %parallel_loop3A_839 : i32 to index
          %parallel_loop3A_843 = arith.index_cast %parallel_loop3A_840 : i32 to index
          %parallel_loop3A_844 = arith.constant 0 : index
          %parallel_loop3A_845 = tpu.vector_load %arg8[%parallel_loop3A_841, %parallel_loop3A_842, %parallel_loop3A_843, %parallel_loop3A_844] {strides = array<i32>} : memref<2x16x8x128xf32, #tpu.memory_space<vmem>>, vector<16xf32>,
          %parallel_loop3A_846 = arith.mulf %parallel_loop3A_818, %parallel_loop3A_845 : vector<16xf32>
          %parallel_loop3A_847 = arith.constant 2 : i32
          %parallel_loop3A_848 = arith.muli %parallel_loop3A_847, %parallel_loop3A_463 : i32
          %parallel_loop3A_849 = arith.constant 1 : i32
          %parallel_loop3A_850 = arith.addi %parallel_loop3A_848, %parallel_loop3A_849 : i32
          %parallel_loop3A_851 = arith.constant 5 : i32
          %parallel_loop3A_852 = arith.index_cast %rem3A_109 : i32 to index
          %parallel_loop3A_853 = arith.index_cast %parallel_loop3A_850 : i32 to index
          %parallel_loop3A_854 = arith.index_cast %parallel_loop3A_851 : i32 to index
          %parallel_loop3A_855 = arith.constant 0 : index
          %parallel_loop3A_856 = tpu.vector_load %arg9[%parallel_loop3A_852, %parallel_loop3A_853, %parallel_loop3A_854, %parallel_loop3A_855] {strides = array<i32>} : memref<2x16x8x128xf32, #tpu.memory_space<vmem>>, vector<16xf32>,
          tpu.vector_store %arg9[%parallel_loop3A_852, %parallel_loop3A_853, %parallel_loop3A_854, %parallel_loop3A_855], %parallel_loop3A_846 {strides = array<i32>} : memref<2x16x8x128xf32, #tpu.memory_space<vmem>>, vector<16xf32>,
          %parallel_loop3A_857 = arith.addi %get3A_328, %parallel_loop3A_469 : vector<16xi32>
          %parallel_loop3A_858 = tpu.vector_load_idx %arg6[%parallel_loop3A_857] : memref<32768xf32, #tpu.memory_space<vmem>>[vector<16xi32>], vector<16xf32>,
          %parallel_loop3A_859 = vector.bitcast %parallel_loop3A_858 : vector<16xf32> to vector<32xbf16>
          %parallel_loop3A_860 = tpu.unpack_subelements %parallel_loop3A_859, 0 {pack_format = #tpu.pack_format<interleaved>} : vector<32xbf16> -> vector<16xf32>
          %parallel_loop3A_861 = tpu.unpack_subelements %parallel_loop3A_859, 1 {pack_format = #tpu.pack_format<interleaved>} : vector<32xbf16> -> vector<16xf32>
          %parallel_loop3A_862 = arith.constant 2 : i32
          %parallel_loop3A_863 = arith.muli %parallel_loop3A_862, %parallel_loop3A_463 : i32
          %parallel_loop3A_864 = arith.constant 5 : i32
          %parallel_loop3A_865 = arith.index_cast %rem3A_76 : i32 to index
          %parallel_loop3A_866 = arith.index_cast %parallel_loop3A_863 : i32 to index
          %parallel_loop3A_867 = arith.index_cast %parallel_loop3A_864 : i32 to index
          %parallel_loop3A_868 = arith.constant 16 : index
          %parallel_loop3A_869 = tpu.vector_load %arg8[%parallel_loop3A_865, %parallel_loop3A_866, %parallel_loop3A_867, %parallel_loop3A_868] {strides = array<i32>} : memref<2x16x8x128xf32, #tpu.memory_space<vmem>>, vector<16xf32>,
          %parallel_loop3A_870 = arith.mulf %parallel_loop3A_860, %parallel_loop3A_869 : vector<16xf32>
          %parallel_loop3A_871 = arith.constant 2 : i32
          %parallel_loop3A_872 = arith.muli %parallel_loop3A_871, %parallel_loop3A_463 : i32
          %parallel_loop3A_873 = arith.constant 5 : i32
          %parallel_loop3A_874 = arith.index_cast %rem3A_109 : i32 to index
          %parallel_loop3A_875 = arith.index_cast %parallel_loop3A_872 : i32 to index
          %parallel_loop3A_876 = arith.index_cast %parallel_loop3A_873 : i32 to index
          %parallel_loop3A_877 = arith.constant 16 : index
          %parallel_loop3A_878 = tpu.vector_load %arg9[%parallel_loop3A_874, %parallel_loop3A_875, %parallel_loop3A_876, %parallel_loop3A_877] {strides = array<i32>} : memref<2x16x8x128xf32, #tpu.memory_space<vmem>>, vector<16xf32>,
          tpu.vector_store %arg9[%parallel_loop3A_874, %parallel_loop3A_875, %parallel_loop3A_876, %parallel_loop3A_877], %parallel_loop3A_870 {strides = array<i32>} : memref<2x16x8x128xf32, #tpu.memory_space<vmem>>, vector<16xf32>,
          %parallel_loop3A_879 = arith.constant 2 : i32
          %parallel_loop3A_880 = arith.muli %parallel_loop3A_879, %parallel_loop3A_463 : i32
          %parallel_loop3A_881 = arith.constant 1 : i32
          %parallel_loop3A_882 = arith.addi %parallel_loop3A_880, %parallel_loop3A_881 : i32
          %parallel_loop3A_883 = arith.constant 5 : i32
          %parallel_loop3A_884 = arith.index_cast %rem3A_76 : i32 to index
          %parallel_loop3A_885 = arith.index_cast %parallel_loop3A_882 : i32 to index
          %parallel_loop3A_886 = arith.index_cast %parallel_loop3A_883 : i32 to index
          %parallel_loop3A_887 = arith.constant 16 : index
          %parallel_loop3A_888 = tpu.vector_load %arg8[%parallel_loop3A_884, %parallel_loop3A_885, %parallel_loop3A_886, %parallel_loop3A_887] {strides = array<i32>} : memref<2x16x8x128xf32, #tpu.memory_space<vmem>>, vector<16xf32>,
          %parallel_loop3A_889 = arith.mulf %parallel_loop3A_861, %parallel_loop3A_888 : vector<16xf32>
          %parallel_loop3A_890 = arith.constant 2 : i32
          %parallel_loop3A_891 = arith.muli %parallel_loop3A_890, %parallel_loop3A_463 : i32
          %parallel_loop3A_892 = arith.constant 1 : i32
          %parallel_loop3A_893 = arith.addi %parallel_loop3A_891, %parallel_loop3A_892 : i32
          %parallel_loop3A_894 = arith.constant 5 : i32
          %parallel_loop3A_895 = arith.index_cast %rem3A_109 : i32 to index
          %parallel_loop3A_896 = arith.index_cast %parallel_loop3A_893 : i32 to index
          %parallel_loop3A_897 = arith.index_cast %parallel_loop3A_894 : i32 to index
          %parallel_loop3A_898 = arith.constant 16 : index
          %parallel_loop3A_899 = tpu.vector_load %arg9[%parallel_loop3A_895, %parallel_loop3A_896, %parallel_loop3A_897, %parallel_loop3A_898] {strides = array<i32>} : memref<2x16x8x128xf32, #tpu.memory_space<vmem>>, vector<16xf32>,
          tpu.vector_store %arg9[%parallel_loop3A_895, %parallel_loop3A_896, %parallel_loop3A_897, %parallel_loop3A_898], %parallel_loop3A_889 {strides = array<i32>} : memref<2x16x8x128xf32, #tpu.memory_space<vmem>>, vector<16xf32>,
          %parallel_loop3A_900 = arith.addi %get3A_333, %parallel_loop3A_469 : vector<16xi32>
          %parallel_loop3A_901 = tpu.vector_load_idx %arg6[%parallel_loop3A_900] : memref<32768xf32, #tpu.memory_space<vmem>>[vector<16xi32>], vector<16xf32>,
          %parallel_loop3A_902 = vector.bitcast %parallel_loop3A_901 : vector<16xf32> to vector<32xbf16>
          %parallel_loop3A_903 = tpu.unpack_subelements %parallel_loop3A_902, 0 {pack_format = #tpu.pack_format<interleaved>} : vector<32xbf16> -> vector<16xf32>
          %parallel_loop3A_904 = tpu.unpack_subelements %parallel_loop3A_902, 1 {pack_format = #tpu.pack_format<interleaved>} : vector<32xbf16> -> vector<16xf32>
          %parallel_loop3A_905 = arith.constant 2 : i32
          %parallel_loop3A_906 = arith.muli %parallel_loop3A_905, %parallel_loop3A_463 : i32
          %parallel_loop3A_907 = arith.constant 5 : i32
          %parallel_loop3A_908 = arith.index_cast %rem3A_76 : i32 to index
          %parallel_loop3A_909 = arith.index_cast %parallel_loop3A_906 : i32 to index
          %parallel_loop3A_910 = arith.index_cast %parallel_loop3A_907 : i32 to index
          %parallel_loop3A_911 = arith.constant 32 : index
          %parallel_loop3A_912 = tpu.vector_load %arg8[%parallel_loop3A_908, %parallel_loop3A_909, %parallel_loop3A_910, %parallel_loop3A_911] {strides = array<i32>} : memref<2x16x8x128xf32, #tpu.memory_space<vmem>>, vector<16xf32>,
          %parallel_loop3A_913 = arith.mulf %parallel_loop3A_903, %parallel_loop3A_912 : vector<16xf32>
          %parallel_loop3A_914 = arith.constant 2 : i32
          %parallel_loop3A_915 = arith.muli %parallel_loop3A_914, %parallel_loop3A_463 : i32
          %parallel_loop3A_916 = arith.constant 5 : i32
          %parallel_loop3A_917 = arith.index_cast %rem3A_109 : i32 to index
          %parallel_loop3A_918 = arith.index_cast %parallel_loop3A_915 : i32 to index
          %parallel_loop3A_919 = arith.index_cast %parallel_loop3A_916 : i32 to index
          %parallel_loop3A_920 = arith.constant 32 : index
          %parallel_loop3A_921 = tpu.vector_load %arg9[%parallel_loop3A_917, %parallel_loop3A_918, %parallel_loop3A_919, %parallel_loop3A_920] {strides = array<i32>} : memref<2x16x8x128xf32, #tpu.memory_space<vmem>>, vector<16xf32>,
          tpu.vector_store %arg9[%parallel_loop3A_917, %parallel_loop3A_918, %parallel_loop3A_919, %parallel_loop3A_920], %parallel_loop3A_913 {strides = array<i32>} : memref<2x16x8x128xf32, #tpu.memory_space<vmem>>, vector<16xf32>,
          %parallel_loop3A_922 = arith.constant 2 : i32
          %parallel_loop3A_923 = arith.muli %parallel_loop3A_922, %parallel_loop3A_463 : i32
          %parallel_loop3A_924 = arith.constant 1 : i32
          %parallel_loop3A_925 = arith.addi %parallel_loop3A_923, %parallel_loop3A_924 : i32
          %parallel_loop3A_926 = arith.constant 5 : i32
          %parallel_loop3A_927 = arith.index_cast %rem3A_76 : i32 to index
          %parallel_loop3A_928 = arith.index_cast %parallel_loop3A_925 : i32 to index
          %parallel_loop3A_929 = arith.index_cast %parallel_loop3A_926 : i32 to index
          %parallel_loop3A_930 = arith.constant 32 : index
          %parallel_loop3A_931 = tpu.vector_load %arg8[%parallel_loop3A_927, %parallel_loop3A_928, %parallel_loop3A_929, %parallel_loop3A_930] {strides = array<i32>} : memref<2x16x8x128xf32, #tpu.memory_space<vmem>>, vector<16xf32>,
          %parallel_loop3A_932 = arith.mulf %parallel_loop3A_904, %parallel_loop3A_931 : vector<16xf32>
          %parallel_loop3A_933 = arith.constant 2 : i32
          %parallel_loop3A_934 = arith.muli %parallel_loop3A_933, %parallel_loop3A_463 : i32
          %parallel_loop3A_935 = arith.constant 1 : i32
          %parallel_loop3A_936 = arith.addi %parallel_loop3A_934, %parallel_loop3A_935 : i32
          %parallel_loop3A_937 = arith.constant 5 : i32
          %parallel_loop3A_938 = arith.index_cast %rem3A_109 : i32 to index
          %parallel_loop3A_939 = arith.index_cast %parallel_loop3A_936 : i32 to index
          %parallel_loop3A_940 = arith.index_cast %parallel_loop3A_937 : i32 to index
          %parallel_loop3A_941 = arith.constant 32 : index
          %parallel_loop3A_942 = tpu.vector_load %arg9[%parallel_loop3A_938, %parallel_loop3A_939, %parallel_loop3A_940, %parallel_loop3A_941] {strides = array<i32>} : memref<2x16x8x128xf32, #tpu.memory_space<vmem>>, vector<16xf32>,
          tpu.vector_store %arg9[%parallel_loop3A_938, %parallel_loop3A_939, %parallel_loop3A_940, %parallel_loop3A_941], %parallel_loop3A_932 {strides = array<i32>} : memref<2x16x8x128xf32, #tpu.memory_space<vmem>>, vector<16xf32>,
          %parallel_loop3A_943 = arith.addi %get3A_338, %parallel_loop3A_469 : vector<16xi32>
          %parallel_loop3A_944 = tpu.vector_load_idx %arg6[%parallel_loop3A_943] : memref<32768xf32, #tpu.memory_space<vmem>>[vector<16xi32>], vector<16xf32>,
          %parallel_loop3A_945 = vector.bitcast %parallel_loop3A_944 : vector<16xf32> to vector<32xbf16>
          %parallel_loop3A_946 = tpu.unpack_subelements %parallel_loop3A_945, 0 {pack_format = #tpu.pack_format<interleaved>} : vector<32xbf16> -> vector<16xf32>
          %parallel_loop3A_947 = tpu.unpack_subelements %parallel_loop3A_945, 1 {pack_format = #tpu.pack_format<interleaved>} : vector<32xbf16> -> vector<16xf32>
          %parallel_loop3A_948 = arith.constant 2 : i32
          %parallel_loop3A_949 = arith.muli %parallel_loop3A_948, %parallel_loop3A_463 : i32
          %parallel_loop3A_950 = arith.constant 5 : i32
          %parallel_loop3A_951 = arith.index_cast %rem3A_76 : i32 to index
          %parallel_loop3A_952 = arith.index_cast %parallel_loop3A_949 : i32 to index
          %parallel_loop3A_953 = arith.index_cast %parallel_loop3A_950 : i32 to index
          %parallel_loop3A_954 = arith.constant 48 : index
          %parallel_loop3A_955 = tpu.vector_load %arg8[%parallel_loop3A_951, %parallel_loop3A_952, %parallel_loop3A_953, %parallel_loop3A_954] {strides = array<i32>} : memref<2x16x8x128xf32, #tpu.memory_space<vmem>>, vector<16xf32>,
          %parallel_loop3A_956 = arith.mulf %parallel_loop3A_946, %parallel_loop3A_955 : vector<16xf32>
          %parallel_loop3A_957 = arith.constant 2 : i32
          %parallel_loop3A_958 = arith.muli %parallel_loop3A_957, %parallel_loop3A_463 : i32
          %parallel_loop3A_959 = arith.constant 5 : i32
          %parallel_loop3A_960 = arith.index_cast %rem3A_109 : i32 to index
          %parallel_loop3A_961 = arith.index_cast %parallel_loop3A_958 : i32 to index
          %parallel_loop3A_962 = arith.index_cast %parallel_loop3A_959 : i32 to index
          %parallel_loop3A_963 = arith.constant 48 : index
          %parallel_loop3A_964 = tpu.vector_load %arg9[%parallel_loop3A_960, %parallel_loop3A_961, %parallel_loop3A_962, %parallel_loop3A_963] {strides = array<i32>} : memref<2x16x8x128xf32, #tpu.memory_space<vmem>>, vector<16xf32>,
          tpu.vector_store %arg9[%parallel_loop3A_960, %parallel_loop3A_961, %parallel_loop3A_962, %parallel_loop3A_963], %parallel_loop3A_956 {strides = array<i32>} : memref<2x16x8x128xf32, #tpu.memory_space<vmem>>, vector<16xf32>,
          %parallel_loop3A_965 = arith.constant 2 : i32
          %parallel_loop3A_966 = arith.muli %parallel_loop3A_965, %parallel_loop3A_463 : i32
          %parallel_loop3A_967 = arith.constant 1 : i32
          %parallel_loop3A_968 = arith.addi %parallel_loop3A_966, %parallel_loop3A_967 : i32
          %parallel_loop3A_969 = arith.constant 5 : i32
          %parallel_loop3A_970 = arith.index_cast %rem3A_76 : i32 to index
          %parallel_loop3A_971 = arith.index_cast %parallel_loop3A_968 : i32 to index
          %parallel_loop3A_972 = arith.index_cast %parallel_loop3A_969 : i32 to index
          %parallel_loop3A_973 = arith.constant 48 : index
          %parallel_loop3A_974 = tpu.vector_load %arg8[%parallel_loop3A_970, %parallel_loop3A_971, %parallel_loop3A_972, %parallel_loop3A_973] {strides = array<i32>} : memref<2x16x8x128xf32, #tpu.memory_space<vmem>>, vector<16xf32>,
          %parallel_loop3A_975 = arith.mulf %parallel_loop3A_947, %parallel_loop3A_974 : vector<16xf32>
          %parallel_loop3A_976 = arith.constant 2 : i32
          %parallel_loop3A_977 = arith.muli %parallel_loop3A_976, %parallel_loop3A_463 : i32
          %parallel_loop3A_978 = arith.constant 1 : i32
          %parallel_loop3A_979 = arith.addi %parallel_loop3A_977, %parallel_loop3A_978 : i32
          %parallel_loop3A_980 = arith.constant 5 : i32
          %parallel_loop3A_981 = arith.index_cast %rem3A_109 : i32 to index
          %parallel_loop3A_982 = arith.index_cast %parallel_loop3A_979 : i32 to index
          %parallel_loop3A_983 = arith.index_cast %parallel_loop3A_980 : i32 to index
          %parallel_loop3A_984 = arith.constant 48 : index
          %parallel_loop3A_985 = tpu.vector_load %arg9[%parallel_loop3A_981, %parallel_loop3A_982, %parallel_loop3A_983, %parallel_loop3A_984] {strides = array<i32>} : memref<2x16x8x128xf32, #tpu.memory_space<vmem>>, vector<16xf32>,
          tpu.vector_store %arg9[%parallel_loop3A_981, %parallel_loop3A_982, %parallel_loop3A_983, %parallel_loop3A_984], %parallel_loop3A_975 {strides = array<i32>} : memref<2x16x8x128xf32, #tpu.memory_space<vmem>>, vector<16xf32>,
          %parallel_loop3A_986 = arith.addi %get3A_343, %parallel_loop3A_469 : vector<16xi32>
          %parallel_loop3A_987 = tpu.vector_load_idx %arg6[%parallel_loop3A_986] : memref<32768xf32, #tpu.memory_space<vmem>>[vector<16xi32>], vector<16xf32>,
          %parallel_loop3A_988 = vector.bitcast %parallel_loop3A_987 : vector<16xf32> to vector<32xbf16>
          %parallel_loop3A_989 = tpu.unpack_subelements %parallel_loop3A_988, 0 {pack_format = #tpu.pack_format<interleaved>} : vector<32xbf16> -> vector<16xf32>
          %parallel_loop3A_990 = tpu.unpack_subelements %parallel_loop3A_988, 1 {pack_format = #tpu.pack_format<interleaved>} : vector<32xbf16> -> vector<16xf32>
          %parallel_loop3A_991 = arith.constant 2 : i32
          %parallel_loop3A_992 = arith.muli %parallel_loop3A_991, %parallel_loop3A_463 : i32
          %parallel_loop3A_993 = arith.constant 5 : i32
          %parallel_loop3A_994 = arith.index_cast %rem3A_76 : i32 to index
          %parallel_loop3A_995 = arith.index_cast %parallel_loop3A_992 : i32 to index
          %parallel_loop3A_996 = arith.index_cast %parallel_loop3A_993 : i32 to index
          %parallel_loop3A_997 = arith.constant 64 : index
          %parallel_loop3A_998 = tpu.vector_load %arg8[%parallel_loop3A_994, %parallel_loop3A_995, %parallel_loop3A_996, %parallel_loop3A_997] {strides = array<i32>} : memref<2x16x8x128xf32, #tpu.memory_space<vmem>>, vector<16xf32>,
          %parallel_loop3A_999 = arith.mulf %parallel_loop3A_989, %parallel_loop3A_998 : vector<16xf32>
          %parallel_loop3A_1000 = arith.constant 2 : i32
          %parallel_loop3A_1001 = arith.muli %parallel_loop3A_1000, %parallel_loop3A_463 : i32
          %parallel_loop3A_1002 = arith.constant 5 : i32
          %parallel_loop3A_1003 = arith.index_cast %rem3A_109 : i32 to index
          %parallel_loop3A_1004 = arith.index_cast %parallel_loop3A_1001 : i32 to index
          %parallel_loop3A_1005 = arith.index_cast %parallel_loop3A_1002 : i32 to index
          %parallel_loop3A_1006 = arith.constant 64 : index
          %parallel_loop3A_1007 = tpu.vector_load %arg9[%parallel_loop3A_1003, %parallel_loop3A_1004, %parallel_loop3A_1005, %parallel_loop3A_1006] {strides = array<i32>} : memref<2x16x8x128xf32, #tpu.memory_space<vmem>>, vector<16xf32>,
          tpu.vector_store %arg9[%parallel_loop3A_1003, %parallel_loop3A_1004, %parallel_loop3A_1005, %parallel_loop3A_1006], %parallel_loop3A_999 {strides = array<i32>} : memref<2x16x8x128xf32, #tpu.memory_space<vmem>>, vector<16xf32>,
          %parallel_loop3A_1008 = arith.constant 2 : i32
          %parallel_loop3A_1009 = arith.muli %parallel_loop3A_1008, %parallel_loop3A_463 : i32
          %parallel_loop3A_1010 = arith.constant 1 : i32
          %parallel_loop3A_1011 = arith.addi %parallel_loop3A_1009, %parallel_loop3A_1010 : i32
          %parallel_loop3A_1012 = arith.constant 5 : i32
          %parallel_loop3A_1013 = arith.index_cast %rem3A_76 : i32 to index
          %parallel_loop3A_1014 = arith.index_cast %parallel_loop3A_1011 : i32 to index
          %parallel_loop3A_1015 = arith.index_cast %parallel_loop3A_1012 : i32 to index
          %parallel_loop3A_1016 = arith.constant 64 : index
          %parallel_loop3A_1017 = tpu.vector_load %arg8[%parallel_loop3A_1013, %parallel_loop3A_1014, %parallel_loop3A_1015, %parallel_loop3A_1016] {strides = array<i32>} : memref<2x16x8x128xf32, #tpu.memory_space<vmem>>, vector<16xf32>,
          %parallel_loop3A_1018 = arith.mulf %parallel_loop3A_990, %parallel_loop3A_1017 : vector<16xf32>
          %parallel_loop3A_1019 = arith.constant 2 : i32
          %parallel_loop3A_1020 = arith.muli %parallel_loop3A_1019, %parallel_loop3A_463 : i32
          %parallel_loop3A_1021 = arith.constant 1 : i32
          %parallel_loop3A_1022 = arith.addi %parallel_loop3A_1020, %parallel_loop3A_1021 : i32
          %parallel_loop3A_1023 = arith.constant 5 : i32
          %parallel_loop3A_1024 = arith.index_cast %rem3A_109 : i32 to index
          %parallel_loop3A_1025 = arith.index_cast %parallel_loop3A_1022 : i32 to index
          %parallel_loop3A_1026 = arith.index_cast %parallel_loop3A_1023 : i32 to index
          %parallel_loop3A_1027 = arith.constant 64 : index
          %parallel_loop3A_1028 = tpu.vector_load %arg9[%parallel_loop3A_1024, %parallel_loop3A_1025, %parallel_loop3A_1026, %parallel_loop3A_1027] {strides = array<i32>} : memref<2x16x8x128xf32, #tpu.memory_space<vmem>>, vector<16xf32>,
          tpu.vector_store %arg9[%parallel_loop3A_1024, %parallel_loop3A_1025, %parallel_loop3A_1026, %parallel_loop3A_1027], %parallel_loop3A_1018 {strides = array<i32>} : memref<2x16x8x128xf32, #tpu.memory_space<vmem>>, vector<16xf32>,
          %parallel_loop3A_1029 = arith.addi %get3A_348, %parallel_loop3A_469 : vector<16xi32>
          %parallel_loop3A_1030 = tpu.vector_load_idx %arg6[%parallel_loop3A_1029] : memref<32768xf32, #tpu.memory_space<vmem>>[vector<16xi32>], vector<16xf32>,
          %parallel_loop3A_1031 = vector.bitcast %parallel_loop3A_1030 : vector<16xf32> to vector<32xbf16>
          %parallel_loop3A_1032 = tpu.unpack_subelements %parallel_loop3A_1031, 0 {pack_format = #tpu.pack_format<interleaved>} : vector<32xbf16> -> vector<16xf32>
          %parallel_loop3A_1033 = tpu.unpack_subelements %parallel_loop3A_1031, 1 {pack_format = #tpu.pack_format<interleaved>} : vector<32xbf16> -> vector<16xf32>
          %parallel_loop3A_1034 = arith.constant 2 : i32
          %parallel_loop3A_1035 = arith.muli %parallel_loop3A_1034, %parallel_loop3A_463 : i32
          %parallel_loop3A_1036 = arith.constant 5 : i32
          %parallel_loop3A_1037 = arith.index_cast %rem3A_76 : i32 to index
          %parallel_loop3A_1038 = arith.index_cast %parallel_loop3A_1035 : i32 to index
          %parallel_loop3A_1039 = arith.index_cast %parallel_loop3A_1036 : i32 to index
          %parallel_loop3A_1040 = arith.constant 80 : index
          %parallel_loop3A_1041 = tpu.vector_load %arg8[%parallel_loop3A_1037, %parallel_loop3A_1038, %parallel_loop3A_1039, %parallel_loop3A_1040] {strides = array<i32>} : memref<2x16x8x128xf32, #tpu.memory_space<vmem>>, vector<16xf32>,
          %parallel_loop3A_1042 = arith.mulf %parallel_loop3A_1032, %parallel_loop3A_1041 : vector<16xf32>
          %parallel_loop3A_1043 = arith.constant 2 : i32
          %parallel_loop3A_1044 = arith.muli %parallel_loop3A_1043, %parallel_loop3A_463 : i32
          %parallel_loop3A_1045 = arith.constant 5 : i32
          %parallel_loop3A_1046 = arith.index_cast %rem3A_109 : i32 to index
          %parallel_loop3A_1047 = arith.index_cast %parallel_loop3A_1044 : i32 to index
          %parallel_loop3A_1048 = arith.index_cast %parallel_loop3A_1045 : i32 to index
          %parallel_loop3A_1049 = arith.constant 80 : index
          %parallel_loop3A_1050 = tpu.vector_load %arg9[%parallel_loop3A_1046, %parallel_loop3A_1047, %parallel_loop3A_1048, %parallel_loop3A_1049] {strides = array<i32>} : memref<2x16x8x128xf32, #tpu.memory_space<vmem>>, vector<16xf32>,
          tpu.vector_store %arg9[%parallel_loop3A_1046, %parallel_loop3A_1047, %parallel_loop3A_1048, %parallel_loop3A_1049], %parallel_loop3A_1042 {strides = array<i32>} : memref<2x16x8x128xf32, #tpu.memory_space<vmem>>, vector<16xf32>,
          %parallel_loop3A_1051 = arith.constant 2 : i32
          %parallel_loop3A_1052 = arith.muli %parallel_loop3A_1051, %parallel_loop3A_463 : i32
          %parallel_loop3A_1053 = arith.constant 1 : i32
          %parallel_loop3A_1054 = arith.addi %parallel_loop3A_1052, %parallel_loop3A_1053 : i32
          %parallel_loop3A_1055 = arith.constant 5 : i32
          %parallel_loop3A_1056 = arith.index_cast %rem3A_76 : i32 to index
          %parallel_loop3A_1057 = arith.index_cast %parallel_loop3A_1054 : i32 to index
          %parallel_loop3A_1058 = arith.index_cast %parallel_loop3A_1055 : i32 to index
          %parallel_loop3A_1059 = arith.constant 80 : index
          %parallel_loop3A_1060 = tpu.vector_load %arg8[%parallel_loop3A_1056, %parallel_loop3A_1057, %parallel_loop3A_1058, %parallel_loop3A_1059] {strides = array<i32>} : memref<2x16x8x128xf32, #tpu.memory_space<vmem>>, vector<16xf32>,
          %parallel_loop3A_1061 = arith.mulf %parallel_loop3A_1033, %parallel_loop3A_1060 : vector<16xf32>
          %parallel_loop3A_1062 = arith.constant 2 : i32
          %parallel_loop3A_1063 = arith.muli %parallel_loop3A_1062, %parallel_loop3A_463 : i32
          %parallel_loop3A_1064 = arith.constant 1 : i32
          %parallel_loop3A_1065 = arith.addi %parallel_loop3A_1063, %parallel_loop3A_1064 : i32
          %parallel_loop3A_1066 = arith.constant 5 : i32
          %parallel_loop3A_1067 = arith.index_cast %rem3A_109 : i32 to index
          %parallel_loop3A_1068 = arith.index_cast %parallel_loop3A_1065 : i32 to index
          %parallel_loop3A_1069 = arith.index_cast %parallel_loop3A_1066 : i32 to index
          %parallel_loop3A_1070 = arith.constant 80 : index
          %parallel_loop3A_1071 = tpu.vector_load %arg9[%parallel_loop3A_1067, %parallel_loop3A_1068, %parallel_loop3A_1069, %parallel_loop3A_1070] {strides = array<i32>} : memref<2x16x8x128xf32, #tpu.memory_space<vmem>>, vector<16xf32>,
          tpu.vector_store %arg9[%parallel_loop3A_1067, %parallel_loop3A_1068, %parallel_loop3A_1069, %parallel_loop3A_1070], %parallel_loop3A_1061 {strides = array<i32>} : memref<2x16x8x128xf32, #tpu.memory_space<vmem>>, vector<16xf32>,
          %parallel_loop3A_1072 = arith.addi %get3A_353, %parallel_loop3A_469 : vector<16xi32>
          %parallel_loop3A_1073 = tpu.vector_load_idx %arg6[%parallel_loop3A_1072] : memref<32768xf32, #tpu.memory_space<vmem>>[vector<16xi32>], vector<16xf32>,
          %parallel_loop3A_1074 = vector.bitcast %parallel_loop3A_1073 : vector<16xf32> to vector<32xbf16>
          %parallel_loop3A_1075 = tpu.unpack_subelements %parallel_loop3A_1074, 0 {pack_format = #tpu.pack_format<interleaved>} : vector<32xbf16> -> vector<16xf32>
          %parallel_loop3A_1076 = tpu.unpack_subelements %parallel_loop3A_1074, 1 {pack_format = #tpu.pack_format<interleaved>} : vector<32xbf16> -> vector<16xf32>
          %parallel_loop3A_1077 = arith.constant 2 : i32
          %parallel_loop3A_1078 = arith.muli %parallel_loop3A_1077, %parallel_loop3A_463 : i32
          %parallel_loop3A_1079 = arith.constant 5 : i32
          %parallel_loop3A_1080 = arith.index_cast %rem3A_76 : i32 to index
          %parallel_loop3A_1081 = arith.index_cast %parallel_loop3A_1078 : i32 to index
          %parallel_loop3A_1082 = arith.index_cast %parallel_loop3A_1079 : i32 to index
          %parallel_loop3A_1083 = arith.constant 96 : index
          %parallel_loop3A_1084 = tpu.vector_load %arg8[%parallel_loop3A_1080, %parallel_loop3A_1081, %parallel_loop3A_1082, %parallel_loop3A_1083] {strides = array<i32>} : memref<2x16x8x128xf32, #tpu.memory_space<vmem>>, vector<16xf32>,
          %parallel_loop3A_1085 = arith.mulf %parallel_loop3A_1075, %parallel_loop3A_1084 : vector<16xf32>
          %parallel_loop3A_1086 = arith.constant 2 : i32
          %parallel_loop3A_1087 = arith.muli %parallel_loop3A_1086, %parallel_loop3A_463 : i32
          %parallel_loop3A_1088 = arith.constant 5 : i32
          %parallel_loop3A_1089 = arith.index_cast %rem3A_109 : i32 to index
          %parallel_loop3A_1090 = arith.index_cast %parallel_loop3A_1087 : i32 to index
          %parallel_loop3A_1091 = arith.index_cast %parallel_loop3A_1088 : i32 to index
          %parallel_loop3A_1092 = arith.constant 96 : index
          %parallel_loop3A_1093 = tpu.vector_load %arg9[%parallel_loop3A_1089, %parallel_loop3A_1090, %parallel_loop3A_1091, %parallel_loop3A_1092] {strides = array<i32>} : memref<2x16x8x128xf32, #tpu.memory_space<vmem>>, vector<16xf32>,
          tpu.vector_store %arg9[%parallel_loop3A_1089, %parallel_loop3A_1090, %parallel_loop3A_1091, %parallel_loop3A_1092], %parallel_loop3A_1085 {strides = array<i32>} : memref<2x16x8x128xf32, #tpu.memory_space<vmem>>, vector<16xf32>,
          %parallel_loop3A_1094 = arith.constant 2 : i32
          %parallel_loop3A_1095 = arith.muli %parallel_loop3A_1094, %parallel_loop3A_463 : i32
          %parallel_loop3A_1096 = arith.constant 1 : i32
          %parallel_loop3A_1097 = arith.addi %parallel_loop3A_1095, %parallel_loop3A_1096 : i32
          %parallel_loop3A_1098 = arith.constant 5 : i32
          %parallel_loop3A_1099 = arith.index_cast %rem3A_76 : i32 to index
          %parallel_loop3A_1100 = arith.index_cast %parallel_loop3A_1097 : i32 to index
          %parallel_loop3A_1101 = arith.index_cast %parallel_loop3A_1098 : i32 to index
          %parallel_loop3A_1102 = arith.constant 96 : index
          %parallel_loop3A_1103 = tpu.vector_load %arg8[%parallel_loop3A_1099, %parallel_loop3A_1100, %parallel_loop3A_1101, %parallel_loop3A_1102] {strides = array<i32>} : memref<2x16x8x128xf32, #tpu.memory_space<vmem>>, vector<16xf32>,
          %parallel_loop3A_1104 = arith.mulf %parallel_loop3A_1076, %parallel_loop3A_1103 : vector<16xf32>
          %parallel_loop3A_1105 = arith.constant 2 : i32
          %parallel_loop3A_1106 = arith.muli %parallel_loop3A_1105, %parallel_loop3A_463 : i32
          %parallel_loop3A_1107 = arith.constant 1 : i32
          %parallel_loop3A_1108 = arith.addi %parallel_loop3A_1106, %parallel_loop3A_1107 : i32
          %parallel_loop3A_1109 = arith.constant 5 : i32
          %parallel_loop3A_1110 = arith.index_cast %rem3A_109 : i32 to index
          %parallel_loop3A_1111 = arith.index_cast %parallel_loop3A_1108 : i32 to index
          %parallel_loop3A_1112 = arith.index_cast %parallel_loop3A_1109 : i32 to index
          %parallel_loop3A_1113 = arith.constant 96 : index
          %parallel_loop3A_1114 = tpu.vector_load %arg9[%parallel_loop3A_1110, %parallel_loop3A_1111, %parallel_loop3A_1112, %parallel_loop3A_1113] {strides = array<i32>} : memref<2x16x8x128xf32, #tpu.memory_space<vmem>>, vector<16xf32>,
          tpu.vector_store %arg9[%parallel_loop3A_1110, %parallel_loop3A_1111, %parallel_loop3A_1112, %parallel_loop3A_1113], %parallel_loop3A_1104 {strides = array<i32>} : memref<2x16x8x128xf32, #tpu.memory_space<vmem>>, vector<16xf32>,
          %parallel_loop3A_1115 = arith.addi %get3A_358, %parallel_loop3A_469 : vector<16xi32>
          %parallel_loop3A_1116 = tpu.vector_load_idx %arg6[%parallel_loop3A_1115] : memref<32768xf32, #tpu.memory_space<vmem>>[vector<16xi32>], vector<16xf32>,
          %parallel_loop3A_1117 = vector.bitcast %parallel_loop3A_1116 : vector<16xf32> to vector<32xbf16>
          %parallel_loop3A_1118 = tpu.unpack_subelements %parallel_loop3A_1117, 0 {pack_format = #tpu.pack_format<interleaved>} : vector<32xbf16> -> vector<16xf32>
          %parallel_loop3A_1119 = tpu.unpack_subelements %parallel_loop3A_1117, 1 {pack_format = #tpu.pack_format<interleaved>} : vector<32xbf16> -> vector<16xf32>
          %parallel_loop3A_1120 = arith.constant 2 : i32
          %parallel_loop3A_1121 = arith.muli %parallel_loop3A_1120, %parallel_loop3A_463 : i32
          %parallel_loop3A_1122 = arith.constant 5 : i32
          %parallel_loop3A_1123 = arith.index_cast %rem3A_76 : i32 to index
          %parallel_loop3A_1124 = arith.index_cast %parallel_loop3A_1121 : i32 to index
          %parallel_loop3A_1125 = arith.index_cast %parallel_loop3A_1122 : i32 to index
          %parallel_loop3A_1126 = arith.constant 112 : index
          %parallel_loop3A_1127 = tpu.vector_load %arg8[%parallel_loop3A_1123, %parallel_loop3A_1124, %parallel_loop3A_1125, %parallel_loop3A_1126] {strides = array<i32>} : memref<2x16x8x128xf32, #tpu.memory_space<vmem>>, vector<16xf32>,
          %parallel_loop3A_1128 = arith.mulf %parallel_loop3A_1118, %parallel_loop3A_1127 : vector<16xf32>
          %parallel_loop3A_1129 = arith.constant 2 : i32
          %parallel_loop3A_1130 = arith.muli %parallel_loop3A_1129, %parallel_loop3A_463 : i32
          %parallel_loop3A_1131 = arith.constant 5 : i32
          %parallel_loop3A_1132 = arith.index_cast %rem3A_109 : i32 to index
          %parallel_loop3A_1133 = arith.index_cast %parallel_loop3A_1130 : i32 to index
          %parallel_loop3A_1134 = arith.index_cast %parallel_loop3A_1131 : i32 to index
          %parallel_loop3A_1135 = arith.constant 112 : index
          %parallel_loop3A_1136 = tpu.vector_load %arg9[%parallel_loop3A_1132, %parallel_loop3A_1133, %parallel_loop3A_1134, %parallel_loop3A_1135] {strides = array<i32>} : memref<2x16x8x128xf32, #tpu.memory_space<vmem>>, vector<16xf32>,
          tpu.vector_store %arg9[%parallel_loop3A_1132, %parallel_loop3A_1133, %parallel_loop3A_1134, %parallel_loop3A_1135], %parallel_loop3A_1128 {strides = array<i32>} : memref<2x16x8x128xf32, #tpu.memory_space<vmem>>, vector<16xf32>,
          %parallel_loop3A_1137 = arith.constant 2 : i32
          %parallel_loop3A_1138 = arith.muli %parallel_loop3A_1137, %parallel_loop3A_463 : i32
          %parallel_loop3A_1139 = arith.constant 1 : i32
          %parallel_loop3A_1140 = arith.addi %parallel_loop3A_1138, %parallel_loop3A_1139 : i32
          %parallel_loop3A_1141 = arith.constant 5 : i32
          %parallel_loop3A_1142 = arith.index_cast %rem3A_76 : i32 to index
          %parallel_loop3A_1143 = arith.index_cast %parallel_loop3A_1140 : i32 to index
          %parallel_loop3A_1144 = arith.index_cast %parallel_loop3A_1141 : i32 to index
          %parallel_loop3A_1145 = arith.constant 112 : index
          %parallel_loop3A_1146 = tpu.vector_load %arg8[%parallel_loop3A_1142, %parallel_loop3A_1143, %parallel_loop3A_1144, %parallel_loop3A_1145] {strides = array<i32>} : memref<2x16x8x128xf32, #tpu.memory_space<vmem>>, vector<16xf32>,
          %parallel_loop3A_1147 = arith.mulf %parallel_loop3A_1119, %parallel_loop3A_1146 : vector<16xf32>
          %parallel_loop3A_1148 = arith.constant 2 : i32
          %parallel_loop3A_1149 = arith.muli %parallel_loop3A_1148, %parallel_loop3A_463 : i32
          %parallel_loop3A_1150 = arith.constant 1 : i32
          %parallel_loop3A_1151 = arith.addi %parallel_loop3A_1149, %parallel_loop3A_1150 : i32
          %parallel_loop3A_1152 = arith.constant 5 : i32
          %parallel_loop3A_1153 = arith.index_cast %rem3A_109 : i32 to index
          %parallel_loop3A_1154 = arith.index_cast %parallel_loop3A_1151 : i32 to index
          %parallel_loop3A_1155 = arith.index_cast %parallel_loop3A_1152 : i32 to index
          %parallel_loop3A_1156 = arith.constant 112 : index
          %parallel_loop3A_1157 = tpu.vector_load %arg9[%parallel_loop3A_1153, %parallel_loop3A_1154, %parallel_loop3A_1155, %parallel_loop3A_1156] {strides = array<i32>} : memref<2x16x8x128xf32, #tpu.memory_space<vmem>>, vector<16xf32>,
          tpu.vector_store %arg9[%parallel_loop3A_1153, %parallel_loop3A_1154, %parallel_loop3A_1155, %parallel_loop3A_1156], %parallel_loop3A_1147 {strides = array<i32>} : memref<2x16x8x128xf32, #tpu.memory_space<vmem>>, vector<16xf32>,
        } {sc.loop_unroll_factor = 4 : i64, sc.parallel_access}
        %get3A_362 = arith.constant 6 : i32
        %get3A_363 = arith.index_cast %scan3A_106 : i32 to index
        %get3A_364 = arith.index_cast %get3A_362 : i32 to index
        %get3A_365 = arith.constant 0 : index
        %get3A_366 = tpu.vector_load %arg7[%get3A_363, %get3A_364, %get3A_365] {strides = array<i32>} : memref<8x8x128xi32, #tpu.memory_space<vmem>>, vector<16xi32>,
        %get3A_367 = arith.constant 6 : i32
        %get3A_368 = arith.index_cast %scan3A_106 : i32 to index
        %get3A_369 = arith.index_cast %get3A_367 : i32 to index
        %get3A_370 = arith.constant 16 : index
        %get3A_371 = tpu.vector_load %arg7[%get3A_368, %get3A_369, %get3A_370] {strides = array<i32>} : memref<8x8x128xi32, #tpu.memory_space<vmem>>, vector<16xi32>,
        %get3A_372 = arith.constant 6 : i32
        %get3A_373 = arith.index_cast %scan3A_106 : i32 to index
        %get3A_374 = arith.index_cast %get3A_372 : i32 to index
        %get3A_375 = arith.constant 32 : index
        %get3A_376 = tpu.vector_load %arg7[%get3A_373, %get3A_374, %get3A_375] {strides = array<i32>} : memref<8x8x128xi32, #tpu.memory_space<vmem>>, vector<16xi32>,
        %get3A_377 = arith.constant 6 : i32
        %get3A_378 = arith.index_cast %scan3A_106 : i32 to index
        %get3A_379 = arith.index_cast %get3A_377 : i32 to index
        %get3A_380 = arith.constant 48 : index
        %get3A_381 = tpu.vector_load %arg7[%get3A_378, %get3A_379, %get3A_380] {strides = array<i32>} : memref<8x8x128xi32, #tpu.memory_space<vmem>>, vector<16xi32>,
        %get3A_382 = arith.constant 6 : i32
        %get3A_383 = arith.index_cast %scan3A_106 : i32 to index
        %get3A_384 = arith.index_cast %get3A_382 : i32 to index
        %get3A_385 = arith.constant 64 : index
        %get3A_386 = tpu.vector_load %arg7[%get3A_383, %get3A_384, %get3A_385] {strides = array<i32>} : memref<8x8x128xi32, #tpu.memory_space<vmem>>, vector<16xi32>,
        %get3A_387 = arith.constant 6 : i32
        %get3A_388 = arith.index_cast %scan3A_106 : i32 to index
        %get3A_389 = arith.index_cast %get3A_387 : i32 to index
        %get3A_390 = arith.constant 80 : index
        %get3A_391 = tpu.vector_load %arg7[%get3A_388, %get3A_389, %get3A_390] {strides = array<i32>} : memref<8x8x128xi32, #tpu.memory_space<vmem>>, vector<16xi32>,
        %get3A_392 = arith.constant 6 : i32
        %get3A_393 = arith.index_cast %scan3A_106 : i32 to index
        %get3A_394 = arith.index_cast %get3A_392 : i32 to index
        %get3A_395 = arith.constant 96 : index
        %get3A_396 = tpu.vector_load %arg7[%get3A_393, %get3A_394, %get3A_395] {strides = array<i32>} : memref<8x8x128xi32, #tpu.memory_space<vmem>>, vector<16xi32>,
        %get3A_397 = arith.constant 6 : i32
        %get3A_398 = arith.index_cast %scan3A_106 : i32 to index
        %get3A_399 = arith.index_cast %get3A_397 : i32 to index
        %get3A_400 = arith.constant 112 : index
        %get3A_401 = tpu.vector_load %arg7[%get3A_398, %get3A_399, %get3A_400] {strides = array<i32>} : memref<8x8x128xi32, #tpu.memory_space<vmem>>, vector<16xi32>,
        %get3A_402 = arith.constant 7 : i32
        %get3A_403 = arith.index_cast %scan3A_106 : i32 to index
        %get3A_404 = arith.index_cast %get3A_402 : i32 to index
        %get3A_405 = arith.constant 0 : index
        %get3A_406 = tpu.vector_load %arg7[%get3A_403, %get3A_404, %get3A_405] {strides = array<i32>} : memref<8x8x128xi32, #tpu.memory_space<vmem>>, vector<16xi32>,
        %get3A_407 = arith.constant 7 : i32
        %get3A_408 = arith.index_cast %scan3A_106 : i32 to index
        %get3A_409 = arith.index_cast %get3A_407 : i32 to index
        %get3A_410 = arith.constant 16 : index
        %get3A_411 = tpu.vector_load %arg7[%get3A_408, %get3A_409, %get3A_410] {strides = array<i32>} : memref<8x8x128xi32, #tpu.memory_space<vmem>>, vector<16xi32>,
        %get3A_412 = arith.constant 7 : i32
        %get3A_413 = arith.index_cast %scan3A_106 : i32 to index
        %get3A_414 = arith.index_cast %get3A_412 : i32 to index
        %get3A_415 = arith.constant 32 : index
        %get3A_416 = tpu.vector_load %arg7[%get3A_413, %get3A_414, %get3A_415] {strides = array<i32>} : memref<8x8x128xi32, #tpu.memory_space<vmem>>, vector<16xi32>,
        %get3A_417 = arith.constant 7 : i32
        %get3A_418 = arith.index_cast %scan3A_106 : i32 to index
        %get3A_419 = arith.index_cast %get3A_417 : i32 to index
        %get3A_420 = arith.constant 48 : index
        %get3A_421 = tpu.vector_load %arg7[%get3A_418, %get3A_419, %get3A_420] {strides = array<i32>} : memref<8x8x128xi32, #tpu.memory_space<vmem>>, vector<16xi32>,
        %get3A_422 = arith.constant 7 : i32
        %get3A_423 = arith.index_cast %scan3A_106 : i32 to index
        %get3A_424 = arith.index_cast %get3A_422 : i32 to index
        %get3A_425 = arith.constant 64 : index
        %get3A_426 = tpu.vector_load %arg7[%get3A_423, %get3A_424, %get3A_425] {strides = array<i32>} : memref<8x8x128xi32, #tpu.memory_space<vmem>>, vector<16xi32>,
        %get3A_427 = arith.constant 7 : i32
        %get3A_428 = arith.index_cast %scan3A_106 : i32 to index
        %get3A_429 = arith.index_cast %get3A_427 : i32 to index
        %get3A_430 = arith.constant 80 : index
        %get3A_431 = tpu.vector_load %arg7[%get3A_428, %get3A_429, %get3A_430] {strides = array<i32>} : memref<8x8x128xi32, #tpu.memory_space<vmem>>, vector<16xi32>,
        %get3A_432 = arith.constant 7 : i32
        %get3A_433 = arith.index_cast %scan3A_106 : i32 to index
        %get3A_434 = arith.index_cast %get3A_432 : i32 to index
        %get3A_435 = arith.constant 96 : index
        %get3A_436 = tpu.vector_load %arg7[%get3A_433, %get3A_434, %get3A_435] {strides = array<i32>} : memref<8x8x128xi32, #tpu.memory_space<vmem>>, vector<16xi32>,
        %get3A_437 = arith.constant 7 : i32
        %get3A_438 = arith.index_cast %scan3A_106 : i32 to index
        %get3A_439 = arith.index_cast %get3A_437 : i32 to index
        %get3A_440 = arith.constant 112 : index
        %get3A_441 = tpu.vector_load %arg7[%get3A_438, %get3A_439, %get3A_440] {strides = array<i32>} : memref<8x8x128xi32, #tpu.memory_space<vmem>>, vector<16xi32>,
        %parallel_loop3A_442 = arith.constant 0 : i32
        %parallel_loop3A_443 = arith.constant 8 : i32
        %parallel_loop3A_444 = arith.constant 1 : i32
        scf.for %parallel_loop3A_463 = %parallel_loop3A_442 to %parallel_loop3A_443 step %parallel_loop3A_444  : i32 {
          %parallel_loop3A_464 = arith.constant 8 : i32
          %parallel_loop3A_465 = arith.muli %scan3A_71, %parallel_loop3A_464 : i32
          %parallel_loop3A_466 = arith.addi %parallel_loop3A_465, %parallel_loop3A_463 : i32
          %parallel_loop3A_467 = arith.constant 1024 : i32
          %parallel_loop3A_468 = arith.muli %parallel_loop3A_466, %parallel_loop3A_467 : i32
          %parallel_loop3A_469 = vector.broadcast %parallel_loop3A_468 : i32 to vector<16xi32>
          %parallel_loop3A_470 = arith.addi %get3A_366, %parallel_loop3A_469 : vector<16xi32>
          %parallel_loop3A_471 = tpu.vector_load_idx %arg6[%parallel_loop3A_470] : memref<32768xf32, #tpu.memory_space<vmem>>[vector<16xi32>], vector<16xf32>,
          %parallel_loop3A_472 = vector.bitcast %parallel_loop3A_471 : vector<16xf32> to vector<32xbf16>
          %parallel_loop3A_473 = tpu.unpack_subelements %parallel_loop3A_472, 0 {pack_format = #tpu.pack_format<interleaved>} : vector<32xbf16> -> vector<16xf32>
          %parallel_loop3A_474 = tpu.unpack_subelements %parallel_loop3A_472, 1 {pack_format = #tpu.pack_format<interleaved>} : vector<32xbf16> -> vector<16xf32>
          %parallel_loop3A_475 = arith.constant 2 : i32
          %parallel_loop3A_476 = arith.muli %parallel_loop3A_475, %parallel_loop3A_463 : i32
          %parallel_loop3A_477 = arith.constant 6 : i32
          %parallel_loop3A_478 = arith.index_cast %rem3A_76 : i32 to index
          %parallel_loop3A_479 = arith.index_cast %parallel_loop3A_476 : i32 to index
          %parallel_loop3A_480 = arith.index_cast %parallel_loop3A_477 : i32 to index
          %parallel_loop3A_481 = arith.constant 0 : index
          %parallel_loop3A_482 = tpu.vector_load %arg8[%parallel_loop3A_478, %parallel_loop3A_479, %parallel_loop3A_480, %parallel_loop3A_481] {strides = array<i32>} : memref<2x16x8x128xf32, #tpu.memory_space<vmem>>, vector<16xf32>,
          %parallel_loop3A_483 = arith.mulf %parallel_loop3A_473, %parallel_loop3A_482 : vector<16xf32>
          %parallel_loop3A_484 = arith.constant 2 : i32
          %parallel_loop3A_485 = arith.muli %parallel_loop3A_484, %parallel_loop3A_463 : i32
          %parallel_loop3A_486 = arith.constant 6 : i32
          %parallel_loop3A_487 = arith.index_cast %rem3A_109 : i32 to index
          %parallel_loop3A_488 = arith.index_cast %parallel_loop3A_485 : i32 to index
          %parallel_loop3A_489 = arith.index_cast %parallel_loop3A_486 : i32 to index
          %parallel_loop3A_490 = arith.constant 0 : index
          %parallel_loop3A_491 = tpu.vector_load %arg9[%parallel_loop3A_487, %parallel_loop3A_488, %parallel_loop3A_489, %parallel_loop3A_490] {strides = array<i32>} : memref<2x16x8x128xf32, #tpu.memory_space<vmem>>, vector<16xf32>,
          tpu.vector_store %arg9[%parallel_loop3A_487, %parallel_loop3A_488, %parallel_loop3A_489, %parallel_loop3A_490], %parallel_loop3A_483 {strides = array<i32>} : memref<2x16x8x128xf32, #tpu.memory_space<vmem>>, vector<16xf32>,
          %parallel_loop3A_492 = arith.constant 2 : i32
          %parallel_loop3A_493 = arith.muli %parallel_loop3A_492, %parallel_loop3A_463 : i32
          %parallel_loop3A_494 = arith.constant 1 : i32
          %parallel_loop3A_495 = arith.addi %parallel_loop3A_493, %parallel_loop3A_494 : i32
          %parallel_loop3A_496 = arith.constant 6 : i32
          %parallel_loop3A_497 = arith.index_cast %rem3A_76 : i32 to index
          %parallel_loop3A_498 = arith.index_cast %parallel_loop3A_495 : i32 to index
          %parallel_loop3A_499 = arith.index_cast %parallel_loop3A_496 : i32 to index
          %parallel_loop3A_500 = arith.constant 0 : index
          %parallel_loop3A_501 = tpu.vector_load %arg8[%parallel_loop3A_497, %parallel_loop3A_498, %parallel_loop3A_499, %parallel_loop3A_500] {strides = array<i32>} : memref<2x16x8x128xf32, #tpu.memory_space<vmem>>, vector<16xf32>,
          %parallel_loop3A_502 = arith.mulf %parallel_loop3A_474, %parallel_loop3A_501 : vector<16xf32>
          %parallel_loop3A_503 = arith.constant 2 : i32
          %parallel_loop3A_504 = arith.muli %parallel_loop3A_503, %parallel_loop3A_463 : i32
          %parallel_loop3A_505 = arith.constant 1 : i32
          %parallel_loop3A_506 = arith.addi %parallel_loop3A_504, %parallel_loop3A_505 : i32
          %parallel_loop3A_507 = arith.constant 6 : i32
          %parallel_loop3A_508 = arith.index_cast %rem3A_109 : i32 to index
          %parallel_loop3A_509 = arith.index_cast %parallel_loop3A_506 : i32 to index
          %parallel_loop3A_510 = arith.index_cast %parallel_loop3A_507 : i32 to index
          %parallel_loop3A_511 = arith.constant 0 : index
          %parallel_loop3A_512 = tpu.vector_load %arg9[%parallel_loop3A_508, %parallel_loop3A_509, %parallel_loop3A_510, %parallel_loop3A_511] {strides = array<i32>} : memref<2x16x8x128xf32, #tpu.memory_space<vmem>>, vector<16xf32>,
          tpu.vector_store %arg9[%parallel_loop3A_508, %parallel_loop3A_509, %parallel_loop3A_510, %parallel_loop3A_511], %parallel_loop3A_502 {strides = array<i32>} : memref<2x16x8x128xf32, #tpu.memory_space<vmem>>, vector<16xf32>,
          %parallel_loop3A_513 = arith.addi %get3A_371, %parallel_loop3A_469 : vector<16xi32>
          %parallel_loop3A_514 = tpu.vector_load_idx %arg6[%parallel_loop3A_513] : memref<32768xf32, #tpu.memory_space<vmem>>[vector<16xi32>], vector<16xf32>,
          %parallel_loop3A_515 = vector.bitcast %parallel_loop3A_514 : vector<16xf32> to vector<32xbf16>
          %parallel_loop3A_516 = tpu.unpack_subelements %parallel_loop3A_515, 0 {pack_format = #tpu.pack_format<interleaved>} : vector<32xbf16> -> vector<16xf32>
          %parallel_loop3A_517 = tpu.unpack_subelements %parallel_loop3A_515, 1 {pack_format = #tpu.pack_format<interleaved>} : vector<32xbf16> -> vector<16xf32>
          %parallel_loop3A_518 = arith.constant 2 : i32
          %parallel_loop3A_519 = arith.muli %parallel_loop3A_518, %parallel_loop3A_463 : i32
          %parallel_loop3A_520 = arith.constant 6 : i32
          %parallel_loop3A_521 = arith.index_cast %rem3A_76 : i32 to index
          %parallel_loop3A_522 = arith.index_cast %parallel_loop3A_519 : i32 to index
          %parallel_loop3A_523 = arith.index_cast %parallel_loop3A_520 : i32 to index
          %parallel_loop3A_524 = arith.constant 16 : index
          %parallel_loop3A_525 = tpu.vector_load %arg8[%parallel_loop3A_521, %parallel_loop3A_522, %parallel_loop3A_523, %parallel_loop3A_524] {strides = array<i32>} : memref<2x16x8x128xf32, #tpu.memory_space<vmem>>, vector<16xf32>,
          %parallel_loop3A_526 = arith.mulf %parallel_loop3A_516, %parallel_loop3A_525 : vector<16xf32>
          %parallel_loop3A_527 = arith.constant 2 : i32
          %parallel_loop3A_528 = arith.muli %parallel_loop3A_527, %parallel_loop3A_463 : i32
          %parallel_loop3A_529 = arith.constant 6 : i32
          %parallel_loop3A_530 = arith.index_cast %rem3A_109 : i32 to index
          %parallel_loop3A_531 = arith.index_cast %parallel_loop3A_528 : i32 to index
          %parallel_loop3A_532 = arith.index_cast %parallel_loop3A_529 : i32 to index
          %parallel_loop3A_533 = arith.constant 16 : index
          %parallel_loop3A_534 = tpu.vector_load %arg9[%parallel_loop3A_530, %parallel_loop3A_531, %parallel_loop3A_532, %parallel_loop3A_533] {strides = array<i32>} : memref<2x16x8x128xf32, #tpu.memory_space<vmem>>, vector<16xf32>,
          tpu.vector_store %arg9[%parallel_loop3A_530, %parallel_loop3A_531, %parallel_loop3A_532, %parallel_loop3A_533], %parallel_loop3A_526 {strides = array<i32>} : memref<2x16x8x128xf32, #tpu.memory_space<vmem>>, vector<16xf32>,
          %parallel_loop3A_535 = arith.constant 2 : i32
          %parallel_loop3A_536 = arith.muli %parallel_loop3A_535, %parallel_loop3A_463 : i32
          %parallel_loop3A_537 = arith.constant 1 : i32
          %parallel_loop3A_538 = arith.addi %parallel_loop3A_536, %parallel_loop3A_537 : i32
          %parallel_loop3A_539 = arith.constant 6 : i32
          %parallel_loop3A_540 = arith.index_cast %rem3A_76 : i32 to index
          %parallel_loop3A_541 = arith.index_cast %parallel_loop3A_538 : i32 to index
          %parallel_loop3A_542 = arith.index_cast %parallel_loop3A_539 : i32 to index
          %parallel_loop3A_543 = arith.constant 16 : index
          %parallel_loop3A_544 = tpu.vector_load %arg8[%parallel_loop3A_540, %parallel_loop3A_541, %parallel_loop3A_542, %parallel_loop3A_543] {strides = array<i32>} : memref<2x16x8x128xf32, #tpu.memory_space<vmem>>, vector<16xf32>,
          %parallel_loop3A_545 = arith.mulf %parallel_loop3A_517, %parallel_loop3A_544 : vector<16xf32>
          %parallel_loop3A_546 = arith.constant 2 : i32
          %parallel_loop3A_547 = arith.muli %parallel_loop3A_546, %parallel_loop3A_463 : i32
          %parallel_loop3A_548 = arith.constant 1 : i32
          %parallel_loop3A_549 = arith.addi %parallel_loop3A_547, %parallel_loop3A_548 : i32
          %parallel_loop3A_550 = arith.constant 6 : i32
          %parallel_loop3A_551 = arith.index_cast %rem3A_109 : i32 to index
          %parallel_loop3A_552 = arith.index_cast %parallel_loop3A_549 : i32 to index
          %parallel_loop3A_553 = arith.index_cast %parallel_loop3A_550 : i32 to index
          %parallel_loop3A_554 = arith.constant 16 : index
          %parallel_loop3A_555 = tpu.vector_load %arg9[%parallel_loop3A_551, %parallel_loop3A_552, %parallel_loop3A_553, %parallel_loop3A_554] {strides = array<i32>} : memref<2x16x8x128xf32, #tpu.memory_space<vmem>>, vector<16xf32>,
          tpu.vector_store %arg9[%parallel_loop3A_551, %parallel_loop3A_552, %parallel_loop3A_553, %parallel_loop3A_554], %parallel_loop3A_545 {strides = array<i32>} : memref<2x16x8x128xf32, #tpu.memory_space<vmem>>, vector<16xf32>,
          %parallel_loop3A_556 = arith.addi %get3A_376, %parallel_loop3A_469 : vector<16xi32>
          %parallel_loop3A_557 = tpu.vector_load_idx %arg6[%parallel_loop3A_556] : memref<32768xf32, #tpu.memory_space<vmem>>[vector<16xi32>], vector<16xf32>,
          %parallel_loop3A_558 = vector.bitcast %parallel_loop3A_557 : vector<16xf32> to vector<32xbf16>
          %parallel_loop3A_559 = tpu.unpack_subelements %parallel_loop3A_558, 0 {pack_format = #tpu.pack_format<interleaved>} : vector<32xbf16> -> vector<16xf32>
          %parallel_loop3A_560 = tpu.unpack_subelements %parallel_loop3A_558, 1 {pack_format = #tpu.pack_format<interleaved>} : vector<32xbf16> -> vector<16xf32>
          %parallel_loop3A_561 = arith.constant 2 : i32
          %parallel_loop3A_562 = arith.muli %parallel_loop3A_561, %parallel_loop3A_463 : i32
          %parallel_loop3A_563 = arith.constant 6 : i32
          %parallel_loop3A_564 = arith.index_cast %rem3A_76 : i32 to index
          %parallel_loop3A_565 = arith.index_cast %parallel_loop3A_562 : i32 to index
          %parallel_loop3A_566 = arith.index_cast %parallel_loop3A_563 : i32 to index
          %parallel_loop3A_567 = arith.constant 32 : index
          %parallel_loop3A_568 = tpu.vector_load %arg8[%parallel_loop3A_564, %parallel_loop3A_565, %parallel_loop3A_566, %parallel_loop3A_567] {strides = array<i32>} : memref<2x16x8x128xf32, #tpu.memory_space<vmem>>, vector<16xf32>,
          %parallel_loop3A_569 = arith.mulf %parallel_loop3A_559, %parallel_loop3A_568 : vector<16xf32>
          %parallel_loop3A_570 = arith.constant 2 : i32
          %parallel_loop3A_571 = arith.muli %parallel_loop3A_570, %parallel_loop3A_463 : i32
          %parallel_loop3A_572 = arith.constant 6 : i32
          %parallel_loop3A_573 = arith.index_cast %rem3A_109 : i32 to index
          %parallel_loop3A_574 = arith.index_cast %parallel_loop3A_571 : i32 to index
          %parallel_loop3A_575 = arith.index_cast %parallel_loop3A_572 : i32 to index
          %parallel_loop3A_576 = arith.constant 32 : index
          %parallel_loop3A_577 = tpu.vector_load %arg9[%parallel_loop3A_573, %parallel_loop3A_574, %parallel_loop3A_575, %parallel_loop3A_576] {strides = array<i32>} : memref<2x16x8x128xf32, #tpu.memory_space<vmem>>, vector<16xf32>,
          tpu.vector_store %arg9[%parallel_loop3A_573, %parallel_loop3A_574, %parallel_loop3A_575, %parallel_loop3A_576], %parallel_loop3A_569 {strides = array<i32>} : memref<2x16x8x128xf32, #tpu.memory_space<vmem>>, vector<16xf32>,
          %parallel_loop3A_578 = arith.constant 2 : i32
          %parallel_loop3A_579 = arith.muli %parallel_loop3A_578, %parallel_loop3A_463 : i32
          %parallel_loop3A_580 = arith.constant 1 : i32
          %parallel_loop3A_581 = arith.addi %parallel_loop3A_579, %parallel_loop3A_580 : i32
          %parallel_loop3A_582 = arith.constant 6 : i32
          %parallel_loop3A_583 = arith.index_cast %rem3A_76 : i32 to index
          %parallel_loop3A_584 = arith.index_cast %parallel_loop3A_581 : i32 to index
          %parallel_loop3A_585 = arith.index_cast %parallel_loop3A_582 : i32 to index
          %parallel_loop3A_586 = arith.constant 32 : index
          %parallel_loop3A_587 = tpu.vector_load %arg8[%parallel_loop3A_583, %parallel_loop3A_584, %parallel_loop3A_585, %parallel_loop3A_586] {strides = array<i32>} : memref<2x16x8x128xf32, #tpu.memory_space<vmem>>, vector<16xf32>,
          %parallel_loop3A_588 = arith.mulf %parallel_loop3A_560, %parallel_loop3A_587 : vector<16xf32>
          %parallel_loop3A_589 = arith.constant 2 : i32
          %parallel_loop3A_590 = arith.muli %parallel_loop3A_589, %parallel_loop3A_463 : i32
          %parallel_loop3A_591 = arith.constant 1 : i32
          %parallel_loop3A_592 = arith.addi %parallel_loop3A_590, %parallel_loop3A_591 : i32
          %parallel_loop3A_593 = arith.constant 6 : i32
          %parallel_loop3A_594 = arith.index_cast %rem3A_109 : i32 to index
          %parallel_loop3A_595 = arith.index_cast %parallel_loop3A_592 : i32 to index
          %parallel_loop3A_596 = arith.index_cast %parallel_loop3A_593 : i32 to index
          %parallel_loop3A_597 = arith.constant 32 : index
          %parallel_loop3A_598 = tpu.vector_load %arg9[%parallel_loop3A_594, %parallel_loop3A_595, %parallel_loop3A_596, %parallel_loop3A_597] {strides = array<i32>} : memref<2x16x8x128xf32, #tpu.memory_space<vmem>>, vector<16xf32>,
          tpu.vector_store %arg9[%parallel_loop3A_594, %parallel_loop3A_595, %parallel_loop3A_596, %parallel_loop3A_597], %parallel_loop3A_588 {strides = array<i32>} : memref<2x16x8x128xf32, #tpu.memory_space<vmem>>, vector<16xf32>,
          %parallel_loop3A_599 = arith.addi %get3A_381, %parallel_loop3A_469 : vector<16xi32>
          %parallel_loop3A_600 = tpu.vector_load_idx %arg6[%parallel_loop3A_599] : memref<32768xf32, #tpu.memory_space<vmem>>[vector<16xi32>], vector<16xf32>,
          %parallel_loop3A_601 = vector.bitcast %parallel_loop3A_600 : vector<16xf32> to vector<32xbf16>
          %parallel_loop3A_602 = tpu.unpack_subelements %parallel_loop3A_601, 0 {pack_format = #tpu.pack_format<interleaved>} : vector<32xbf16> -> vector<16xf32>
          %parallel_loop3A_603 = tpu.unpack_subelements %parallel_loop3A_601, 1 {pack_format = #tpu.pack_format<interleaved>} : vector<32xbf16> -> vector<16xf32>
          %parallel_loop3A_604 = arith.constant 2 : i32
          %parallel_loop3A_605 = arith.muli %parallel_loop3A_604, %parallel_loop3A_463 : i32
          %parallel_loop3A_606 = arith.constant 6 : i32
          %parallel_loop3A_607 = arith.index_cast %rem3A_76 : i32 to index
          %parallel_loop3A_608 = arith.index_cast %parallel_loop3A_605 : i32 to index
          %parallel_loop3A_609 = arith.index_cast %parallel_loop3A_606 : i32 to index
          %parallel_loop3A_610 = arith.constant 48 : index
          %parallel_loop3A_611 = tpu.vector_load %arg8[%parallel_loop3A_607, %parallel_loop3A_608, %parallel_loop3A_609, %parallel_loop3A_610] {strides = array<i32>} : memref<2x16x8x128xf32, #tpu.memory_space<vmem>>, vector<16xf32>,
          %parallel_loop3A_612 = arith.mulf %parallel_loop3A_602, %parallel_loop3A_611 : vector<16xf32>
          %parallel_loop3A_613 = arith.constant 2 : i32
          %parallel_loop3A_614 = arith.muli %parallel_loop3A_613, %parallel_loop3A_463 : i32
          %parallel_loop3A_615 = arith.constant 6 : i32
          %parallel_loop3A_616 = arith.index_cast %rem3A_109 : i32 to index
          %parallel_loop3A_617 = arith.index_cast %parallel_loop3A_614 : i32 to index
          %parallel_loop3A_618 = arith.index_cast %parallel_loop3A_615 : i32 to index
          %parallel_loop3A_619 = arith.constant 48 : index
          %parallel_loop3A_620 = tpu.vector_load %arg9[%parallel_loop3A_616, %parallel_loop3A_617, %parallel_loop3A_618, %parallel_loop3A_619] {strides = array<i32>} : memref<2x16x8x128xf32, #tpu.memory_space<vmem>>, vector<16xf32>,
          tpu.vector_store %arg9[%parallel_loop3A_616, %parallel_loop3A_617, %parallel_loop3A_618, %parallel_loop3A_619], %parallel_loop3A_612 {strides = array<i32>} : memref<2x16x8x128xf32, #tpu.memory_space<vmem>>, vector<16xf32>,
          %parallel_loop3A_621 = arith.constant 2 : i32
          %parallel_loop3A_622 = arith.muli %parallel_loop3A_621, %parallel_loop3A_463 : i32
          %parallel_loop3A_623 = arith.constant 1 : i32
          %parallel_loop3A_624 = arith.addi %parallel_loop3A_622, %parallel_loop3A_623 : i32
          %parallel_loop3A_625 = arith.constant 6 : i32
          %parallel_loop3A_626 = arith.index_cast %rem3A_76 : i32 to index
          %parallel_loop3A_627 = arith.index_cast %parallel_loop3A_624 : i32 to index
          %parallel_loop3A_628 = arith.index_cast %parallel_loop3A_625 : i32 to index
          %parallel_loop3A_629 = arith.constant 48 : index
          %parallel_loop3A_630 = tpu.vector_load %arg8[%parallel_loop3A_626, %parallel_loop3A_627, %parallel_loop3A_628, %parallel_loop3A_629] {strides = array<i32>} : memref<2x16x8x128xf32, #tpu.memory_space<vmem>>, vector<16xf32>,
          %parallel_loop3A_631 = arith.mulf %parallel_loop3A_603, %parallel_loop3A_630 : vector<16xf32>
          %parallel_loop3A_632 = arith.constant 2 : i32
          %parallel_loop3A_633 = arith.muli %parallel_loop3A_632, %parallel_loop3A_463 : i32
          %parallel_loop3A_634 = arith.constant 1 : i32
          %parallel_loop3A_635 = arith.addi %parallel_loop3A_633, %parallel_loop3A_634 : i32
          %parallel_loop3A_636 = arith.constant 6 : i32
          %parallel_loop3A_637 = arith.index_cast %rem3A_109 : i32 to index
          %parallel_loop3A_638 = arith.index_cast %parallel_loop3A_635 : i32 to index
          %parallel_loop3A_639 = arith.index_cast %parallel_loop3A_636 : i32 to index
          %parallel_loop3A_640 = arith.constant 48 : index
          %parallel_loop3A_641 = tpu.vector_load %arg9[%parallel_loop3A_637, %parallel_loop3A_638, %parallel_loop3A_639, %parallel_loop3A_640] {strides = array<i32>} : memref<2x16x8x128xf32, #tpu.memory_space<vmem>>, vector<16xf32>,
          tpu.vector_store %arg9[%parallel_loop3A_637, %parallel_loop3A_638, %parallel_loop3A_639, %parallel_loop3A_640], %parallel_loop3A_631 {strides = array<i32>} : memref<2x16x8x128xf32, #tpu.memory_space<vmem>>, vector<16xf32>,
          %parallel_loop3A_642 = arith.addi %get3A_386, %parallel_loop3A_469 : vector<16xi32>
          %parallel_loop3A_643 = tpu.vector_load_idx %arg6[%parallel_loop3A_642] : memref<32768xf32, #tpu.memory_space<vmem>>[vector<16xi32>], vector<16xf32>,
          %parallel_loop3A_644 = vector.bitcast %parallel_loop3A_643 : vector<16xf32> to vector<32xbf16>
          %parallel_loop3A_645 = tpu.unpack_subelements %parallel_loop3A_644, 0 {pack_format = #tpu.pack_format<interleaved>} : vector<32xbf16> -> vector<16xf32>
          %parallel_loop3A_646 = tpu.unpack_subelements %parallel_loop3A_644, 1 {pack_format = #tpu.pack_format<interleaved>} : vector<32xbf16> -> vector<16xf32>
          %parallel_loop3A_647 = arith.constant 2 : i32
          %parallel_loop3A_648 = arith.muli %parallel_loop3A_647, %parallel_loop3A_463 : i32
          %parallel_loop3A_649 = arith.constant 6 : i32
          %parallel_loop3A_650 = arith.index_cast %rem3A_76 : i32 to index
          %parallel_loop3A_651 = arith.index_cast %parallel_loop3A_648 : i32 to index
          %parallel_loop3A_652 = arith.index_cast %parallel_loop3A_649 : i32 to index
          %parallel_loop3A_653 = arith.constant 64 : index
          %parallel_loop3A_654 = tpu.vector_load %arg8[%parallel_loop3A_650, %parallel_loop3A_651, %parallel_loop3A_652, %parallel_loop3A_653] {strides = array<i32>} : memref<2x16x8x128xf32, #tpu.memory_space<vmem>>, vector<16xf32>,
          %parallel_loop3A_655 = arith.mulf %parallel_loop3A_645, %parallel_loop3A_654 : vector<16xf32>
          %parallel_loop3A_656 = arith.constant 2 : i32
          %parallel_loop3A_657 = arith.muli %parallel_loop3A_656, %parallel_loop3A_463 : i32
          %parallel_loop3A_658 = arith.constant 6 : i32
          %parallel_loop3A_659 = arith.index_cast %rem3A_109 : i32 to index
          %parallel_loop3A_660 = arith.index_cast %parallel_loop3A_657 : i32 to index
          %parallel_loop3A_661 = arith.index_cast %parallel_loop3A_658 : i32 to index
          %parallel_loop3A_662 = arith.constant 64 : index
          %parallel_loop3A_663 = tpu.vector_load %arg9[%parallel_loop3A_659, %parallel_loop3A_660, %parallel_loop3A_661, %parallel_loop3A_662] {strides = array<i32>} : memref<2x16x8x128xf32, #tpu.memory_space<vmem>>, vector<16xf32>,
          tpu.vector_store %arg9[%parallel_loop3A_659, %parallel_loop3A_660, %parallel_loop3A_661, %parallel_loop3A_662], %parallel_loop3A_655 {strides = array<i32>} : memref<2x16x8x128xf32, #tpu.memory_space<vmem>>, vector<16xf32>,
          %parallel_loop3A_664 = arith.constant 2 : i32
          %parallel_loop3A_665 = arith.muli %parallel_loop3A_664, %parallel_loop3A_463 : i32
          %parallel_loop3A_666 = arith.constant 1 : i32
          %parallel_loop3A_667 = arith.addi %parallel_loop3A_665, %parallel_loop3A_666 : i32
          %parallel_loop3A_668 = arith.constant 6 : i32
          %parallel_loop3A_669 = arith.index_cast %rem3A_76 : i32 to index
          %parallel_loop3A_670 = arith.index_cast %parallel_loop3A_667 : i32 to index
          %parallel_loop3A_671 = arith.index_cast %parallel_loop3A_668 : i32 to index
          %parallel_loop3A_672 = arith.constant 64 : index
          %parallel_loop3A_673 = tpu.vector_load %arg8[%parallel_loop3A_669, %parallel_loop3A_670, %parallel_loop3A_671, %parallel_loop3A_672] {strides = array<i32>} : memref<2x16x8x128xf32, #tpu.memory_space<vmem>>, vector<16xf32>,
          %parallel_loop3A_674 = arith.mulf %parallel_loop3A_646, %parallel_loop3A_673 : vector<16xf32>
          %parallel_loop3A_675 = arith.constant 2 : i32
          %parallel_loop3A_676 = arith.muli %parallel_loop3A_675, %parallel_loop3A_463 : i32
          %parallel_loop3A_677 = arith.constant 1 : i32
          %parallel_loop3A_678 = arith.addi %parallel_loop3A_676, %parallel_loop3A_677 : i32
          %parallel_loop3A_679 = arith.constant 6 : i32
          %parallel_loop3A_680 = arith.index_cast %rem3A_109 : i32 to index
          %parallel_loop3A_681 = arith.index_cast %parallel_loop3A_678 : i32 to index
          %parallel_loop3A_682 = arith.index_cast %parallel_loop3A_679 : i32 to index
          %parallel_loop3A_683 = arith.constant 64 : index
          %parallel_loop3A_684 = tpu.vector_load %arg9[%parallel_loop3A_680, %parallel_loop3A_681, %parallel_loop3A_682, %parallel_loop3A_683] {strides = array<i32>} : memref<2x16x8x128xf32, #tpu.memory_space<vmem>>, vector<16xf32>,
          tpu.vector_store %arg9[%parallel_loop3A_680, %parallel_loop3A_681, %parallel_loop3A_682, %parallel_loop3A_683], %parallel_loop3A_674 {strides = array<i32>} : memref<2x16x8x128xf32, #tpu.memory_space<vmem>>, vector<16xf32>,
          %parallel_loop3A_685 = arith.addi %get3A_391, %parallel_loop3A_469 : vector<16xi32>
          %parallel_loop3A_686 = tpu.vector_load_idx %arg6[%parallel_loop3A_685] : memref<32768xf32, #tpu.memory_space<vmem>>[vector<16xi32>], vector<16xf32>,
          %parallel_loop3A_687 = vector.bitcast %parallel_loop3A_686 : vector<16xf32> to vector<32xbf16>
          %parallel_loop3A_688 = tpu.unpack_subelements %parallel_loop3A_687, 0 {pack_format = #tpu.pack_format<interleaved>} : vector<32xbf16> -> vector<16xf32>
          %parallel_loop3A_689 = tpu.unpack_subelements %parallel_loop3A_687, 1 {pack_format = #tpu.pack_format<interleaved>} : vector<32xbf16> -> vector<16xf32>
          %parallel_loop3A_690 = arith.constant 2 : i32
          %parallel_loop3A_691 = arith.muli %parallel_loop3A_690, %parallel_loop3A_463 : i32
          %parallel_loop3A_692 = arith.constant 6 : i32
          %parallel_loop3A_693 = arith.index_cast %rem3A_76 : i32 to index
          %parallel_loop3A_694 = arith.index_cast %parallel_loop3A_691 : i32 to index
          %parallel_loop3A_695 = arith.index_cast %parallel_loop3A_692 : i32 to index
          %parallel_loop3A_696 = arith.constant 80 : index
          %parallel_loop3A_697 = tpu.vector_load %arg8[%parallel_loop3A_693, %parallel_loop3A_694, %parallel_loop3A_695, %parallel_loop3A_696] {strides = array<i32>} : memref<2x16x8x128xf32, #tpu.memory_space<vmem>>, vector<16xf32>,
          %parallel_loop3A_698 = arith.mulf %parallel_loop3A_688, %parallel_loop3A_697 : vector<16xf32>
          %parallel_loop3A_699 = arith.constant 2 : i32
          %parallel_loop3A_700 = arith.muli %parallel_loop3A_699, %parallel_loop3A_463 : i32
          %parallel_loop3A_701 = arith.constant 6 : i32
          %parallel_loop3A_702 = arith.index_cast %rem3A_109 : i32 to index
          %parallel_loop3A_703 = arith.index_cast %parallel_loop3A_700 : i32 to index
          %parallel_loop3A_704 = arith.index_cast %parallel_loop3A_701 : i32 to index
          %parallel_loop3A_705 = arith.constant 80 : index
          %parallel_loop3A_706 = tpu.vector_load %arg9[%parallel_loop3A_702, %parallel_loop3A_703, %parallel_loop3A_704, %parallel_loop3A_705] {strides = array<i32>} : memref<2x16x8x128xf32, #tpu.memory_space<vmem>>, vector<16xf32>,
          tpu.vector_store %arg9[%parallel_loop3A_702, %parallel_loop3A_703, %parallel_loop3A_704, %parallel_loop3A_705], %parallel_loop3A_698 {strides = array<i32>} : memref<2x16x8x128xf32, #tpu.memory_space<vmem>>, vector<16xf32>,
          %parallel_loop3A_707 = arith.constant 2 : i32
          %parallel_loop3A_708 = arith.muli %parallel_loop3A_707, %parallel_loop3A_463 : i32
          %parallel_loop3A_709 = arith.constant 1 : i32
          %parallel_loop3A_710 = arith.addi %parallel_loop3A_708, %parallel_loop3A_709 : i32
          %parallel_loop3A_711 = arith.constant 6 : i32
          %parallel_loop3A_712 = arith.index_cast %rem3A_76 : i32 to index
          %parallel_loop3A_713 = arith.index_cast %parallel_loop3A_710 : i32 to index
          %parallel_loop3A_714 = arith.index_cast %parallel_loop3A_711 : i32 to index
          %parallel_loop3A_715 = arith.constant 80 : index
          %parallel_loop3A_716 = tpu.vector_load %arg8[%parallel_loop3A_712, %parallel_loop3A_713, %parallel_loop3A_714, %parallel_loop3A_715] {strides = array<i32>} : memref<2x16x8x128xf32, #tpu.memory_space<vmem>>, vector<16xf32>,
          %parallel_loop3A_717 = arith.mulf %parallel_loop3A_689, %parallel_loop3A_716 : vector<16xf32>
          %parallel_loop3A_718 = arith.constant 2 : i32
          %parallel_loop3A_719 = arith.muli %parallel_loop3A_718, %parallel_loop3A_463 : i32
          %parallel_loop3A_720 = arith.constant 1 : i32
          %parallel_loop3A_721 = arith.addi %parallel_loop3A_719, %parallel_loop3A_720 : i32
          %parallel_loop3A_722 = arith.constant 6 : i32
          %parallel_loop3A_723 = arith.index_cast %rem3A_109 : i32 to index
          %parallel_loop3A_724 = arith.index_cast %parallel_loop3A_721 : i32 to index
          %parallel_loop3A_725 = arith.index_cast %parallel_loop3A_722 : i32 to index
          %parallel_loop3A_726 = arith.constant 80 : index
          %parallel_loop3A_727 = tpu.vector_load %arg9[%parallel_loop3A_723, %parallel_loop3A_724, %parallel_loop3A_725, %parallel_loop3A_726] {strides = array<i32>} : memref<2x16x8x128xf32, #tpu.memory_space<vmem>>, vector<16xf32>,
          tpu.vector_store %arg9[%parallel_loop3A_723, %parallel_loop3A_724, %parallel_loop3A_725, %parallel_loop3A_726], %parallel_loop3A_717 {strides = array<i32>} : memref<2x16x8x128xf32, #tpu.memory_space<vmem>>, vector<16xf32>,
          %parallel_loop3A_728 = arith.addi %get3A_396, %parallel_loop3A_469 : vector<16xi32>
          %parallel_loop3A_729 = tpu.vector_load_idx %arg6[%parallel_loop3A_728] : memref<32768xf32, #tpu.memory_space<vmem>>[vector<16xi32>], vector<16xf32>,
          %parallel_loop3A_730 = vector.bitcast %parallel_loop3A_729 : vector<16xf32> to vector<32xbf16>
          %parallel_loop3A_731 = tpu.unpack_subelements %parallel_loop3A_730, 0 {pack_format = #tpu.pack_format<interleaved>} : vector<32xbf16> -> vector<16xf32>
          %parallel_loop3A_732 = tpu.unpack_subelements %parallel_loop3A_730, 1 {pack_format = #tpu.pack_format<interleaved>} : vector<32xbf16> -> vector<16xf32>
          %parallel_loop3A_733 = arith.constant 2 : i32
          %parallel_loop3A_734 = arith.muli %parallel_loop3A_733, %parallel_loop3A_463 : i32
          %parallel_loop3A_735 = arith.constant 6 : i32
          %parallel_loop3A_736 = arith.index_cast %rem3A_76 : i32 to index
          %parallel_loop3A_737 = arith.index_cast %parallel_loop3A_734 : i32 to index
          %parallel_loop3A_738 = arith.index_cast %parallel_loop3A_735 : i32 to index
          %parallel_loop3A_739 = arith.constant 96 : index
          %parallel_loop3A_740 = tpu.vector_load %arg8[%parallel_loop3A_736, %parallel_loop3A_737, %parallel_loop3A_738, %parallel_loop3A_739] {strides = array<i32>} : memref<2x16x8x128xf32, #tpu.memory_space<vmem>>, vector<16xf32>,
          %parallel_loop3A_741 = arith.mulf %parallel_loop3A_731, %parallel_loop3A_740 : vector<16xf32>
          %parallel_loop3A_742 = arith.constant 2 : i32
          %parallel_loop3A_743 = arith.muli %parallel_loop3A_742, %parallel_loop3A_463 : i32
          %parallel_loop3A_744 = arith.constant 6 : i32
          %parallel_loop3A_745 = arith.index_cast %rem3A_109 : i32 to index
          %parallel_loop3A_746 = arith.index_cast %parallel_loop3A_743 : i32 to index
          %parallel_loop3A_747 = arith.index_cast %parallel_loop3A_744 : i32 to index
          %parallel_loop3A_748 = arith.constant 96 : index
          %parallel_loop3A_749 = tpu.vector_load %arg9[%parallel_loop3A_745, %parallel_loop3A_746, %parallel_loop3A_747, %parallel_loop3A_748] {strides = array<i32>} : memref<2x16x8x128xf32, #tpu.memory_space<vmem>>, vector<16xf32>,
          tpu.vector_store %arg9[%parallel_loop3A_745, %parallel_loop3A_746, %parallel_loop3A_747, %parallel_loop3A_748], %parallel_loop3A_741 {strides = array<i32>} : memref<2x16x8x128xf32, #tpu.memory_space<vmem>>, vector<16xf32>,
          %parallel_loop3A_750 = arith.constant 2 : i32
          %parallel_loop3A_751 = arith.muli %parallel_loop3A_750, %parallel_loop3A_463 : i32
          %parallel_loop3A_752 = arith.constant 1 : i32
          %parallel_loop3A_753 = arith.addi %parallel_loop3A_751, %parallel_loop3A_752 : i32
          %parallel_loop3A_754 = arith.constant 6 : i32
          %parallel_loop3A_755 = arith.index_cast %rem3A_76 : i32 to index
          %parallel_loop3A_756 = arith.index_cast %parallel_loop3A_753 : i32 to index
          %parallel_loop3A_757 = arith.index_cast %parallel_loop3A_754 : i32 to index
          %parallel_loop3A_758 = arith.constant 96 : index
          %parallel_loop3A_759 = tpu.vector_load %arg8[%parallel_loop3A_755, %parallel_loop3A_756, %parallel_loop3A_757, %parallel_loop3A_758] {strides = array<i32>} : memref<2x16x8x128xf32, #tpu.memory_space<vmem>>, vector<16xf32>,
          %parallel_loop3A_760 = arith.mulf %parallel_loop3A_732, %parallel_loop3A_759 : vector<16xf32>
          %parallel_loop3A_761 = arith.constant 2 : i32
          %parallel_loop3A_762 = arith.muli %parallel_loop3A_761, %parallel_loop3A_463 : i32
          %parallel_loop3A_763 = arith.constant 1 : i32
          %parallel_loop3A_764 = arith.addi %parallel_loop3A_762, %parallel_loop3A_763 : i32
          %parallel_loop3A_765 = arith.constant 6 : i32
          %parallel_loop3A_766 = arith.index_cast %rem3A_109 : i32 to index
          %parallel_loop3A_767 = arith.index_cast %parallel_loop3A_764 : i32 to index
          %parallel_loop3A_768 = arith.index_cast %parallel_loop3A_765 : i32 to index
          %parallel_loop3A_769 = arith.constant 96 : index
          %parallel_loop3A_770 = tpu.vector_load %arg9[%parallel_loop3A_766, %parallel_loop3A_767, %parallel_loop3A_768, %parallel_loop3A_769] {strides = array<i32>} : memref<2x16x8x128xf32, #tpu.memory_space<vmem>>, vector<16xf32>,
          tpu.vector_store %arg9[%parallel_loop3A_766, %parallel_loop3A_767, %parallel_loop3A_768, %parallel_loop3A_769], %parallel_loop3A_760 {strides = array<i32>} : memref<2x16x8x128xf32, #tpu.memory_space<vmem>>, vector<16xf32>,
          %parallel_loop3A_771 = arith.addi %get3A_401, %parallel_loop3A_469 : vector<16xi32>
          %parallel_loop3A_772 = tpu.vector_load_idx %arg6[%parallel_loop3A_771] : memref<32768xf32, #tpu.memory_space<vmem>>[vector<16xi32>], vector<16xf32>,
          %parallel_loop3A_773 = vector.bitcast %parallel_loop3A_772 : vector<16xf32> to vector<32xbf16>
          %parallel_loop3A_774 = tpu.unpack_subelements %parallel_loop3A_773, 0 {pack_format = #tpu.pack_format<interleaved>} : vector<32xbf16> -> vector<16xf32>
          %parallel_loop3A_775 = tpu.unpack_subelements %parallel_loop3A_773, 1 {pack_format = #tpu.pack_format<interleaved>} : vector<32xbf16> -> vector<16xf32>
          %parallel_loop3A_776 = arith.constant 2 : i32
          %parallel_loop3A_777 = arith.muli %parallel_loop3A_776, %parallel_loop3A_463 : i32
          %parallel_loop3A_778 = arith.constant 6 : i32
          %parallel_loop3A_779 = arith.index_cast %rem3A_76 : i32 to index
          %parallel_loop3A_780 = arith.index_cast %parallel_loop3A_777 : i32 to index
          %parallel_loop3A_781 = arith.index_cast %parallel_loop3A_778 : i32 to index
          %parallel_loop3A_782 = arith.constant 112 : index
          %parallel_loop3A_783 = tpu.vector_load %arg8[%parallel_loop3A_779, %parallel_loop3A_780, %parallel_loop3A_781, %parallel_loop3A_782] {strides = array<i32>} : memref<2x16x8x128xf32, #tpu.memory_space<vmem>>, vector<16xf32>,
          %parallel_loop3A_784 = arith.mulf %parallel_loop3A_774, %parallel_loop3A_783 : vector<16xf32>
          %parallel_loop3A_785 = arith.constant 2 : i32
          %parallel_loop3A_786 = arith.muli %parallel_loop3A_785, %parallel_loop3A_463 : i32
          %parallel_loop3A_787 = arith.constant 6 : i32
          %parallel_loop3A_788 = arith.index_cast %rem3A_109 : i32 to index
          %parallel_loop3A_789 = arith.index_cast %parallel_loop3A_786 : i32 to index
          %parallel_loop3A_790 = arith.index_cast %parallel_loop3A_787 : i32 to index
          %parallel_loop3A_791 = arith.constant 112 : index
          %parallel_loop3A_792 = tpu.vector_load %arg9[%parallel_loop3A_788, %parallel_loop3A_789, %parallel_loop3A_790, %parallel_loop3A_791] {strides = array<i32>} : memref<2x16x8x128xf32, #tpu.memory_space<vmem>>, vector<16xf32>,
          tpu.vector_store %arg9[%parallel_loop3A_788, %parallel_loop3A_789, %parallel_loop3A_790, %parallel_loop3A_791], %parallel_loop3A_784 {strides = array<i32>} : memref<2x16x8x128xf32, #tpu.memory_space<vmem>>, vector<16xf32>,
          %parallel_loop3A_793 = arith.constant 2 : i32
          %parallel_loop3A_794 = arith.muli %parallel_loop3A_793, %parallel_loop3A_463 : i32
          %parallel_loop3A_795 = arith.constant 1 : i32
          %parallel_loop3A_796 = arith.addi %parallel_loop3A_794, %parallel_loop3A_795 : i32
          %parallel_loop3A_797 = arith.constant 6 : i32
          %parallel_loop3A_798 = arith.index_cast %rem3A_76 : i32 to index
          %parallel_loop3A_799 = arith.index_cast %parallel_loop3A_796 : i32 to index
          %parallel_loop3A_800 = arith.index_cast %parallel_loop3A_797 : i32 to index
          %parallel_loop3A_801 = arith.constant 112 : index
          %parallel_loop3A_802 = tpu.vector_load %arg8[%parallel_loop3A_798, %parallel_loop3A_799, %parallel_loop3A_800, %parallel_loop3A_801] {strides = array<i32>} : memref<2x16x8x128xf32, #tpu.memory_space<vmem>>, vector<16xf32>,
          %parallel_loop3A_803 = arith.mulf %parallel_loop3A_775, %parallel_loop3A_802 : vector<16xf32>
          %parallel_loop3A_804 = arith.constant 2 : i32
          %parallel_loop3A_805 = arith.muli %parallel_loop3A_804, %parallel_loop3A_463 : i32
          %parallel_loop3A_806 = arith.constant 1 : i32
          %parallel_loop3A_807 = arith.addi %parallel_loop3A_805, %parallel_loop3A_806 : i32
          %parallel_loop3A_808 = arith.constant 6 : i32
          %parallel_loop3A_809 = arith.index_cast %rem3A_109 : i32 to index
          %parallel_loop3A_810 = arith.index_cast %parallel_loop3A_807 : i32 to index
          %parallel_loop3A_811 = arith.index_cast %parallel_loop3A_808 : i32 to index
          %parallel_loop3A_812 = arith.constant 112 : index
          %parallel_loop3A_813 = tpu.vector_load %arg9[%parallel_loop3A_809, %parallel_loop3A_810, %parallel_loop3A_811, %parallel_loop3A_812] {strides = array<i32>} : memref<2x16x8x128xf32, #tpu.memory_space<vmem>>, vector<16xf32>,
          tpu.vector_store %arg9[%parallel_loop3A_809, %parallel_loop3A_810, %parallel_loop3A_811, %parallel_loop3A_812], %parallel_loop3A_803 {strides = array<i32>} : memref<2x16x8x128xf32, #tpu.memory_space<vmem>>, vector<16xf32>,
          %parallel_loop3A_814 = arith.addi %get3A_406, %parallel_loop3A_469 : vector<16xi32>
          %parallel_loop3A_815 = tpu.vector_load_idx %arg6[%parallel_loop3A_814] : memref<32768xf32, #tpu.memory_space<vmem>>[vector<16xi32>], vector<16xf32>,
          %parallel_loop3A_816 = vector.bitcast %parallel_loop3A_815 : vector<16xf32> to vector<32xbf16>
          %parallel_loop3A_817 = tpu.unpack_subelements %parallel_loop3A_816, 0 {pack_format = #tpu.pack_format<interleaved>} : vector<32xbf16> -> vector<16xf32>
          %parallel_loop3A_818 = tpu.unpack_subelements %parallel_loop3A_816, 1 {pack_format = #tpu.pack_format<interleaved>} : vector<32xbf16> -> vector<16xf32>
          %parallel_loop3A_819 = arith.constant 2 : i32
          %parallel_loop3A_820 = arith.muli %parallel_loop3A_819, %parallel_loop3A_463 : i32
          %parallel_loop3A_821 = arith.constant 7 : i32
          %parallel_loop3A_822 = arith.index_cast %rem3A_76 : i32 to index
          %parallel_loop3A_823 = arith.index_cast %parallel_loop3A_820 : i32 to index
          %parallel_loop3A_824 = arith.index_cast %parallel_loop3A_821 : i32 to index
          %parallel_loop3A_825 = arith.constant 0 : index
          %parallel_loop3A_826 = tpu.vector_load %arg8[%parallel_loop3A_822, %parallel_loop3A_823, %parallel_loop3A_824, %parallel_loop3A_825] {strides = array<i32>} : memref<2x16x8x128xf32, #tpu.memory_space<vmem>>, vector<16xf32>,
          %parallel_loop3A_827 = arith.mulf %parallel_loop3A_817, %parallel_loop3A_826 : vector<16xf32>
          %parallel_loop3A_828 = arith.constant 2 : i32
          %parallel_loop3A_829 = arith.muli %parallel_loop3A_828, %parallel_loop3A_463 : i32
          %parallel_loop3A_830 = arith.constant 7 : i32
          %parallel_loop3A_831 = arith.index_cast %rem3A_109 : i32 to index
          %parallel_loop3A_832 = arith.index_cast %parallel_loop3A_829 : i32 to index
          %parallel_loop3A_833 = arith.index_cast %parallel_loop3A_830 : i32 to index
          %parallel_loop3A_834 = arith.constant 0 : index
          %parallel_loop3A_835 = tpu.vector_load %arg9[%parallel_loop3A_831, %parallel_loop3A_832, %parallel_loop3A_833, %parallel_loop3A_834] {strides = array<i32>} : memref<2x16x8x128xf32, #tpu.memory_space<vmem>>, vector<16xf32>,
          tpu.vector_store %arg9[%parallel_loop3A_831, %parallel_loop3A_832, %parallel_loop3A_833, %parallel_loop3A_834], %parallel_loop3A_827 {strides = array<i32>} : memref<2x16x8x128xf32, #tpu.memory_space<vmem>>, vector<16xf32>,
          %parallel_loop3A_836 = arith.constant 2 : i32
          %parallel_loop3A_837 = arith.muli %parallel_loop3A_836, %parallel_loop3A_463 : i32
          %parallel_loop3A_838 = arith.constant 1 : i32
          %parallel_loop3A_839 = arith.addi %parallel_loop3A_837, %parallel_loop3A_838 : i32
          %parallel_loop3A_840 = arith.constant 7 : i32
          %parallel_loop3A_841 = arith.index_cast %rem3A_76 : i32 to index
          %parallel_loop3A_842 = arith.index_cast %parallel_loop3A_839 : i32 to index
          %parallel_loop3A_843 = arith.index_cast %parallel_loop3A_840 : i32 to index
          %parallel_loop3A_844 = arith.constant 0 : index
          %parallel_loop3A_845 = tpu.vector_load %arg8[%parallel_loop3A_841, %parallel_loop3A_842, %parallel_loop3A_843, %parallel_loop3A_844] {strides = array<i32>} : memref<2x16x8x128xf32, #tpu.memory_space<vmem>>, vector<16xf32>,
          %parallel_loop3A_846 = arith.mulf %parallel_loop3A_818, %parallel_loop3A_845 : vector<16xf32>
          %parallel_loop3A_847 = arith.constant 2 : i32
          %parallel_loop3A_848 = arith.muli %parallel_loop3A_847, %parallel_loop3A_463 : i32
          %parallel_loop3A_849 = arith.constant 1 : i32
          %parallel_loop3A_850 = arith.addi %parallel_loop3A_848, %parallel_loop3A_849 : i32
          %parallel_loop3A_851 = arith.constant 7 : i32
          %parallel_loop3A_852 = arith.index_cast %rem3A_109 : i32 to index
          %parallel_loop3A_853 = arith.index_cast %parallel_loop3A_850 : i32 to index
          %parallel_loop3A_854 = arith.index_cast %parallel_loop3A_851 : i32 to index
          %parallel_loop3A_855 = arith.constant 0 : index
          %parallel_loop3A_856 = tpu.vector_load %arg9[%parallel_loop3A_852, %parallel_loop3A_853, %parallel_loop3A_854, %parallel_loop3A_855] {strides = array<i32>} : memref<2x16x8x128xf32, #tpu.memory_space<vmem>>, vector<16xf32>,
          tpu.vector_store %arg9[%parallel_loop3A_852, %parallel_loop3A_853, %parallel_loop3A_854, %parallel_loop3A_855], %parallel_loop3A_846 {strides = array<i32>} : memref<2x16x8x128xf32, #tpu.memory_space<vmem>>, vector<16xf32>,
          %parallel_loop3A_857 = arith.addi %get3A_411, %parallel_loop3A_469 : vector<16xi32>
          %parallel_loop3A_858 = tpu.vector_load_idx %arg6[%parallel_loop3A_857] : memref<32768xf32, #tpu.memory_space<vmem>>[vector<16xi32>], vector<16xf32>,
          %parallel_loop3A_859 = vector.bitcast %parallel_loop3A_858 : vector<16xf32> to vector<32xbf16>
          %parallel_loop3A_860 = tpu.unpack_subelements %parallel_loop3A_859, 0 {pack_format = #tpu.pack_format<interleaved>} : vector<32xbf16> -> vector<16xf32>
          %parallel_loop3A_861 = tpu.unpack_subelements %parallel_loop3A_859, 1 {pack_format = #tpu.pack_format<interleaved>} : vector<32xbf16> -> vector<16xf32>
          %parallel_loop3A_862 = arith.constant 2 : i32
          %parallel_loop3A_863 = arith.muli %parallel_loop3A_862, %parallel_loop3A_463 : i32
          %parallel_loop3A_864 = arith.constant 7 : i32
          %parallel_loop3A_865 = arith.index_cast %rem3A_76 : i32 to index
          %parallel_loop3A_866 = arith.index_cast %parallel_loop3A_863 : i32 to index
          %parallel_loop3A_867 = arith.index_cast %parallel_loop3A_864 : i32 to index
          %parallel_loop3A_868 = arith.constant 16 : index
          %parallel_loop3A_869 = tpu.vector_load %arg8[%parallel_loop3A_865, %parallel_loop3A_866, %parallel_loop3A_867, %parallel_loop3A_868] {strides = array<i32>} : memref<2x16x8x128xf32, #tpu.memory_space<vmem>>, vector<16xf32>,
          %parallel_loop3A_870 = arith.mulf %parallel_loop3A_860, %parallel_loop3A_869 : vector<16xf32>
          %parallel_loop3A_871 = arith.constant 2 : i32
          %parallel_loop3A_872 = arith.muli %parallel_loop3A_871, %parallel_loop3A_463 : i32
          %parallel_loop3A_873 = arith.constant 7 : i32
          %parallel_loop3A_874 = arith.index_cast %rem3A_109 : i32 to index
          %parallel_loop3A_875 = arith.index_cast %parallel_loop3A_872 : i32 to index
          %parallel_loop3A_876 = arith.index_cast %parallel_loop3A_873 : i32 to index
          %parallel_loop3A_877 = arith.constant 16 : index
          %parallel_loop3A_878 = tpu.vector_load %arg9[%parallel_loop3A_874, %parallel_loop3A_875, %parallel_loop3A_876, %parallel_loop3A_877] {strides = array<i32>} : memref<2x16x8x128xf32, #tpu.memory_space<vmem>>, vector<16xf32>,
          tpu.vector_store %arg9[%parallel_loop3A_874, %parallel_loop3A_875, %parallel_loop3A_876, %parallel_loop3A_877], %parallel_loop3A_870 {strides = array<i32>} : memref<2x16x8x128xf32, #tpu.memory_space<vmem>>, vector<16xf32>,
          %parallel_loop3A_879 = arith.constant 2 : i32
          %parallel_loop3A_880 = arith.muli %parallel_loop3A_879, %parallel_loop3A_463 : i32
          %parallel_loop3A_881 = arith.constant 1 : i32
          %parallel_loop3A_882 = arith.addi %parallel_loop3A_880, %parallel_loop3A_881 : i32
          %parallel_loop3A_883 = arith.constant 7 : i32
          %parallel_loop3A_884 = arith.index_cast %rem3A_76 : i32 to index
          %parallel_loop3A_885 = arith.index_cast %parallel_loop3A_882 : i32 to index
          %parallel_loop3A_886 = arith.index_cast %parallel_loop3A_883 : i32 to index
          %parallel_loop3A_887 = arith.constant 16 : index
          %parallel_loop3A_888 = tpu.vector_load %arg8[%parallel_loop3A_884, %parallel_loop3A_885, %parallel_loop3A_886, %parallel_loop3A_887] {strides = array<i32>} : memref<2x16x8x128xf32, #tpu.memory_space<vmem>>, vector<16xf32>,
          %parallel_loop3A_889 = arith.mulf %parallel_loop3A_861, %parallel_loop3A_888 : vector<16xf32>
          %parallel_loop3A_890 = arith.constant 2 : i32
          %parallel_loop3A_891 = arith.muli %parallel_loop3A_890, %parallel_loop3A_463 : i32
          %parallel_loop3A_892 = arith.constant 1 : i32
          %parallel_loop3A_893 = arith.addi %parallel_loop3A_891, %parallel_loop3A_892 : i32
          %parallel_loop3A_894 = arith.constant 7 : i32
          %parallel_loop3A_895 = arith.index_cast %rem3A_109 : i32 to index
          %parallel_loop3A_896 = arith.index_cast %parallel_loop3A_893 : i32 to index
          %parallel_loop3A_897 = arith.index_cast %parallel_loop3A_894 : i32 to index
          %parallel_loop3A_898 = arith.constant 16 : index
          %parallel_loop3A_899 = tpu.vector_load %arg9[%parallel_loop3A_895, %parallel_loop3A_896, %parallel_loop3A_897, %parallel_loop3A_898] {strides = array<i32>} : memref<2x16x8x128xf32, #tpu.memory_space<vmem>>, vector<16xf32>,
          tpu.vector_store %arg9[%parallel_loop3A_895, %parallel_loop3A_896, %parallel_loop3A_897, %parallel_loop3A_898], %parallel_loop3A_889 {strides = array<i32>} : memref<2x16x8x128xf32, #tpu.memory_space<vmem>>, vector<16xf32>,
          %parallel_loop3A_900 = arith.addi %get3A_416, %parallel_loop3A_469 : vector<16xi32>
          %parallel_loop3A_901 = tpu.vector_load_idx %arg6[%parallel_loop3A_900] : memref<32768xf32, #tpu.memory_space<vmem>>[vector<16xi32>], vector<16xf32>,
          %parallel_loop3A_902 = vector.bitcast %parallel_loop3A_901 : vector<16xf32> to vector<32xbf16>
          %parallel_loop3A_903 = tpu.unpack_subelements %parallel_loop3A_902, 0 {pack_format = #tpu.pack_format<interleaved>} : vector<32xbf16> -> vector<16xf32>
          %parallel_loop3A_904 = tpu.unpack_subelements %parallel_loop3A_902, 1 {pack_format = #tpu.pack_format<interleaved>} : vector<32xbf16> -> vector<16xf32>
          %parallel_loop3A_905 = arith.constant 2 : i32
          %parallel_loop3A_906 = arith.muli %parallel_loop3A_905, %parallel_loop3A_463 : i32
          %parallel_loop3A_907 = arith.constant 7 : i32
          %parallel_loop3A_908 = arith.index_cast %rem3A_76 : i32 to index
          %parallel_loop3A_909 = arith.index_cast %parallel_loop3A_906 : i32 to index
          %parallel_loop3A_910 = arith.index_cast %parallel_loop3A_907 : i32 to index
          %parallel_loop3A_911 = arith.constant 32 : index
          %parallel_loop3A_912 = tpu.vector_load %arg8[%parallel_loop3A_908, %parallel_loop3A_909, %parallel_loop3A_910, %parallel_loop3A_911] {strides = array<i32>} : memref<2x16x8x128xf32, #tpu.memory_space<vmem>>, vector<16xf32>,
          %parallel_loop3A_913 = arith.mulf %parallel_loop3A_903, %parallel_loop3A_912 : vector<16xf32>
          %parallel_loop3A_914 = arith.constant 2 : i32
          %parallel_loop3A_915 = arith.muli %parallel_loop3A_914, %parallel_loop3A_463 : i32
          %parallel_loop3A_916 = arith.constant 7 : i32
          %parallel_loop3A_917 = arith.index_cast %rem3A_109 : i32 to index
          %parallel_loop3A_918 = arith.index_cast %parallel_loop3A_915 : i32 to index
          %parallel_loop3A_919 = arith.index_cast %parallel_loop3A_916 : i32 to index
          %parallel_loop3A_920 = arith.constant 32 : index
          %parallel_loop3A_921 = tpu.vector_load %arg9[%parallel_loop3A_917, %parallel_loop3A_918, %parallel_loop3A_919, %parallel_loop3A_920] {strides = array<i32>} : memref<2x16x8x128xf32, #tpu.memory_space<vmem>>, vector<16xf32>,
          tpu.vector_store %arg9[%parallel_loop3A_917, %parallel_loop3A_918, %parallel_loop3A_919, %parallel_loop3A_920], %parallel_loop3A_913 {strides = array<i32>} : memref<2x16x8x128xf32, #tpu.memory_space<vmem>>, vector<16xf32>,
          %parallel_loop3A_922 = arith.constant 2 : i32
          %parallel_loop3A_923 = arith.muli %parallel_loop3A_922, %parallel_loop3A_463 : i32
          %parallel_loop3A_924 = arith.constant 1 : i32
          %parallel_loop3A_925 = arith.addi %parallel_loop3A_923, %parallel_loop3A_924 : i32
          %parallel_loop3A_926 = arith.constant 7 : i32
          %parallel_loop3A_927 = arith.index_cast %rem3A_76 : i32 to index
          %parallel_loop3A_928 = arith.index_cast %parallel_loop3A_925 : i32 to index
          %parallel_loop3A_929 = arith.index_cast %parallel_loop3A_926 : i32 to index
          %parallel_loop3A_930 = arith.constant 32 : index
          %parallel_loop3A_931 = tpu.vector_load %arg8[%parallel_loop3A_927, %parallel_loop3A_928, %parallel_loop3A_929, %parallel_loop3A_930] {strides = array<i32>} : memref<2x16x8x128xf32, #tpu.memory_space<vmem>>, vector<16xf32>,
          %parallel_loop3A_932 = arith.mulf %parallel_loop3A_904, %parallel_loop3A_931 : vector<16xf32>
          %parallel_loop3A_933 = arith.constant 2 : i32
          %parallel_loop3A_934 = arith.muli %parallel_loop3A_933, %parallel_loop3A_463 : i32
          %parallel_loop3A_935 = arith.constant 1 : i32
          %parallel_loop3A_936 = arith.addi %parallel_loop3A_934, %parallel_loop3A_935 : i32
          %parallel_loop3A_937 = arith.constant 7 : i32
          %parallel_loop3A_938 = arith.index_cast %rem3A_109 : i32 to index
          %parallel_loop3A_939 = arith.index_cast %parallel_loop3A_936 : i32 to index
          %parallel_loop3A_940 = arith.index_cast %parallel_loop3A_937 : i32 to index
          %parallel_loop3A_941 = arith.constant 32 : index
          %parallel_loop3A_942 = tpu.vector_load %arg9[%parallel_loop3A_938, %parallel_loop3A_939, %parallel_loop3A_940, %parallel_loop3A_941] {strides = array<i32>} : memref<2x16x8x128xf32, #tpu.memory_space<vmem>>, vector<16xf32>,
          tpu.vector_store %arg9[%parallel_loop3A_938, %parallel_loop3A_939, %parallel_loop3A_940, %parallel_loop3A_941], %parallel_loop3A_932 {strides = array<i32>} : memref<2x16x8x128xf32, #tpu.memory_space<vmem>>, vector<16xf32>,
          %parallel_loop3A_943 = arith.addi %get3A_421, %parallel_loop3A_469 : vector<16xi32>
          %parallel_loop3A_944 = tpu.vector_load_idx %arg6[%parallel_loop3A_943] : memref<32768xf32, #tpu.memory_space<vmem>>[vector<16xi32>], vector<16xf32>,
          %parallel_loop3A_945 = vector.bitcast %parallel_loop3A_944 : vector<16xf32> to vector<32xbf16>
          %parallel_loop3A_946 = tpu.unpack_subelements %parallel_loop3A_945, 0 {pack_format = #tpu.pack_format<interleaved>} : vector<32xbf16> -> vector<16xf32>
          %parallel_loop3A_947 = tpu.unpack_subelements %parallel_loop3A_945, 1 {pack_format = #tpu.pack_format<interleaved>} : vector<32xbf16> -> vector<16xf32>
          %parallel_loop3A_948 = arith.constant 2 : i32
          %parallel_loop3A_949 = arith.muli %parallel_loop3A_948, %parallel_loop3A_463 : i32
          %parallel_loop3A_950 = arith.constant 7 : i32
          %parallel_loop3A_951 = arith.index_cast %rem3A_76 : i32 to index
          %parallel_loop3A_952 = arith.index_cast %parallel_loop3A_949 : i32 to index
          %parallel_loop3A_953 = arith.index_cast %parallel_loop3A_950 : i32 to index
          %parallel_loop3A_954 = arith.constant 48 : index
          %parallel_loop3A_955 = tpu.vector_load %arg8[%parallel_loop3A_951, %parallel_loop3A_952, %parallel_loop3A_953, %parallel_loop3A_954] {strides = array<i32>} : memref<2x16x8x128xf32, #tpu.memory_space<vmem>>, vector<16xf32>,
          %parallel_loop3A_956 = arith.mulf %parallel_loop3A_946, %parallel_loop3A_955 : vector<16xf32>
          %parallel_loop3A_957 = arith.constant 2 : i32
          %parallel_loop3A_958 = arith.muli %parallel_loop3A_957, %parallel_loop3A_463 : i32
          %parallel_loop3A_959 = arith.constant 7 : i32
          %parallel_loop3A_960 = arith.index_cast %rem3A_109 : i32 to index
          %parallel_loop3A_961 = arith.index_cast %parallel_loop3A_958 : i32 to index
          %parallel_loop3A_962 = arith.index_cast %parallel_loop3A_959 : i32 to index
          %parallel_loop3A_963 = arith.constant 48 : index
          %parallel_loop3A_964 = tpu.vector_load %arg9[%parallel_loop3A_960, %parallel_loop3A_961, %parallel_loop3A_962, %parallel_loop3A_963] {strides = array<i32>} : memref<2x16x8x128xf32, #tpu.memory_space<vmem>>, vector<16xf32>,
          tpu.vector_store %arg9[%parallel_loop3A_960, %parallel_loop3A_961, %parallel_loop3A_962, %parallel_loop3A_963], %parallel_loop3A_956 {strides = array<i32>} : memref<2x16x8x128xf32, #tpu.memory_space<vmem>>, vector<16xf32>,
          %parallel_loop3A_965 = arith.constant 2 : i32
          %parallel_loop3A_966 = arith.muli %parallel_loop3A_965, %parallel_loop3A_463 : i32
          %parallel_loop3A_967 = arith.constant 1 : i32
          %parallel_loop3A_968 = arith.addi %parallel_loop3A_966, %parallel_loop3A_967 : i32
          %parallel_loop3A_969 = arith.constant 7 : i32
          %parallel_loop3A_970 = arith.index_cast %rem3A_76 : i32 to index
          %parallel_loop3A_971 = arith.index_cast %parallel_loop3A_968 : i32 to index
          %parallel_loop3A_972 = arith.index_cast %parallel_loop3A_969 : i32 to index
          %parallel_loop3A_973 = arith.constant 48 : index
          %parallel_loop3A_974 = tpu.vector_load %arg8[%parallel_loop3A_970, %parallel_loop3A_971, %parallel_loop3A_972, %parallel_loop3A_973] {strides = array<i32>} : memref<2x16x8x128xf32, #tpu.memory_space<vmem>>, vector<16xf32>,
          %parallel_loop3A_975 = arith.mulf %parallel_loop3A_947, %parallel_loop3A_974 : vector<16xf32>
          %parallel_loop3A_976 = arith.constant 2 : i32
          %parallel_loop3A_977 = arith.muli %parallel_loop3A_976, %parallel_loop3A_463 : i32
          %parallel_loop3A_978 = arith.constant 1 : i32
          %parallel_loop3A_979 = arith.addi %parallel_loop3A_977, %parallel_loop3A_978 : i32
          %parallel_loop3A_980 = arith.constant 7 : i32
          %parallel_loop3A_981 = arith.index_cast %rem3A_109 : i32 to index
          %parallel_loop3A_982 = arith.index_cast %parallel_loop3A_979 : i32 to index
          %parallel_loop3A_983 = arith.index_cast %parallel_loop3A_980 : i32 to index
          %parallel_loop3A_984 = arith.constant 48 : index
          %parallel_loop3A_985 = tpu.vector_load %arg9[%parallel_loop3A_981, %parallel_loop3A_982, %parallel_loop3A_983, %parallel_loop3A_984] {strides = array<i32>} : memref<2x16x8x128xf32, #tpu.memory_space<vmem>>, vector<16xf32>,
          tpu.vector_store %arg9[%parallel_loop3A_981, %parallel_loop3A_982, %parallel_loop3A_983, %parallel_loop3A_984], %parallel_loop3A_975 {strides = array<i32>} : memref<2x16x8x128xf32, #tpu.memory_space<vmem>>, vector<16xf32>,
          %parallel_loop3A_986 = arith.addi %get3A_426, %parallel_loop3A_469 : vector<16xi32>
          %parallel_loop3A_987 = tpu.vector_load_idx %arg6[%parallel_loop3A_986] : memref<32768xf32, #tpu.memory_space<vmem>>[vector<16xi32>], vector<16xf32>,
          %parallel_loop3A_988 = vector.bitcast %parallel_loop3A_987 : vector<16xf32> to vector<32xbf16>
          %parallel_loop3A_989 = tpu.unpack_subelements %parallel_loop3A_988, 0 {pack_format = #tpu.pack_format<interleaved>} : vector<32xbf16> -> vector<16xf32>
          %parallel_loop3A_990 = tpu.unpack_subelements %parallel_loop3A_988, 1 {pack_format = #tpu.pack_format<interleaved>} : vector<32xbf16> -> vector<16xf32>
          %parallel_loop3A_991 = arith.constant 2 : i32
          %parallel_loop3A_992 = arith.muli %parallel_loop3A_991, %parallel_loop3A_463 : i32
          %parallel_loop3A_993 = arith.constant 7 : i32
          %parallel_loop3A_994 = arith.index_cast %rem3A_76 : i32 to index
          %parallel_loop3A_995 = arith.index_cast %parallel_loop3A_992 : i32 to index
          %parallel_loop3A_996 = arith.index_cast %parallel_loop3A_993 : i32 to index
          %parallel_loop3A_997 = arith.constant 64 : index
          %parallel_loop3A_998 = tpu.vector_load %arg8[%parallel_loop3A_994, %parallel_loop3A_995, %parallel_loop3A_996, %parallel_loop3A_997] {strides = array<i32>} : memref<2x16x8x128xf32, #tpu.memory_space<vmem>>, vector<16xf32>,
          %parallel_loop3A_999 = arith.mulf %parallel_loop3A_989, %parallel_loop3A_998 : vector<16xf32>
          %parallel_loop3A_1000 = arith.constant 2 : i32
          %parallel_loop3A_1001 = arith.muli %parallel_loop3A_1000, %parallel_loop3A_463 : i32
          %parallel_loop3A_1002 = arith.constant 7 : i32
          %parallel_loop3A_1003 = arith.index_cast %rem3A_109 : i32 to index
          %parallel_loop3A_1004 = arith.index_cast %parallel_loop3A_1001 : i32 to index
          %parallel_loop3A_1005 = arith.index_cast %parallel_loop3A_1002 : i32 to index
          %parallel_loop3A_1006 = arith.constant 64 : index
          %parallel_loop3A_1007 = tpu.vector_load %arg9[%parallel_loop3A_1003, %parallel_loop3A_1004, %parallel_loop3A_1005, %parallel_loop3A_1006] {strides = array<i32>} : memref<2x16x8x128xf32, #tpu.memory_space<vmem>>, vector<16xf32>,
          tpu.vector_store %arg9[%parallel_loop3A_1003, %parallel_loop3A_1004, %parallel_loop3A_1005, %parallel_loop3A_1006], %parallel_loop3A_999 {strides = array<i32>} : memref<2x16x8x128xf32, #tpu.memory_space<vmem>>, vector<16xf32>,
          %parallel_loop3A_1008 = arith.constant 2 : i32
          %parallel_loop3A_1009 = arith.muli %parallel_loop3A_1008, %parallel_loop3A_463 : i32
          %parallel_loop3A_1010 = arith.constant 1 : i32
          %parallel_loop3A_1011 = arith.addi %parallel_loop3A_1009, %parallel_loop3A_1010 : i32
          %parallel_loop3A_1012 = arith.constant 7 : i32
          %parallel_loop3A_1013 = arith.index_cast %rem3A_76 : i32 to index
          %parallel_loop3A_1014 = arith.index_cast %parallel_loop3A_1011 : i32 to index
          %parallel_loop3A_1015 = arith.index_cast %parallel_loop3A_1012 : i32 to index
          %parallel_loop3A_1016 = arith.constant 64 : index
          %parallel_loop3A_1017 = tpu.vector_load %arg8[%parallel_loop3A_1013, %parallel_loop3A_1014, %parallel_loop3A_1015, %parallel_loop3A_1016] {strides = array<i32>} : memref<2x16x8x128xf32, #tpu.memory_space<vmem>>, vector<16xf32>,
          %parallel_loop3A_1018 = arith.mulf %parallel_loop3A_990, %parallel_loop3A_1017 : vector<16xf32>
          %parallel_loop3A_1019 = arith.constant 2 : i32
          %parallel_loop3A_1020 = arith.muli %parallel_loop3A_1019, %parallel_loop3A_463 : i32
          %parallel_loop3A_1021 = arith.constant 1 : i32
          %parallel_loop3A_1022 = arith.addi %parallel_loop3A_1020, %parallel_loop3A_1021 : i32
          %parallel_loop3A_1023 = arith.constant 7 : i32
          %parallel_loop3A_1024 = arith.index_cast %rem3A_109 : i32 to index
          %parallel_loop3A_1025 = arith.index_cast %parallel_loop3A_1022 : i32 to index
          %parallel_loop3A_1026 = arith.index_cast %parallel_loop3A_1023 : i32 to index
          %parallel_loop3A_1027 = arith.constant 64 : index
          %parallel_loop3A_1028 = tpu.vector_load %arg9[%parallel_loop3A_1024, %parallel_loop3A_1025, %parallel_loop3A_1026, %parallel_loop3A_1027] {strides = array<i32>} : memref<2x16x8x128xf32, #tpu.memory_space<vmem>>, vector<16xf32>,
          tpu.vector_store %arg9[%parallel_loop3A_1024, %parallel_loop3A_1025, %parallel_loop3A_1026, %parallel_loop3A_1027], %parallel_loop3A_1018 {strides = array<i32>} : memref<2x16x8x128xf32, #tpu.memory_space<vmem>>, vector<16xf32>,
          %parallel_loop3A_1029 = arith.addi %get3A_431, %parallel_loop3A_469 : vector<16xi32>
          %parallel_loop3A_1030 = tpu.vector_load_idx %arg6[%parallel_loop3A_1029] : memref<32768xf32, #tpu.memory_space<vmem>>[vector<16xi32>], vector<16xf32>,
          %parallel_loop3A_1031 = vector.bitcast %parallel_loop3A_1030 : vector<16xf32> to vector<32xbf16>
          %parallel_loop3A_1032 = tpu.unpack_subelements %parallel_loop3A_1031, 0 {pack_format = #tpu.pack_format<interleaved>} : vector<32xbf16> -> vector<16xf32>
          %parallel_loop3A_1033 = tpu.unpack_subelements %parallel_loop3A_1031, 1 {pack_format = #tpu.pack_format<interleaved>} : vector<32xbf16> -> vector<16xf32>
          %parallel_loop3A_1034 = arith.constant 2 : i32
          %parallel_loop3A_1035 = arith.muli %parallel_loop3A_1034, %parallel_loop3A_463 : i32
          %parallel_loop3A_1036 = arith.constant 7 : i32
          %parallel_loop3A_1037 = arith.index_cast %rem3A_76 : i32 to index
          %parallel_loop3A_1038 = arith.index_cast %parallel_loop3A_1035 : i32 to index
          %parallel_loop3A_1039 = arith.index_cast %parallel_loop3A_1036 : i32 to index
          %parallel_loop3A_1040 = arith.constant 80 : index
          %parallel_loop3A_1041 = tpu.vector_load %arg8[%parallel_loop3A_1037, %parallel_loop3A_1038, %parallel_loop3A_1039, %parallel_loop3A_1040] {strides = array<i32>} : memref<2x16x8x128xf32, #tpu.memory_space<vmem>>, vector<16xf32>,
          %parallel_loop3A_1042 = arith.mulf %parallel_loop3A_1032, %parallel_loop3A_1041 : vector<16xf32>
          %parallel_loop3A_1043 = arith.constant 2 : i32
          %parallel_loop3A_1044 = arith.muli %parallel_loop3A_1043, %parallel_loop3A_463 : i32
          %parallel_loop3A_1045 = arith.constant 7 : i32
          %parallel_loop3A_1046 = arith.index_cast %rem3A_109 : i32 to index
          %parallel_loop3A_1047 = arith.index_cast %parallel_loop3A_1044 : i32 to index
          %parallel_loop3A_1048 = arith.index_cast %parallel_loop3A_1045 : i32 to index
          %parallel_loop3A_1049 = arith.constant 80 : index
          %parallel_loop3A_1050 = tpu.vector_load %arg9[%parallel_loop3A_1046, %parallel_loop3A_1047, %parallel_loop3A_1048, %parallel_loop3A_1049] {strides = array<i32>} : memref<2x16x8x128xf32, #tpu.memory_space<vmem>>, vector<16xf32>,
          tpu.vector_store %arg9[%parallel_loop3A_1046, %parallel_loop3A_1047, %parallel_loop3A_1048, %parallel_loop3A_1049], %parallel_loop3A_1042 {strides = array<i32>} : memref<2x16x8x128xf32, #tpu.memory_space<vmem>>, vector<16xf32>,
          %parallel_loop3A_1051 = arith.constant 2 : i32
          %parallel_loop3A_1052 = arith.muli %parallel_loop3A_1051, %parallel_loop3A_463 : i32
          %parallel_loop3A_1053 = arith.constant 1 : i32
          %parallel_loop3A_1054 = arith.addi %parallel_loop3A_1052, %parallel_loop3A_1053 : i32
          %parallel_loop3A_1055 = arith.constant 7 : i32
          %parallel_loop3A_1056 = arith.index_cast %rem3A_76 : i32 to index
          %parallel_loop3A_1057 = arith.index_cast %parallel_loop3A_1054 : i32 to index
          %parallel_loop3A_1058 = arith.index_cast %parallel_loop3A_1055 : i32 to index
          %parallel_loop3A_1059 = arith.constant 80 : index
          %parallel_loop3A_1060 = tpu.vector_load %arg8[%parallel_loop3A_1056, %parallel_loop3A_1057, %parallel_loop3A_1058, %parallel_loop3A_1059] {strides = array<i32>} : memref<2x16x8x128xf32, #tpu.memory_space<vmem>>, vector<16xf32>,
          %parallel_loop3A_1061 = arith.mulf %parallel_loop3A_1033, %parallel_loop3A_1060 : vector<16xf32>
          %parallel_loop3A_1062 = arith.constant 2 : i32
          %parallel_loop3A_1063 = arith.muli %parallel_loop3A_1062, %parallel_loop3A_463 : i32
          %parallel_loop3A_1064 = arith.constant 1 : i32
          %parallel_loop3A_1065 = arith.addi %parallel_loop3A_1063, %parallel_loop3A_1064 : i32
          %parallel_loop3A_1066 = arith.constant 7 : i32
          %parallel_loop3A_1067 = arith.index_cast %rem3A_109 : i32 to index
          %parallel_loop3A_1068 = arith.index_cast %parallel_loop3A_1065 : i32 to index
          %parallel_loop3A_1069 = arith.index_cast %parallel_loop3A_1066 : i32 to index
          %parallel_loop3A_1070 = arith.constant 80 : index
          %parallel_loop3A_1071 = tpu.vector_load %arg9[%parallel_loop3A_1067, %parallel_loop3A_1068, %parallel_loop3A_1069, %parallel_loop3A_1070] {strides = array<i32>} : memref<2x16x8x128xf32, #tpu.memory_space<vmem>>, vector<16xf32>,
          tpu.vector_store %arg9[%parallel_loop3A_1067, %parallel_loop3A_1068, %parallel_loop3A_1069, %parallel_loop3A_1070], %parallel_loop3A_1061 {strides = array<i32>} : memref<2x16x8x128xf32, #tpu.memory_space<vmem>>, vector<16xf32>,
          %parallel_loop3A_1072 = arith.addi %get3A_436, %parallel_loop3A_469 : vector<16xi32>
          %parallel_loop3A_1073 = tpu.vector_load_idx %arg6[%parallel_loop3A_1072] : memref<32768xf32, #tpu.memory_space<vmem>>[vector<16xi32>], vector<16xf32>,
          %parallel_loop3A_1074 = vector.bitcast %parallel_loop3A_1073 : vector<16xf32> to vector<32xbf16>
          %parallel_loop3A_1075 = tpu.unpack_subelements %parallel_loop3A_1074, 0 {pack_format = #tpu.pack_format<interleaved>} : vector<32xbf16> -> vector<16xf32>
          %parallel_loop3A_1076 = tpu.unpack_subelements %parallel_loop3A_1074, 1 {pack_format = #tpu.pack_format<interleaved>} : vector<32xbf16> -> vector<16xf32>
          %parallel_loop3A_1077 = arith.constant 2 : i32
          %parallel_loop3A_1078 = arith.muli %parallel_loop3A_1077, %parallel_loop3A_463 : i32
          %parallel_loop3A_1079 = arith.constant 7 : i32
          %parallel_loop3A_1080 = arith.index_cast %rem3A_76 : i32 to index
          %parallel_loop3A_1081 = arith.index_cast %parallel_loop3A_1078 : i32 to index
          %parallel_loop3A_1082 = arith.index_cast %parallel_loop3A_1079 : i32 to index
          %parallel_loop3A_1083 = arith.constant 96 : index
          %parallel_loop3A_1084 = tpu.vector_load %arg8[%parallel_loop3A_1080, %parallel_loop3A_1081, %parallel_loop3A_1082, %parallel_loop3A_1083] {strides = array<i32>} : memref<2x16x8x128xf32, #tpu.memory_space<vmem>>, vector<16xf32>,
          %parallel_loop3A_1085 = arith.mulf %parallel_loop3A_1075, %parallel_loop3A_1084 : vector<16xf32>
          %parallel_loop3A_1086 = arith.constant 2 : i32
          %parallel_loop3A_1087 = arith.muli %parallel_loop3A_1086, %parallel_loop3A_463 : i32
          %parallel_loop3A_1088 = arith.constant 7 : i32
          %parallel_loop3A_1089 = arith.index_cast %rem3A_109 : i32 to index
          %parallel_loop3A_1090 = arith.index_cast %parallel_loop3A_1087 : i32 to index
          %parallel_loop3A_1091 = arith.index_cast %parallel_loop3A_1088 : i32 to index
          %parallel_loop3A_1092 = arith.constant 96 : index
          %parallel_loop3A_1093 = tpu.vector_load %arg9[%parallel_loop3A_1089, %parallel_loop3A_1090, %parallel_loop3A_1091, %parallel_loop3A_1092] {strides = array<i32>} : memref<2x16x8x128xf32, #tpu.memory_space<vmem>>, vector<16xf32>,
          tpu.vector_store %arg9[%parallel_loop3A_1089, %parallel_loop3A_1090, %parallel_loop3A_1091, %parallel_loop3A_1092], %parallel_loop3A_1085 {strides = array<i32>} : memref<2x16x8x128xf32, #tpu.memory_space<vmem>>, vector<16xf32>,
          %parallel_loop3A_1094 = arith.constant 2 : i32
          %parallel_loop3A_1095 = arith.muli %parallel_loop3A_1094, %parallel_loop3A_463 : i32
          %parallel_loop3A_1096 = arith.constant 1 : i32
          %parallel_loop3A_1097 = arith.addi %parallel_loop3A_1095, %parallel_loop3A_1096 : i32
          %parallel_loop3A_1098 = arith.constant 7 : i32
          %parallel_loop3A_1099 = arith.index_cast %rem3A_76 : i32 to index
          %parallel_loop3A_1100 = arith.index_cast %parallel_loop3A_1097 : i32 to index
          %parallel_loop3A_1101 = arith.index_cast %parallel_loop3A_1098 : i32 to index
          %parallel_loop3A_1102 = arith.constant 96 : index
          %parallel_loop3A_1103 = tpu.vector_load %arg8[%parallel_loop3A_1099, %parallel_loop3A_1100, %parallel_loop3A_1101, %parallel_loop3A_1102] {strides = array<i32>} : memref<2x16x8x128xf32, #tpu.memory_space<vmem>>, vector<16xf32>,
          %parallel_loop3A_1104 = arith.mulf %parallel_loop3A_1076, %parallel_loop3A_1103 : vector<16xf32>
          %parallel_loop3A_1105 = arith.constant 2 : i32
          %parallel_loop3A_1106 = arith.muli %parallel_loop3A_1105, %parallel_loop3A_463 : i32
          %parallel_loop3A_1107 = arith.constant 1 : i32
          %parallel_loop3A_1108 = arith.addi %parallel_loop3A_1106, %parallel_loop3A_1107 : i32
          %parallel_loop3A_1109 = arith.constant 7 : i32
          %parallel_loop3A_1110 = arith.index_cast %rem3A_109 : i32 to index
          %parallel_loop3A_1111 = arith.index_cast %parallel_loop3A_1108 : i32 to index
          %parallel_loop3A_1112 = arith.index_cast %parallel_loop3A_1109 : i32 to index
          %parallel_loop3A_1113 = arith.constant 96 : index
          %parallel_loop3A_1114 = tpu.vector_load %arg9[%parallel_loop3A_1110, %parallel_loop3A_1111, %parallel_loop3A_1112, %parallel_loop3A_1113] {strides = array<i32>} : memref<2x16x8x128xf32, #tpu.memory_space<vmem>>, vector<16xf32>,
          tpu.vector_store %arg9[%parallel_loop3A_1110, %parallel_loop3A_1111, %parallel_loop3A_1112, %parallel_loop3A_1113], %parallel_loop3A_1104 {strides = array<i32>} : memref<2x16x8x128xf32, #tpu.memory_space<vmem>>, vector<16xf32>,
          %parallel_loop3A_1115 = arith.addi %get3A_441, %parallel_loop3A_469 : vector<16xi32>
          %parallel_loop3A_1116 = tpu.vector_load_idx %arg6[%parallel_loop3A_1115] : memref<32768xf32, #tpu.memory_space<vmem>>[vector<16xi32>], vector<16xf32>,
          %parallel_loop3A_1117 = vector.bitcast %parallel_loop3A_1116 : vector<16xf32> to vector<32xbf16>
          %parallel_loop3A_1118 = tpu.unpack_subelements %parallel_loop3A_1117, 0 {pack_format = #tpu.pack_format<interleaved>} : vector<32xbf16> -> vector<16xf32>
          %parallel_loop3A_1119 = tpu.unpack_subelements %parallel_loop3A_1117, 1 {pack_format = #tpu.pack_format<interleaved>} : vector<32xbf16> -> vector<16xf32>
          %parallel_loop3A_1120 = arith.constant 2 : i32
          %parallel_loop3A_1121 = arith.muli %parallel_loop3A_1120, %parallel_loop3A_463 : i32
          %parallel_loop3A_1122 = arith.constant 7 : i32
          %parallel_loop3A_1123 = arith.index_cast %rem3A_76 : i32 to index
          %parallel_loop3A_1124 = arith.index_cast %parallel_loop3A_1121 : i32 to index
          %parallel_loop3A_1125 = arith.index_cast %parallel_loop3A_1122 : i32 to index
          %parallel_loop3A_1126 = arith.constant 112 : index
          %parallel_loop3A_1127 = tpu.vector_load %arg8[%parallel_loop3A_1123, %parallel_loop3A_1124, %parallel_loop3A_1125, %parallel_loop3A_1126] {strides = array<i32>} : memref<2x16x8x128xf32, #tpu.memory_space<vmem>>, vector<16xf32>,
          %parallel_loop3A_1128 = arith.mulf %parallel_loop3A_1118, %parallel_loop3A_1127 : vector<16xf32>
          %parallel_loop3A_1129 = arith.constant 2 : i32
          %parallel_loop3A_1130 = arith.muli %parallel_loop3A_1129, %parallel_loop3A_463 : i32
          %parallel_loop3A_1131 = arith.constant 7 : i32
          %parallel_loop3A_1132 = arith.index_cast %rem3A_109 : i32 to index
          %parallel_loop3A_1133 = arith.index_cast %parallel_loop3A_1130 : i32 to index
          %parallel_loop3A_1134 = arith.index_cast %parallel_loop3A_1131 : i32 to index
          %parallel_loop3A_1135 = arith.constant 112 : index
          %parallel_loop3A_1136 = tpu.vector_load %arg9[%parallel_loop3A_1132, %parallel_loop3A_1133, %parallel_loop3A_1134, %parallel_loop3A_1135] {strides = array<i32>} : memref<2x16x8x128xf32, #tpu.memory_space<vmem>>, vector<16xf32>,
          tpu.vector_store %arg9[%parallel_loop3A_1132, %parallel_loop3A_1133, %parallel_loop3A_1134, %parallel_loop3A_1135], %parallel_loop3A_1128 {strides = array<i32>} : memref<2x16x8x128xf32, #tpu.memory_space<vmem>>, vector<16xf32>,
          %parallel_loop3A_1137 = arith.constant 2 : i32
          %parallel_loop3A_1138 = arith.muli %parallel_loop3A_1137, %parallel_loop3A_463 : i32
          %parallel_loop3A_1139 = arith.constant 1 : i32
          %parallel_loop3A_1140 = arith.addi %parallel_loop3A_1138, %parallel_loop3A_1139 : i32
          %parallel_loop3A_1141 = arith.constant 7 : i32
          %parallel_loop3A_1142 = arith.index_cast %rem3A_76 : i32 to index
          %parallel_loop3A_1143 = arith.index_cast %parallel_loop3A_1140 : i32 to index
          %parallel_loop3A_1144 = arith.index_cast %parallel_loop3A_1141 : i32 to index
          %parallel_loop3A_1145 = arith.constant 112 : index
          %parallel_loop3A_1146 = tpu.vector_load %arg8[%parallel_loop3A_1142, %parallel_loop3A_1143, %parallel_loop3A_1144, %parallel_loop3A_1145] {strides = array<i32>} : memref<2x16x8x128xf32, #tpu.memory_space<vmem>>, vector<16xf32>,
          %parallel_loop3A_1147 = arith.mulf %parallel_loop3A_1119, %parallel_loop3A_1146 : vector<16xf32>
          %parallel_loop3A_1148 = arith.constant 2 : i32
          %parallel_loop3A_1149 = arith.muli %parallel_loop3A_1148, %parallel_loop3A_463 : i32
          %parallel_loop3A_1150 = arith.constant 1 : i32
          %parallel_loop3A_1151 = arith.addi %parallel_loop3A_1149, %parallel_loop3A_1150 : i32
          %parallel_loop3A_1152 = arith.constant 7 : i32
          %parallel_loop3A_1153 = arith.index_cast %rem3A_109 : i32 to index
          %parallel_loop3A_1154 = arith.index_cast %parallel_loop3A_1151 : i32 to index
          %parallel_loop3A_1155 = arith.index_cast %parallel_loop3A_1152 : i32 to index
          %parallel_loop3A_1156 = arith.constant 112 : index
          %parallel_loop3A_1157 = tpu.vector_load %arg9[%parallel_loop3A_1153, %parallel_loop3A_1154, %parallel_loop3A_1155, %parallel_loop3A_1156] {strides = array<i32>} : memref<2x16x8x128xf32, #tpu.memory_space<vmem>>, vector<16xf32>,
          tpu.vector_store %arg9[%parallel_loop3A_1153, %parallel_loop3A_1154, %parallel_loop3A_1155, %parallel_loop3A_1156], %parallel_loop3A_1147 {strides = array<i32>} : memref<2x16x8x128xf32, #tpu.memory_space<vmem>>, vector<16xf32>,
        } {sc.loop_unroll_factor = 4 : i64, sc.parallel_access}
        %add3A_445 = arith.addi %mul3A_3, %scan3A_106 : i32
        %dma_start3A_446 = arith.constant 0 : i32
        %dma_start3A_447 = arith.constant 0 : i32
        %dma_start3A_448 = arith.constant 0 : i32
        %dma_start3A_449 = tpu.memref_slice %arg9[%rem3A_109, %dma_start3A_446, %dma_start3A_447, %dma_start3A_448] : memref<2x16x8x128xf32, #tpu.memory_space<vmem>> -> memref<1x16x8x128xf32, #tpu.memory_space<vmem>>
        %dma_start3A_450 = tpu.memref_squeeze %dma_start3A_449 : memref<1x16x8x128xf32, #tpu.memory_space<vmem>> -> memref<16x8x128xf32, #tpu.memory_space<vmem>>
        %dma_start3A_451 = arith.constant 0 : i32
        %dma_start3A_452 = tpu.memref_slice %arg5[%add3A_445, %mul3A_74, %mul3A_6, %dma_start3A_451] : memref<16x64x128x128xf32, #tpu.memory_space<hbm>> -> memref<1x16x8x128xf32, #tpu.memory_space<hbm>>
        %dma_start3A_453 = tpu.memref_squeeze %dma_start3A_452 : memref<1x16x8x128xf32, #tpu.memory_space<hbm>> -> memref<16x8x128xf32, #tpu.memory_space<hbm>>
        %dma_start3A_454 = arith.constant 0 : i32
        %dma_start3A_455 = tpu.memref_slice %arg5[%add3A_445, %mul3A_74, %mul3A_6, %dma_start3A_454] : memref<16x64x128x128xf32, #tpu.memory_space<hbm>> -> memref<1x16x8x128xf32, #tpu.memory_space<hbm>>
        %dma_start3A_456 = tpu.memref_squeeze %dma_start3A_455 : memref<1x16x8x128xf32, #tpu.memory_space<hbm>> -> memref<16x8x128xf32, #tpu.memory_space<hbm>>
        %dma_start3A_457 = arith.constant 0 : i32
        %dma_start3A_458 = arith.constant 0 : i32
        %dma_start3A_459 = arith.constant 0 : i32
        %dma_start3A_460 = tpu.memref_slice %arg9[%rem3A_109, %dma_start3A_457, %dma_start3A_458, %dma_start3A_459] : memref<2x16x8x128xf32, #tpu.memory_space<vmem>> -> memref<1x16x8x128xf32, #tpu.memory_space<vmem>>
        %dma_start3A_461 = tpu.memref_squeeze %dma_start3A_460 : memref<1x16x8x128xf32, #tpu.memory_space<vmem>> -> memref<16x8x128xf32, #tpu.memory_space<vmem>>
        tpu.enqueue_dma source(%dma_start3A_461 : memref<16x8x128xf32, #tpu.memory_space<vmem>>) target(%dma_start3A_456 : memref<16x8x128xf32, #tpu.memory_space<hbm>>) target_semaphore(%arg10 : memref<!tpu.dma_semaphore, #tpu.memory_space<semaphore_mem>>)
        %scan3A_462 = arith.constant 0 : i32
        scf.yield %scan3A_462 : i32
      }
      %scan3A_104 = arith.constant 8 : i32
      %scan3A_105 = arith.constant 0 : i32
      scf.yield %scan3A_105 : i32
    }
    %scan3A_31 = arith.constant 4 : i32
    %dma_wait3A = arith.constant 0 : i32
    %dma_wait3A_32 = arith.constant 0 : i32
    %dma_wait3A_33 = arith.constant 0 : i32
    %dma_wait3A_34 = arith.constant 0 : i32
    %dma_wait3A_35 = arith.constant 0 : i32
    %dma_wait3A_36 = tpu.memref_slice %arg9[%dma_wait3A, %dma_wait3A_33, %dma_wait3A_34, %dma_wait3A_35] : memref<2x16x8x128xf32, #tpu.memory_space<vmem>> -> memref<1x16x8x128xf32, #tpu.memory_space<vmem>>
    %dma_wait3A_37 = tpu.memref_squeeze %dma_wait3A_36 : memref<1x16x8x128xf32, #tpu.memory_space<vmem>> -> memref<16x8x128xf32, #tpu.memory_space<vmem>>
    %dma_wait3A_38 = arith.constant 0 : i32
    %dma_wait3A_39 = arith.constant 0 : i32
    %dma_wait3A_40 = tpu.memref_slice %arg5[%dma_wait3A_32, %dma_wait3A_38, %mul3A_6, %dma_wait3A_39] : memref<16x64x128x128xf32, #tpu.memory_space<hbm>> -> memref<1x16x8x128xf32, #tpu.memory_space<hbm>>
    %dma_wait3A_41 = tpu.memref_squeeze %dma_wait3A_40 : memref<1x16x8x128xf32, #tpu.memory_space<hbm>> -> memref<16x8x128xf32, #tpu.memory_space<hbm>>
    %dma_wait3A_42 = arith.constant 0 : i32
    %dma_wait3A_43 = arith.constant 0 : i32
    %dma_wait3A_44 = tpu.memref_slice %arg5[%dma_wait3A_32, %dma_wait3A_42, %mul3A_6, %dma_wait3A_43] : memref<16x64x128x128xf32, #tpu.memory_space<hbm>> -> memref<1x16x8x128xf32, #tpu.memory_space<hbm>>
    %dma_wait3A_45 = tpu.memref_squeeze %dma_wait3A_44 : memref<1x16x8x128xf32, #tpu.memory_space<hbm>> -> memref<16x8x128xf32, #tpu.memory_space<hbm>>
    %dma_wait3A_46 = arith.constant 0 : i32
    %dma_wait3A_47 = arith.constant 0 : i32
    %dma_wait3A_48 = arith.constant 0 : i32
    %dma_wait3A_49 = tpu.memref_slice %arg9[%dma_wait3A, %dma_wait3A_46, %dma_wait3A_47, %dma_wait3A_48] : memref<2x16x8x128xf32, #tpu.memory_space<vmem>> -> memref<1x16x8x128xf32, #tpu.memory_space<vmem>>
    %dma_wait3A_50 = tpu.memref_squeeze %dma_wait3A_49 : memref<1x16x8x128xf32, #tpu.memory_space<vmem>> -> memref<16x8x128xf32, #tpu.memory_space<vmem>>
    tpu.wait_dma2 semaphore(%arg10 : memref<!tpu.dma_semaphore, #tpu.memory_space<semaphore_mem>>) src(%dma_wait3A_50 : memref<16x8x128xf32, #tpu.memory_space<vmem>>) dst(%dma_wait3A_45 : memref<16x8x128xf32, #tpu.memory_space<hbm>>)
    %dma_wait3A_51 = arith.constant 1 : i32
    %dma_wait3A_52 = arith.constant 1 : i32
    %dma_wait3A_53 = arith.constant 0 : i32
    %dma_wait3A_54 = arith.constant 0 : i32
    %dma_wait3A_55 = arith.constant 0 : i32
    %dma_wait3A_56 = tpu.memref_slice %arg9[%dma_wait3A_51, %dma_wait3A_53, %dma_wait3A_54, %dma_wait3A_55] : memref<2x16x8x128xf32, #tpu.memory_space<vmem>> -> memref<1x16x8x128xf32, #tpu.memory_space<vmem>>
    %dma_wait3A_57 = tpu.memref_squeeze %dma_wait3A_56 : memref<1x16x8x128xf32, #tpu.memory_space<vmem>> -> memref<16x8x128xf32, #tpu.memory_space<vmem>>
    %dma_wait3A_58 = arith.constant 0 : i32
    %dma_wait3A_59 = arith.constant 0 : i32
    %dma_wait3A_60 = tpu.memref_slice %arg5[%dma_wait3A_52, %dma_wait3A_58, %mul3A_6, %dma_wait3A_59] : memref<16x64x128x128xf32, #tpu.memory_space<hbm>> -> memref<1x16x8x128xf32, #tpu.memory_space<hbm>>
    %dma_wait3A_61 = tpu.memref_squeeze %dma_wait3A_60 : memref<1x16x8x128xf32, #tpu.memory_space<hbm>> -> memref<16x8x128xf32, #tpu.memory_space<hbm>>
    %dma_wait3A_62 = arith.constant 0 : i32
    %dma_wait3A_63 = arith.constant 0 : i32
    %dma_wait3A_64 = tpu.memref_slice %arg5[%dma_wait3A_52, %dma_wait3A_62, %mul3A_6, %dma_wait3A_63] : memref<16x64x128x128xf32, #tpu.memory_space<hbm>> -> memref<1x16x8x128xf32, #tpu.memory_space<hbm>>
    %dma_wait3A_65 = tpu.memref_squeeze %dma_wait3A_64 : memref<1x16x8x128xf32, #tpu.memory_space<hbm>> -> memref<16x8x128xf32, #tpu.memory_space<hbm>>
    %dma_wait3A_66 = arith.constant 0 : i32
    %dma_wait3A_67 = arith.constant 0 : i32
    %dma_wait3A_68 = arith.constant 0 : i32
    %dma_wait3A_69 = tpu.memref_slice %arg9[%dma_wait3A_51, %dma_wait3A_66, %dma_wait3A_67, %dma_wait3A_68] : memref<2x16x8x128xf32, #tpu.memory_space<vmem>> -> memref<1x16x8x128xf32, #tpu.memory_space<vmem>>
    %dma_wait3A_70 = tpu.memref_squeeze %dma_wait3A_69 : memref<1x16x8x128xf32, #tpu.memory_space<vmem>> -> memref<16x8x128xf32, #tpu.memory_space<vmem>>
    tpu.wait_dma2 semaphore(%arg10 : memref<!tpu.dma_semaphore, #tpu.memory_space<semaphore_mem>>) src(%dma_wait3A_70 : memref<16x8x128xf32, #tpu.memory_space<vmem>>) dst(%dma_wait3A_65 : memref<16x8x128xf32, #tpu.memory_space<hbm>>)
    return
  }
}

</mosaic_0001>

<sc_bundles>
// kernel: kernel.3.cloned.1.call-start
scs
__scs_entry_jumppad:
0x0: {  	(pc) =	sbr.rel $0x88, $3  }
0x1: {  	(tag) =	ssettag $0x0;
	lr =	simm.s32 $0x1  }
0x2: {  	[smem:$0x3F9E] =	sst lr;
	_ =	strace $0xD0000000  }
0x3: {  	_ = 	snop  }
0x4: {  	_ = 	snop  }
0x5: {  	_ = 	snop  }
0x6: {  	_ = 	snop  }
0x7: {  	_ = 	snop  }
__scs_overlays_trampoline_lowered:
0x8: {  	[smem:$0x3FAD] =	sst s0  }
0x9: {  	[smem:$0x3FAE] =	sst s1  }
0xa: {  	[smem:$0x3FAF] =	sst s2  }
0xb: {  	[smem:$0x3FB0] =	sst s3  }
0xc: {  	[smem:$0x3FB1] =	sst s4  }
0xd: {  	[smem:$0x3FB2] =	sst s5  }
0xe: {  	[smem:$0x3FB3] =	sst s6  }
0xf: {  	[smem:$0x3FB4] =	sst s7  }
0x10: {  	[smem:$0x3FB5] =	sst s8  }
0x11: {  	[smem:$0x3FB6] =	sst s9;
	s0 =	simm.s32 @!p0 $0x0  }
0x12: {  	s1 =	sld [smem:$0x3F9C];
	s0 =	simm.s32 @p0 $0x1  }
0x13: {  	[smem:$0x3FB7] =	sst s0;
	s0 =	simm.s32 @!p1 $0x0  }
0x14: {  	s2 =	sld [smem:$0x3F9B];
	s0 =	simm.s32 @p1 $0x1  }
0x15: {  	[smem:$0x3FB8] =	sst s0;
	s0 =	simm.s32 @!p2 $0x0  }
0x16: {  	s3 =	sld [smem:$0x3FDB];
	s0 =	simm.s32 @p2 $0x1  }
0x17: {  	s4 =	simm.s32 $0x1BF5;
	[smem:$0x3FBA] =	sst s0  }
0x18: {  	s0 =	sld [smem:$0x3F9D];
	_ =	swait.ge [sflag:s4], $0x0  }
0x19: {  	s7 =	sld [smem:$0x3F9E]  }
0x1a: {  	s8 =	sadd.s32 $0xFFFFE003, lr  }
0x1b: {  	s9 =	sadd.s32 $0xFFFFFEF7, lr;
	s5 =	simm.s32 $0xFFFFFFFF;
	p2 =	slt.u32 s8, $0xFFFFF086  }
0x1c: {  	p1 =	slt.u32 s9, $0xF7A;
	s5 =	simm.s32 @!p2 $0x0  }
0x1d: {  	s5 =	simm.s32 @p1 $0x1;
	p0 =	seq.s32 s7, s2  }
0x1e: {  	s7 =	smul.u32 @!p0 $0xF7A, s2;
	p2 =	seq.s32 @!p0 s5, $0x0  }
0x1f: {  	s9 =	smul.u32 $0xF7A, s1;
	s8 =	simm.s32 @!p0 $0x1BF5;
	p2 =	por !p2, p0  }
0x20: {  	[sflag:s8] =	ssyncset.s32 @!p0 $0xFFFFF086;
	s6 =	sadd.s32 @!p0 s3, s7;
	s7 =	simm.s32 @!p0 $0x108  }
0x21: {  	s3 =	sadd.s32 s3, s9;
	s6 =	sadd.s32 @!p0 $0x88, s6;
	s7 =	simm.s32 @p2 $0x1082  }
0x22: {  	[simem:s7], [sflag:s8] =	dma.local @!p0 [hbm:s6], $0xF7A  }
0x23: {  	s9 =	sor.u32 $0xD0000000, s2;
	s6 =	simm.s32 $0x108;
	_ =	swait.ge @!p0 [sflag:s8], $0x0  }
0x24: {  	s3 =	sadd.s32 $0x88, s3;
	s6 =	simm.s32 @!p1 $0x1082;
	[sflag:s4] =	ssyncset.s32 $0xFFFFF086  }
0x25: {  	[simem:s6], [sflag:s4] =	dma.local [hbm:s3], $0xF7A  }
0x26: {  	[smem:$0x3F9E] =	sst s1;
	(tag) =	ssettag s2;
	_ =	strace s9  }
0x27: {  	s1 =	sld [smem:$0x3FAE]  }
0x28: {  	s2 =	sld [smem:$0x3FAF]  }
0x29: {  	s4 =	sld [smem:$0x3FB1]  }
0x2a: {  	p0 =	seq.s32 s5, $0x0;
	s5 =	sld [smem:$0x3FB2]  }
0x2b: {  	s6 =	sld [smem:$0x3FB3]  }
0x2c: {  	s7 =	sld [smem:$0x3FB4]  }
0x2d: {  	s3 =	simm.s32 $0x108;
	s8 =	sld [smem:$0x3FB5]  }
0x2e: {  	s3 =	simm.s32 @!p0 $0x1082;
	s9 =	sld [smem:$0x3FB6]  }
0x2f: {  	lr =	sadd.s32 s0, s3;
	s0 =	sld [smem:$0x3FAD]  }
0x30: {  	s3 =	sld [smem:$0x3FB0]  }
0x31: {  	[smem:$0x3FB9] =	sst s10  }
0x32: {  	s10 =	sld [smem:$0x3FB7];
	_ =	sdelay $0x3  }
0x33: {  	p0 =	seq.s32 s10, $0x1;
	s10 =	sld [smem:$0x3FB9];
	_ =	sdelay $0x3  }
0x34: {  	[smem:$0x3FB9] =	sst s10  }
0x35: {  	s10 =	sld [smem:$0x3FB8];
	_ =	sdelay $0x3  }
0x36: {  	p1 =	seq.s32 s10, $0x1;
	s10 =	sld [smem:$0x3FB9];
	_ =	sdelay $0x3  }
0x37: {  	[smem:$0x3FB9] =	sst s10  }
0x38: {  	s10 =	sld [smem:$0x3FBA]  }
0x39: {  	_ = 	snop;
	(pc) =	sbr.ind lr, $3  }
0x3a: {  	_ = 	snop  }
0x3b: {  	_ = 	snop  }
0x3c: {  	p2 =	seq.s32 s10, $0x1;
	s10 =	sld [smem:$0x3FB9]  }
0x3d: {  	_ =	shalt  }
0x3e: {  	_ =	shalt  }
0x3f: {  	_ =	shalt  }
0x40: {  	_ =	shalt  }
0x41: {  	_ =	shalt  }
0x42: {  	_ =	shalt  }
0x43: {  	_ =	shalt  }
0x44: {  	_ =	shalt  }
0x45: {  	_ =	shalt  }
0x46: {  	_ =	shalt  }
0x47: {  	_ =	shalt  }
0x48: {  	_ =	shalt  }
0x49: {  	_ =	shalt  }
0x4a: {  	_ =	shalt  }
0x4b: {  	_ =	shalt  }
0x4c: {  	_ =	shalt  }
0x4d: {  	_ =	shalt  }
0x4e: {  	_ =	shalt  }
0x4f: {  	_ =	shalt  }
0x50: {  	_ =	shalt  }
0x51: {  	_ =	shalt  }
0x52: {  	_ =	shalt  }
0x53: {  	_ =	shalt  }
0x54: {  	_ =	shalt  }
0x55: {  	_ =	shalt  }
0x56: {  	_ =	shalt  }
0x57: {  	_ =	shalt  }
0x58: {  	_ =	shalt  }
0x59: {  	_ =	shalt  }
0x5a: {  	_ =	shalt  }
0x5b: {  	_ =	shalt  }
0x5c: {  	_ =	shalt  }
0x5d: {  	_ =	shalt  }
0x5e: {  	_ =	shalt  }
0x5f: {  	_ =	shalt  }
0x60: {  	_ =	shalt  }
0x61: {  	_ =	shalt  }
0x62: {  	_ =	shalt  }
0x63: {  	_ =	shalt  }
0x64: {  	_ =	shalt  }
0x65: {  	_ =	shalt  }
0x66: {  	_ =	shalt  }
0x67: {  	_ =	shalt  }
0x68: {  	_ =	shalt  }
0x69: {  	_ =	shalt  }
0x6a: {  	_ =	shalt  }
0x6b: {  	_ =	shalt  }
0x6c: {  	_ =	shalt  }
0x6d: {  	_ =	shalt  }
0x6e: {  	_ =	shalt  }
0x6f: {  	_ =	shalt  }
0x70: {  	_ =	shalt  }
0x71: {  	_ =	shalt  }
0x72: {  	_ =	shalt  }
0x73: {  	_ =	shalt  }
0x74: {  	_ =	shalt  }
0x75: {  	_ =	shalt  }
0x76: {  	_ =	shalt  }
0x77: {  	_ =	shalt  }
0x78: {  	_ =	shalt  }
0x79: {  	_ =	shalt  }
0x7a: {  	_ =	shalt  }
0x7b: {  	_ =	shalt  }
0x7c: {  	_ =	shalt  }
0x7d: {  	_ =	shalt  }
0x7e: {  	_ =	shalt  }
0x7f: {  	_ =	shalt  }
0x80: {  	_ =	shalt  }
0x81: {  	_ =	shalt  }
0x82: {  	_ =	shalt  }
0x83: {  	_ =	shalt  }
0x84: {  	_ =	shalt  }
0x85: {  	_ =	shalt  }
0x86: {  	_ =	shalt  }
0x87: {  	_ =	shalt  }
.Lfunc_end0:
.L_simem_size_0:
called_computation_lowered:
.L_overlay_start_0:
0x88: {  	s2 =	sld [smem:$0x3FD9]  }
0x89: {  	s3 =	sld [smem:$0x3FFE];
	_ =	sdelay $0x1  }
0x8a: {  	s1 =	srdreg.scid  }
0x8b: {  	s0 =	sand.u32 $0x1, s1  }
0x8c: {  	s17 =	sshll.u32 s0, $0xA;
	s2 =	sadd.s32 s3, s2  }
0x8d: {  	s2 =	sadd.s32 s2, s17  }
0x8e: {  	[smem:$0x3FC5] =	sst s2  }
0x8f: {  	_ = 	snop  }
0x90: {  	s2 =	sld [smem:$0x3FC9]  }
0x91: {  	s18 =	sld [smem:$0x3FC7]  }
0x92: {  	s4 =	sld [smem:$0x3FD0];
	(tm) =	ssettm $0x1  }
0x93: {  	s5 =	sld [smem:$0x3FFB];
	_ =	sdelay $0x3  }
0x94: {  	_ =	strace s5  }
0x95: {  	s5 =	sld [smem:$0x3FFC];
	_ =	sdelay $0x3  }
0x96: {  	_ =	strace s5  }
0x97: {  	s5 =	sld [smem:$0x3FFD];
	_ =	sdelay $0x3  }
0x98: {  	_ =	strace s5  }
0x99: {  	_ =	strace $0x8FFFFFFF  }
0x9a: {  	s19 =	sld [smem:$0x3FDB];
	_ =	sdelay $0x1  }
0x9b: {  	s6 =	simm.s32 $_scs_section_size  }
0x9c: {  	s7 =	simm.s32 $_size__tile_overlayer_lowered;
	s8 =	simm.s32 $_tile_overlayer_lowered  }
0x9d: {  	s22 =	simm.s32 $0x1BFF;
	s21 =	sshll.u32 s8, $0x1;
	s5 =	sadd.s32 s6, s19  }
0x9e: {  	s9 =	simm.s32 $0x0;
	s20 =	sshll.u32 s7, $0x1;
	s7 =	sadd.s32 s21, s5  }
0x9f: {  	[timem:s9], [sflag:s22] =	dma.local [hbm:s7], s20  }
0xa0: {  	_ =	swait.ge [sflag:s22], s20  }
0xa1: {  	s6 =	ssub.s32 $0x0, s20;
	[sflag:s22] =	ssyncset.done $0x0  }
0xa2: {  	[sflag:s22] =	ssyncadd.s32 s6;
	_ =	sdelay $0x1  }
0xa3: {  	s23 =	simm.s32 $0x1B8B  }
0xa4: {  	_ =	swait.ge [sflag:s23], $0x1  }
0xa5: {  	[sflag:s23] =	ssyncset.done $0x0  }
0xa6: {  	s25 =	simm.s32 $0x1B8E;
	s24 =	sld [smem:$0x3FFE];
	[sflag:s23] =	ssyncadd.s32 $0xFFFFFFFF  }
0xa7: {  	s26 =	simm.s32 $execute0_lowered;
	[smem:$0x3FD2] =	sst s25  }
0xa8: {  	s7 =	sshll.u32 s26, $0x1;
	_ =	strace $0x80000046;
	[dreg:$0x1] =	wrdreg $0xFFFFFFFF  }
0xa9: {  	s28 =	simm.s32 $_size_execute0_lowered;
	s5 =	sadd.s32 s5, s7;
	[dreg:$0x0] =	wrdreg $0x0  }
0xaa: {  	s7 =	sshll.u32 s28, $0x1;
	[dreg:$0x2] =	wrdreg s5  }
0xab: {  	[dreg:$0x3] =	wrdreg s7  }
0xac: {  	[dreg:$0x4] =	wrdreg $0xC0  }
0xad: {  	_ =	task [dreg:s9], $0x5FFFF  }
0xae: {  	[dreg:$0x1] =	wrdreg $0xFFFFFFFF  }
0xaf: {  	[dreg:$0x0] =	wrdreg $0x60  }
0xb0: {  	[dreg:$0x2] =	wrdreg s2  }
0xb1: {  	[dreg:$0x3] =	wrdreg s24  }
0xb2: {  	[dreg:$0x4] =	wrdreg s18  }
0xb3: {  	[dreg:$0x5] =	wrdreg s4  }
0xb4: {  	[dreg:$0x6] =	wrdreg $0x9  }
0xb5: {  	_ =	task.clear_ibuf [dreg:s9], $0x7FFFF;
	_ =	strace $0x90000046  }
0xb6: {  	s29 =	simm.s32 $0x9;
	_ =	strace $0x80000048  }
0xb7: {  	_ =	swait.ge [sflag:s29], $0x1  }
0xb8: {  	[sflag:s29] =	ssyncadd.s32 $0xFFFFFFFF  }
0xb9: {  	_ =	strace $0x90000048  }
0xba: {  	_ =	sfence  }
0xbb: {  	s30 =	sld [smem:$0x0];
	_ =	sdelay $0x2  }
0xbc: {  	s31 =	sshll.u32 s1, $0xD;
	s1 =	sshrl.u32 s1, $0x2  }
0xbd: {  	s3 =	sand.u32 $0x4000, s31;
	s1 =	sadd.s32 s1, s30  }
0xbe: {  	s0 =	sor.u32 s3, s0;
	s1 =	sshll.u32 s1, $0x11  }
0xbf: {  	s0 =	sor.u32 s1, s0  }
0xc0: {  	s0 =	sadd.s32 $0x8F2B, s0  }
0xc1: {  	[sflag:s0] =	ssyncadd.remote.s32 $0x1  }
0xc2: {  	_ =	sfence.sel $0xFFFF  }
0xc3: {  	[dreg:$0x0] =	wrdreg $0xFFFFFFFF;
	(pc) =	sbr.abs _section_cstart, $3  }
0xc4: {  	[dreg:$0x1] =	wrdreg $0xFFFFFFFF  }
0xc5: {  	_ =	task.clear_ibuf [dreg:s9], $0x2FFFF;
	_ =	strace $0x9FFFFFFF  }
0xc6: {  	(tm) =	ssettm $0x7FFFFFFF  }
0xc7: {  	_ =	shalt  }
tec
execute0_lowered:
.L_overlay_start_1:
0x0: {  	(tag) =	ssettag $0x1  }
0x1: {  	s0 =	rddreg [dreg:$0x0]  }
0x2: {  	s2 =	rddreg [dreg:$0x2]  }
0x3: {  	s4 =	rddreg [dreg:$0x3]  }
0x4: {  	s1 =	srdreg.scid;
	s5 =	simm.s32 $0x0;
	s9 =	stileid.u32  }
0x5: {  	s11 =	simm.s32 $0x3;
	s12 =	simm.s32 $0x400;
	s13 =	simm.s32 $0x4000  }
0x6: {  	s16 =	simm.s32 $0x2;
	s17 =	simm.s32 $0x1;
	s18 =	simm.s32 $0x0  }
0x7: {  	s1 =	sand.u32 $0x1, s1;
	s6 =	sshll.u32 s9, $0xA;
	[smem:$0x7FF] =	sst s5  }
0x8: {  	s31 =	sshll.u32 s9, $0x7;
	s3 =	ssub.s32 $0x2, s1;
	s7 =	sshll.u32 s1, $0x11  }
0x9: {  	_ =	strace $0x80000047;
	s1 =	sshll.u32 s1, $0x17;
	s7 =	sor.u32 s6, s7  }
0xa: {  	s8 =	sshrl.u32 s3, $0x1;
	s9 =	sor.u32 s6, s1;
	s7 =	sshrl.u32 s7, $0x3  }
0xb: {  	s3 =	ssub.s32 s3, s8;
	s8 =	sor.u32 $0x40000, s6;
	s0 =	sadd.s32 s0, s7  }
0xc: {  	s7 =	sadd.s32 s2, s31;
	s10 =	smax.u32 s3, $0x1;
	[dreg:$0x5] =	wrdreg s0  }
.LBB2_1:
0xd: {  	s0 =	rddreg [dreg:$0x1]  }
0xe: {  	[tilespmem:s5], [sflag:$0x3] =	stream.linear.gather [hbm4b:s0+s5], $0x8000, $0x38;
	[tilespmem:$0x1A000] =	vst v63  }
0xf: {  	_ =	swait.ge [sflag:s11], $0x8000  }
0x10: {  	[sflag:s11] =	ssyncset.done $0x0  }
0x11: {  	s1 =	simm.s32 $0x8000;
	s30 =	rddreg [dreg:$0x5];
	[sflag:s11] =	ssyncadd.s32 $0xFFFF8000  }
0x12: {  	[tilespmem:s1], [sflag:$0x3] =	stream.strided.gather [hbm4b:s30+s12], $0x2000, s13, s12, $0x38;
	[tilespmem:$0x1A000] =	vst v63  }
0x13: {  	_ =	swait.ge [sflag:s11], $0x2000  }
0x14: {  	[sflag:s11] =	ssyncset.done $0x0  }
0x15: {  	s31 =	simm.s32 $0xA000;
	s19 =	simm.s32 $0x0;
	[sflag:s11] =	ssyncadd.s32 $0xFFFFE000  }
0x16: {  	[tilespmem:s31], [sflag:$0x2] =	stream.strided.gather [hbm4b:s7+s12], $0x4000, s13, s12, $0x38;
	[tilespmem:$0x1A000] =	vst v63  }
.LBB2_3:
0x17: {  	s0 =	smov.u32 s19  }
0x18: {  	p0 =	seq.s32 s19, $0x3;
	_ =	swait.ge [sflag:s16], $0x4000;
	s22 =	simm.s32 $0x0  }
0x19: {  	s1 =	sshll.u32 @!p0 s19, $0x12;
	s3 =	sshll.u32 @!p0 s19, $0xE;
	[sflag:s16] =	ssyncset.done $0x0  }
0x1a: {  	s15 =	simm.s32 @!p0 $0x400;
	s19 =	simm.s32 @!p0 $0x4000;
	s20 =	sshll.u32 s0, $0x3  }
0x1b: {  	s6 =	sadd.s32 @!p0 s8, s1;
	s3 =	sand.u32 @!p0 $0x4000, s3;
	[sflag:s16] =	ssyncadd.s32 $0xFFFFC000  }
0x1c: {  	s14 =	sxor.u32 @!p0 $0xE000, s3;
	s6 =	sshrl.u32 @!p0 s6, $0x3;
	s3 =	simm.s32 @p0 $0x4000  }
0x1d: {  	s1 =	simm.s32 @p0 $0xC0000;
	s6 =	sadd.s32 @!p0 s2, s6;
	s3 =	sadd.s32 $0xA000, s3  }
0x1e: {  	[tilespmem:s14], [sflag:$0x2] =	stream.strided.gather @!p0 [hbm4b:s6+s15], $0x4000, s19, s15, $0x38;
	[tilespmem:$0x1A000] =	vst v63  }
0x1f: {  	s21 =	sadd.s32 s9, s1;
	s19 =	sadd.s32 $0x1, s0;
	p0 =	sne.s32 s0, $0x0;
	v0 =	vmov s3  }
.LBB2_4:
0x20: {  	p1 =	slt.u32 @!p0 s22, $0x2  }
0x21: {  	p1 =	por p0, !p1  }
0x22: {  	_ =	swait.ge @p1 [sflag:s17], $0x4000  }
0x23: {  	s0 =	sshll.u32 s22, $0xA;
	[sflag:s17] =	ssyncset.done @p1 $0x0  }
0x24: {  	s24 =	sand.u32 $0x3FFFFC00, s0;
	[sflag:s17] =	ssyncadd.s32 @p1 $0xFFFFC000  }
0x25: {  	v2 =	vld [tilespmem:s24+$0x8000]  }
0x26: {  	v3 =	vld [tilespmem:s24+$0x8010]  }
0x27: {  	v4 =	vld [tilespmem:s24+$0x8020]  }
0x28: {  	v5 =	vld [tilespmem:s24+$0x8030]  }
0x29: {  	v6 =	vld [tilespmem:s24+$0x8040]  }
0x2a: {  	v7 =	vld [tilespmem:s24+$0x8050]  }
0x2b: {  	v8 =	vld [tilespmem:s24+$0x8060]  }
0x2c: {  	v9 =	vld [tilespmem:s24+$0x8070]  }
0x2d: {  	v10 =	vld [tilespmem:s24+$0x8080]  }
0x2e: {  	v11 =	vld [tilespmem:s24+$0x8090]  }
0x2f: {  	v12 =	vld [tilespmem:s24+$0x80A0]  }
0x30: {  	v13 =	vld [tilespmem:s24+$0x80B0]  }
0x31: {  	s31 =	sshll.u32 s22, $0xE;
	v14 =	vld [tilespmem:s24+$0x80C0]  }
0x32: {  	s0 =	sand.u32 $0x4000, s31;
	v15 =	vld [tilespmem:s24+$0x80D0]  }
0x33: {  	s23 =	sor.u32 $0x12000, s0;
	v16 =	vld [tilespmem:s24+$0x80E0]  }
0x34: {  	s0 =	simm.s32 $0x0;
	v1 =	vmov s23;
	p1 =	por $0x1, $0x1;
	v17 =	vld [tilespmem:s24+$0x80F0]  }
.LBB2_5:
0x35: {  	s1 =	sor.u32 s20, s0  }
0x36: {  	s3 =	sor.u32 $0x1, s0;
	s6 =	sshll.u32 s1, $0xA  }
0x37: {  	s30 =	sor.u32 s20, s3;
	v18 =	vadd.s32 s6, v2  }
0x38: {  	s26 =	sor.u32 $0x2, s0;
	s14 =	sshll.u32 s30, $0xA  }
0x39: {  	s31 =	sor.u32 s20, s26;
	v19 =	vadd.s32 s14, v2  }
0x3a: {  	s1 =	sshll.u32 s31, $0xA;
	s30 =	sor.u32 $0x3, s0  }
0x3b: {  	v20 =	vadd.s32 s1, v2;
	s15 =	sor.u32 s20, s30  }
0x3c: {  	s25 =	sshll.u32 s0, $0xB;
	s15 =	sshll.u32 s15, $0xA;
	v18 =	vld.idx.msk [tilespmem:v18+s5+$0x0], $0xffff  }
0x3d: {  	v21 =	vld.idx.msk [tilespmem:v0+s25+$0x0 ss:$0x1], $0xffff;
	v22 =	vadd.s32 s15, v2  }
0x3e: {  	s28 =	sshll.u32 s3, $0xB;
	v19 =	vld.idx.msk [tilespmem:v19+s5+$0x0], $0xffff  }
0x3f: {  	v23 =	vld.idx.msk [tilespmem:v0+s28+$0x0 ss:$0x1], $0xffff  }
0x40: {  	s29 =	sshll.u32 s26, $0xB;
	v20 =	vld.idx.msk [tilespmem:v20+s5+$0x0], $0xffff  }
0x41: {  	v25 =	vld.idx.msk [tilespmem:v0+s29+$0x0 ss:$0x1], $0xffff;
	v24 =	vunpack.i.l.bf16.f32 v18  }
0x42: {  	s31 =	sshll.u32 s30, $0xB;
	v22 =	vld.idx.msk [tilespmem:v22+s5+$0x0], $0xffff;
	v21 =	vmul.f32 v21, v24  }
0x43: {  	v26 =	vld.idx.msk [tilespmem:v0+s31+$0x0 ss:$0x1], $0xffff;
	v41 =	vunpack.i.l.bf16.f32 v19  }
0x44: {  	s26 =	sor.u32 $0x400, s25;
	v42 =	vmul.f32 v23, v41;
	[tilespmem:v1+s25+$0x0 ss:$0x1] =	vst.idx.msk $0xffff, v21  }
0x45: {  	v44 =	vunpack.i.l.bf16.f32 v20;
	v43 =	vld.idx.msk [tilespmem:v0+s26+$0x0 ss:$0x1], $0xffff  }
0x46: {  	s30 =	sor.u32 $0x400, s28;
	v45 =	vmul.f32 v25, v44;
	[tilespmem:v1+s28+$0x0 ss:$0x1] =	vst.idx.msk $0xffff, v42  }
0x47: {  	v47 =	vunpack.i.l.bf16.f32 v22;
	v46 =	vld.idx.msk [tilespmem:v0+s30+$0x0 ss:$0x1], $0xffff  }
0x48: {  	v27 =	vadd.s32 s6, v3;
	s0 =	sor.u32 $0x400, s29;
	[tilespmem:v1+s29+$0x0 ss:$0x1] =	vst.idx.msk $0xffff, v45;
	v48 =	vmul.f32 v26, v47  }
0x49: {  	v18 =	vunpack.i.u.bf16.f32 v18;
	v49 =	vld.idx.msk [tilespmem:v0+s0+$0x0 ss:$0x1], $0xffff  }
0x4a: {  	v50 =	vadd.s32 s14, v3;
	s3 =	sor.u32 $0x400, s31;
	[tilespmem:v1+s31+$0x0 ss:$0x1] =	vst.idx.msk $0xffff, v48;
	v18 =	vmul.f32 v43, v18  }
0x4b: {  	v19 =	vunpack.i.u.bf16.f32 v19;
	v21 =	vld.idx.msk [tilespmem:v0+s3+$0x0 ss:$0x1], $0xffff  }
0x4c: {  	[tilespmem:v1+s26+$0x0 ss:$0x1] =	vst.idx.msk $0xffff, v18;
	v18 =	vmul.f32 v46, v19;
	v19 =	vadd.s32 s1, v3  }
0x4d: {  	v20 =	vunpack.i.u.bf16.f32 v20;
	v51 =	vld.idx.msk [tilespmem:v27+s5+$0x0], $0xffff  }
0x4e: {  	v53 =	vadd.s32 s15, v3;
	v52 =	vld.idx.msk [tilespmem:v0+s25+$0x10 ss:$0x1], $0xffff;
	[tilespmem:v1+s30+$0x0 ss:$0x1] =	vst.idx.msk $0xffff, v18;
	v18 =	vmul.f32 v49, v20  }
0x4f: {  	v22 =	vunpack.i.u.bf16.f32 v22;
	v23 =	vld.idx.msk [tilespmem:v50+s5+$0x0], $0xffff  }
0x50: {  	v54 =	vld.idx.msk [tilespmem:v0+s28+$0x10 ss:$0x1], $0xffff;
	[tilespmem:v1+s0+$0x0 ss:$0x1] =	vst.idx.msk $0xffff, v18;
	v18 =	vmul.f32 v21, v22  }
0x51: {  	v19 =	vld.idx.msk [tilespmem:v19+s5+$0x0], $0xffff  }
0x52: {  	v56 =	vld.idx.msk [tilespmem:v0+s29+$0x10 ss:$0x1], $0xffff;
	v55 =	vunpack.i.l.bf16.f32 v51;
	[tilespmem:v1+s3+$0x0 ss:$0x1] =	vst.idx.msk $0xffff, v18  }
0x53: {  	v18 =	vmul.f32 v52, v55;
	v20 =	vld.idx.msk [tilespmem:v53+s5+$0x0], $0xffff  }
0x54: {  	v58 =	vld.idx.msk [tilespmem:v0+s31+$0x10 ss:$0x1], $0xffff;
	v57 =	vunpack.i.l.bf16.f32 v23  }
0x55: {  	[tilespmem:v1+s25+$0x10 ss:$0x1] =	vst.idx.msk $0xffff, v18;
	v18 =	vmul.f32 v54, v57  }
0x56: {  	v59 =	vld.idx.msk [tilespmem:v0+s26+$0x10 ss:$0x1], $0xffff;
	v60 =	vunpack.i.l.bf16.f32 v19  }
0x57: {  	[tilespmem:v1+s28+$0x10 ss:$0x1] =	vst.idx.msk $0xffff, v18;
	v18 =	vmul.f32 v56, v60  }
0x58: {  	v61 =	vld.idx.msk [tilespmem:v0+s30+$0x10 ss:$0x1], $0xffff;
	v62 =	vunpack.i.l.bf16.f32 v20  }
0x59: {  	v63 =	vadd.s32 s6, v4;
	[tilespmem:v1+s29+$0x10 ss:$0x1] =	vst.idx.msk $0xffff, v18;
	v18 =	vmul.f32 v58, v62  }
0x5a: {  	v24 =	vunpack.i.u.bf16.f32 v51;
	v30 =	vld.idx.msk [tilespmem:v0+s0+$0x10 ss:$0x1], $0xffff  }
0x5b: {  	v31 =	vadd.s32 s14, v4;
	v21 =	vmul.f32 v59, v24;
	[tilespmem:v1+s31+$0x10 ss:$0x1] =	vst.idx.msk $0xffff, v18  }
0x5c: {  	v18 =	vunpack.i.u.bf16.f32 v23;
	v32 =	vld.idx.msk [tilespmem:v0+s3+$0x10 ss:$0x1], $0xffff  }
0x5d: {  	v33 =	vadd.s32 s1, v4;
	[tilespmem:v1+s26+$0x10 ss:$0x1] =	vst.idx.msk $0xffff, v21;
	v18 =	vmul.f32 v61, v18  }
0x5e: {  	v19 =	vunpack.i.u.bf16.f32 v19;
	v34 =	vld.idx.msk [tilespmem:v63+s5+$0x0], $0xffff  }
0x5f: {  	v35 =	vld.idx.msk [tilespmem:v0+s25+$0x20 ss:$0x1], $0xffff;
	[tilespmem:v1+s30+$0x10 ss:$0x1] =	vst.idx.msk $0xffff, v18;
	v18 =	vmul.f32 v30, v19;
	v19 =	vadd.s32 s15, v4  }
0x60: {  	v20 =	vunpack.i.u.bf16.f32 v20;
	v24 =	vld.idx.msk [tilespmem:v31+s5+$0x0], $0xffff  }
0x61: {  	v36 =	vld.idx.msk [tilespmem:v0+s28+$0x20 ss:$0x1], $0xffff;
	[tilespmem:v1+s0+$0x10 ss:$0x1] =	vst.idx.msk $0xffff, v18;
	v18 =	vmul.f32 v32, v20  }
0x62: {  	v37 =	vld.idx.msk [tilespmem:v33+s5+$0x0], $0xffff  }
0x63: {  	v39 =	vld.idx.msk [tilespmem:v0+s29+$0x20 ss:$0x1], $0xffff;
	v38 =	vunpack.i.l.bf16.f32 v34;
	[tilespmem:v1+s3+$0x10 ss:$0x1] =	vst.idx.msk $0xffff, v18  }
0x64: {  	v18 =	vmul.f32 v35, v38;
	v19 =	vld.idx.msk [tilespmem:v19+s5+$0x0], $0xffff  }
0x65: {  	v41 =	vld.idx.msk [tilespmem:v0+s31+$0x20 ss:$0x1], $0xffff;
	v40 =	vunpack.i.l.bf16.f32 v24  }
0x66: {  	[tilespmem:v1+s25+$0x20 ss:$0x1] =	vst.idx.msk $0xffff, v18;
	v18 =	vmul.f32 v36, v40  }
0x67: {  	v42 =	vld.idx.msk [tilespmem:v0+s26+$0x20 ss:$0x1], $0xffff;
	v43 =	vunpack.i.l.bf16.f32 v37  }
0x68: {  	[tilespmem:v1+s28+$0x20 ss:$0x1] =	vst.idx.msk $0xffff, v18;
	v18 =	vmul.f32 v39, v43  }
0x69: {  	v44 =	vld.idx.msk [tilespmem:v0+s30+$0x20 ss:$0x1], $0xffff;
	v45 =	vunpack.i.l.bf16.f32 v19  }
0x6a: {  	v46 =	vadd.s32 s6, v5;
	[tilespmem:v1+s29+$0x20 ss:$0x1] =	vst.idx.msk $0xffff, v18;
	v18 =	vmul.f32 v41, v45  }
0x6b: {  	v22 =	vunpack.i.u.bf16.f32 v34;
	v47 =	vld.idx.msk [tilespmem:v0+s0+$0x20 ss:$0x1], $0xffff  }
0x6c: {  	v48 =	vadd.s32 s14, v5;
	v21 =	vmul.f32 v42, v22;
	[tilespmem:v1+s31+$0x20 ss:$0x1] =	vst.idx.msk $0xffff, v18  }
0x6d: {  	v18 =	vunpack.i.u.bf16.f32 v24;
	v49 =	vld.idx.msk [tilespmem:v0+s3+$0x20 ss:$0x1], $0xffff  }
0x6e: {  	v50 =	vadd.s32 s1, v5;
	[tilespmem:v1+s26+$0x20 ss:$0x1] =	vst.idx.msk $0xffff, v21;
	v18 =	vmul.f32 v44, v18  }
0x6f: {  	v20 =	vunpack.i.u.bf16.f32 v37;
	v51 =	vld.idx.msk [tilespmem:v46+s5+$0x0], $0xffff  }
0x70: {  	v53 =	vadd.s32 s15, v5;
	v52 =	vld.idx.msk [tilespmem:v0+s25+$0x30 ss:$0x1], $0xffff;
	[tilespmem:v1+s30+$0x20 ss:$0x1] =	vst.idx.msk $0xffff, v18;
	v18 =	vmul.f32 v47, v20  }
0x71: {  	v19 =	vunpack.i.u.bf16.f32 v19;
	v22 =	vld.idx.msk [tilespmem:v48+s5+$0x0], $0xffff  }
0x72: {  	v54 =	vld.idx.msk [tilespmem:v0+s28+$0x30 ss:$0x1], $0xffff;
	[tilespmem:v1+s0+$0x20 ss:$0x1] =	vst.idx.msk $0xffff, v18;
	v18 =	vmul.f32 v49, v19  }
0x73: {  	v19 =	vld.idx.msk [tilespmem:v50+s5+$0x0], $0xffff  }
0x74: {  	v56 =	vld.idx.msk [tilespmem:v0+s29+$0x30 ss:$0x1], $0xffff;
	v55 =	vunpack.i.l.bf16.f32 v51;
	[tilespmem:v1+s3+$0x20 ss:$0x1] =	vst.idx.msk $0xffff, v18  }
0x75: {  	v18 =	vmul.f32 v52, v55;
	v20 =	vld.idx.msk [tilespmem:v53+s5+$0x0], $0xffff  }
0x76: {  	v58 =	vld.idx.msk [tilespmem:v0+s31+$0x30 ss:$0x1], $0xffff;
	v57 =	vunpack.i.l.bf16.f32 v22  }
0x77: {  	[tilespmem:v1+s25+$0x30 ss:$0x1] =	vst.idx.msk $0xffff, v18;
	v18 =	vmul.f32 v54, v57  }
0x78: {  	v59 =	vld.idx.msk [tilespmem:v0+s26+$0x30 ss:$0x1], $0xffff;
	v60 =	vunpack.i.l.bf16.f32 v19  }
0x79: {  	[tilespmem:v1+s28+$0x30 ss:$0x1] =	vst.idx.msk $0xffff, v18;
	v18 =	vmul.f32 v56, v60  }
0x7a: {  	v61 =	vld.idx.msk [tilespmem:v0+s30+$0x30 ss:$0x1], $0xffff;
	v62 =	vunpack.i.l.bf16.f32 v20  }
0x7b: {  	v63 =	vadd.s32 s6, v6;
	[tilespmem:v1+s29+$0x30 ss:$0x1] =	vst.idx.msk $0xffff, v18;
	v18 =	vmul.f32 v58, v62  }
0x7c: {  	v23 =	vunpack.i.u.bf16.f32 v51;
	v30 =	vld.idx.msk [tilespmem:v0+s0+$0x30 ss:$0x1], $0xffff  }
0x7d: {  	v31 =	vadd.s32 s14, v6;
	v21 =	vmul.f32 v59, v23;
	[tilespmem:v1+s31+$0x30 ss:$0x1] =	vst.idx.msk $0xffff, v18  }
0x7e: {  	v18 =	vunpack.i.u.bf16.f32 v22;
	v32 =	vld.idx.msk [tilespmem:v0+s3+$0x30 ss:$0x1], $0xffff  }
0x7f: {  	v33 =	vadd.s32 s1, v6;
	[tilespmem:v1+s26+$0x30 ss:$0x1] =	vst.idx.msk $0xffff, v21;
	v18 =	vmul.f32 v61, v18  }
0x80: {  	v19 =	vunpack.i.u.bf16.f32 v19;
	v34 =	vld.idx.msk [tilespmem:v63+s5+$0x0], $0xffff  }
0x81: {  	v35 =	vld.idx.msk [tilespmem:v0+s25+$0x40 ss:$0x1], $0xffff;
	[tilespmem:v1+s30+$0x30 ss:$0x1] =	vst.idx.msk $0xffff, v18;
	v18 =	vmul.f32 v30, v19;
	v19 =	vadd.s32 s15, v6  }
0x82: {  	v20 =	vunpack.i.u.bf16.f32 v20;
	v23 =	vld.idx.msk [tilespmem:v31+s5+$0x0], $0xffff  }
0x83: {  	v36 =	vld.idx.msk [tilespmem:v0+s28+$0x40 ss:$0x1], $0xffff;
	[tilespmem:v1+s0+$0x30 ss:$0x1] =	vst.idx.msk $0xffff, v18;
	v18 =	vmul.f32 v32, v20  }
0x84: {  	v37 =	vld.idx.msk [tilespmem:v33+s5+$0x0], $0xffff  }
0x85: {  	v39 =	vld.idx.msk [tilespmem:v0+s29+$0x40 ss:$0x1], $0xffff;
	v38 =	vunpack.i.l.bf16.f32 v34;
	[tilespmem:v1+s3+$0x30 ss:$0x1] =	vst.idx.msk $0xffff, v18  }
0x86: {  	v18 =	vmul.f32 v35, v38;
	v19 =	vld.idx.msk [tilespmem:v19+s5+$0x0], $0xffff  }
0x87: {  	v41 =	vld.idx.msk [tilespmem:v0+s31+$0x40 ss:$0x1], $0xffff;
	v40 =	vunpack.i.l.bf16.f32 v23  }
0x88: {  	[tilespmem:v1+s25+$0x40 ss:$0x1] =	vst.idx.msk $0xffff, v18;
	v18 =	vmul.f32 v36, v40  }
0x89: {  	v42 =	vld.idx.msk [tilespmem:v0+s26+$0x40 ss:$0x1], $0xffff;
	v43 =	vunpack.i.l.bf16.f32 v37  }
0x8a: {  	[tilespmem:v1+s28+$0x40 ss:$0x1] =	vst.idx.msk $0xffff, v18;
	v18 =	vmul.f32 v39, v43  }
0x8b: {  	v44 =	vld.idx.msk [tilespmem:v0+s30+$0x40 ss:$0x1], $0xffff;
	v45 =	vunpack.i.l.bf16.f32 v19  }
0x8c: {  	v46 =	vadd.s32 s6, v7;
	[tilespmem:v1+s29+$0x40 ss:$0x1] =	vst.idx.msk $0xffff, v18;
	v18 =	vmul.f32 v41, v45  }
0x8d: {  	v24 =	vunpack.i.u.bf16.f32 v34;
	v47 =	vld.idx.msk [tilespmem:v0+s0+$0x40 ss:$0x1], $0xffff  }
0x8e: {  	v48 =	vadd.s32 s14, v7;
	v21 =	vmul.f32 v42, v24;
	[tilespmem:v1+s31+$0x40 ss:$0x1] =	vst.idx.msk $0xffff, v18  }
0x8f: {  	v18 =	vunpack.i.u.bf16.f32 v23;
	v49 =	vld.idx.msk [tilespmem:v0+s3+$0x40 ss:$0x1], $0xffff  }
0x90: {  	v50 =	vadd.s32 s1, v7;
	[tilespmem:v1+s26+$0x40 ss:$0x1] =	vst.idx.msk $0xffff, v21;
	v18 =	vmul.f32 v44, v18  }
0x91: {  	v20 =	vunpack.i.u.bf16.f32 v37;
	v51 =	vld.idx.msk [tilespmem:v46+s5+$0x0], $0xffff  }
0x92: {  	v53 =	vadd.s32 s15, v7;
	v52 =	vld.idx.msk [tilespmem:v0+s25+$0x50 ss:$0x1], $0xffff;
	[tilespmem:v1+s30+$0x40 ss:$0x1] =	vst.idx.msk $0xffff, v18;
	v18 =	vmul.f32 v47, v20  }
0x93: {  	v19 =	vunpack.i.u.bf16.f32 v19;
	v24 =	vld.idx.msk [tilespmem:v48+s5+$0x0], $0xffff  }
0x94: {  	v54 =	vld.idx.msk [tilespmem:v0+s28+$0x50 ss:$0x1], $0xffff;
	[tilespmem:v1+s0+$0x40 ss:$0x1] =	vst.idx.msk $0xffff, v18;
	v18 =	vmul.f32 v49, v19  }
0x95: {  	v19 =	vld.idx.msk [tilespmem:v50+s5+$0x0], $0xffff  }
0x96: {  	v56 =	vld.idx.msk [tilespmem:v0+s29+$0x50 ss:$0x1], $0xffff;
	v55 =	vunpack.i.l.bf16.f32 v51;
	[tilespmem:v1+s3+$0x40 ss:$0x1] =	vst.idx.msk $0xffff, v18  }
0x97: {  	v18 =	vmul.f32 v52, v55;
	v20 =	vld.idx.msk [tilespmem:v53+s5+$0x0], $0xffff  }
0x98: {  	v58 =	vld.idx.msk [tilespmem:v0+s31+$0x50 ss:$0x1], $0xffff;
	v57 =	vunpack.i.l.bf16.f32 v24  }
0x99: {  	[tilespmem:v1+s25+$0x50 ss:$0x1] =	vst.idx.msk $0xffff, v18;
	v18 =	vmul.f32 v54, v57  }
0x9a: {  	v59 =	vld.idx.msk [tilespmem:v0+s26+$0x50 ss:$0x1], $0xffff;
	v60 =	vunpack.i.l.bf16.f32 v19  }
0x9b: {  	[tilespmem:v1+s28+$0x50 ss:$0x1] =	vst.idx.msk $0xffff, v18;
	v18 =	vmul.f32 v56, v60  }
0x9c: {  	v61 =	vld.idx.msk [tilespmem:v0+s30+$0x50 ss:$0x1], $0xffff;
	v62 =	vunpack.i.l.bf16.f32 v20  }
0x9d: {  	v63 =	vadd.s32 s6, v8;
	[tilespmem:v1+s29+$0x50 ss:$0x1] =	vst.idx.msk $0xffff, v18;
	v18 =	vmul.f32 v58, v62  }
0x9e: {  	v22 =	vunpack.i.u.bf16.f32 v51;
	v30 =	vld.idx.msk [tilespmem:v0+s0+$0x50 ss:$0x1], $0xffff  }
0x9f: {  	v31 =	vadd.s32 s14, v8;
	v21 =	vmul.f32 v59, v22;
	[tilespmem:v1+s31+$0x50 ss:$0x1] =	vst.idx.msk $0xffff, v18  }
0xa0: {  	v18 =	vunpack.i.u.bf16.f32 v24;
	v32 =	vld.idx.msk [tilespmem:v0+s3+$0x50 ss:$0x1], $0xffff  }
0xa1: {  	v33 =	vadd.s32 s1, v8;
	[tilespmem:v1+s26+$0x50 ss:$0x1] =	vst.idx.msk $0xffff, v21;
	v18 =	vmul.f32 v61, v18  }
0xa2: {  	v19 =	vunpack.i.u.bf16.f32 v19;
	v34 =	vld.idx.msk [tilespmem:v63+s5+$0x0], $0xffff  }
0xa3: {  	v35 =	vld.idx.msk [tilespmem:v0+s25+$0x60 ss:$0x1], $0xffff;
	[tilespmem:v1+s30+$0x50 ss:$0x1] =	vst.idx.msk $0xffff, v18;
	v18 =	vmul.f32 v30, v19;
	v19 =	vadd.s32 s15, v8  }
0xa4: {  	v20 =	vunpack.i.u.bf16.f32 v20;
	v22 =	vld.idx.msk [tilespmem:v31+s5+$0x0], $0xffff  }
0xa5: {  	v36 =	vld.idx.msk [tilespmem:v0+s28+$0x60 ss:$0x1], $0xffff;
	[tilespmem:v1+s0+$0x50 ss:$0x1] =	vst.idx.msk $0xffff, v18;
	v18 =	vmul.f32 v32, v20  }
0xa6: {  	v37 =	vld.idx.msk [tilespmem:v33+s5+$0x0], $0xffff  }
0xa7: {  	v39 =	vld.idx.msk [tilespmem:v0+s29+$0x60 ss:$0x1], $0xffff;
	v38 =	vunpack.i.l.bf16.f32 v34;
	[tilespmem:v1+s3+$0x50 ss:$0x1] =	vst.idx.msk $0xffff, v18  }
0xa8: {  	v18 =	vmul.f32 v35, v38;
	v19 =	vld.idx.msk [tilespmem:v19+s5+$0x0], $0xffff  }
0xa9: {  	v41 =	vld.idx.msk [tilespmem:v0+s31+$0x60 ss:$0x1], $0xffff;
	v40 =	vunpack.i.l.bf16.f32 v22  }
0xaa: {  	[tilespmem:v1+s25+$0x60 ss:$0x1] =	vst.idx.msk $0xffff, v18;
	v18 =	vmul.f32 v36, v40  }
0xab: {  	v42 =	vld.idx.msk [tilespmem:v0+s26+$0x60 ss:$0x1], $0xffff;
	v43 =	vunpack.i.l.bf16.f32 v37  }
0xac: {  	[tilespmem:v1+s28+$0x60 ss:$0x1] =	vst.idx.msk $0xffff, v18;
	v18 =	vmul.f32 v39, v43  }
0xad: {  	v44 =	vld.idx.msk [tilespmem:v0+s30+$0x60 ss:$0x1], $0xffff;
	v45 =	vunpack.i.l.bf16.f32 v19  }
0xae: {  	v46 =	vadd.s32 s6, v9;
	[tilespmem:v1+s29+$0x60 ss:$0x1] =	vst.idx.msk $0xffff, v18;
	v18 =	vmul.f32 v41, v45  }
0xaf: {  	v23 =	vunpack.i.u.bf16.f32 v34;
	v47 =	vld.idx.msk [tilespmem:v0+s0+$0x60 ss:$0x1], $0xffff  }
0xb0: {  	v48 =	vadd.s32 s14, v9;
	v21 =	vmul.f32 v42, v23;
	[tilespmem:v1+s31+$0x60 ss:$0x1] =	vst.idx.msk $0xffff, v18  }
0xb1: {  	v18 =	vunpack.i.u.bf16.f32 v22;
	v49 =	vld.idx.msk [tilespmem:v0+s3+$0x60 ss:$0x1], $0xffff  }
0xb2: {  	v50 =	vadd.s32 s1, v9;
	[tilespmem:v1+s26+$0x60 ss:$0x1] =	vst.idx.msk $0xffff, v21;
	v18 =	vmul.f32 v44, v18  }
0xb3: {  	v20 =	vunpack.i.u.bf16.f32 v37;
	v51 =	vld.idx.msk [tilespmem:v46+s5+$0x0], $0xffff  }
0xb4: {  	v53 =	vadd.s32 s15, v9;
	v52 =	vld.idx.msk [tilespmem:v0+s25+$0x70 ss:$0x1], $0xffff;
	[tilespmem:v1+s30+$0x60 ss:$0x1] =	vst.idx.msk $0xffff, v18;
	v18 =	vmul.f32 v47, v20  }
0xb5: {  	v19 =	vunpack.i.u.bf16.f32 v19;
	v23 =	vld.idx.msk [tilespmem:v48+s5+$0x0], $0xffff  }
0xb6: {  	v54 =	vld.idx.msk [tilespmem:v0+s28+$0x70 ss:$0x1], $0xffff;
	[tilespmem:v1+s0+$0x60 ss:$0x1] =	vst.idx.msk $0xffff, v18;
	v18 =	vmul.f32 v49, v19  }
0xb7: {  	v19 =	vld.idx.msk [tilespmem:v50+s5+$0x0], $0xffff  }
0xb8: {  	v56 =	vld.idx.msk [tilespmem:v0+s29+$0x70 ss:$0x1], $0xffff;
	v55 =	vunpack.i.l.bf16.f32 v51;
	[tilespmem:v1+s3+$0x60 ss:$0x1] =	vst.idx.msk $0xffff, v18  }
0xb9: {  	v18 =	vmul.f32 v52, v55;
	v20 =	vld.idx.msk [tilespmem:v53+s5+$0x0], $0xffff  }
0xba: {  	v58 =	vld.idx.msk [tilespmem:v0+s31+$0x70 ss:$0x1], $0xffff;
	v57 =	vunpack.i.l.bf16.f32 v23  }
0xbb: {  	[tilespmem:v1+s25+$0x70 ss:$0x1] =	vst.idx.msk $0xffff, v18;
	v18 =	vmul.f32 v54, v57  }
0xbc: {  	v59 =	vld.idx.msk [tilespmem:v0+s26+$0x70 ss:$0x1], $0xffff;
	v60 =	vunpack.i.l.bf16.f32 v19  }
0xbd: {  	[tilespmem:v1+s28+$0x70 ss:$0x1] =	vst.idx.msk $0xffff, v18;
	v18 =	vmul.f32 v56, v60  }
0xbe: {  	v61 =	vld.idx.msk [tilespmem:v0+s30+$0x70 ss:$0x1], $0xffff;
	v62 =	vunpack.i.l.bf16.f32 v20  }
0xbf: {  	v63 =	vadd.s32 s6, v10;
	[tilespmem:v1+s29+$0x70 ss:$0x1] =	vst.idx.msk $0xffff, v18;
	v18 =	vmul.f32 v58, v62  }
0xc0: {  	v24 =	vunpack.i.u.bf16.f32 v51;
	v30 =	vld.idx.msk [tilespmem:v0+s0+$0x70 ss:$0x1], $0xffff  }
0xc1: {  	v31 =	vadd.s32 s14, v10;
	v21 =	vmul.f32 v59, v24;
	[tilespmem:v1+s31+$0x70 ss:$0x1] =	vst.idx.msk $0xffff, v18  }
0xc2: {  	v18 =	vunpack.i.u.bf16.f32 v23;
	v32 =	vld.idx.msk [tilespmem:v0+s3+$0x70 ss:$0x1], $0xffff  }
0xc3: {  	v33 =	vadd.s32 s1, v10;
	[tilespmem:v1+s26+$0x70 ss:$0x1] =	vst.idx.msk $0xffff, v21;
	v18 =	vmul.f32 v61, v18  }
0xc4: {  	v19 =	vunpack.i.u.bf16.f32 v19;
	v34 =	vld.idx.msk [tilespmem:v63+s5+$0x0], $0xffff  }
0xc5: {  	v35 =	vld.idx.msk [tilespmem:v0+s25+$0x80 ss:$0x1], $0xffff;
	[tilespmem:v1+s30+$0x70 ss:$0x1] =	vst.idx.msk $0xffff, v18;
	v18 =	vmul.f32 v30, v19;
	v19 =	vadd.s32 s15, v10  }
0xc6: {  	v20 =	vunpack.i.u.bf16.f32 v20;
	v24 =	vld.idx.msk [tilespmem:v31+s5+$0x0], $0xffff  }
0xc7: {  	v36 =	vld.idx.msk [tilespmem:v0+s28+$0x80 ss:$0x1], $0xffff;
	[tilespmem:v1+s0+$0x70 ss:$0x1] =	vst.idx.msk $0xffff, v18;
	v18 =	vmul.f32 v32, v20  }
0xc8: {  	v37 =	vld.idx.msk [tilespmem:v33+s5+$0x0], $0xffff  }
0xc9: {  	v39 =	vld.idx.msk [tilespmem:v0+s29+$0x80 ss:$0x1], $0xffff;
	v38 =	vunpack.i.l.bf16.f32 v34;
	[tilespmem:v1+s3+$0x70 ss:$0x1] =	vst.idx.msk $0xffff, v18  }
0xca: {  	v18 =	vmul.f32 v35, v38;
	v19 =	vld.idx.msk [tilespmem:v19+s5+$0x0], $0xffff  }
0xcb: {  	v41 =	vld.idx.msk [tilespmem:v0+s31+$0x80 ss:$0x1], $0xffff;
	v40 =	vunpack.i.l.bf16.f32 v24  }
0xcc: {  	[tilespmem:v1+s25+$0x80 ss:$0x1] =	vst.idx.msk $0xffff, v18;
	v18 =	vmul.f32 v36, v40  }
0xcd: {  	v42 =	vld.idx.msk [tilespmem:v0+s26+$0x80 ss:$0x1], $0xffff;
	v43 =	vunpack.i.l.bf16.f32 v37  }
0xce: {  	[tilespmem:v1+s28+$0x80 ss:$0x1] =	vst.idx.msk $0xffff, v18;
	v18 =	vmul.f32 v39, v43  }
0xcf: {  	v44 =	vld.idx.msk [tilespmem:v0+s30+$0x80 ss:$0x1], $0xffff;
	v45 =	vunpack.i.l.bf16.f32 v19  }
0xd0: {  	v46 =	vadd.s32 s6, v11;
	[tilespmem:v1+s29+$0x80 ss:$0x1] =	vst.idx.msk $0xffff, v18;
	v18 =	vmul.f32 v41, v45  }
0xd1: {  	v22 =	vunpack.i.u.bf16.f32 v34;
	v47 =	vld.idx.msk [tilespmem:v0+s0+$0x80 ss:$0x1], $0xffff  }
0xd2: {  	v48 =	vadd.s32 s14, v11;
	v21 =	vmul.f32 v42, v22;
	[tilespmem:v1+s31+$0x80 ss:$0x1] =	vst.idx.msk $0xffff, v18  }
0xd3: {  	v18 =	vunpack.i.u.bf16.f32 v24;
	v49 =	vld.idx.msk [tilespmem:v0+s3+$0x80 ss:$0x1], $0xffff  }
0xd4: {  	v50 =	vadd.s32 s1, v11;
	[tilespmem:v1+s26+$0x80 ss:$0x1] =	vst.idx.msk $0xffff, v21;
	v18 =	vmul.f32 v44, v18  }
0xd5: {  	v20 =	vunpack.i.u.bf16.f32 v37;
	v51 =	vld.idx.msk [tilespmem:v46+s5+$0x0], $0xffff  }
0xd6: {  	v53 =	vadd.s32 s15, v11;
	v52 =	vld.idx.msk [tilespmem:v0+s25+$0x90 ss:$0x1], $0xffff;
	[tilespmem:v1+s30+$0x80 ss:$0x1] =	vst.idx.msk $0xffff, v18;
	v18 =	vmul.f32 v47, v20  }
0xd7: {  	v19 =	vunpack.i.u.bf16.f32 v19;
	v22 =	vld.idx.msk [tilespmem:v48+s5+$0x0], $0xffff  }
0xd8: {  	v54 =	vld.idx.msk [tilespmem:v0+s28+$0x90 ss:$0x1], $0xffff;
	[tilespmem:v1+s0+$0x80 ss:$0x1] =	vst.idx.msk $0xffff, v18;
	v18 =	vmul.f32 v49, v19  }
0xd9: {  	v19 =	vld.idx.msk [tilespmem:v50+s5+$0x0], $0xffff  }
0xda: {  	v56 =	vld.idx.msk [tilespmem:v0+s29+$0x90 ss:$0x1], $0xffff;
	v55 =	vunpack.i.l.bf16.f32 v51;
	[tilespmem:v1+s3+$0x80 ss:$0x1] =	vst.idx.msk $0xffff, v18  }
0xdb: {  	v18 =	vmul.f32 v52, v55;
	v20 =	vld.idx.msk [tilespmem:v53+s5+$0x0], $0xffff  }
0xdc: {  	v58 =	vld.idx.msk [tilespmem:v0+s31+$0x90 ss:$0x1], $0xffff;
	v57 =	vunpack.i.l.bf16.f32 v22  }
0xdd: {  	[tilespmem:v1+s25+$0x90 ss:$0x1] =	vst.idx.msk $0xffff, v18;
	v18 =	vmul.f32 v54, v57  }
0xde: {  	v59 =	vld.idx.msk [tilespmem:v0+s26+$0x90 ss:$0x1], $0xffff;
	v60 =	vunpack.i.l.bf16.f32 v19  }
0xdf: {  	[tilespmem:v1+s28+$0x90 ss:$0x1] =	vst.idx.msk $0xffff, v18;
	v18 =	vmul.f32 v56, v60  }
0xe0: {  	v61 =	vld.idx.msk [tilespmem:v0+s30+$0x90 ss:$0x1], $0xffff;
	v62 =	vunpack.i.l.bf16.f32 v20  }
0xe1: {  	v63 =	vadd.s32 s6, v12;
	[tilespmem:v1+s29+$0x90 ss:$0x1] =	vst.idx.msk $0xffff, v18;
	v18 =	vmul.f32 v58, v62  }
0xe2: {  	v23 =	vunpack.i.u.bf16.f32 v51;
	v30 =	vld.idx.msk [tilespmem:v0+s0+$0x90 ss:$0x1], $0xffff  }
0xe3: {  	v31 =	vadd.s32 s14, v12;
	v21 =	vmul.f32 v59, v23;
	[tilespmem:v1+s31+$0x90 ss:$0x1] =	vst.idx.msk $0xffff, v18  }
0xe4: {  	v18 =	vunpack.i.u.bf16.f32 v22;
	v32 =	vld.idx.msk [tilespmem:v0+s3+$0x90 ss:$0x1], $0xffff  }
0xe5: {  	v33 =	vadd.s32 s1, v12;
	[tilespmem:v1+s26+$0x90 ss:$0x1] =	vst.idx.msk $0xffff, v21;
	v18 =	vmul.f32 v61, v18  }
0xe6: {  	v19 =	vunpack.i.u.bf16.f32 v19;
	v34 =	vld.idx.msk [tilespmem:v63+s5+$0x0], $0xffff  }
0xe7: {  	v35 =	vld.idx.msk [tilespmem:v0+s25+$0xA0 ss:$0x1], $0xffff;
	[tilespmem:v1+s30+$0x90 ss:$0x1] =	vst.idx.msk $0xffff, v18;
	v18 =	vmul.f32 v30, v19;
	v19 =	vadd.s32 s15, v12  }
0xe8: {  	v20 =	vunpack.i.u.bf16.f32 v20;
	v23 =	vld.idx.msk [tilespmem:v31+s5+$0x0], $0xffff  }
0xe9: {  	v36 =	vld.idx.msk [tilespmem:v0+s28+$0xA0 ss:$0x1], $0xffff;
	[tilespmem:v1+s0+$0x90 ss:$0x1] =	vst.idx.msk $0xffff, v18;
	v18 =	vmul.f32 v32, v20  }
0xea: {  	v37 =	vld.idx.msk [tilespmem:v33+s5+$0x0], $0xffff  }
0xeb: {  	v39 =	vld.idx.msk [tilespmem:v0+s29+$0xA0 ss:$0x1], $0xffff;
	v38 =	vunpack.i.l.bf16.f32 v34;
	[tilespmem:v1+s3+$0x90 ss:$0x1] =	vst.idx.msk $0xffff, v18  }
0xec: {  	v18 =	vmul.f32 v35, v38;
	v19 =	vld.idx.msk [tilespmem:v19+s5+$0x0], $0xffff  }
0xed: {  	v41 =	vld.idx.msk [tilespmem:v0+s31+$0xA0 ss:$0x1], $0xffff;
	v40 =	vunpack.i.l.bf16.f32 v23  }
0xee: {  	[tilespmem:v1+s25+$0xA0 ss:$0x1] =	vst.idx.msk $0xffff, v18;
	v18 =	vmul.f32 v36, v40  }
0xef: {  	v42 =	vld.idx.msk [tilespmem:v0+s26+$0xA0 ss:$0x1], $0xffff;
	v43 =	vunpack.i.l.bf16.f32 v37  }
0xf0: {  	[tilespmem:v1+s28+$0xA0 ss:$0x1] =	vst.idx.msk $0xffff, v18;
	v18 =	vmul.f32 v39, v43  }
0xf1: {  	v44 =	vld.idx.msk [tilespmem:v0+s30+$0xA0 ss:$0x1], $0xffff;
	v45 =	vunpack.i.l.bf16.f32 v19  }
0xf2: {  	v46 =	vadd.s32 s6, v13;
	[tilespmem:v1+s29+$0xA0 ss:$0x1] =	vst.idx.msk $0xffff, v18;
	v18 =	vmul.f32 v41, v45  }
0xf3: {  	v24 =	vunpack.i.u.bf16.f32 v34;
	v47 =	vld.idx.msk [tilespmem:v0+s0+$0xA0 ss:$0x1], $0xffff  }
0xf4: {  	v48 =	vadd.s32 s14, v13;
	v21 =	vmul.f32 v42, v24;
	[tilespmem:v1+s31+$0xA0 ss:$0x1] =	vst.idx.msk $0xffff, v18  }
0xf5: {  	v18 =	vunpack.i.u.bf16.f32 v23;
	v49 =	vld.idx.msk [tilespmem:v0+s3+$0xA0 ss:$0x1], $0xffff  }
0xf6: {  	v50 =	vadd.s32 s1, v13;
	[tilespmem:v1+s26+$0xA0 ss:$0x1] =	vst.idx.msk $0xffff, v21;
	v18 =	vmul.f32 v44, v18  }
0xf7: {  	v20 =	vunpack.i.u.bf16.f32 v37;
	v51 =	vld.idx.msk [tilespmem:v46+s5+$0x0], $0xffff  }
0xf8: {  	v53 =	vadd.s32 s15, v13;
	v52 =	vld.idx.msk [tilespmem:v0+s25+$0xB0 ss:$0x1], $0xffff;
	[tilespmem:v1+s30+$0xA0 ss:$0x1] =	vst.idx.msk $0xffff, v18;
	v18 =	vmul.f32 v47, v20  }
0xf9: {  	v19 =	vunpack.i.u.bf16.f32 v19;
	v24 =	vld.idx.msk [tilespmem:v48+s5+$0x0], $0xffff  }
0xfa: {  	v54 =	vld.idx.msk [tilespmem:v0+s28+$0xB0 ss:$0x1], $0xffff;
	[tilespmem:v1+s0+$0xA0 ss:$0x1] =	vst.idx.msk $0xffff, v18;
	v18 =	vmul.f32 v49, v19  }
0xfb: {  	v19 =	vld.idx.msk [tilespmem:v50+s5+$0x0], $0xffff  }
0xfc: {  	v56 =	vld.idx.msk [tilespmem:v0+s29+$0xB0 ss:$0x1], $0xffff;
	v55 =	vunpack.i.l.bf16.f32 v51;
	[tilespmem:v1+s3+$0xA0 ss:$0x1] =	vst.idx.msk $0xffff, v18  }
0xfd: {  	v18 =	vmul.f32 v52, v55;
	v20 =	vld.idx.msk [tilespmem:v53+s5+$0x0], $0xffff  }
0xfe: {  	v58 =	vld.idx.msk [tilespmem:v0+s31+$0xB0 ss:$0x1], $0xffff;
	v57 =	vunpack.i.l.bf16.f32 v24  }
0xff: {  	[tilespmem:v1+s25+$0xB0 ss:$0x1] =	vst.idx.msk $0xffff, v18;
	v18 =	vmul.f32 v54, v57  }
0x100: {  	v59 =	vld.idx.msk [tilespmem:v0+s26+$0xB0 ss:$0x1], $0xffff;
	v60 =	vunpack.i.l.bf16.f32 v19  }
0x101: {  	[tilespmem:v1+s28+$0xB0 ss:$0x1] =	vst.idx.msk $0xffff, v18;
	v18 =	vmul.f32 v56, v60  }
0x102: {  	v61 =	vld.idx.msk [tilespmem:v0+s30+$0xB0 ss:$0x1], $0xffff;
	v62 =	vunpack.i.l.bf16.f32 v20  }
0x103: {  	v63 =	vadd.s32 s6, v14;
	[tilespmem:v1+s29+$0xB0 ss:$0x1] =	vst.idx.msk $0xffff, v18;
	v18 =	vmul.f32 v58, v62  }
0x104: {  	v22 =	vunpack.i.u.bf16.f32 v51;
	v30 =	vld.idx.msk [tilespmem:v0+s0+$0xB0 ss:$0x1], $0xffff  }
0x105: {  	v31 =	vadd.s32 s14, v14;
	v21 =	vmul.f32 v59, v22;
	[tilespmem:v1+s31+$0xB0 ss:$0x1] =	vst.idx.msk $0xffff, v18  }
0x106: {  	v18 =	vunpack.i.u.bf16.f32 v24;
	v32 =	vld.idx.msk [tilespmem:v0+s3+$0xB0 ss:$0x1], $0xffff  }
0x107: {  	v33 =	vadd.s32 s1, v14;
	[tilespmem:v1+s26+$0xB0 ss:$0x1] =	vst.idx.msk $0xffff, v21;
	v18 =	vmul.f32 v61, v18  }
0x108: {  	v19 =	vunpack.i.u.bf16.f32 v19;
	v34 =	vld.idx.msk [tilespmem:v63+s5+$0x0], $0xffff  }
0x109: {  	v35 =	vld.idx.msk [tilespmem:v0+s25+$0xC0 ss:$0x1], $0xffff;
	[tilespmem:v1+s30+$0xB0 ss:$0x1] =	vst.idx.msk $0xffff, v18;
	v18 =	vmul.f32 v30, v19;
	v19 =	vadd.s32 s15, v14  }
0x10a: {  	v20 =	vunpack.i.u.bf16.f32 v20;
	v22 =	vld.idx.msk [tilespmem:v31+s5+$0x0], $0xffff  }
0x10b: {  	v36 =	vld.idx.msk [tilespmem:v0+s28+$0xC0 ss:$0x1], $0xffff;
	[tilespmem:v1+s0+$0xB0 ss:$0x1] =	vst.idx.msk $0xffff, v18;
	v18 =	vmul.f32 v32, v20  }
0x10c: {  	v37 =	vld.idx.msk [tilespmem:v33+s5+$0x0], $0xffff  }
0x10d: {  	v39 =	vld.idx.msk [tilespmem:v0+s29+$0xC0 ss:$0x1], $0xffff;
	v38 =	vunpack.i.l.bf16.f32 v34;
	[tilespmem:v1+s3+$0xB0 ss:$0x1] =	vst.idx.msk $0xffff, v18  }
0x10e: {  	v18 =	vmul.f32 v35, v38;
	v19 =	vld.idx.msk [tilespmem:v19+s5+$0x0], $0xffff  }
0x10f: {  	v41 =	vld.idx.msk [tilespmem:v0+s31+$0xC0 ss:$0x1], $0xffff;
	v40 =	vunpack.i.l.bf16.f32 v22  }
0x110: {  	[tilespmem:v1+s25+$0xC0 ss:$0x1] =	vst.idx.msk $0xffff, v18;
	v18 =	vmul.f32 v36, v40  }
0x111: {  	v42 =	vld.idx.msk [tilespmem:v0+s26+$0xC0 ss:$0x1], $0xffff;
	v43 =	vunpack.i.l.bf16.f32 v37  }
0x112: {  	[tilespmem:v1+s28+$0xC0 ss:$0x1] =	vst.idx.msk $0xffff, v18;
	v18 =	vmul.f32 v39, v43  }
0x113: {  	v44 =	vld.idx.msk [tilespmem:v0+s30+$0xC0 ss:$0x1], $0xffff;
	v45 =	vunpack.i.l.bf16.f32 v19  }
0x114: {  	v46 =	vadd.s32 s6, v15;
	[tilespmem:v1+s29+$0xC0 ss:$0x1] =	vst.idx.msk $0xffff, v18;
	v18 =	vmul.f32 v41, v45  }
0x115: {  	v23 =	vunpack.i.u.bf16.f32 v34;
	v47 =	vld.idx.msk [tilespmem:v0+s0+$0xC0 ss:$0x1], $0xffff  }
0x116: {  	v48 =	vadd.s32 s14, v15;
	v21 =	vmul.f32 v42, v23;
	[tilespmem:v1+s31+$0xC0 ss:$0x1] =	vst.idx.msk $0xffff, v18  }
0x117: {  	v18 =	vunpack.i.u.bf16.f32 v22;
	v49 =	vld.idx.msk [tilespmem:v0+s3+$0xC0 ss:$0x1], $0xffff  }
0x118: {  	v50 =	vadd.s32 s1, v15;
	[tilespmem:v1+s26+$0xC0 ss:$0x1] =	vst.idx.msk $0xffff, v21;
	v18 =	vmul.f32 v44, v18  }
0x119: {  	v20 =	vunpack.i.u.bf16.f32 v37;
	v51 =	vld.idx.msk [tilespmem:v46+s5+$0x0], $0xffff  }
0x11a: {  	v53 =	vadd.s32 s15, v15;
	v52 =	vld.idx.msk [tilespmem:v0+s25+$0xD0 ss:$0x1], $0xffff;
	[tilespmem:v1+s30+$0xC0 ss:$0x1] =	vst.idx.msk $0xffff, v18;
	v18 =	vmul.f32 v47, v20  }
0x11b: {  	v19 =	vunpack.i.u.bf16.f32 v19;
	v23 =	vld.idx.msk [tilespmem:v48+s5+$0x0], $0xffff  }
0x11c: {  	v54 =	vld.idx.msk [tilespmem:v0+s28+$0xD0 ss:$0x1], $0xffff;
	[tilespmem:v1+s0+$0xC0 ss:$0x1] =	vst.idx.msk $0xffff, v18;
	v18 =	vmul.f32 v49, v19  }
0x11d: {  	v19 =	vld.idx.msk [tilespmem:v50+s5+$0x0], $0xffff  }
0x11e: {  	v56 =	vld.idx.msk [tilespmem:v0+s29+$0xD0 ss:$0x1], $0xffff;
	v55 =	vunpack.i.l.bf16.f32 v51;
	[tilespmem:v1+s3+$0xC0 ss:$0x1] =	vst.idx.msk $0xffff, v18  }
0x11f: {  	v18 =	vmul.f32 v52, v55;
	v20 =	vld.idx.msk [tilespmem:v53+s5+$0x0], $0xffff  }
0x120: {  	v58 =	vld.idx.msk [tilespmem:v0+s31+$0xD0 ss:$0x1], $0xffff;
	v57 =	vunpack.i.l.bf16.f32 v23  }
0x121: {  	[tilespmem:v1+s25+$0xD0 ss:$0x1] =	vst.idx.msk $0xffff, v18;
	v18 =	vmul.f32 v54, v57  }
0x122: {  	v59 =	vld.idx.msk [tilespmem:v0+s26+$0xD0 ss:$0x1], $0xffff;
	v60 =	vunpack.i.l.bf16.f32 v19  }
0x123: {  	[tilespmem:v1+s28+$0xD0 ss:$0x1] =	vst.idx.msk $0xffff, v18;
	v18 =	vmul.f32 v56, v60  }
0x124: {  	v61 =	vld.idx.msk [tilespmem:v0+s30+$0xD0 ss:$0x1], $0xffff;
	v62 =	vunpack.i.l.bf16.f32 v20  }
0x125: {  	v63 =	vadd.s32 s6, v16;
	[tilespmem:v1+s29+$0xD0 ss:$0x1] =	vst.idx.msk $0xffff, v18;
	v18 =	vmul.f32 v58, v62  }
0x126: {  	v24 =	vunpack.i.u.bf16.f32 v51;
	v30 =	vld.idx.msk [tilespmem:v0+s0+$0xD0 ss:$0x1], $0xffff  }
0x127: {  	v31 =	vadd.s32 s14, v16;
	v21 =	vmul.f32 v59, v24;
	[tilespmem:v1+s31+$0xD0 ss:$0x1] =	vst.idx.msk $0xffff, v18  }
0x128: {  	v18 =	vunpack.i.u.bf16.f32 v23;
	v32 =	vld.idx.msk [tilespmem:v0+s3+$0xD0 ss:$0x1], $0xffff  }
0x129: {  	v33 =	vadd.s32 s1, v16;
	[tilespmem:v1+s26+$0xD0 ss:$0x1] =	vst.idx.msk $0xffff, v21;
	v18 =	vmul.f32 v61, v18  }
0x12a: {  	v19 =	vunpack.i.u.bf16.f32 v19;
	v34 =	vld.idx.msk [tilespmem:v63+s5+$0x0], $0xffff  }
0x12b: {  	v35 =	vld.idx.msk [tilespmem:v0+s25+$0xE0 ss:$0x1], $0xffff;
	[tilespmem:v1+s30+$0xD0 ss:$0x1] =	vst.idx.msk $0xffff, v18;
	v18 =	vmul.f32 v30, v19;
	v19 =	vadd.s32 s15, v16  }
0x12c: {  	v20 =	vunpack.i.u.bf16.f32 v20;
	v24 =	vld.idx.msk [tilespmem:v31+s5+$0x0], $0xffff  }
0x12d: {  	v36 =	vld.idx.msk [tilespmem:v0+s28+$0xE0 ss:$0x1], $0xffff;
	[tilespmem:v1+s0+$0xD0 ss:$0x1] =	vst.idx.msk $0xffff, v18;
	v18 =	vmul.f32 v32, v20  }
0x12e: {  	v37 =	vld.idx.msk [tilespmem:v33+s5+$0x0], $0xffff  }
0x12f: {  	v39 =	vld.idx.msk [tilespmem:v0+s29+$0xE0 ss:$0x1], $0xffff;
	v38 =	vunpack.i.l.bf16.f32 v34;
	[tilespmem:v1+s3+$0xD0 ss:$0x1] =	vst.idx.msk $0xffff, v18  }
0x130: {  	v18 =	vmul.f32 v35, v38;
	v19 =	vld.idx.msk [tilespmem:v19+s5+$0x0], $0xffff  }
0x131: {  	v41 =	vld.idx.msk [tilespmem:v0+s31+$0xE0 ss:$0x1], $0xffff;
	v40 =	vunpack.i.l.bf16.f32 v24  }
0x132: {  	[tilespmem:v1+s25+$0xE0 ss:$0x1] =	vst.idx.msk $0xffff, v18;
	v18 =	vmul.f32 v36, v40  }
0x133: {  	v42 =	vld.idx.msk [tilespmem:v0+s26+$0xE0 ss:$0x1], $0xffff;
	v43 =	vunpack.i.l.bf16.f32 v37  }
0x134: {  	[tilespmem:v1+s28+$0xE0 ss:$0x1] =	vst.idx.msk $0xffff, v18;
	v18 =	vmul.f32 v39, v43  }
0x135: {  	v44 =	vld.idx.msk [tilespmem:v0+s30+$0xE0 ss:$0x1], $0xffff;
	v45 =	vunpack.i.l.bf16.f32 v19  }
0x136: {  	v46 =	vadd.s32 s6, v17;
	[tilespmem:v1+s29+$0xE0 ss:$0x1] =	vst.idx.msk $0xffff, v18;
	v18 =	vmul.f32 v41, v45  }
0x137: {  	v22 =	vunpack.i.u.bf16.f32 v34;
	v47 =	vld.idx.msk [tilespmem:v0+s0+$0xE0 ss:$0x1], $0xffff  }
0x138: {  	v48 =	vadd.s32 s14, v17;
	v21 =	vmul.f32 v42, v22;
	[tilespmem:v1+s31+$0xE0 ss:$0x1] =	vst.idx.msk $0xffff, v18  }
0x139: {  	v18 =	vunpack.i.u.bf16.f32 v24;
	v49 =	vld.idx.msk [tilespmem:v0+s3+$0xE0 ss:$0x1], $0xffff  }
0x13a: {  	v50 =	vadd.s32 s1, v17;
	[tilespmem:v1+s26+$0xE0 ss:$0x1] =	vst.idx.msk $0xffff, v21;
	v18 =	vmul.f32 v44, v18  }
0x13b: {  	v20 =	vunpack.i.u.bf16.f32 v37;
	v21 =	vld.idx.msk [tilespmem:v46+s5+$0x0], $0xffff  }
0x13c: {  	v51 =	vadd.s32 s15, v17;
	[tilespmem:v1+s30+$0xE0 ss:$0x1] =	vst.idx.msk $0xffff, v18;
	v18 =	vld.idx.msk [tilespmem:v0+s25+$0xF0 ss:$0x1], $0xffff;
	v20 =	vmul.f32 v47, v20  }
0x13d: {  	v19 =	vunpack.i.u.bf16.f32 v19;
	v52 =	vld.idx.msk [tilespmem:v48+s5+$0x0], $0xffff  }
0x13e: {  	v53 =	vld.idx.msk [tilespmem:v0+s28+$0xF0 ss:$0x1], $0xffff;
	[tilespmem:v1+s0+$0xE0 ss:$0x1] =	vst.idx.msk $0xffff, v20;
	v19 =	vmul.f32 v49, v19  }
0x13f: {  	v20 =	vld.idx.msk [tilespmem:v50+s5+$0x0], $0xffff  }
0x140: {  	v54 =	vld.idx.msk [tilespmem:v0+s29+$0xF0 ss:$0x1], $0xffff;
	[tilespmem:v1+s3+$0xE0 ss:$0x1] =	vst.idx.msk $0xffff, v19  }
0x141: {  	v19 =	vld.idx.msk [tilespmem:v51+s5+$0x0], $0xffff  }
0x142: {  	v55 =	vld.idx.msk [tilespmem:v0+s31+$0xF0 ss:$0x1], $0xffff  }
0x143: {  	v56 =	vunpack.i.l.bf16.f32 v21  }
0x144: {  	v18 =	vmul.f32 v18, v56;
	v57 =	vunpack.i.l.bf16.f32 v52  }
0x145: {  	v24 =	vmul.f32 v53, v57;
	v58 =	vunpack.i.l.bf16.f32 v20  }
0x146: {  	[tilespmem:v1+s25+$0xF0 ss:$0x1] =	vst.idx.msk $0xffff, v18;
	v18 =	vmul.f32 v54, v58;
	v59 =	vunpack.i.l.bf16.f32 v19  }
0x147: {  	v60 =	vld.idx.msk [tilespmem:v0+s26+$0xF0 ss:$0x1], $0xffff;
	[tilespmem:v1+s28+$0xF0 ss:$0x1] =	vst.idx.msk $0xffff, v24;
	v22 =	vmul.f32 v55, v59  }
0x148: {  	[tilespmem:v1+s29+$0xF0 ss:$0x1] =	vst.idx.msk $0xffff, v18;
	v18 =	vld.idx.msk [tilespmem:v0+s30+$0xF0 ss:$0x1], $0xffff  }
0x149: {  	v61 =	vld.idx.msk [tilespmem:v0+s0+$0xF0 ss:$0x1], $0xffff;
	[tilespmem:v1+s31+$0xF0 ss:$0x1] =	vst.idx.msk $0xffff, v22  }
0x14a: {  	v62 =	vld.idx.msk [tilespmem:v0+s3+$0xF0 ss:$0x1], $0xffff  }
0x14b: {  	v21 =	vunpack.i.u.bf16.f32 v21  }
0x14c: {  	p2 =	por p1, p1;
	v63 =	vunpack.i.u.bf16.f32 v52;
	v21 =	vmul.f32 v60, v21  }
.Ltmp0:
0x14d: {  	v20 =	vunpack.i.u.bf16.f32 v20;
	v18 =	vmul.f32 v18, v63;
	(pc) =	sbr.rel @p2 .LBB2_5-.Ltmp0, $4  }
0x14e: {  	v19 =	vunpack.i.u.bf16.f32 v19;
	[tilespmem:v1+s26+$0xF0 ss:$0x1] =	vst.idx.msk $0xffff, v21;
	v20 =	vmul.f32 v61, v20  }
0x14f: {  	[tilespmem:v1+s30+$0xF0 ss:$0x1] =	vst.idx.msk $0xffff, v18;
	v18 =	vmul.f32 v62, v19  }
0x150: {  	[tilespmem:v1+s0+$0xF0 ss:$0x1] =	vst.idx.msk $0xffff, v20  }
0x151: {  	p1 =	por $0x0, $0x0;
	s0 =	simm.s32 $0x4;
	[tilespmem:v1+s3+$0xF0 ss:$0x1] =	vst.idx.msk $0xffff, v18  }
0x152: {  	v2 =	vld [tilespmem:s24+$0x8100]  }
0x153: {  	v3 =	vld [tilespmem:s24+$0x8110]  }
0x154: {  	v4 =	vld [tilespmem:s24+$0x8120]  }
0x155: {  	v5 =	vld [tilespmem:s24+$0x8130]  }
0x156: {  	v6 =	vld [tilespmem:s24+$0x8140]  }
0x157: {  	v7 =	vld [tilespmem:s24+$0x8150]  }
0x158: {  	v8 =	vld [tilespmem:s24+$0x8160]  }
0x159: {  	v9 =	vld [tilespmem:s24+$0x8170]  }
0x15a: {  	v10 =	vld [tilespmem:s24+$0x8180]  }
0x15b: {  	v11 =	vld [tilespmem:s24+$0x8190]  }
0x15c: {  	v12 =	vld [tilespmem:s24+$0x81A0]  }
0x15d: {  	v13 =	vld [tilespmem:s24+$0x81B0]  }
0x15e: {  	v14 =	vld [tilespmem:s24+$0x81C0]  }
0x15f: {  	v15 =	vld [tilespmem:s24+$0x81D0]  }
0x160: {  	v16 =	vld [tilespmem:s24+$0x81E0]  }
0x161: {  	v17 =	vld [tilespmem:s24+$0x81F0];
	s0 =	simm.s32 $0x0;
	p1 =	por $0x1, $0x1  }
.LBB2_7:
0x162: {  	s1 =	sor.u32 s20, s0  }
0x163: {  	s3 =	sor.u32 $0x1, s0;
	s6 =	sshll.u32 s1, $0xA  }
0x164: {  	s30 =	sor.u32 s20, s3;
	v18 =	vadd.s32 s6, v2  }
0x165: {  	s26 =	sor.u32 $0x2, s0;
	s14 =	sshll.u32 s30, $0xA  }
0x166: {  	s31 =	sor.u32 s20, s26;
	v19 =	vadd.s32 s14, v2  }
0x167: {  	s1 =	sshll.u32 s31, $0xA;
	s30 =	sor.u32 $0x3, s0  }
0x168: {  	v20 =	vadd.s32 s1, v2;
	s15 =	sor.u32 s20, s30  }
0x169: {  	s25 =	sshll.u32 s0, $0xB;
	s15 =	sshll.u32 s15, $0xA;
	v18 =	vld.idx.msk [tilespmem:v18+s5+$0x0], $0xffff  }
0x16a: {  	v21 =	vld.idx.msk [tilespmem:v0+s25+$0x100 ss:$0x1], $0xffff;
	v22 =	vadd.s32 s15, v2  }
0x16b: {  	s28 =	sshll.u32 s3, $0xB;
	v19 =	vld.idx.msk [tilespmem:v19+s5+$0x0], $0xffff  }
0x16c: {  	v23 =	vld.idx.msk [tilespmem:v0+s28+$0x100 ss:$0x1], $0xffff  }
0x16d: {  	s29 =	sshll.u32 s26, $0xB;
	v20 =	vld.idx.msk [tilespmem:v20+s5+$0x0], $0xffff  }
0x16e: {  	v25 =	vld.idx.msk [tilespmem:v0+s29+$0x100 ss:$0x1], $0xffff;
	v24 =	vunpack.i.l.bf16.f32 v18  }
0x16f: {  	s31 =	sshll.u32 s30, $0xB;
	v22 =	vld.idx.msk [tilespmem:v22+s5+$0x0], $0xffff;
	v21 =	vmul.f32 v21, v24  }
0x170: {  	v26 =	vld.idx.msk [tilespmem:v0+s31+$0x100 ss:$0x1], $0xffff;
	v41 =	vunpack.i.l.bf16.f32 v19  }
0x171: {  	s26 =	sor.u32 $0x400, s25;
	v42 =	vmul.f32 v23, v41;
	[tilespmem:v1+s25+$0x100 ss:$0x1] =	vst.idx.msk $0xffff, v21  }
0x172: {  	v44 =	vunpack.i.l.bf16.f32 v20;
	v43 =	vld.idx.msk [tilespmem:v0+s26+$0x100 ss:$0x1], $0xffff  }
0x173: {  	s30 =	sor.u32 $0x400, s28;
	v45 =	vmul.f32 v25, v44;
	[tilespmem:v1+s28+$0x100 ss:$0x1] =	vst.idx.msk $0xffff, v42  }
0x174: {  	v47 =	vunpack.i.l.bf16.f32 v22;
	v46 =	vld.idx.msk [tilespmem:v0+s30+$0x100 ss:$0x1], $0xffff  }
0x175: {  	v27 =	vadd.s32 s6, v3;
	s0 =	sor.u32 $0x400, s29;
	[tilespmem:v1+s29+$0x100 ss:$0x1] =	vst.idx.msk $0xffff, v45;
	v48 =	vmul.f32 v26, v47  }
0x176: {  	v18 =	vunpack.i.u.bf16.f32 v18;
	v49 =	vld.idx.msk [tilespmem:v0+s0+$0x100 ss:$0x1], $0xffff  }
0x177: {  	v50 =	vadd.s32 s14, v3;
	s3 =	sor.u32 $0x400, s31;
	[tilespmem:v1+s31+$0x100 ss:$0x1] =	vst.idx.msk $0xffff, v48;
	v18 =	vmul.f32 v43, v18  }
0x178: {  	v19 =	vunpack.i.u.bf16.f32 v19;
	v21 =	vld.idx.msk [tilespmem:v0+s3+$0x100 ss:$0x1], $0xffff  }
0x179: {  	[tilespmem:v1+s26+$0x100 ss:$0x1] =	vst.idx.msk $0xffff, v18;
	v18 =	vmul.f32 v46, v19;
	v19 =	vadd.s32 s1, v3  }
0x17a: {  	v20 =	vunpack.i.u.bf16.f32 v20;
	v51 =	vld.idx.msk [tilespmem:v27+s5+$0x0], $0xffff  }
0x17b: {  	v53 =	vadd.s32 s15, v3;
	v52 =	vld.idx.msk [tilespmem:v0+s25+$0x110 ss:$0x1], $0xffff;
	[tilespmem:v1+s30+$0x100 ss:$0x1] =	vst.idx.msk $0xffff, v18;
	v18 =	vmul.f32 v49, v20  }
0x17c: {  	v22 =	vunpack.i.u.bf16.f32 v22;
	v23 =	vld.idx.msk [tilespmem:v50+s5+$0x0], $0xffff  }
0x17d: {  	v54 =	vld.idx.msk [tilespmem:v0+s28+$0x110 ss:$0x1], $0xffff;
	[tilespmem:v1+s0+$0x100 ss:$0x1] =	vst.idx.msk $0xffff, v18;
	v18 =	vmul.f32 v21, v22  }
0x17e: {  	v19 =	vld.idx.msk [tilespmem:v19+s5+$0x0], $0xffff  }
0x17f: {  	v56 =	vld.idx.msk [tilespmem:v0+s29+$0x110 ss:$0x1], $0xffff;
	v55 =	vunpack.i.l.bf16.f32 v51;
	[tilespmem:v1+s3+$0x100 ss:$0x1] =	vst.idx.msk $0xffff, v18  }
0x180: {  	v18 =	vmul.f32 v52, v55;
	v20 =	vld.idx.msk [tilespmem:v53+s5+$0x0], $0xffff  }
0x181: {  	v58 =	vld.idx.msk [tilespmem:v0+s31+$0x110 ss:$0x1], $0xffff;
	v57 =	vunpack.i.l.bf16.f32 v23  }
0x182: {  	[tilespmem:v1+s25+$0x110 ss:$0x1] =	vst.idx.msk $0xffff, v18;
	v18 =	vmul.f32 v54, v57  }
0x183: {  	v59 =	vld.idx.msk [tilespmem:v0+s26+$0x110 ss:$0x1], $0xffff;
	v60 =	vunpack.i.l.bf16.f32 v19  }
0x184: {  	[tilespmem:v1+s28+$0x110 ss:$0x1] =	vst.idx.msk $0xffff, v18;
	v18 =	vmul.f32 v56, v60  }
0x185: {  	v61 =	vld.idx.msk [tilespmem:v0+s30+$0x110 ss:$0x1], $0xffff;
	v62 =	vunpack.i.l.bf16.f32 v20  }
0x186: {  	v63 =	vadd.s32 s6, v4;
	[tilespmem:v1+s29+$0x110 ss:$0x1] =	vst.idx.msk $0xffff, v18;
	v18 =	vmul.f32 v58, v62  }
0x187: {  	v24 =	vunpack.i.u.bf16.f32 v51;
	v30 =	vld.idx.msk [tilespmem:v0+s0+$0x110 ss:$0x1], $0xffff  }
0x188: {  	v31 =	vadd.s32 s14, v4;
	v21 =	vmul.f32 v59, v24;
	[tilespmem:v1+s31+$0x110 ss:$0x1] =	vst.idx.msk $0xffff, v18  }
0x189: {  	v18 =	vunpack.i.u.bf16.f32 v23;
	v32 =	vld.idx.msk [tilespmem:v0+s3+$0x110 ss:$0x1], $0xffff  }
0x18a: {  	v33 =	vadd.s32 s1, v4;
	[tilespmem:v1+s26+$0x110 ss:$0x1] =	vst.idx.msk $0xffff, v21;
	v18 =	vmul.f32 v61, v18  }
0x18b: {  	v19 =	vunpack.i.u.bf16.f32 v19;
	v34 =	vld.idx.msk [tilespmem:v63+s5+$0x0], $0xffff  }
0x18c: {  	v35 =	vld.idx.msk [tilespmem:v0+s25+$0x120 ss:$0x1], $0xffff;
	[tilespmem:v1+s30+$0x110 ss:$0x1] =	vst.idx.msk $0xffff, v18;
	v18 =	vmul.f32 v30, v19;
	v19 =	vadd.s32 s15, v4  }
0x18d: {  	v20 =	vunpack.i.u.bf16.f32 v20;
	v24 =	vld.idx.msk [tilespmem:v31+s5+$0x0], $0xffff  }
0x18e: {  	v36 =	vld.idx.msk [tilespmem:v0+s28+$0x120 ss:$0x1], $0xffff;
	[tilespmem:v1+s0+$0x110 ss:$0x1] =	vst.idx.msk $0xffff, v18;
	v18 =	vmul.f32 v32, v20  }
0x18f: {  	v37 =	vld.idx.msk [tilespmem:v33+s5+$0x0], $0xffff  }
0x190: {  	v39 =	vld.idx.msk [tilespmem:v0+s29+$0x120 ss:$0x1], $0xffff;
	v38 =	vunpack.i.l.bf16.f32 v34;
	[tilespmem:v1+s3+$0x110 ss:$0x1] =	vst.idx.msk $0xffff, v18  }
0x191: {  	v18 =	vmul.f32 v35, v38;
	v19 =	vld.idx.msk [tilespmem:v19+s5+$0x0], $0xffff  }
0x192: {  	v41 =	vld.idx.msk [tilespmem:v0+s31+$0x120 ss:$0x1], $0xffff;
	v40 =	vunpack.i.l.bf16.f32 v24  }
0x193: {  	[tilespmem:v1+s25+$0x120 ss:$0x1] =	vst.idx.msk $0xffff, v18;
	v18 =	vmul.f32 v36, v40  }
0x194: {  	v42 =	vld.idx.msk [tilespmem:v0+s26+$0x120 ss:$0x1], $0xffff;
	v43 =	vunpack.i.l.bf16.f32 v37  }
0x195: {  	[tilespmem:v1+s28+$0x120 ss:$0x1] =	vst.idx.msk $0xffff, v18;
	v18 =	vmul.f32 v39, v43  }
0x196: {  	v44 =	vld.idx.msk [tilespmem:v0+s30+$0x120 ss:$0x1], $0xffff;
	v45 =	vunpack.i.l.bf16.f32 v19  }
0x197: {  	v46 =	vadd.s32 s6, v5;
	[tilespmem:v1+s29+$0x120 ss:$0x1] =	vst.idx.msk $0xffff, v18;
	v18 =	vmul.f32 v41, v45  }
0x198: {  	v22 =	vunpack.i.u.bf16.f32 v34;
	v47 =	vld.idx.msk [tilespmem:v0+s0+$0x120 ss:$0x1], $0xffff  }
0x199: {  	v48 =	vadd.s32 s14, v5;
	v21 =	vmul.f32 v42, v22;
	[tilespmem:v1+s31+$0x120 ss:$0x1] =	vst.idx.msk $0xffff, v18  }
0x19a: {  	v18 =	vunpack.i.u.bf16.f32 v24;
	v49 =	vld.idx.msk [tilespmem:v0+s3+$0x120 ss:$0x1], $0xffff  }
0x19b: {  	v50 =	vadd.s32 s1, v5;
	[tilespmem:v1+s26+$0x120 ss:$0x1] =	vst.idx.msk $0xffff, v21;
	v18 =	vmul.f32 v44, v18  }
0x19c: {  	v20 =	vunpack.i.u.bf16.f32 v37;
	v51 =	vld.idx.msk [tilespmem:v46+s5+$0x0], $0xffff  }
0x19d: {  	v53 =	vadd.s32 s15, v5;
	v52 =	vld.idx.msk [tilespmem:v0+s25+$0x130 ss:$0x1], $0xffff;
	[tilespmem:v1+s30+$0x120 ss:$0x1] =	vst.idx.msk $0xffff, v18;
	v18 =	vmul.f32 v47, v20  }
0x19e: {  	v19 =	vunpack.i.u.bf16.f32 v19;
	v22 =	vld.idx.msk [tilespmem:v48+s5+$0x0], $0xffff  }
0x19f: {  	v54 =	vld.idx.msk [tilespmem:v0+s28+$0x130 ss:$0x1], $0xffff;
	[tilespmem:v1+s0+$0x120 ss:$0x1] =	vst.idx.msk $0xffff, v18;
	v18 =	vmul.f32 v49, v19  }
0x1a0: {  	v19 =	vld.idx.msk [tilespmem:v50+s5+$0x0], $0xffff  }
0x1a1: {  	v56 =	vld.idx.msk [tilespmem:v0+s29+$0x130 ss:$0x1], $0xffff;
	v55 =	vunpack.i.l.bf16.f32 v51;
	[tilespmem:v1+s3+$0x120 ss:$0x1] =	vst.idx.msk $0xffff, v18  }
0x1a2: {  	v18 =	vmul.f32 v52, v55;
	v20 =	vld.idx.msk [tilespmem:v53+s5+$0x0], $0xffff  }
0x1a3: {  	v58 =	vld.idx.msk [tilespmem:v0+s31+$0x130 ss:$0x1], $0xffff;
	v57 =	vunpack.i.l.bf16.f32 v22  }
0x1a4: {  	[tilespmem:v1+s25+$0x130 ss:$0x1] =	vst.idx.msk $0xffff, v18;
	v18 =	vmul.f32 v54, v57  }
0x1a5: {  	v59 =	vld.idx.msk [tilespmem:v0+s26+$0x130 ss:$0x1], $0xffff;
	v60 =	vunpack.i.l.bf16.f32 v19  }
0x1a6: {  	[tilespmem:v1+s28+$0x130 ss:$0x1] =	vst.idx.msk $0xffff, v18;
	v18 =	vmul.f32 v56, v60  }
0x1a7: {  	v61 =	vld.idx.msk [tilespmem:v0+s30+$0x130 ss:$0x1], $0xffff;
	v62 =	vunpack.i.l.bf16.f32 v20  }
0x1a8: {  	v63 =	vadd.s32 s6, v6;
	[tilespmem:v1+s29+$0x130 ss:$0x1] =	vst.idx.msk $0xffff, v18;
	v18 =	vmul.f32 v58, v62  }
0x1a9: {  	v23 =	vunpack.i.u.bf16.f32 v51;
	v30 =	vld.idx.msk [tilespmem:v0+s0+$0x130 ss:$0x1], $0xffff  }
0x1aa: {  	v31 =	vadd.s32 s14, v6;
	v21 =	vmul.f32 v59, v23;
	[tilespmem:v1+s31+$0x130 ss:$0x1] =	vst.idx.msk $0xffff, v18  }
0x1ab: {  	v18 =	vunpack.i.u.bf16.f32 v22;
	v32 =	vld.idx.msk [tilespmem:v0+s3+$0x130 ss:$0x1], $0xffff  }
0x1ac: {  	v33 =	vadd.s32 s1, v6;
	[tilespmem:v1+s26+$0x130 ss:$0x1] =	vst.idx.msk $0xffff, v21;
	v18 =	vmul.f32 v61, v18  }
0x1ad: {  	v19 =	vunpack.i.u.bf16.f32 v19;
	v34 =	vld.idx.msk [tilespmem:v63+s5+$0x0], $0xffff  }
0x1ae: {  	v35 =	vld.idx.msk [tilespmem:v0+s25+$0x140 ss:$0x1], $0xffff;
	[tilespmem:v1+s30+$0x130 ss:$0x1] =	vst.idx.msk $0xffff, v18;
	v18 =	vmul.f32 v30, v19;
	v19 =	vadd.s32 s15, v6  }
0x1af: {  	v20 =	vunpack.i.u.bf16.f32 v20;
	v23 =	vld.idx.msk [tilespmem:v31+s5+$0x0], $0xffff  }
0x1b0: {  	v36 =	vld.idx.msk [tilespmem:v0+s28+$0x140 ss:$0x1], $0xffff;
	[tilespmem:v1+s0+$0x130 ss:$0x1] =	vst.idx.msk $0xffff, v18;
	v18 =	vmul.f32 v32, v20  }
0x1b1: {  	v37 =	vld.idx.msk [tilespmem:v33+s5+$0x0], $0xffff  }
0x1b2: {  	v39 =	vld.idx.msk [tilespmem:v0+s29+$0x140 ss:$0x1], $0xffff;
	v38 =	vunpack.i.l.bf16.f32 v34;
	[tilespmem:v1+s3+$0x130 ss:$0x1] =	vst.idx.msk $0xffff, v18  }
0x1b3: {  	v18 =	vmul.f32 v35, v38;
	v19 =	vld.idx.msk [tilespmem:v19+s5+$0x0], $0xffff  }
0x1b4: {  	v41 =	vld.idx.msk [tilespmem:v0+s31+$0x140 ss:$0x1], $0xffff;
	v40 =	vunpack.i.l.bf16.f32 v23  }
0x1b5: {  	[tilespmem:v1+s25+$0x140 ss:$0x1] =	vst.idx.msk $0xffff, v18;
	v18 =	vmul.f32 v36, v40  }
0x1b6: {  	v42 =	vld.idx.msk [tilespmem:v0+s26+$0x140 ss:$0x1], $0xffff;
	v43 =	vunpack.i.l.bf16.f32 v37  }
0x1b7: {  	[tilespmem:v1+s28+$0x140 ss:$0x1] =	vst.idx.msk $0xffff, v18;
	v18 =	vmul.f32 v39, v43  }
0x1b8: {  	v44 =	vld.idx.msk [tilespmem:v0+s30+$0x140 ss:$0x1], $0xffff;
	v45 =	vunpack.i.l.bf16.f32 v19  }
0x1b9: {  	v46 =	vadd.s32 s6, v7;
	[tilespmem:v1+s29+$0x140 ss:$0x1] =	vst.idx.msk $0xffff, v18;
	v18 =	vmul.f32 v41, v45  }
0x1ba: {  	v24 =	vunpack.i.u.bf16.f32 v34;
	v47 =	vld.idx.msk [tilespmem:v0+s0+$0x140 ss:$0x1], $0xffff  }
0x1bb: {  	v48 =	vadd.s32 s14, v7;
	v21 =	vmul.f32 v42, v24;
	[tilespmem:v1+s31+$0x140 ss:$0x1] =	vst.idx.msk $0xffff, v18  }
0x1bc: {  	v18 =	vunpack.i.u.bf16.f32 v23;
	v49 =	vld.idx.msk [tilespmem:v0+s3+$0x140 ss:$0x1], $0xffff  }
0x1bd: {  	v50 =	vadd.s32 s1, v7;
	[tilespmem:v1+s26+$0x140 ss:$0x1] =	vst.idx.msk $0xffff, v21;
	v18 =	vmul.f32 v44, v18  }
0x1be: {  	v20 =	vunpack.i.u.bf16.f32 v37;
	v51 =	vld.idx.msk [tilespmem:v46+s5+$0x0], $0xffff  }
0x1bf: {  	v53 =	vadd.s32 s15, v7;
	v52 =	vld.idx.msk [tilespmem:v0+s25+$0x150 ss:$0x1], $0xffff;
	[tilespmem:v1+s30+$0x140 ss:$0x1] =	vst.idx.msk $0xffff, v18;
	v18 =	vmul.f32 v47, v20  }
0x1c0: {  	v19 =	vunpack.i.u.bf16.f32 v19;
	v24 =	vld.idx.msk [tilespmem:v48+s5+$0x0], $0xffff  }
0x1c1: {  	v54 =	vld.idx.msk [tilespmem:v0+s28+$0x150 ss:$0x1], $0xffff;
	[tilespmem:v1+s0+$0x140 ss:$0x1] =	vst.idx.msk $0xffff, v18;
	v18 =	vmul.f32 v49, v19  }
0x1c2: {  	v19 =	vld.idx.msk [tilespmem:v50+s5+$0x0], $0xffff  }
0x1c3: {  	v56 =	vld.idx.msk [tilespmem:v0+s29+$0x150 ss:$0x1], $0xffff;
	v55 =	vunpack.i.l.bf16.f32 v51;
	[tilespmem:v1+s3+$0x140 ss:$0x1] =	vst.idx.msk $0xffff, v18  }
0x1c4: {  	v18 =	vmul.f32 v52, v55;
	v20 =	vld.idx.msk [tilespmem:v53+s5+$0x0], $0xffff  }
0x1c5: {  	v58 =	vld.idx.msk [tilespmem:v0+s31+$0x150 ss:$0x1], $0xffff;
	v57 =	vunpack.i.l.bf16.f32 v24  }
0x1c6: {  	[tilespmem:v1+s25+$0x150 ss:$0x1] =	vst.idx.msk $0xffff, v18;
	v18 =	vmul.f32 v54, v57  }
0x1c7: {  	v59 =	vld.idx.msk [tilespmem:v0+s26+$0x150 ss:$0x1], $0xffff;
	v60 =	vunpack.i.l.bf16.f32 v19  }
0x1c8: {  	[tilespmem:v1+s28+$0x150 ss:$0x1] =	vst.idx.msk $0xffff, v18;
	v18 =	vmul.f32 v56, v60  }
0x1c9: {  	v61 =	vld.idx.msk [tilespmem:v0+s30+$0x150 ss:$0x1], $0xffff;
	v62 =	vunpack.i.l.bf16.f32 v20  }
0x1ca: {  	v63 =	vadd.s32 s6, v8;
	[tilespmem:v1+s29+$0x150 ss:$0x1] =	vst.idx.msk $0xffff, v18;
	v18 =	vmul.f32 v58, v62  }
0x1cb: {  	v22 =	vunpack.i.u.bf16.f32 v51;
	v30 =	vld.idx.msk [tilespmem:v0+s0+$0x150 ss:$0x1], $0xffff  }
0x1cc: {  	v31 =	vadd.s32 s14, v8;
	v21 =	vmul.f32 v59, v22;
	[tilespmem:v1+s31+$0x150 ss:$0x1] =	vst.idx.msk $0xffff, v18  }
0x1cd: {  	v18 =	vunpack.i.u.bf16.f32 v24;
	v32 =	vld.idx.msk [tilespmem:v0+s3+$0x150 ss:$0x1], $0xffff  }
0x1ce: {  	v33 =	vadd.s32 s1, v8;
	[tilespmem:v1+s26+$0x150 ss:$0x1] =	vst.idx.msk $0xffff, v21;
	v18 =	vmul.f32 v61, v18  }
0x1cf: {  	v19 =	vunpack.i.u.bf16.f32 v19;
	v34 =	vld.idx.msk [tilespmem:v63+s5+$0x0], $0xffff  }
0x1d0: {  	v35 =	vld.idx.msk [tilespmem:v0+s25+$0x160 ss:$0x1], $0xffff;
	[tilespmem:v1+s30+$0x150 ss:$0x1] =	vst.idx.msk $0xffff, v18;
	v18 =	vmul.f32 v30, v19;
	v19 =	vadd.s32 s15, v8  }
0x1d1: {  	v20 =	vunpack.i.u.bf16.f32 v20;
	v22 =	vld.idx.msk [tilespmem:v31+s5+$0x0], $0xffff  }
0x1d2: {  	v36 =	vld.idx.msk [tilespmem:v0+s28+$0x160 ss:$0x1], $0xffff;
	[tilespmem:v1+s0+$0x150 ss:$0x1] =	vst.idx.msk $0xffff, v18;
	v18 =	vmul.f32 v32, v20  }
0x1d3: {  	v37 =	vld.idx.msk [tilespmem:v33+s5+$0x0], $0xffff  }
0x1d4: {  	v39 =	vld.idx.msk [tilespmem:v0+s29+$0x160 ss:$0x1], $0xffff;
	v38 =	vunpack.i.l.bf16.f32 v34;
	[tilespmem:v1+s3+$0x150 ss:$0x1] =	vst.idx.msk $0xffff, v18  }
0x1d5: {  	v18 =	vmul.f32 v35, v38;
	v19 =	vld.idx.msk [tilespmem:v19+s5+$0x0], $0xffff  }
0x1d6: {  	v41 =	vld.idx.msk [tilespmem:v0+s31+$0x160 ss:$0x1], $0xffff;
	v40 =	vunpack.i.l.bf16.f32 v22  }
0x1d7: {  	[tilespmem:v1+s25+$0x160 ss:$0x1] =	vst.idx.msk $0xffff, v18;
	v18 =	vmul.f32 v36, v40  }
0x1d8: {  	v42 =	vld.idx.msk [tilespmem:v0+s26+$0x160 ss:$0x1], $0xffff;
	v43 =	vunpack.i.l.bf16.f32 v37  }
0x1d9: {  	[tilespmem:v1+s28+$0x160 ss:$0x1] =	vst.idx.msk $0xffff, v18;
	v18 =	vmul.f32 v39, v43  }
0x1da: {  	v44 =	vld.idx.msk [tilespmem:v0+s30+$0x160 ss:$0x1], $0xffff;
	v45 =	vunpack.i.l.bf16.f32 v19  }
0x1db: {  	v46 =	vadd.s32 s6, v9;
	[tilespmem:v1+s29+$0x160 ss:$0x1] =	vst.idx.msk $0xffff, v18;
	v18 =	vmul.f32 v41, v45  }
0x1dc: {  	v23 =	vunpack.i.u.bf16.f32 v34;
	v47 =	vld.idx.msk [tilespmem:v0+s0+$0x160 ss:$0x1], $0xffff  }
0x1dd: {  	v48 =	vadd.s32 s14, v9;
	v21 =	vmul.f32 v42, v23;
	[tilespmem:v1+s31+$0x160 ss:$0x1] =	vst.idx.msk $0xffff, v18  }
0x1de: {  	v18 =	vunpack.i.u.bf16.f32 v22;
	v49 =	vld.idx.msk [tilespmem:v0+s3+$0x160 ss:$0x1], $0xffff  }
0x1df: {  	v50 =	vadd.s32 s1, v9;
	[tilespmem:v1+s26+$0x160 ss:$0x1] =	vst.idx.msk $0xffff, v21;
	v18 =	vmul.f32 v44, v18  }
0x1e0: {  	v20 =	vunpack.i.u.bf16.f32 v37;
	v51 =	vld.idx.msk [tilespmem:v46+s5+$0x0], $0xffff  }
0x1e1: {  	v53 =	vadd.s32 s15, v9;
	v52 =	vld.idx.msk [tilespmem:v0+s25+$0x170 ss:$0x1], $0xffff;
	[tilespmem:v1+s30+$0x160 ss:$0x1] =	vst.idx.msk $0xffff, v18;
	v18 =	vmul.f32 v47, v20  }
0x1e2: {  	v19 =	vunpack.i.u.bf16.f32 v19;
	v23 =	vld.idx.msk [tilespmem:v48+s5+$0x0], $0xffff  }
0x1e3: {  	v54 =	vld.idx.msk [tilespmem:v0+s28+$0x170 ss:$0x1], $0xffff;
	[tilespmem:v1+s0+$0x160 ss:$0x1] =	vst.idx.msk $0xffff, v18;
	v18 =	vmul.f32 v49, v19  }
0x1e4: {  	v19 =	vld.idx.msk [tilespmem:v50+s5+$0x0], $0xffff  }
0x1e5: {  	v56 =	vld.idx.msk [tilespmem:v0+s29+$0x170 ss:$0x1], $0xffff;
	v55 =	vunpack.i.l.bf16.f32 v51;
	[tilespmem:v1+s3+$0x160 ss:$0x1] =	vst.idx.msk $0xffff, v18  }
0x1e6: {  	v18 =	vmul.f32 v52, v55;
	v20 =	vld.idx.msk [tilespmem:v53+s5+$0x0], $0xffff  }
0x1e7: {  	v58 =	vld.idx.msk [tilespmem:v0+s31+$0x170 ss:$0x1], $0xffff;
	v57 =	vunpack.i.l.bf16.f32 v23  }
0x1e8: {  	[tilespmem:v1+s25+$0x170 ss:$0x1] =	vst.idx.msk $0xffff, v18;
	v18 =	vmul.f32 v54, v57  }
0x1e9: {  	v59 =	vld.idx.msk [tilespmem:v0+s26+$0x170 ss:$0x1], $0xffff;
	v60 =	vunpack.i.l.bf16.f32 v19  }
0x1ea: {  	[tilespmem:v1+s28+$0x170 ss:$0x1] =	vst.idx.msk $0xffff, v18;
	v18 =	vmul.f32 v56, v60  }
0x1eb: {  	v61 =	vld.idx.msk [tilespmem:v0+s30+$0x170 ss:$0x1], $0xffff;
	v62 =	vunpack.i.l.bf16.f32 v20  }
0x1ec: {  	v63 =	vadd.s32 s6, v10;
	[tilespmem:v1+s29+$0x170 ss:$0x1] =	vst.idx.msk $0xffff, v18;
	v18 =	vmul.f32 v58, v62  }
0x1ed: {  	v24 =	vunpack.i.u.bf16.f32 v51;
	v30 =	vld.idx.msk [tilespmem:v0+s0+$0x170 ss:$0x1], $0xffff  }
0x1ee: {  	v31 =	vadd.s32 s14, v10;
	v21 =	vmul.f32 v59, v24;
	[tilespmem:v1+s31+$0x170 ss:$0x1] =	vst.idx.msk $0xffff, v18  }
0x1ef: {  	v18 =	vunpack.i.u.bf16.f32 v23;
	v32 =	vld.idx.msk [tilespmem:v0+s3+$0x170 ss:$0x1], $0xffff  }
0x1f0: {  	v33 =	vadd.s32 s1, v10;
	[tilespmem:v1+s26+$0x170 ss:$0x1] =	vst.idx.msk $0xffff, v21;
	v18 =	vmul.f32 v61, v18  }
0x1f1: {  	v19 =	vunpack.i.u.bf16.f32 v19;
	v34 =	vld.idx.msk [tilespmem:v63+s5+$0x0], $0xffff  }
0x1f2: {  	v35 =	vld.idx.msk [tilespmem:v0+s25+$0x180 ss:$0x1], $0xffff;
	[tilespmem:v1+s30+$0x170 ss:$0x1] =	vst.idx.msk $0xffff, v18;
	v18 =	vmul.f32 v30, v19;
	v19 =	vadd.s32 s15, v10  }
0x1f3: {  	v20 =	vunpack.i.u.bf16.f32 v20;
	v24 =	vld.idx.msk [tilespmem:v31+s5+$0x0], $0xffff  }
0x1f4: {  	v36 =	vld.idx.msk [tilespmem:v0+s28+$0x180 ss:$0x1], $0xffff;
	[tilespmem:v1+s0+$0x170 ss:$0x1] =	vst.idx.msk $0xffff, v18;
	v18 =	vmul.f32 v32, v20  }
0x1f5: {  	v37 =	vld.idx.msk [tilespmem:v33+s5+$0x0], $0xffff  }
0x1f6: {  	v39 =	vld.idx.msk [tilespmem:v0+s29+$0x180 ss:$0x1], $0xffff;
	v38 =	vunpack.i.l.bf16.f32 v34;
	[tilespmem:v1+s3+$0x170 ss:$0x1] =	vst.idx.msk $0xffff, v18  }
0x1f7: {  	v18 =	vmul.f32 v35, v38;
	v19 =	vld.idx.msk [tilespmem:v19+s5+$0x0], $0xffff  }
0x1f8: {  	v41 =	vld.idx.msk [tilespmem:v0+s31+$0x180 ss:$0x1], $0xffff;
	v40 =	vunpack.i.l.bf16.f32 v24  }
0x1f9: {  	[tilespmem:v1+s25+$0x180 ss:$0x1] =	vst.idx.msk $0xffff, v18;
	v18 =	vmul.f32 v36, v40  }
0x1fa: {  	v42 =	vld.idx.msk [tilespmem:v0+s26+$0x180 ss:$0x1], $0xffff;
	v43 =	vunpack.i.l.bf16.f32 v37  }
0x1fb: {  	[tilespmem:v1+s28+$0x180 ss:$0x1] =	vst.idx.msk $0xffff, v18;
	v18 =	vmul.f32 v39, v43  }
0x1fc: {  	v44 =	vld.idx.msk [tilespmem:v0+s30+$0x180 ss:$0x1], $0xffff;
	v45 =	vunpack.i.l.bf16.f32 v19  }
0x1fd: {  	v46 =	vadd.s32 s6, v11;
	[tilespmem:v1+s29+$0x180 ss:$0x1] =	vst.idx.msk $0xffff, v18;
	v18 =	vmul.f32 v41, v45  }
0x1fe: {  	v22 =	vunpack.i.u.bf16.f32 v34;
	v47 =	vld.idx.msk [tilespmem:v0+s0+$0x180 ss:$0x1], $0xffff  }
0x1ff: {  	v48 =	vadd.s32 s14, v11;
	v21 =	vmul.f32 v42, v22;
	[tilespmem:v1+s31+$0x180 ss:$0x1] =	vst.idx.msk $0xffff, v18  }
0x200: {  	v18 =	vunpack.i.u.bf16.f32 v24;
	v49 =	vld.idx.msk [tilespmem:v0+s3+$0x180 ss:$0x1], $0xffff  }
0x201: {  	v50 =	vadd.s32 s1, v11;
	[tilespmem:v1+s26+$0x180 ss:$0x1] =	vst.idx.msk $0xffff, v21;
	v18 =	vmul.f32 v44, v18  }
0x202: {  	v20 =	vunpack.i.u.bf16.f32 v37;
	v51 =	vld.idx.msk [tilespmem:v46+s5+$0x0], $0xffff  }
0x203: {  	v53 =	vadd.s32 s15, v11;
	v52 =	vld.idx.msk [tilespmem:v0+s25+$0x190 ss:$0x1], $0xffff;
	[tilespmem:v1+s30+$0x180 ss:$0x1] =	vst.idx.msk $0xffff, v18;
	v18 =	vmul.f32 v47, v20  }
0x204: {  	v19 =	vunpack.i.u.bf16.f32 v19;
	v22 =	vld.idx.msk [tilespmem:v48+s5+$0x0], $0xffff  }
0x205: {  	v54 =	vld.idx.msk [tilespmem:v0+s28+$0x190 ss:$0x1], $0xffff;
	[tilespmem:v1+s0+$0x180 ss:$0x1] =	vst.idx.msk $0xffff, v18;
	v18 =	vmul.f32 v49, v19  }
0x206: {  	v19 =	vld.idx.msk [tilespmem:v50+s5+$0x0], $0xffff  }
0x207: {  	v56 =	vld.idx.msk [tilespmem:v0+s29+$0x190 ss:$0x1], $0xffff;
	v55 =	vunpack.i.l.bf16.f32 v51;
	[tilespmem:v1+s3+$0x180 ss:$0x1] =	vst.idx.msk $0xffff, v18  }
0x208: {  	v18 =	vmul.f32 v52, v55;
	v20 =	vld.idx.msk [tilespmem:v53+s5+$0x0], $0xffff  }
0x209: {  	v58 =	vld.idx.msk [tilespmem:v0+s31+$0x190 ss:$0x1], $0xffff;
	v57 =	vunpack.i.l.bf16.f32 v22  }
0x20a: {  	[tilespmem:v1+s25+$0x190 ss:$0x1] =	vst.idx.msk $0xffff, v18;
	v18 =	vmul.f32 v54, v57  }
0x20b: {  	v59 =	vld.idx.msk [tilespmem:v0+s26+$0x190 ss:$0x1], $0xffff;
	v60 =	vunpack.i.l.bf16.f32 v19  }
0x20c: {  	[tilespmem:v1+s28+$0x190 ss:$0x1] =	vst.idx.msk $0xffff, v18;
	v18 =	vmul.f32 v56, v60  }
0x20d: {  	v61 =	vld.idx.msk [tilespmem:v0+s30+$0x190 ss:$0x1], $0xffff;
	v62 =	vunpack.i.l.bf16.f32 v20  }
0x20e: {  	v63 =	vadd.s32 s6, v12;
	[tilespmem:v1+s29+$0x190 ss:$0x1] =	vst.idx.msk $0xffff, v18;
	v18 =	vmul.f32 v58, v62  }
0x20f: {  	v23 =	vunpack.i.u.bf16.f32 v51;
	v30 =	vld.idx.msk [tilespmem:v0+s0+$0x190 ss:$0x1], $0xffff  }
0x210: {  	v31 =	vadd.s32 s14, v12;
	v21 =	vmul.f32 v59, v23;
	[tilespmem:v1+s31+$0x190 ss:$0x1] =	vst.idx.msk $0xffff, v18  }
0x211: {  	v18 =	vunpack.i.u.bf16.f32 v22;
	v32 =	vld.idx.msk [tilespmem:v0+s3+$0x190 ss:$0x1], $0xffff  }
0x212: {  	v33 =	vadd.s32 s1, v12;
	[tilespmem:v1+s26+$0x190 ss:$0x1] =	vst.idx.msk $0xffff, v21;
	v18 =	vmul.f32 v61, v18  }
0x213: {  	v19 =	vunpack.i.u.bf16.f32 v19;
	v34 =	vld.idx.msk [tilespmem:v63+s5+$0x0], $0xffff  }
0x214: {  	v35 =	vld.idx.msk [tilespmem:v0+s25+$0x1A0 ss:$0x1], $0xffff;
	[tilespmem:v1+s30+$0x190 ss:$0x1] =	vst.idx.msk $0xffff, v18;
	v18 =	vmul.f32 v30, v19;
	v19 =	vadd.s32 s15, v12  }
0x215: {  	v20 =	vunpack.i.u.bf16.f32 v20;
	v23 =	vld.idx.msk [tilespmem:v31+s5+$0x0], $0xffff  }
0x216: {  	v36 =	vld.idx.msk [tilespmem:v0+s28+$0x1A0 ss:$0x1], $0xffff;
	[tilespmem:v1+s0+$0x190 ss:$0x1] =	vst.idx.msk $0xffff, v18;
	v18 =	vmul.f32 v32, v20  }
0x217: {  	v37 =	vld.idx.msk [tilespmem:v33+s5+$0x0], $0xffff  }
0x218: {  	v39 =	vld.idx.msk [tilespmem:v0+s29+$0x1A0 ss:$0x1], $0xffff;
	v38 =	vunpack.i.l.bf16.f32 v34;
	[tilespmem:v1+s3+$0x190 ss:$0x1] =	vst.idx.msk $0xffff, v18  }
0x219: {  	v18 =	vmul.f32 v35, v38;
	v19 =	vld.idx.msk [tilespmem:v19+s5+$0x0], $0xffff  }
0x21a: {  	v41 =	vld.idx.msk [tilespmem:v0+s31+$0x1A0 ss:$0x1], $0xffff;
	v40 =	vunpack.i.l.bf16.f32 v23  }
0x21b: {  	[tilespmem:v1+s25+$0x1A0 ss:$0x1] =	vst.idx.msk $0xffff, v18;
	v18 =	vmul.f32 v36, v40  }
0x21c: {  	v42 =	vld.idx.msk [tilespmem:v0+s26+$0x1A0 ss:$0x1], $0xffff;
	v43 =	vunpack.i.l.bf16.f32 v37  }
0x21d: {  	[tilespmem:v1+s28+$0x1A0 ss:$0x1] =	vst.idx.msk $0xffff, v18;
	v18 =	vmul.f32 v39, v43  }
0x21e: {  	v44 =	vld.idx.msk [tilespmem:v0+s30+$0x1A0 ss:$0x1], $0xffff;
	v45 =	vunpack.i.l.bf16.f32 v19  }
0x21f: {  	v46 =	vadd.s32 s6, v13;
	[tilespmem:v1+s29+$0x1A0 ss:$0x1] =	vst.idx.msk $0xffff, v18;
	v18 =	vmul.f32 v41, v45  }
0x220: {  	v24 =	vunpack.i.u.bf16.f32 v34;
	v47 =	vld.idx.msk [tilespmem:v0+s0+$0x1A0 ss:$0x1], $0xffff  }
0x221: {  	v48 =	vadd.s32 s14, v13;
	v21 =	vmul.f32 v42, v24;
	[tilespmem:v1+s31+$0x1A0 ss:$0x1] =	vst.idx.msk $0xffff, v18  }
0x222: {  	v18 =	vunpack.i.u.bf16.f32 v23;
	v49 =	vld.idx.msk [tilespmem:v0+s3+$0x1A0 ss:$0x1], $0xffff  }
0x223: {  	v50 =	vadd.s32 s1, v13;
	[tilespmem:v1+s26+$0x1A0 ss:$0x1] =	vst.idx.msk $0xffff, v21;
	v18 =	vmul.f32 v44, v18  }
0x224: {  	v20 =	vunpack.i.u.bf16.f32 v37;
	v51 =	vld.idx.msk [tilespmem:v46+s5+$0x0], $0xffff  }
0x225: {  	v53 =	vadd.s32 s15, v13;
	v52 =	vld.idx.msk [tilespmem:v0+s25+$0x1B0 ss:$0x1], $0xffff;
	[tilespmem:v1+s30+$0x1A0 ss:$0x1] =	vst.idx.msk $0xffff, v18;
	v18 =	vmul.f32 v47, v20  }
0x226: {  	v19 =	vunpack.i.u.bf16.f32 v19;
	v24 =	vld.idx.msk [tilespmem:v48+s5+$0x0], $0xffff  }
0x227: {  	v54 =	vld.idx.msk [tilespmem:v0+s28+$0x1B0 ss:$0x1], $0xffff;
	[tilespmem:v1+s0+$0x1A0 ss:$0x1] =	vst.idx.msk $0xffff, v18;
	v18 =	vmul.f32 v49, v19  }
0x228: {  	v19 =	vld.idx.msk [tilespmem:v50+s5+$0x0], $0xffff  }
0x229: {  	v56 =	vld.idx.msk [tilespmem:v0+s29+$0x1B0 ss:$0x1], $0xffff;
	v55 =	vunpack.i.l.bf16.f32 v51;
	[tilespmem:v1+s3+$0x1A0 ss:$0x1] =	vst.idx.msk $0xffff, v18  }
0x22a: {  	v18 =	vmul.f32 v52, v55;
	v20 =	vld.idx.msk [tilespmem:v53+s5+$0x0], $0xffff  }
0x22b: {  	v58 =	vld.idx.msk [tilespmem:v0+s31+$0x1B0 ss:$0x1], $0xffff;
	v57 =	vunpack.i.l.bf16.f32 v24  }
0x22c: {  	[tilespmem:v1+s25+$0x1B0 ss:$0x1] =	vst.idx.msk $0xffff, v18;
	v18 =	vmul.f32 v54, v57  }
0x22d: {  	v59 =	vld.idx.msk [tilespmem:v0+s26+$0x1B0 ss:$0x1], $0xffff;
	v60 =	vunpack.i.l.bf16.f32 v19  }
0x22e: {  	[tilespmem:v1+s28+$0x1B0 ss:$0x1] =	vst.idx.msk $0xffff, v18;
	v18 =	vmul.f32 v56, v60  }
0x22f: {  	v61 =	vld.idx.msk [tilespmem:v0+s30+$0x1B0 ss:$0x1], $0xffff;
	v62 =	vunpack.i.l.bf16.f32 v20  }
0x230: {  	v63 =	vadd.s32 s6, v14;
	[tilespmem:v1+s29+$0x1B0 ss:$0x1] =	vst.idx.msk $0xffff, v18;
	v18 =	vmul.f32 v58, v62  }
0x231: {  	v22 =	vunpack.i.u.bf16.f32 v51;
	v30 =	vld.idx.msk [tilespmem:v0+s0+$0x1B0 ss:$0x1], $0xffff  }
0x232: {  	v31 =	vadd.s32 s14, v14;
	v21 =	vmul.f32 v59, v22;
	[tilespmem:v1+s31+$0x1B0 ss:$0x1] =	vst.idx.msk $0xffff, v18  }
0x233: {  	v18 =	vunpack.i.u.bf16.f32 v24;
	v32 =	vld.idx.msk [tilespmem:v0+s3+$0x1B0 ss:$0x1], $0xffff  }
0x234: {  	v33 =	vadd.s32 s1, v14;
	[tilespmem:v1+s26+$0x1B0 ss:$0x1] =	vst.idx.msk $0xffff, v21;
	v18 =	vmul.f32 v61, v18  }
0x235: {  	v19 =	vunpack.i.u.bf16.f32 v19;
	v34 =	vld.idx.msk [tilespmem:v63+s5+$0x0], $0xffff  }
0x236: {  	v35 =	vld.idx.msk [tilespmem:v0+s25+$0x1C0 ss:$0x1], $0xffff;
	[tilespmem:v1+s30+$0x1B0 ss:$0x1] =	vst.idx.msk $0xffff, v18;
	v18 =	vmul.f32 v30, v19;
	v19 =	vadd.s32 s15, v14  }
0x237: {  	v20 =	vunpack.i.u.bf16.f32 v20;
	v22 =	vld.idx.msk [tilespmem:v31+s5+$0x0], $0xffff  }
0x238: {  	v36 =	vld.idx.msk [tilespmem:v0+s28+$0x1C0 ss:$0x1], $0xffff;
	[tilespmem:v1+s0+$0x1B0 ss:$0x1] =	vst.idx.msk $0xffff, v18;
	v18 =	vmul.f32 v32, v20  }
0x239: {  	v37 =	vld.idx.msk [tilespmem:v33+s5+$0x0], $0xffff  }
0x23a: {  	v39 =	vld.idx.msk [tilespmem:v0+s29+$0x1C0 ss:$0x1], $0xffff;
	v38 =	vunpack.i.l.bf16.f32 v34;
	[tilespmem:v1+s3+$0x1B0 ss:$0x1] =	vst.idx.msk $0xffff, v18  }
0x23b: {  	v18 =	vmul.f32 v35, v38;
	v19 =	vld.idx.msk [tilespmem:v19+s5+$0x0], $0xffff  }
0x23c: {  	v41 =	vld.idx.msk [tilespmem:v0+s31+$0x1C0 ss:$0x1], $0xffff;
	v40 =	vunpack.i.l.bf16.f32 v22  }
0x23d: {  	[tilespmem:v1+s25+$0x1C0 ss:$0x1] =	vst.idx.msk $0xffff, v18;
	v18 =	vmul.f32 v36, v40  }
0x23e: {  	v42 =	vld.idx.msk [tilespmem:v0+s26+$0x1C0 ss:$0x1], $0xffff;
	v43 =	vunpack.i.l.bf16.f32 v37  }
0x23f: {  	[tilespmem:v1+s28+$0x1C0 ss:$0x1] =	vst.idx.msk $0xffff, v18;
	v18 =	vmul.f32 v39, v43  }
0x240: {  	v44 =	vld.idx.msk [tilespmem:v0+s30+$0x1C0 ss:$0x1], $0xffff;
	v45 =	vunpack.i.l.bf16.f32 v19  }
0x241: {  	v46 =	vadd.s32 s6, v15;
	[tilespmem:v1+s29+$0x1C0 ss:$0x1] =	vst.idx.msk $0xffff, v18;
	v18 =	vmul.f32 v41, v45  }
0x242: {  	v23 =	vunpack.i.u.bf16.f32 v34;
	v47 =	vld.idx.msk [tilespmem:v0+s0+$0x1C0 ss:$0x1], $0xffff  }
0x243: {  	v48 =	vadd.s32 s14, v15;
	v21 =	vmul.f32 v42, v23;
	[tilespmem:v1+s31+$0x1C0 ss:$0x1] =	vst.idx.msk $0xffff, v18  }
0x244: {  	v18 =	vunpack.i.u.bf16.f32 v22;
	v49 =	vld.idx.msk [tilespmem:v0+s3+$0x1C0 ss:$0x1], $0xffff  }
0x245: {  	v50 =	vadd.s32 s1, v15;
	[tilespmem:v1+s26+$0x1C0 ss:$0x1] =	vst.idx.msk $0xffff, v21;
	v18 =	vmul.f32 v44, v18  }
0x246: {  	v20 =	vunpack.i.u.bf16.f32 v37;
	v51 =	vld.idx.msk [tilespmem:v46+s5+$0x0], $0xffff  }
0x247: {  	v53 =	vadd.s32 s15, v15;
	v52 =	vld.idx.msk [tilespmem:v0+s25+$0x1D0 ss:$0x1], $0xffff;
	[tilespmem:v1+s30+$0x1C0 ss:$0x1] =	vst.idx.msk $0xffff, v18;
	v18 =	vmul.f32 v47, v20  }
0x248: {  	v19 =	vunpack.i.u.bf16.f32 v19;
	v23 =	vld.idx.msk [tilespmem:v48+s5+$0x0], $0xffff  }
0x249: {  	v54 =	vld.idx.msk [tilespmem:v0+s28+$0x1D0 ss:$0x1], $0xffff;
	[tilespmem:v1+s0+$0x1C0 ss:$0x1] =	vst.idx.msk $0xffff, v18;
	v18 =	vmul.f32 v49, v19  }
0x24a: {  	v19 =	vld.idx.msk [tilespmem:v50+s5+$0x0], $0xffff  }
0x24b: {  	v56 =	vld.idx.msk [tilespmem:v0+s29+$0x1D0 ss:$0x1], $0xffff;
	v55 =	vunpack.i.l.bf16.f32 v51;
	[tilespmem:v1+s3+$0x1C0 ss:$0x1] =	vst.idx.msk $0xffff, v18  }
0x24c: {  	v18 =	vmul.f32 v52, v55;
	v20 =	vld.idx.msk [tilespmem:v53+s5+$0x0], $0xffff  }
0x24d: {  	v58 =	vld.idx.msk [tilespmem:v0+s31+$0x1D0 ss:$0x1], $0xffff;
	v57 =	vunpack.i.l.bf16.f32 v23  }
0x24e: {  	[tilespmem:v1+s25+$0x1D0 ss:$0x1] =	vst.idx.msk $0xffff, v18;
	v18 =	vmul.f32 v54, v57  }
0x24f: {  	v59 =	vld.idx.msk [tilespmem:v0+s26+$0x1D0 ss:$0x1], $0xffff;
	v60 =	vunpack.i.l.bf16.f32 v19  }
0x250: {  	[tilespmem:v1+s28+$0x1D0 ss:$0x1] =	vst.idx.msk $0xffff, v18;
	v18 =	vmul.f32 v56, v60  }
0x251: {  	v61 =	vld.idx.msk [tilespmem:v0+s30+$0x1D0 ss:$0x1], $0xffff;
	v62 =	vunpack.i.l.bf16.f32 v20  }
0x252: {  	v63 =	vadd.s32 s6, v16;
	[tilespmem:v1+s29+$0x1D0 ss:$0x1] =	vst.idx.msk $0xffff, v18;
	v18 =	vmul.f32 v58, v62  }
0x253: {  	v24 =	vunpack.i.u.bf16.f32 v51;
	v30 =	vld.idx.msk [tilespmem:v0+s0+$0x1D0 ss:$0x1], $0xffff  }
0x254: {  	v31 =	vadd.s32 s14, v16;
	v21 =	vmul.f32 v59, v24;
	[tilespmem:v1+s31+$0x1D0 ss:$0x1] =	vst.idx.msk $0xffff, v18  }
0x255: {  	v18 =	vunpack.i.u.bf16.f32 v23;
	v32 =	vld.idx.msk [tilespmem:v0+s3+$0x1D0 ss:$0x1], $0xffff  }
0x256: {  	v33 =	vadd.s32 s1, v16;
	[tilespmem:v1+s26+$0x1D0 ss:$0x1] =	vst.idx.msk $0xffff, v21;
	v18 =	vmul.f32 v61, v18  }
0x257: {  	v19 =	vunpack.i.u.bf16.f32 v19;
	v34 =	vld.idx.msk [tilespmem:v63+s5+$0x0], $0xffff  }
0x258: {  	v35 =	vld.idx.msk [tilespmem:v0+s25+$0x1E0 ss:$0x1], $0xffff;
	[tilespmem:v1+s30+$0x1D0 ss:$0x1] =	vst.idx.msk $0xffff, v18;
	v18 =	vmul.f32 v30, v19;
	v19 =	vadd.s32 s15, v16  }
0x259: {  	v20 =	vunpack.i.u.bf16.f32 v20;
	v24 =	vld.idx.msk [tilespmem:v31+s5+$0x0], $0xffff  }
0x25a: {  	v36 =	vld.idx.msk [tilespmem:v0+s28+$0x1E0 ss:$0x1], $0xffff;
	[tilespmem:v1+s0+$0x1D0 ss:$0x1] =	vst.idx.msk $0xffff, v18;
	v18 =	vmul.f32 v32, v20  }
0x25b: {  	v37 =	vld.idx.msk [tilespmem:v33+s5+$0x0], $0xffff  }
0x25c: {  	v39 =	vld.idx.msk [tilespmem:v0+s29+$0x1E0 ss:$0x1], $0xffff;
	v38 =	vunpack.i.l.bf16.f32 v34;
	[tilespmem:v1+s3+$0x1D0 ss:$0x1] =	vst.idx.msk $0xffff, v18  }
0x25d: {  	v18 =	vmul.f32 v35, v38;
	v19 =	vld.idx.msk [tilespmem:v19+s5+$0x0], $0xffff  }
0x25e: {  	v41 =	vld.idx.msk [tilespmem:v0+s31+$0x1E0 ss:$0x1], $0xffff;
	v40 =	vunpack.i.l.bf16.f32 v24  }
0x25f: {  	[tilespmem:v1+s25+$0x1E0 ss:$0x1] =	vst.idx.msk $0xffff, v18;
	v18 =	vmul.f32 v36, v40  }
0x260: {  	v42 =	vld.idx.msk [tilespmem:v0+s26+$0x1E0 ss:$0x1], $0xffff;
	v43 =	vunpack.i.l.bf16.f32 v37  }
0x261: {  	[tilespmem:v1+s28+$0x1E0 ss:$0x1] =	vst.idx.msk $0xffff, v18;
	v18 =	vmul.f32 v39, v43  }
0x262: {  	v44 =	vld.idx.msk [tilespmem:v0+s30+$0x1E0 ss:$0x1], $0xffff;
	v45 =	vunpack.i.l.bf16.f32 v19  }
0x263: {  	v46 =	vadd.s32 s6, v17;
	[tilespmem:v1+s29+$0x1E0 ss:$0x1] =	vst.idx.msk $0xffff, v18;
	v18 =	vmul.f32 v41, v45  }
0x264: {  	v22 =	vunpack.i.u.bf16.f32 v34;
	v47 =	vld.idx.msk [tilespmem:v0+s0+$0x1E0 ss:$0x1], $0xffff  }
0x265: {  	v48 =	vadd.s32 s14, v17;
	v21 =	vmul.f32 v42, v22;
	[tilespmem:v1+s31+$0x1E0 ss:$0x1] =	vst.idx.msk $0xffff, v18  }
0x266: {  	v18 =	vunpack.i.u.bf16.f32 v24;
	v49 =	vld.idx.msk [tilespmem:v0+s3+$0x1E0 ss:$0x1], $0xffff  }
0x267: {  	v50 =	vadd.s32 s1, v17;
	[tilespmem:v1+s26+$0x1E0 ss:$0x1] =	vst.idx.msk $0xffff, v21;
	v18 =	vmul.f32 v44, v18  }
0x268: {  	v20 =	vunpack.i.u.bf16.f32 v37;
	v21 =	vld.idx.msk [tilespmem:v46+s5+$0x0], $0xffff  }
0x269: {  	v51 =	vadd.s32 s15, v17;
	[tilespmem:v1+s30+$0x1E0 ss:$0x1] =	vst.idx.msk $0xffff, v18;
	v18 =	vld.idx.msk [tilespmem:v0+s25+$0x1F0 ss:$0x1], $0xffff;
	v20 =	vmul.f32 v47, v20  }
0x26a: {  	v19 =	vunpack.i.u.bf16.f32 v19;
	v52 =	vld.idx.msk [tilespmem:v48+s5+$0x0], $0xffff  }
0x26b: {  	v53 =	vld.idx.msk [tilespmem:v0+s28+$0x1F0 ss:$0x1], $0xffff;
	[tilespmem:v1+s0+$0x1E0 ss:$0x1] =	vst.idx.msk $0xffff, v20;
	v19 =	vmul.f32 v49, v19  }
0x26c: {  	v20 =	vld.idx.msk [tilespmem:v50+s5+$0x0], $0xffff  }
0x26d: {  	v54 =	vld.idx.msk [tilespmem:v0+s29+$0x1F0 ss:$0x1], $0xffff;
	[tilespmem:v1+s3+$0x1E0 ss:$0x1] =	vst.idx.msk $0xffff, v19  }
0x26e: {  	v19 =	vld.idx.msk [tilespmem:v51+s5+$0x0], $0xffff  }
0x26f: {  	v55 =	vld.idx.msk [tilespmem:v0+s31+$0x1F0 ss:$0x1], $0xffff  }
0x270: {  	v56 =	vunpack.i.l.bf16.f32 v21  }
0x271: {  	v18 =	vmul.f32 v18, v56;
	v57 =	vunpack.i.l.bf16.f32 v52  }
0x272: {  	v24 =	vmul.f32 v53, v57;
	v58 =	vunpack.i.l.bf16.f32 v20  }
0x273: {  	[tilespmem:v1+s25+$0x1F0 ss:$0x1] =	vst.idx.msk $0xffff, v18;
	v18 =	vmul.f32 v54, v58;
	v59 =	vunpack.i.l.bf16.f32 v19  }
0x274: {  	v60 =	vld.idx.msk [tilespmem:v0+s26+$0x1F0 ss:$0x1], $0xffff;
	[tilespmem:v1+s28+$0x1F0 ss:$0x1] =	vst.idx.msk $0xffff, v24;
	v22 =	vmul.f32 v55, v59  }
0x275: {  	[tilespmem:v1+s29+$0x1F0 ss:$0x1] =	vst.idx.msk $0xffff, v18;
	v18 =	vld.idx.msk [tilespmem:v0+s30+$0x1F0 ss:$0x1], $0xffff  }
0x276: {  	v61 =	vld.idx.msk [tilespmem:v0+s0+$0x1F0 ss:$0x1], $0xffff;
	[tilespmem:v1+s31+$0x1F0 ss:$0x1] =	vst.idx.msk $0xffff, v22  }
0x277: {  	v62 =	vld.idx.msk [tilespmem:v0+s3+$0x1F0 ss:$0x1], $0xffff  }
0x278: {  	v21 =	vunpack.i.u.bf16.f32 v21  }
0x279: {  	p2 =	por p1, p1;
	v63 =	vunpack.i.u.bf16.f32 v52;
	v21 =	vmul.f32 v60, v21  }
.Ltmp1:
0x27a: {  	v20 =	vunpack.i.u.bf16.f32 v20;
	v18 =	vmul.f32 v18, v63;
	(pc) =	sbr.rel @p2 .LBB2_7-.Ltmp1, $4  }
0x27b: {  	v19 =	vunpack.i.u.bf16.f32 v19;
	[tilespmem:v1+s26+$0x1F0 ss:$0x1] =	vst.idx.msk $0xffff, v21;
	v20 =	vmul.f32 v61, v20  }
0x27c: {  	[tilespmem:v1+s30+$0x1F0 ss:$0x1] =	vst.idx.msk $0xffff, v18;
	v18 =	vmul.f32 v62, v19  }
0x27d: {  	[tilespmem:v1+s0+$0x1F0 ss:$0x1] =	vst.idx.msk $0xffff, v20  }
0x27e: {  	p1 =	por $0x0, $0x0;
	s0 =	simm.s32 $0x4;
	[tilespmem:v1+s3+$0x1F0 ss:$0x1] =	vst.idx.msk $0xffff, v18  }
0x27f: {  	v2 =	vld [tilespmem:s24+$0x8200]  }
0x280: {  	v3 =	vld [tilespmem:s24+$0x8210]  }
0x281: {  	v4 =	vld [tilespmem:s24+$0x8220]  }
0x282: {  	v5 =	vld [tilespmem:s24+$0x8230]  }
0x283: {  	v6 =	vld [tilespmem:s24+$0x8240]  }
0x284: {  	v7 =	vld [tilespmem:s24+$0x8250]  }
0x285: {  	v8 =	vld [tilespmem:s24+$0x8260]  }
0x286: {  	v9 =	vld [tilespmem:s24+$0x8270]  }
0x287: {  	v10 =	vld [tilespmem:s24+$0x8280]  }
0x288: {  	v11 =	vld [tilespmem:s24+$0x8290]  }
0x289: {  	v12 =	vld [tilespmem:s24+$0x82A0]  }
0x28a: {  	v13 =	vld [tilespmem:s24+$0x82B0]  }
0x28b: {  	v14 =	vld [tilespmem:s24+$0x82C0]  }
0x28c: {  	v15 =	vld [tilespmem:s24+$0x82D0]  }
0x28d: {  	v16 =	vld [tilespmem:s24+$0x82E0]  }
0x28e: {  	v17 =	vld [tilespmem:s24+$0x82F0];
	s0 =	simm.s32 $0x0;
	p1 =	por $0x1, $0x1  }
.LBB2_9:
0x28f: {  	s1 =	sor.u32 s20, s0  }
0x290: {  	s3 =	sor.u32 $0x1, s0;
	s6 =	sshll.u32 s1, $0xA  }
0x291: {  	s30 =	sor.u32 s20, s3;
	v18 =	vadd.s32 s6, v2  }
0x292: {  	s26 =	sor.u32 $0x2, s0;
	s14 =	sshll.u32 s30, $0xA  }
0x293: {  	s31 =	sor.u32 s20, s26;
	v19 =	vadd.s32 s14, v2  }
0x294: {  	s1 =	sshll.u32 s31, $0xA;
	s30 =	sor.u32 $0x3, s0  }
0x295: {  	v20 =	vadd.s32 s1, v2;
	s15 =	sor.u32 s20, s30  }
0x296: {  	s25 =	sshll.u32 s0, $0xB;
	s15 =	sshll.u32 s15, $0xA;
	v18 =	vld.idx.msk [tilespmem:v18+s5+$0x0], $0xffff  }
0x297: {  	v21 =	vld.idx.msk [tilespmem:v0+s25+$0x200 ss:$0x1], $0xffff;
	v22 =	vadd.s32 s15, v2  }
0x298: {  	s28 =	sshll.u32 s3, $0xB;
	v19 =	vld.idx.msk [tilespmem:v19+s5+$0x0], $0xffff  }
0x299: {  	v23 =	vld.idx.msk [tilespmem:v0+s28+$0x200 ss:$0x1], $0xffff  }
0x29a: {  	s29 =	sshll.u32 s26, $0xB;
	v20 =	vld.idx.msk [tilespmem:v20+s5+$0x0], $0xffff  }
0x29b: {  	v25 =	vld.idx.msk [tilespmem:v0+s29+$0x200 ss:$0x1], $0xffff;
	v24 =	vunpack.i.l.bf16.f32 v18  }
0x29c: {  	s31 =	sshll.u32 s30, $0xB;
	v22 =	vld.idx.msk [tilespmem:v22+s5+$0x0], $0xffff;
	v21 =	vmul.f32 v21, v24  }
0x29d: {  	v26 =	vld.idx.msk [tilespmem:v0+s31+$0x200 ss:$0x1], $0xffff;
	v41 =	vunpack.i.l.bf16.f32 v19  }
0x29e: {  	s26 =	sor.u32 $0x400, s25;
	v42 =	vmul.f32 v23, v41;
	[tilespmem:v1+s25+$0x200 ss:$0x1] =	vst.idx.msk $0xffff, v21  }
0x29f: {  	v44 =	vunpack.i.l.bf16.f32 v20;
	v43 =	vld.idx.msk [tilespmem:v0+s26+$0x200 ss:$0x1], $0xffff  }
0x2a0: {  	s30 =	sor.u32 $0x400, s28;
	v45 =	vmul.f32 v25, v44;
	[tilespmem:v1+s28+$0x200 ss:$0x1] =	vst.idx.msk $0xffff, v42  }
0x2a1: {  	v47 =	vunpack.i.l.bf16.f32 v22;
	v46 =	vld.idx.msk [tilespmem:v0+s30+$0x200 ss:$0x1], $0xffff  }
0x2a2: {  	v27 =	vadd.s32 s6, v3;
	s0 =	sor.u32 $0x400, s29;
	[tilespmem:v1+s29+$0x200 ss:$0x1] =	vst.idx.msk $0xffff, v45;
	v48 =	vmul.f32 v26, v47  }
0x2a3: {  	v18 =	vunpack.i.u.bf16.f32 v18;
	v49 =	vld.idx.msk [tilespmem:v0+s0+$0x200 ss:$0x1], $0xffff  }
0x2a4: {  	v50 =	vadd.s32 s14, v3;
	s3 =	sor.u32 $0x400, s31;
	[tilespmem:v1+s31+$0x200 ss:$0x1] =	vst.idx.msk $0xffff, v48;
	v18 =	vmul.f32 v43, v18  }
0x2a5: {  	v19 =	vunpack.i.u.bf16.f32 v19;
	v21 =	vld.idx.msk [tilespmem:v0+s3+$0x200 ss:$0x1], $0xffff  }
0x2a6: {  	[tilespmem:v1+s26+$0x200 ss:$0x1] =	vst.idx.msk $0xffff, v18;
	v18 =	vmul.f32 v46, v19;
	v19 =	vadd.s32 s1, v3  }
0x2a7: {  	v20 =	vunpack.i.u.bf16.f32 v20;
	v51 =	vld.idx.msk [tilespmem:v27+s5+$0x0], $0xffff  }
0x2a8: {  	v53 =	vadd.s32 s15, v3;
	v52 =	vld.idx.msk [tilespmem:v0+s25+$0x210 ss:$0x1], $0xffff;
	[tilespmem:v1+s30+$0x200 ss:$0x1] =	vst.idx.msk $0xffff, v18;
	v18 =	vmul.f32 v49, v20  }
0x2a9: {  	v22 =	vunpack.i.u.bf16.f32 v22;
	v23 =	vld.idx.msk [tilespmem:v50+s5+$0x0], $0xffff  }
0x2aa: {  	v54 =	vld.idx.msk [tilespmem:v0+s28+$0x210 ss:$0x1], $0xffff;
	[tilespmem:v1+s0+$0x200 ss:$0x1] =	vst.idx.msk $0xffff, v18;
	v18 =	vmul.f32 v21, v22  }
0x2ab: {  	v19 =	vld.idx.msk [tilespmem:v19+s5+$0x0], $0xffff  }
0x2ac: {  	v56 =	vld.idx.msk [tilespmem:v0+s29+$0x210 ss:$0x1], $0xffff;
	v55 =	vunpack.i.l.bf16.f32 v51;
	[tilespmem:v1+s3+$0x200 ss:$0x1] =	vst.idx.msk $0xffff, v18  }
0x2ad: {  	v18 =	vmul.f32 v52, v55;
	v20 =	vld.idx.msk [tilespmem:v53+s5+$0x0], $0xffff  }
0x2ae: {  	v58 =	vld.idx.msk [tilespmem:v0+s31+$0x210 ss:$0x1], $0xffff;
	v57 =	vunpack.i.l.bf16.f32 v23  }
0x2af: {  	[tilespmem:v1+s25+$0x210 ss:$0x1] =	vst.idx.msk $0xffff, v18;
	v18 =	vmul.f32 v54, v57  }
0x2b0: {  	v59 =	vld.idx.msk [tilespmem:v0+s26+$0x210 ss:$0x1], $0xffff;
	v60 =	vunpack.i.l.bf16.f32 v19  }
0x2b1: {  	[tilespmem:v1+s28+$0x210 ss:$0x1] =	vst.idx.msk $0xffff, v18;
	v18 =	vmul.f32 v56, v60  }
0x2b2: {  	v61 =	vld.idx.msk [tilespmem:v0+s30+$0x210 ss:$0x1], $0xffff;
	v62 =	vunpack.i.l.bf16.f32 v20  }
0x2b3: {  	v63 =	vadd.s32 s6, v4;
	[tilespmem:v1+s29+$0x210 ss:$0x1] =	vst.idx.msk $0xffff, v18;
	v18 =	vmul.f32 v58, v62  }
0x2b4: {  	v24 =	vunpack.i.u.bf16.f32 v51;
	v30 =	vld.idx.msk [tilespmem:v0+s0+$0x210 ss:$0x1], $0xffff  }
0x2b5: {  	v31 =	vadd.s32 s14, v4;
	v21 =	vmul.f32 v59, v24;
	[tilespmem:v1+s31+$0x210 ss:$0x1] =	vst.idx.msk $0xffff, v18  }
0x2b6: {  	v18 =	vunpack.i.u.bf16.f32 v23;
	v32 =	vld.idx.msk [tilespmem:v0+s3+$0x210 ss:$0x1], $0xffff  }
0x2b7: {  	v33 =	vadd.s32 s1, v4;
	[tilespmem:v1+s26+$0x210 ss:$0x1] =	vst.idx.msk $0xffff, v21;
	v18 =	vmul.f32 v61, v18  }
0x2b8: {  	v19 =	vunpack.i.u.bf16.f32 v19;
	v34 =	vld.idx.msk [tilespmem:v63+s5+$0x0], $0xffff  }
0x2b9: {  	v35 =	vld.idx.msk [tilespmem:v0+s25+$0x220 ss:$0x1], $0xffff;
	[tilespmem:v1+s30+$0x210 ss:$0x1] =	vst.idx.msk $0xffff, v18;
	v18 =	vmul.f32 v30, v19;
	v19 =	vadd.s32 s15, v4  }
0x2ba: {  	v20 =	vunpack.i.u.bf16.f32 v20;
	v24 =	vld.idx.msk [tilespmem:v31+s5+$0x0], $0xffff  }
0x2bb: {  	v36 =	vld.idx.msk [tilespmem:v0+s28+$0x220 ss:$0x1], $0xffff;
	[tilespmem:v1+s0+$0x210 ss:$0x1] =	vst.idx.msk $0xffff, v18;
	v18 =	vmul.f32 v32, v20  }
0x2bc: {  	v37 =	vld.idx.msk [tilespmem:v33+s5+$0x0], $0xffff  }
0x2bd: {  	v39 =	vld.idx.msk [tilespmem:v0+s29+$0x220 ss:$0x1], $0xffff;
	v38 =	vunpack.i.l.bf16.f32 v34;
	[tilespmem:v1+s3+$0x210 ss:$0x1] =	vst.idx.msk $0xffff, v18  }
0x2be: {  	v18 =	vmul.f32 v35, v38;
	v19 =	vld.idx.msk [tilespmem:v19+s5+$0x0], $0xffff  }
0x2bf: {  	v41 =	vld.idx.msk [tilespmem:v0+s31+$0x220 ss:$0x1], $0xffff;
	v40 =	vunpack.i.l.bf16.f32 v24  }
0x2c0: {  	[tilespmem:v1+s25+$0x220 ss:$0x1] =	vst.idx.msk $0xffff, v18;
	v18 =	vmul.f32 v36, v40  }
0x2c1: {  	v42 =	vld.idx.msk [tilespmem:v0+s26+$0x220 ss:$0x1], $0xffff;
	v43 =	vunpack.i.l.bf16.f32 v37  }
0x2c2: {  	[tilespmem:v1+s28+$0x220 ss:$0x1] =	vst.idx.msk $0xffff, v18;
	v18 =	vmul.f32 v39, v43  }
0x2c3: {  	v44 =	vld.idx.msk [tilespmem:v0+s30+$0x220 ss:$0x1], $0xffff;
	v45 =	vunpack.i.l.bf16.f32 v19  }
0x2c4: {  	v46 =	vadd.s32 s6, v5;
	[tilespmem:v1+s29+$0x220 ss:$0x1] =	vst.idx.msk $0xffff, v18;
	v18 =	vmul.f32 v41, v45  }
0x2c5: {  	v22 =	vunpack.i.u.bf16.f32 v34;
	v47 =	vld.idx.msk [tilespmem:v0+s0+$0x220 ss:$0x1], $0xffff  }
0x2c6: {  	v48 =	vadd.s32 s14, v5;
	v21 =	vmul.f32 v42, v22;
	[tilespmem:v1+s31+$0x220 ss:$0x1] =	vst.idx.msk $0xffff, v18  }
0x2c7: {  	v18 =	vunpack.i.u.bf16.f32 v24;
	v49 =	vld.idx.msk [tilespmem:v0+s3+$0x220 ss:$0x1], $0xffff  }
0x2c8: {  	v50 =	vadd.s32 s1, v5;
	[tilespmem:v1+s26+$0x220 ss:$0x1] =	vst.idx.msk $0xffff, v21;
	v18 =	vmul.f32 v44, v18  }
0x2c9: {  	v20 =	vunpack.i.u.bf16.f32 v37;
	v51 =	vld.idx.msk [tilespmem:v46+s5+$0x0], $0xffff  }
0x2ca: {  	v53 =	vadd.s32 s15, v5;
	v52 =	vld.idx.msk [tilespmem:v0+s25+$0x230 ss:$0x1], $0xffff;
	[tilespmem:v1+s30+$0x220 ss:$0x1] =	vst.idx.msk $0xffff, v18;
	v18 =	vmul.f32 v47, v20  }
0x2cb: {  	v19 =	vunpack.i.u.bf16.f32 v19;
	v22 =	vld.idx.msk [tilespmem:v48+s5+$0x0], $0xffff  }
0x2cc: {  	v54 =	vld.idx.msk [tilespmem:v0+s28+$0x230 ss:$0x1], $0xffff;
	[tilespmem:v1+s0+$0x220 ss:$0x1] =	vst.idx.msk $0xffff, v18;
	v18 =	vmul.f32 v49, v19  }
0x2cd: {  	v19 =	vld.idx.msk [tilespmem:v50+s5+$0x0], $0xffff  }
0x2ce: {  	v56 =	vld.idx.msk [tilespmem:v0+s29+$0x230 ss:$0x1], $0xffff;
	v55 =	vunpack.i.l.bf16.f32 v51;
	[tilespmem:v1+s3+$0x220 ss:$0x1] =	vst.idx.msk $0xffff, v18  }
0x2cf: {  	v18 =	vmul.f32 v52, v55;
	v20 =	vld.idx.msk [tilespmem:v53+s5+$0x0], $0xffff  }
0x2d0: {  	v58 =	vld.idx.msk [tilespmem:v0+s31+$0x230 ss:$0x1], $0xffff;
	v57 =	vunpack.i.l.bf16.f32 v22  }
0x2d1: {  	[tilespmem:v1+s25+$0x230 ss:$0x1] =	vst.idx.msk $0xffff, v18;
	v18 =	vmul.f32 v54, v57  }
0x2d2: {  	v59 =	vld.idx.msk [tilespmem:v0+s26+$0x230 ss:$0x1], $0xffff;
	v60 =	vunpack.i.l.bf16.f32 v19  }
0x2d3: {  	[tilespmem:v1+s28+$0x230 ss:$0x1] =	vst.idx.msk $0xffff, v18;
	v18 =	vmul.f32 v56, v60  }
0x2d4: {  	v61 =	vld.idx.msk [tilespmem:v0+s30+$0x230 ss:$0x1], $0xffff;
	v62 =	vunpack.i.l.bf16.f32 v20  }
0x2d5: {  	v63 =	vadd.s32 s6, v6;
	[tilespmem:v1+s29+$0x230 ss:$0x1] =	vst.idx.msk $0xffff, v18;
	v18 =	vmul.f32 v58, v62  }
0x2d6: {  	v23 =	vunpack.i.u.bf16.f32 v51;
	v30 =	vld.idx.msk [tilespmem:v0+s0+$0x230 ss:$0x1], $0xffff  }
0x2d7: {  	v31 =	vadd.s32 s14, v6;
	v21 =	vmul.f32 v59, v23;
	[tilespmem:v1+s31+$0x230 ss:$0x1] =	vst.idx.msk $0xffff, v18  }
0x2d8: {  	v18 =	vunpack.i.u.bf16.f32 v22;
	v32 =	vld.idx.msk [tilespmem:v0+s3+$0x230 ss:$0x1], $0xffff  }
0x2d9: {  	v33 =	vadd.s32 s1, v6;
	[tilespmem:v1+s26+$0x230 ss:$0x1] =	vst.idx.msk $0xffff, v21;
	v18 =	vmul.f32 v61, v18  }
0x2da: {  	v19 =	vunpack.i.u.bf16.f32 v19;
	v34 =	vld.idx.msk [tilespmem:v63+s5+$0x0], $0xffff  }
0x2db: {  	v35 =	vld.idx.msk [tilespmem:v0+s25+$0x240 ss:$0x1], $0xffff;
	[tilespmem:v1+s30+$0x230 ss:$0x1] =	vst.idx.msk $0xffff, v18;
	v18 =	vmul.f32 v30, v19;
	v19 =	vadd.s32 s15, v6  }
0x2dc: {  	v20 =	vunpack.i.u.bf16.f32 v20;
	v23 =	vld.idx.msk [tilespmem:v31+s5+$0x0], $0xffff  }
0x2dd: {  	v36 =	vld.idx.msk [tilespmem:v0+s28+$0x240 ss:$0x1], $0xffff;
	[tilespmem:v1+s0+$0x230 ss:$0x1] =	vst.idx.msk $0xffff, v18;
	v18 =	vmul.f32 v32, v20  }
0x2de: {  	v37 =	vld.idx.msk [tilespmem:v33+s5+$0x0], $0xffff  }
0x2df: {  	v39 =	vld.idx.msk [tilespmem:v0+s29+$0x240 ss:$0x1], $0xffff;
	v38 =	vunpack.i.l.bf16.f32 v34;
	[tilespmem:v1+s3+$0x230 ss:$0x1] =	vst.idx.msk $0xffff, v18  }
0x2e0: {  	v18 =	vmul.f32 v35, v38;
	v19 =	vld.idx.msk [tilespmem:v19+s5+$0x0], $0xffff  }
0x2e1: {  	v41 =	vld.idx.msk [tilespmem:v0+s31+$0x240 ss:$0x1], $0xffff;
	v40 =	vunpack.i.l.bf16.f32 v23  }
0x2e2: {  	[tilespmem:v1+s25+$0x240 ss:$0x1] =	vst.idx.msk $0xffff, v18;
	v18 =	vmul.f32 v36, v40  }
0x2e3: {  	v42 =	vld.idx.msk [tilespmem:v0+s26+$0x240 ss:$0x1], $0xffff;
	v43 =	vunpack.i.l.bf16.f32 v37  }
0x2e4: {  	[tilespmem:v1+s28+$0x240 ss:$0x1] =	vst.idx.msk $0xffff, v18;
	v18 =	vmul.f32 v39, v43  }
0x2e5: {  	v44 =	vld.idx.msk [tilespmem:v0+s30+$0x240 ss:$0x1], $0xffff;
	v45 =	vunpack.i.l.bf16.f32 v19  }
0x2e6: {  	v46 =	vadd.s32 s6, v7;
	[tilespmem:v1+s29+$0x240 ss:$0x1] =	vst.idx.msk $0xffff, v18;
	v18 =	vmul.f32 v41, v45  }
0x2e7: {  	v24 =	vunpack.i.u.bf16.f32 v34;
	v47 =	vld.idx.msk [tilespmem:v0+s0+$0x240 ss:$0x1], $0xffff  }
0x2e8: {  	v48 =	vadd.s32 s14, v7;
	v21 =	vmul.f32 v42, v24;
	[tilespmem:v1+s31+$0x240 ss:$0x1] =	vst.idx.msk $0xffff, v18  }
0x2e9: {  	v18 =	vunpack.i.u.bf16.f32 v23;
	v49 =	vld.idx.msk [tilespmem:v0+s3+$0x240 ss:$0x1], $0xffff  }
0x2ea: {  	v50 =	vadd.s32 s1, v7;
	[tilespmem:v1+s26+$0x240 ss:$0x1] =	vst.idx.msk $0xffff, v21;
	v18 =	vmul.f32 v44, v18  }
0x2eb: {  	v20 =	vunpack.i.u.bf16.f32 v37;
	v51 =	vld.idx.msk [tilespmem:v46+s5+$0x0], $0xffff  }
0x2ec: {  	v53 =	vadd.s32 s15, v7;
	v52 =	vld.idx.msk [tilespmem:v0+s25+$0x250 ss:$0x1], $0xffff;
	[tilespmem:v1+s30+$0x240 ss:$0x1] =	vst.idx.msk $0xffff, v18;
	v18 =	vmul.f32 v47, v20  }
0x2ed: {  	v19 =	vunpack.i.u.bf16.f32 v19;
	v24 =	vld.idx.msk [tilespmem:v48+s5+$0x0], $0xffff  }
0x2ee: {  	v54 =	vld.idx.msk [tilespmem:v0+s28+$0x250 ss:$0x1], $0xffff;
	[tilespmem:v1+s0+$0x240 ss:$0x1] =	vst.idx.msk $0xffff, v18;
	v18 =	vmul.f32 v49, v19  }
0x2ef: {  	v19 =	vld.idx.msk [tilespmem:v50+s5+$0x0], $0xffff  }
0x2f0: {  	v56 =	vld.idx.msk [tilespmem:v0+s29+$0x250 ss:$0x1], $0xffff;
	v55 =	vunpack.i.l.bf16.f32 v51;
	[tilespmem:v1+s3+$0x240 ss:$0x1] =	vst.idx.msk $0xffff, v18  }
0x2f1: {  	v18 =	vmul.f32 v52, v55;
	v20 =	vld.idx.msk [tilespmem:v53+s5+$0x0], $0xffff  }
0x2f2: {  	v58 =	vld.idx.msk [tilespmem:v0+s31+$0x250 ss:$0x1], $0xffff;
	v57 =	vunpack.i.l.bf16.f32 v24  }
0x2f3: {  	[tilespmem:v1+s25+$0x250 ss:$0x1] =	vst.idx.msk $0xffff, v18;
	v18 =	vmul.f32 v54, v57  }
0x2f4: {  	v59 =	vld.idx.msk [tilespmem:v0+s26+$0x250 ss:$0x1], $0xffff;
	v60 =	vunpack.i.l.bf16.f32 v19  }
0x2f5: {  	[tilespmem:v1+s28+$0x250 ss:$0x1] =	vst.idx.msk $0xffff, v18;
	v18 =	vmul.f32 v56, v60  }
0x2f6: {  	v61 =	vld.idx.msk [tilespmem:v0+s30+$0x250 ss:$0x1], $0xffff;
	v62 =	vunpack.i.l.bf16.f32 v20  }
0x2f7: {  	v63 =	vadd.s32 s6, v8;
	[tilespmem:v1+s29+$0x250 ss:$0x1] =	vst.idx.msk $0xffff, v18;
	v18 =	vmul.f32 v58, v62  }
0x2f8: {  	v22 =	vunpack.i.u.bf16.f32 v51;
	v30 =	vld.idx.msk [tilespmem:v0+s0+$0x250 ss:$0x1], $0xffff  }
0x2f9: {  	v31 =	vadd.s32 s14, v8;
	v21 =	vmul.f32 v59, v22;
	[tilespmem:v1+s31+$0x250 ss:$0x1] =	vst.idx.msk $0xffff, v18  }
0x2fa: {  	v18 =	vunpack.i.u.bf16.f32 v24;
	v32 =	vld.idx.msk [tilespmem:v0+s3+$0x250 ss:$0x1], $0xffff  }
0x2fb: {  	v33 =	vadd.s32 s1, v8;
	[tilespmem:v1+s26+$0x250 ss:$0x1] =	vst.idx.msk $0xffff, v21;
	v18 =	vmul.f32 v61, v18  }
0x2fc: {  	v19 =	vunpack.i.u.bf16.f32 v19;
	v34 =	vld.idx.msk [tilespmem:v63+s5+$0x0], $0xffff  }
0x2fd: {  	v35 =	vld.idx.msk [tilespmem:v0+s25+$0x260 ss:$0x1], $0xffff;
	[tilespmem:v1+s30+$0x250 ss:$0x1] =	vst.idx.msk $0xffff, v18;
	v18 =	vmul.f32 v30, v19;
	v19 =	vadd.s32 s15, v8  }
0x2fe: {  	v20 =	vunpack.i.u.bf16.f32 v20;
	v22 =	vld.idx.msk [tilespmem:v31+s5+$0x0], $0xffff  }
0x2ff: {  	v36 =	vld.idx.msk [tilespmem:v0+s28+$0x260 ss:$0x1], $0xffff;
	[tilespmem:v1+s0+$0x250 ss:$0x1] =	vst.idx.msk $0xffff, v18;
	v18 =	vmul.f32 v32, v20  }
0x300: {  	v37 =	vld.idx.msk [tilespmem:v33+s5+$0x0], $0xffff  }
0x301: {  	v39 =	vld.idx.msk [tilespmem:v0+s29+$0x260 ss:$0x1], $0xffff;
	v38 =	vunpack.i.l.bf16.f32 v34;
	[tilespmem:v1+s3+$0x250 ss:$0x1] =	vst.idx.msk $0xffff, v18  }
0x302: {  	v18 =	vmul.f32 v35, v38;
	v19 =	vld.idx.msk [tilespmem:v19+s5+$0x0], $0xffff  }
0x303: {  	v41 =	vld.idx.msk [tilespmem:v0+s31+$0x260 ss:$0x1], $0xffff;
	v40 =	vunpack.i.l.bf16.f32 v22  }
0x304: {  	[tilespmem:v1+s25+$0x260 ss:$0x1] =	vst.idx.msk $0xffff, v18;
	v18 =	vmul.f32 v36, v40  }
0x305: {  	v42 =	vld.idx.msk [tilespmem:v0+s26+$0x260 ss:$0x1], $0xffff;
	v43 =	vunpack.i.l.bf16.f32 v37  }
0x306: {  	[tilespmem:v1+s28+$0x260 ss:$0x1] =	vst.idx.msk $0xffff, v18;
	v18 =	vmul.f32 v39, v43  }
0x307: {  	v44 =	vld.idx.msk [tilespmem:v0+s30+$0x260 ss:$0x1], $0xffff;
	v45 =	vunpack.i.l.bf16.f32 v19  }
0x308: {  	v46 =	vadd.s32 s6, v9;
	[tilespmem:v1+s29+$0x260 ss:$0x1] =	vst.idx.msk $0xffff, v18;
	v18 =	vmul.f32 v41, v45  }
0x309: {  	v23 =	vunpack.i.u.bf16.f32 v34;
	v47 =	vld.idx.msk [tilespmem:v0+s0+$0x260 ss:$0x1], $0xffff  }
0x30a: {  	v48 =	vadd.s32 s14, v9;
	v21 =	vmul.f32 v42, v23;
	[tilespmem:v1+s31+$0x260 ss:$0x1] =	vst.idx.msk $0xffff, v18  }
0x30b: {  	v18 =	vunpack.i.u.bf16.f32 v22;
	v49 =	vld.idx.msk [tilespmem:v0+s3+$0x260 ss:$0x1], $0xffff  }
0x30c: {  	v50 =	vadd.s32 s1, v9;
	[tilespmem:v1+s26+$0x260 ss:$0x1] =	vst.idx.msk $0xffff, v21;
	v18 =	vmul.f32 v44, v18  }
0x30d: {  	v20 =	vunpack.i.u.bf16.f32 v37;
	v51 =	vld.idx.msk [tilespmem:v46+s5+$0x0], $0xffff  }
0x30e: {  	v53 =	vadd.s32 s15, v9;
	v52 =	vld.idx.msk [tilespmem:v0+s25+$0x270 ss:$0x1], $0xffff;
	[tilespmem:v1+s30+$0x260 ss:$0x1] =	vst.idx.msk $0xffff, v18;
	v18 =	vmul.f32 v47, v20  }
0x30f: {  	v19 =	vunpack.i.u.bf16.f32 v19;
	v23 =	vld.idx.msk [tilespmem:v48+s5+$0x0], $0xffff  }
0x310: {  	v54 =	vld.idx.msk [tilespmem:v0+s28+$0x270 ss:$0x1], $0xffff;
	[tilespmem:v1+s0+$0x260 ss:$0x1] =	vst.idx.msk $0xffff, v18;
	v18 =	vmul.f32 v49, v19  }
0x311: {  	v19 =	vld.idx.msk [tilespmem:v50+s5+$0x0], $0xffff  }
0x312: {  	v56 =	vld.idx.msk [tilespmem:v0+s29+$0x270 ss:$0x1], $0xffff;
	v55 =	vunpack.i.l.bf16.f32 v51;
	[tilespmem:v1+s3+$0x260 ss:$0x1] =	vst.idx.msk $0xffff, v18  }
0x313: {  	v18 =	vmul.f32 v52, v55;
	v20 =	vld.idx.msk [tilespmem:v53+s5+$0x0], $0xffff  }
0x314: {  	v58 =	vld.idx.msk [tilespmem:v0+s31+$0x270 ss:$0x1], $0xffff;
	v57 =	vunpack.i.l.bf16.f32 v23  }
0x315: {  	[tilespmem:v1+s25+$0x270 ss:$0x1] =	vst.idx.msk $0xffff, v18;
	v18 =	vmul.f32 v54, v57  }
0x316: {  	v59 =	vld.idx.msk [tilespmem:v0+s26+$0x270 ss:$0x1], $0xffff;
	v60 =	vunpack.i.l.bf16.f32 v19  }
0x317: {  	[tilespmem:v1+s28+$0x270 ss:$0x1] =	vst.idx.msk $0xffff, v18;
	v18 =	vmul.f32 v56, v60  }
0x318: {  	v61 =	vld.idx.msk [tilespmem:v0+s30+$0x270 ss:$0x1], $0xffff;
	v62 =	vunpack.i.l.bf16.f32 v20  }
0x319: {  	v63 =	vadd.s32 s6, v10;
	[tilespmem:v1+s29+$0x270 ss:$0x1] =	vst.idx.msk $0xffff, v18;
	v18 =	vmul.f32 v58, v62  }
0x31a: {  	v24 =	vunpack.i.u.bf16.f32 v51;
	v30 =	vld.idx.msk [tilespmem:v0+s0+$0x270 ss:$0x1], $0xffff  }
0x31b: {  	v31 =	vadd.s32 s14, v10;
	v21 =	vmul.f32 v59, v24;
	[tilespmem:v1+s31+$0x270 ss:$0x1] =	vst.idx.msk $0xffff, v18  }
0x31c: {  	v18 =	vunpack.i.u.bf16.f32 v23;
	v32 =	vld.idx.msk [tilespmem:v0+s3+$0x270 ss:$0x1], $0xffff  }
0x31d: {  	v33 =	vadd.s32 s1, v10;
	[tilespmem:v1+s26+$0x270 ss:$0x1] =	vst.idx.msk $0xffff, v21;
	v18 =	vmul.f32 v61, v18  }
0x31e: {  	v19 =	vunpack.i.u.bf16.f32 v19;
	v34 =	vld.idx.msk [tilespmem:v63+s5+$0x0], $0xffff  }
0x31f: {  	v35 =	vld.idx.msk [tilespmem:v0+s25+$0x280 ss:$0x1], $0xffff;
	[tilespmem:v1+s30+$0x270 ss:$0x1] =	vst.idx.msk $0xffff, v18;
	v18 =	vmul.f32 v30, v19;
	v19 =	vadd.s32 s15, v10  }
0x320: {  	v20 =	vunpack.i.u.bf16.f32 v20;
	v24 =	vld.idx.msk [tilespmem:v31+s5+$0x0], $0xffff  }
0x321: {  	v36 =	vld.idx.msk [tilespmem:v0+s28+$0x280 ss:$0x1], $0xffff;
	[tilespmem:v1+s0+$0x270 ss:$0x1] =	vst.idx.msk $0xffff, v18;
	v18 =	vmul.f32 v32, v20  }
0x322: {  	v37 =	vld.idx.msk [tilespmem:v33+s5+$0x0], $0xffff  }
0x323: {  	v39 =	vld.idx.msk [tilespmem:v0+s29+$0x280 ss:$0x1], $0xffff;
	v38 =	vunpack.i.l.bf16.f32 v34;
	[tilespmem:v1+s3+$0x270 ss:$0x1] =	vst.idx.msk $0xffff, v18  }
0x324: {  	v18 =	vmul.f32 v35, v38;
	v19 =	vld.idx.msk [tilespmem:v19+s5+$0x0], $0xffff  }
0x325: {  	v41 =	vld.idx.msk [tilespmem:v0+s31+$0x280 ss:$0x1], $0xffff;
	v40 =	vunpack.i.l.bf16.f32 v24  }
0x326: {  	[tilespmem:v1+s25+$0x280 ss:$0x1] =	vst.idx.msk $0xffff, v18;
	v18 =	vmul.f32 v36, v40  }
0x327: {  	v42 =	vld.idx.msk [tilespmem:v0+s26+$0x280 ss:$0x1], $0xffff;
	v43 =	vunpack.i.l.bf16.f32 v37  }
0x328: {  	[tilespmem:v1+s28+$0x280 ss:$0x1] =	vst.idx.msk $0xffff, v18;
	v18 =	vmul.f32 v39, v43  }
0x329: {  	v44 =	vld.idx.msk [tilespmem:v0+s30+$0x280 ss:$0x1], $0xffff;
	v45 =	vunpack.i.l.bf16.f32 v19  }
0x32a: {  	v46 =	vadd.s32 s6, v11;
	[tilespmem:v1+s29+$0x280 ss:$0x1] =	vst.idx.msk $0xffff, v18;
	v18 =	vmul.f32 v41, v45  }
0x32b: {  	v22 =	vunpack.i.u.bf16.f32 v34;
	v47 =	vld.idx.msk [tilespmem:v0+s0+$0x280 ss:$0x1], $0xffff  }
0x32c: {  	v48 =	vadd.s32 s14, v11;
	v21 =	vmul.f32 v42, v22;
	[tilespmem:v1+s31+$0x280 ss:$0x1] =	vst.idx.msk $0xffff, v18  }
0x32d: {  	v18 =	vunpack.i.u.bf16.f32 v24;
	v49 =	vld.idx.msk [tilespmem:v0+s3+$0x280 ss:$0x1], $0xffff  }
0x32e: {  	v50 =	vadd.s32 s1, v11;
	[tilespmem:v1+s26+$0x280 ss:$0x1] =	vst.idx.msk $0xffff, v21;
	v18 =	vmul.f32 v44, v18  }
0x32f: {  	v20 =	vunpack.i.u.bf16.f32 v37;
	v51 =	vld.idx.msk [tilespmem:v46+s5+$0x0], $0xffff  }
0x330: {  	v53 =	vadd.s32 s15, v11;
	v52 =	vld.idx.msk [tilespmem:v0+s25+$0x290 ss:$0x1], $0xffff;
	[tilespmem:v1+s30+$0x280 ss:$0x1] =	vst.idx.msk $0xffff, v18;
	v18 =	vmul.f32 v47, v20  }
0x331: {  	v19 =	vunpack.i.u.bf16.f32 v19;
	v22 =	vld.idx.msk [tilespmem:v48+s5+$0x0], $0xffff  }
0x332: {  	v54 =	vld.idx.msk [tilespmem:v0+s28+$0x290 ss:$0x1], $0xffff;
	[tilespmem:v1+s0+$0x280 ss:$0x1] =	vst.idx.msk $0xffff, v18;
	v18 =	vmul.f32 v49, v19  }
0x333: {  	v19 =	vld.idx.msk [tilespmem:v50+s5+$0x0], $0xffff  }
0x334: {  	v56 =	vld.idx.msk [tilespmem:v0+s29+$0x290 ss:$0x1], $0xffff;
	v55 =	vunpack.i.l.bf16.f32 v51;
	[tilespmem:v1+s3+$0x280 ss:$0x1] =	vst.idx.msk $0xffff, v18  }
0x335: {  	v18 =	vmul.f32 v52, v55;
	v20 =	vld.idx.msk [tilespmem:v53+s5+$0x0], $0xffff  }
0x336: {  	v58 =	vld.idx.msk [tilespmem:v0+s31+$0x290 ss:$0x1], $0xffff;
	v57 =	vunpack.i.l.bf16.f32 v22  }
0x337: {  	[tilespmem:v1+s25+$0x290 ss:$0x1] =	vst.idx.msk $0xffff, v18;
	v18 =	vmul.f32 v54, v57  }
0x338: {  	v59 =	vld.idx.msk [tilespmem:v0+s26+$0x290 ss:$0x1], $0xffff;
	v60 =	vunpack.i.l.bf16.f32 v19  }
0x339: {  	[tilespmem:v1+s28+$0x290 ss:$0x1] =	vst.idx.msk $0xffff, v18;
	v18 =	vmul.f32 v56, v60  }
0x33a: {  	v61 =	vld.idx.msk [tilespmem:v0+s30+$0x290 ss:$0x1], $0xffff;
	v62 =	vunpack.i.l.bf16.f32 v20  }
0x33b: {  	v63 =	vadd.s32 s6, v12;
	[tilespmem:v1+s29+$0x290 ss:$0x1] =	vst.idx.msk $0xffff, v18;
	v18 =	vmul.f32 v58, v62  }
0x33c: {  	v23 =	vunpack.i.u.bf16.f32 v51;
	v30 =	vld.idx.msk [tilespmem:v0+s0+$0x290 ss:$0x1], $0xffff  }
0x33d: {  	v31 =	vadd.s32 s14, v12;
	v21 =	vmul.f32 v59, v23;
	[tilespmem:v1+s31+$0x290 ss:$0x1] =	vst.idx.msk $0xffff, v18  }
0x33e: {  	v18 =	vunpack.i.u.bf16.f32 v22;
	v32 =	vld.idx.msk [tilespmem:v0+s3+$0x290 ss:$0x1], $0xffff  }
0x33f: {  	v33 =	vadd.s32 s1, v12;
	[tilespmem:v1+s26+$0x290 ss:$0x1] =	vst.idx.msk $0xffff, v21;
	v18 =	vmul.f32 v61, v18  }
0x340: {  	v19 =	vunpack.i.u.bf16.f32 v19;
	v34 =	vld.idx.msk [tilespmem:v63+s5+$0x0], $0xffff  }
0x341: {  	v35 =	vld.idx.msk [tilespmem:v0+s25+$0x2A0 ss:$0x1], $0xffff;
	[tilespmem:v1+s30+$0x290 ss:$0x1] =	vst.idx.msk $0xffff, v18;
	v18 =	vmul.f32 v30, v19;
	v19 =	vadd.s32 s15, v12  }
0x342: {  	v20 =	vunpack.i.u.bf16.f32 v20;
	v23 =	vld.idx.msk [tilespmem:v31+s5+$0x0], $0xffff  }
0x343: {  	v36 =	vld.idx.msk [tilespmem:v0+s28+$0x2A0 ss:$0x1], $0xffff;
	[tilespmem:v1+s0+$0x290 ss:$0x1] =	vst.idx.msk $0xffff, v18;
	v18 =	vmul.f32 v32, v20  }
0x344: {  	v37 =	vld.idx.msk [tilespmem:v33+s5+$0x0], $0xffff  }
0x345: {  	v39 =	vld.idx.msk [tilespmem:v0+s29+$0x2A0 ss:$0x1], $0xffff;
	v38 =	vunpack.i.l.bf16.f32 v34;
	[tilespmem:v1+s3+$0x290 ss:$0x1] =	vst.idx.msk $0xffff, v18  }
0x346: {  	v18 =	vmul.f32 v35, v38;
	v19 =	vld.idx.msk [tilespmem:v19+s5+$0x0], $0xffff  }
0x347: {  	v41 =	vld.idx.msk [tilespmem:v0+s31+$0x2A0 ss:$0x1], $0xffff;
	v40 =	vunpack.i.l.bf16.f32 v23  }
0x348: {  	[tilespmem:v1+s25+$0x2A0 ss:$0x1] =	vst.idx.msk $0xffff, v18;
	v18 =	vmul.f32 v36, v40  }
0x349: {  	v42 =	vld.idx.msk [tilespmem:v0+s26+$0x2A0 ss:$0x1], $0xffff;
	v43 =	vunpack.i.l.bf16.f32 v37  }
0x34a: {  	[tilespmem:v1+s28+$0x2A0 ss:$0x1] =	vst.idx.msk $0xffff, v18;
	v18 =	vmul.f32 v39, v43  }
0x34b: {  	v44 =	vld.idx.msk [tilespmem:v0+s30+$0x2A0 ss:$0x1], $0xffff;
	v45 =	vunpack.i.l.bf16.f32 v19  }
0x34c: {  	v46 =	vadd.s32 s6, v13;
	[tilespmem:v1+s29+$0x2A0 ss:$0x1] =	vst.idx.msk $0xffff, v18;
	v18 =	vmul.f32 v41, v45  }
0x34d: {  	v24 =	vunpack.i.u.bf16.f32 v34;
	v47 =	vld.idx.msk [tilespmem:v0+s0+$0x2A0 ss:$0x1], $0xffff  }
0x34e: {  	v48 =	vadd.s32 s14, v13;
	v21 =	vmul.f32 v42, v24;
	[tilespmem:v1+s31+$0x2A0 ss:$0x1] =	vst.idx.msk $0xffff, v18  }
0x34f: {  	v18 =	vunpack.i.u.bf16.f32 v23;
	v49 =	vld.idx.msk [tilespmem:v0+s3+$0x2A0 ss:$0x1], $0xffff  }
0x350: {  	v50 =	vadd.s32 s1, v13;
	[tilespmem:v1+s26+$0x2A0 ss:$0x1] =	vst.idx.msk $0xffff, v21;
	v18 =	vmul.f32 v44, v18  }
0x351: {  	v20 =	vunpack.i.u.bf16.f32 v37;
	v51 =	vld.idx.msk [tilespmem:v46+s5+$0x0], $0xffff  }
0x352: {  	v53 =	vadd.s32 s15, v13;
	v52 =	vld.idx.msk [tilespmem:v0+s25+$0x2B0 ss:$0x1], $0xffff;
	[tilespmem:v1+s30+$0x2A0 ss:$0x1] =	vst.idx.msk $0xffff, v18;
	v18 =	vmul.f32 v47, v20  }
0x353: {  	v19 =	vunpack.i.u.bf16.f32 v19;
	v24 =	vld.idx.msk [tilespmem:v48+s5+$0x0], $0xffff  }
0x354: {  	v54 =	vld.idx.msk [tilespmem:v0+s28+$0x2B0 ss:$0x1], $0xffff;
	[tilespmem:v1+s0+$0x2A0 ss:$0x1] =	vst.idx.msk $0xffff, v18;
	v18 =	vmul.f32 v49, v19  }
0x355: {  	v19 =	vld.idx.msk [tilespmem:v50+s5+$0x0], $0xffff  }
0x356: {  	v56 =	vld.idx.msk [tilespmem:v0+s29+$0x2B0 ss:$0x1], $0xffff;
	v55 =	vunpack.i.l.bf16.f32 v51;
	[tilespmem:v1+s3+$0x2A0 ss:$0x1] =	vst.idx.msk $0xffff, v18  }
0x357: {  	v18 =	vmul.f32 v52, v55;
	v20 =	vld.idx.msk [tilespmem:v53+s5+$0x0], $0xffff  }
0x358: {  	v58 =	vld.idx.msk [tilespmem:v0+s31+$0x2B0 ss:$0x1], $0xffff;
	v57 =	vunpack.i.l.bf16.f32 v24  }
0x359: {  	[tilespmem:v1+s25+$0x2B0 ss:$0x1] =	vst.idx.msk $0xffff, v18;
	v18 =	vmul.f32 v54, v57  }
0x35a: {  	v59 =	vld.idx.msk [tilespmem:v0+s26+$0x2B0 ss:$0x1], $0xffff;
	v60 =	vunpack.i.l.bf16.f32 v19  }
0x35b: {  	[tilespmem:v1+s28+$0x2B0 ss:$0x1] =	vst.idx.msk $0xffff, v18;
	v18 =	vmul.f32 v56, v60  }
0x35c: {  	v61 =	vld.idx.msk [tilespmem:v0+s30+$0x2B0 ss:$0x1], $0xffff;
	v62 =	vunpack.i.l.bf16.f32 v20  }
0x35d: {  	v63 =	vadd.s32 s6, v14;
	[tilespmem:v1+s29+$0x2B0 ss:$0x1] =	vst.idx.msk $0xffff, v18;
	v18 =	vmul.f32 v58, v62  }
0x35e: {  	v22 =	vunpack.i.u.bf16.f32 v51;
	v30 =	vld.idx.msk [tilespmem:v0+s0+$0x2B0 ss:$0x1], $0xffff  }
0x35f: {  	v31 =	vadd.s32 s14, v14;
	v21 =	vmul.f32 v59, v22;
	[tilespmem:v1+s31+$0x2B0 ss:$0x1] =	vst.idx.msk $0xffff, v18  }
0x360: {  	v18 =	vunpack.i.u.bf16.f32 v24;
	v32 =	vld.idx.msk [tilespmem:v0+s3+$0x2B0 ss:$0x1], $0xffff  }
0x361: {  	v33 =	vadd.s32 s1, v14;
	[tilespmem:v1+s26+$0x2B0 ss:$0x1] =	vst.idx.msk $0xffff, v21;
	v18 =	vmul.f32 v61, v18  }
0x362: {  	v19 =	vunpack.i.u.bf16.f32 v19;
	v34 =	vld.idx.msk [tilespmem:v63+s5+$0x0], $0xffff  }
0x363: {  	v35 =	vld.idx.msk [tilespmem:v0+s25+$0x2C0 ss:$0x1], $0xffff;
	[tilespmem:v1+s30+$0x2B0 ss:$0x1] =	vst.idx.msk $0xffff, v18;
	v18 =	vmul.f32 v30, v19;
	v19 =	vadd.s32 s15, v14  }
0x364: {  	v20 =	vunpack.i.u.bf16.f32 v20;
	v22 =	vld.idx.msk [tilespmem:v31+s5+$0x0], $0xffff  }
0x365: {  	v36 =	vld.idx.msk [tilespmem:v0+s28+$0x2C0 ss:$0x1], $0xffff;
	[tilespmem:v1+s0+$0x2B0 ss:$0x1] =	vst.idx.msk $0xffff, v18;
	v18 =	vmul.f32 v32, v20  }
0x366: {  	v37 =	vld.idx.msk [tilespmem:v33+s5+$0x0], $0xffff  }
0x367: {  	v39 =	vld.idx.msk [tilespmem:v0+s29+$0x2C0 ss:$0x1], $0xffff;
	v38 =	vunpack.i.l.bf16.f32 v34;
	[tilespmem:v1+s3+$0x2B0 ss:$0x1] =	vst.idx.msk $0xffff, v18  }
0x368: {  	v18 =	vmul.f32 v35, v38;
	v19 =	vld.idx.msk [tilespmem:v19+s5+$0x0], $0xffff  }
0x369: {  	v41 =	vld.idx.msk [tilespmem:v0+s31+$0x2C0 ss:$0x1], $0xffff;
	v40 =	vunpack.i.l.bf16.f32 v22  }
0x36a: {  	[tilespmem:v1+s25+$0x2C0 ss:$0x1] =	vst.idx.msk $0xffff, v18;
	v18 =	vmul.f32 v36, v40  }
0x36b: {  	v42 =	vld.idx.msk [tilespmem:v0+s26+$0x2C0 ss:$0x1], $0xffff;
	v43 =	vunpack.i.l.bf16.f32 v37  }
0x36c: {  	[tilespmem:v1+s28+$0x2C0 ss:$0x1] =	vst.idx.msk $0xffff, v18;
	v18 =	vmul.f32 v39, v43  }
0x36d: {  	v44 =	vld.idx.msk [tilespmem:v0+s30+$0x2C0 ss:$0x1], $0xffff;
	v45 =	vunpack.i.l.bf16.f32 v19  }
0x36e: {  	v46 =	vadd.s32 s6, v15;
	[tilespmem:v1+s29+$0x2C0 ss:$0x1] =	vst.idx.msk $0xffff, v18;
	v18 =	vmul.f32 v41, v45  }
0x36f: {  	v23 =	vunpack.i.u.bf16.f32 v34;
	v47 =	vld.idx.msk [tilespmem:v0+s0+$0x2C0 ss:$0x1], $0xffff  }
0x370: {  	v48 =	vadd.s32 s14, v15;
	v21 =	vmul.f32 v42, v23;
	[tilespmem:v1+s31+$0x2C0 ss:$0x1] =	vst.idx.msk $0xffff, v18  }
0x371: {  	v18 =	vunpack.i.u.bf16.f32 v22;
	v49 =	vld.idx.msk [tilespmem:v0+s3+$0x2C0 ss:$0x1], $0xffff  }
0x372: {  	v50 =	vadd.s32 s1, v15;
	[tilespmem:v1+s26+$0x2C0 ss:$0x1] =	vst.idx.msk $0xffff, v21;
	v18 =	vmul.f32 v44, v18  }
0x373: {  	v20 =	vunpack.i.u.bf16.f32 v37;
	v51 =	vld.idx.msk [tilespmem:v46+s5+$0x0], $0xffff  }
0x374: {  	v53 =	vadd.s32 s15, v15;
	v52 =	vld.idx.msk [tilespmem:v0+s25+$0x2D0 ss:$0x1], $0xffff;
	[tilespmem:v1+s30+$0x2C0 ss:$0x1] =	vst.idx.msk $0xffff, v18;
	v18 =	vmul.f32 v47, v20  }
0x375: {  	v19 =	vunpack.i.u.bf16.f32 v19;
	v23 =	vld.idx.msk [tilespmem:v48+s5+$0x0], $0xffff  }
0x376: {  	v54 =	vld.idx.msk [tilespmem:v0+s28+$0x2D0 ss:$0x1], $0xffff;
	[tilespmem:v1+s0+$0x2C0 ss:$0x1] =	vst.idx.msk $0xffff, v18;
	v18 =	vmul.f32 v49, v19  }
0x377: {  	v19 =	vld.idx.msk [tilespmem:v50+s5+$0x0], $0xffff  }
0x378: {  	v56 =	vld.idx.msk [tilespmem:v0+s29+$0x2D0 ss:$0x1], $0xffff;
	v55 =	vunpack.i.l.bf16.f32 v51;
	[tilespmem:v1+s3+$0x2C0 ss:$0x1] =	vst.idx.msk $0xffff, v18  }
0x379: {  	v18 =	vmul.f32 v52, v55;
	v20 =	vld.idx.msk [tilespmem:v53+s5+$0x0], $0xffff  }
0x37a: {  	v58 =	vld.idx.msk [tilespmem:v0+s31+$0x2D0 ss:$0x1], $0xffff;
	v57 =	vunpack.i.l.bf16.f32 v23  }
0x37b: {  	[tilespmem:v1+s25+$0x2D0 ss:$0x1] =	vst.idx.msk $0xffff, v18;
	v18 =	vmul.f32 v54, v57  }
0x37c: {  	v59 =	vld.idx.msk [tilespmem:v0+s26+$0x2D0 ss:$0x1], $0xffff;
	v60 =	vunpack.i.l.bf16.f32 v19  }
0x37d: {  	[tilespmem:v1+s28+$0x2D0 ss:$0x1] =	vst.idx.msk $0xffff, v18;
	v18 =	vmul.f32 v56, v60  }
0x37e: {  	v61 =	vld.idx.msk [tilespmem:v0+s30+$0x2D0 ss:$0x1], $0xffff;
	v62 =	vunpack.i.l.bf16.f32 v20  }
0x37f: {  	v63 =	vadd.s32 s6, v16;
	[tilespmem:v1+s29+$0x2D0 ss:$0x1] =	vst.idx.msk $0xffff, v18;
	v18 =	vmul.f32 v58, v62  }
0x380: {  	v24 =	vunpack.i.u.bf16.f32 v51;
	v30 =	vld.idx.msk [tilespmem:v0+s0+$0x2D0 ss:$0x1], $0xffff  }
0x381: {  	v31 =	vadd.s32 s14, v16;
	v21 =	vmul.f32 v59, v24;
	[tilespmem:v1+s31+$0x2D0 ss:$0x1] =	vst.idx.msk $0xffff, v18  }
0x382: {  	v18 =	vunpack.i.u.bf16.f32 v23;
	v32 =	vld.idx.msk [tilespmem:v0+s3+$0x2D0 ss:$0x1], $0xffff  }
0x383: {  	v33 =	vadd.s32 s1, v16;
	[tilespmem:v1+s26+$0x2D0 ss:$0x1] =	vst.idx.msk $0xffff, v21;
	v18 =	vmul.f32 v61, v18  }
0x384: {  	v19 =	vunpack.i.u.bf16.f32 v19;
	v34 =	vld.idx.msk [tilespmem:v63+s5+$0x0], $0xffff  }
0x385: {  	v35 =	vld.idx.msk [tilespmem:v0+s25+$0x2E0 ss:$0x1], $0xffff;
	[tilespmem:v1+s30+$0x2D0 ss:$0x1] =	vst.idx.msk $0xffff, v18;
	v18 =	vmul.f32 v30, v19;
	v19 =	vadd.s32 s15, v16  }
0x386: {  	v20 =	vunpack.i.u.bf16.f32 v20;
	v24 =	vld.idx.msk [tilespmem:v31+s5+$0x0], $0xffff  }
0x387: {  	v36 =	vld.idx.msk [tilespmem:v0+s28+$0x2E0 ss:$0x1], $0xffff;
	[tilespmem:v1+s0+$0x2D0 ss:$0x1] =	vst.idx.msk $0xffff, v18;
	v18 =	vmul.f32 v32, v20  }
0x388: {  	v37 =	vld.idx.msk [tilespmem:v33+s5+$0x0], $0xffff  }
0x389: {  	v39 =	vld.idx.msk [tilespmem:v0+s29+$0x2E0 ss:$0x1], $0xffff;
	v38 =	vunpack.i.l.bf16.f32 v34;
	[tilespmem:v1+s3+$0x2D0 ss:$0x1] =	vst.idx.msk $0xffff, v18  }
0x38a: {  	v18 =	vmul.f32 v35, v38;
	v19 =	vld.idx.msk [tilespmem:v19+s5+$0x0], $0xffff  }
0x38b: {  	v41 =	vld.idx.msk [tilespmem:v0+s31+$0x2E0 ss:$0x1], $0xffff;
	v40 =	vunpack.i.l.bf16.f32 v24  }
0x38c: {  	[tilespmem:v1+s25+$0x2E0 ss:$0x1] =	vst.idx.msk $0xffff, v18;
	v18 =	vmul.f32 v36, v40  }
0x38d: {  	v42 =	vld.idx.msk [tilespmem:v0+s26+$0x2E0 ss:$0x1], $0xffff;
	v43 =	vunpack.i.l.bf16.f32 v37  }
0x38e: {  	[tilespmem:v1+s28+$0x2E0 ss:$0x1] =	vst.idx.msk $0xffff, v18;
	v18 =	vmul.f32 v39, v43  }
0x38f: {  	v44 =	vld.idx.msk [tilespmem:v0+s30+$0x2E0 ss:$0x1], $0xffff;
	v45 =	vunpack.i.l.bf16.f32 v19  }
0x390: {  	v46 =	vadd.s32 s6, v17;
	[tilespmem:v1+s29+$0x2E0 ss:$0x1] =	vst.idx.msk $0xffff, v18;
	v18 =	vmul.f32 v41, v45  }
0x391: {  	v22 =	vunpack.i.u.bf16.f32 v34;
	v47 =	vld.idx.msk [tilespmem:v0+s0+$0x2E0 ss:$0x1], $0xffff  }
0x392: {  	v48 =	vadd.s32 s14, v17;
	v21 =	vmul.f32 v42, v22;
	[tilespmem:v1+s31+$0x2E0 ss:$0x1] =	vst.idx.msk $0xffff, v18  }
0x393: {  	v18 =	vunpack.i.u.bf16.f32 v24;
	v49 =	vld.idx.msk [tilespmem:v0+s3+$0x2E0 ss:$0x1], $0xffff  }
0x394: {  	v50 =	vadd.s32 s1, v17;
	[tilespmem:v1+s26+$0x2E0 ss:$0x1] =	vst.idx.msk $0xffff, v21;
	v18 =	vmul.f32 v44, v18  }
0x395: {  	v20 =	vunpack.i.u.bf16.f32 v37;
	v21 =	vld.idx.msk [tilespmem:v46+s5+$0x0], $0xffff  }
0x396: {  	v51 =	vadd.s32 s15, v17;
	[tilespmem:v1+s30+$0x2E0 ss:$0x1] =	vst.idx.msk $0xffff, v18;
	v18 =	vld.idx.msk [tilespmem:v0+s25+$0x2F0 ss:$0x1], $0xffff;
	v20 =	vmul.f32 v47, v20  }
0x397: {  	v19 =	vunpack.i.u.bf16.f32 v19;
	v52 =	vld.idx.msk [tilespmem:v48+s5+$0x0], $0xffff  }
0x398: {  	v53 =	vld.idx.msk [tilespmem:v0+s28+$0x2F0 ss:$0x1], $0xffff;
	[tilespmem:v1+s0+$0x2E0 ss:$0x1] =	vst.idx.msk $0xffff, v20;
	v19 =	vmul.f32 v49, v19  }
0x399: {  	v20 =	vld.idx.msk [tilespmem:v50+s5+$0x0], $0xffff  }
0x39a: {  	v54 =	vld.idx.msk [tilespmem:v0+s29+$0x2F0 ss:$0x1], $0xffff;
	[tilespmem:v1+s3+$0x2E0 ss:$0x1] =	vst.idx.msk $0xffff, v19  }
0x39b: {  	v19 =	vld.idx.msk [tilespmem:v51+s5+$0x0], $0xffff  }
0x39c: {  	v55 =	vld.idx.msk [tilespmem:v0+s31+$0x2F0 ss:$0x1], $0xffff  }
0x39d: {  	v56 =	vunpack.i.l.bf16.f32 v21  }
0x39e: {  	v18 =	vmul.f32 v18, v56;
	v57 =	vunpack.i.l.bf16.f32 v52  }
0x39f: {  	v24 =	vmul.f32 v53, v57;
	v58 =	vunpack.i.l.bf16.f32 v20  }
0x3a0: {  	[tilespmem:v1+s25+$0x2F0 ss:$0x1] =	vst.idx.msk $0xffff, v18;
	v18 =	vmul.f32 v54, v58;
	v59 =	vunpack.i.l.bf16.f32 v19  }
0x3a1: {  	v60 =	vld.idx.msk [tilespmem:v0+s26+$0x2F0 ss:$0x1], $0xffff;
	[tilespmem:v1+s28+$0x2F0 ss:$0x1] =	vst.idx.msk $0xffff, v24;
	v22 =	vmul.f32 v55, v59  }
0x3a2: {  	[tilespmem:v1+s29+$0x2F0 ss:$0x1] =	vst.idx.msk $0xffff, v18;
	v18 =	vld.idx.msk [tilespmem:v0+s30+$0x2F0 ss:$0x1], $0xffff  }
0x3a3: {  	v61 =	vld.idx.msk [tilespmem:v0+s0+$0x2F0 ss:$0x1], $0xffff;
	[tilespmem:v1+s31+$0x2F0 ss:$0x1] =	vst.idx.msk $0xffff, v22  }
0x3a4: {  	v62 =	vld.idx.msk [tilespmem:v0+s3+$0x2F0 ss:$0x1], $0xffff  }
0x3a5: {  	v21 =	vunpack.i.u.bf16.f32 v21  }
0x3a6: {  	p2 =	por p1, p1;
	v63 =	vunpack.i.u.bf16.f32 v52;
	v21 =	vmul.f32 v60, v21  }
.Ltmp2:
0x3a7: {  	v20 =	vunpack.i.u.bf16.f32 v20;
	v18 =	vmul.f32 v18, v63;
	(pc) =	sbr.rel @p2 .LBB2_9-.Ltmp2, $4  }
0x3a8: {  	v19 =	vunpack.i.u.bf16.f32 v19;
	[tilespmem:v1+s26+$0x2F0 ss:$0x1] =	vst.idx.msk $0xffff, v21;
	v20 =	vmul.f32 v61, v20  }
0x3a9: {  	[tilespmem:v1+s30+$0x2F0 ss:$0x1] =	vst.idx.msk $0xffff, v18;
	v18 =	vmul.f32 v62, v19  }
0x3aa: {  	[tilespmem:v1+s0+$0x2F0 ss:$0x1] =	vst.idx.msk $0xffff, v20  }
0x3ab: {  	p1 =	por $0x0, $0x0;
	s0 =	simm.s32 $0x4;
	[tilespmem:v1+s3+$0x2F0 ss:$0x1] =	vst.idx.msk $0xffff, v18  }
0x3ac: {  	v2 =	vld [tilespmem:s24+$0x8300]  }
0x3ad: {  	v3 =	vld [tilespmem:s24+$0x8310]  }
0x3ae: {  	v4 =	vld [tilespmem:s24+$0x8320]  }
0x3af: {  	v5 =	vld [tilespmem:s24+$0x8330]  }
0x3b0: {  	v6 =	vld [tilespmem:s24+$0x8340]  }
0x3b1: {  	v7 =	vld [tilespmem:s24+$0x8350]  }
0x3b2: {  	v8 =	vld [tilespmem:s24+$0x8360]  }
0x3b3: {  	v9 =	vld [tilespmem:s24+$0x8370]  }
0x3b4: {  	v10 =	vld [tilespmem:s24+$0x8380]  }
0x3b5: {  	v11 =	vld [tilespmem:s24+$0x8390]  }
0x3b6: {  	v12 =	vld [tilespmem:s24+$0x83A0]  }
0x3b7: {  	v13 =	vld [tilespmem:s24+$0x83B0]  }
0x3b8: {  	v14 =	vld [tilespmem:s24+$0x83C0]  }
0x3b9: {  	v15 =	vld [tilespmem:s24+$0x83D0]  }
0x3ba: {  	v16 =	vld [tilespmem:s24+$0x83E0]  }
0x3bb: {  	v17 =	vld [tilespmem:s24+$0x83F0];
	s0 =	simm.s32 $0x0;
	p1 =	por $0x1, $0x1  }
.LBB2_11:
0x3bc: {  	s1 =	sor.u32 s20, s0  }
0x3bd: {  	s3 =	sor.u32 $0x1, s0;
	s6 =	sshll.u32 s1, $0xA  }
0x3be: {  	s30 =	sor.u32 s20, s3;
	v18 =	vadd.s32 s6, v2  }
0x3bf: {  	s25 =	sor.u32 $0x2, s0;
	s14 =	sshll.u32 s30, $0xA  }
0x3c0: {  	s31 =	sor.u32 s20, s25;
	v19 =	vadd.s32 s14, v2  }
0x3c1: {  	s29 =	sor.u32 $0x3, s0;
	s1 =	sshll.u32 s31, $0xA  }
0x3c2: {  	s15 =	sor.u32 s20, s29;
	v20 =	vadd.s32 s1, v2  }
0x3c3: {  	s24 =	sshll.u32 s0, $0xB;
	s15 =	sshll.u32 s15, $0xA;
	v18 =	vld.idx.msk [tilespmem:v18+s5+$0x0], $0xffff  }
0x3c4: {  	v21 =	vld.idx.msk [tilespmem:v0+s24+$0x300 ss:$0x1], $0xffff;
	v22 =	vadd.s32 s15, v2  }
0x3c5: {  	s26 =	sshll.u32 s3, $0xB;
	v19 =	vld.idx.msk [tilespmem:v19+s5+$0x0], $0xffff  }
0x3c6: {  	v23 =	vld.idx.msk [tilespmem:v0+s26+$0x300 ss:$0x1], $0xffff  }
0x3c7: {  	s28 =	sshll.u32 s25, $0xB;
	v20 =	vld.idx.msk [tilespmem:v20+s5+$0x0], $0xffff  }
0x3c8: {  	v25 =	vld.idx.msk [tilespmem:v0+s28+$0x300 ss:$0x1], $0xffff;
	v24 =	vunpack.i.l.bf16.f32 v18  }
0x3c9: {  	s30 =	sshll.u32 s29, $0xB;
	v22 =	vld.idx.msk [tilespmem:v22+s5+$0x0], $0xffff;
	v21 =	vmul.f32 v21, v24  }
0x3ca: {  	v26 =	vld.idx.msk [tilespmem:v0+s30+$0x300 ss:$0x1], $0xffff;
	v41 =	vunpack.i.l.bf16.f32 v19  }
0x3cb: {  	s25 =	sor.u32 $0x400, s24;
	v42 =	vmul.f32 v23, v41;
	[tilespmem:v1+s24+$0x300 ss:$0x1] =	vst.idx.msk $0xffff, v21  }
0x3cc: {  	v44 =	vunpack.i.l.bf16.f32 v20;
	v43 =	vld.idx.msk [tilespmem:v0+s25+$0x300 ss:$0x1], $0xffff  }
0x3cd: {  	s0 =	sor.u32 $0x400, s26;
	v45 =	vmul.f32 v25, v44;
	[tilespmem:v1+s26+$0x300 ss:$0x1] =	vst.idx.msk $0xffff, v42  }
0x3ce: {  	v47 =	vunpack.i.l.bf16.f32 v22;
	v46 =	vld.idx.msk [tilespmem:v0+s0+$0x300 ss:$0x1], $0xffff  }
0x3cf: {  	v27 =	vadd.s32 s6, v3;
	s3 =	sor.u32 $0x400, s28;
	v48 =	vmul.f32 v26, v47;
	[tilespmem:v1+s28+$0x300 ss:$0x1] =	vst.idx.msk $0xffff, v45  }
0x3d0: {  	v18 =	vunpack.i.u.bf16.f32 v18;
	v49 =	vld.idx.msk [tilespmem:v0+s3+$0x300 ss:$0x1], $0xffff  }
0x3d1: {  	v50 =	vadd.s32 s14, v3;
	s31 =	sor.u32 $0x400, s30;
	[tilespmem:v1+s30+$0x300 ss:$0x1] =	vst.idx.msk $0xffff, v48;
	v18 =	vmul.f32 v43, v18  }
0x3d2: {  	v19 =	vunpack.i.u.bf16.f32 v19;
	v21 =	vld.idx.msk [tilespmem:v0+s31+$0x300 ss:$0x1], $0xffff  }
0x3d3: {  	[tilespmem:v1+s25+$0x300 ss:$0x1] =	vst.idx.msk $0xffff, v18;
	v18 =	vmul.f32 v46, v19;
	v19 =	vadd.s32 s1, v3  }
0x3d4: {  	v20 =	vunpack.i.u.bf16.f32 v20;
	v51 =	vld.idx.msk [tilespmem:v27+s5+$0x0], $0xffff  }
0x3d5: {  	v53 =	vadd.s32 s15, v3;
	v52 =	vld.idx.msk [tilespmem:v0+s24+$0x310 ss:$0x1], $0xffff;
	[tilespmem:v1+s0+$0x300 ss:$0x1] =	vst.idx.msk $0xffff, v18;
	v18 =	vmul.f32 v49, v20  }
0x3d6: {  	v22 =	vunpack.i.u.bf16.f32 v22;
	v23 =	vld.idx.msk [tilespmem:v50+s5+$0x0], $0xffff  }
0x3d7: {  	v54 =	vld.idx.msk [tilespmem:v0+s26+$0x310 ss:$0x1], $0xffff;
	[tilespmem:v1+s3+$0x300 ss:$0x1] =	vst.idx.msk $0xffff, v18;
	v18 =	vmul.f32 v21, v22  }
0x3d8: {  	v19 =	vld.idx.msk [tilespmem:v19+s5+$0x0], $0xffff  }
0x3d9: {  	v56 =	vld.idx.msk [tilespmem:v0+s28+$0x310 ss:$0x1], $0xffff;
	v55 =	vunpack.i.l.bf16.f32 v51;
	[tilespmem:v1+s31+$0x300 ss:$0x1] =	vst.idx.msk $0xffff, v18  }
0x3da: {  	v18 =	vmul.f32 v52, v55;
	v20 =	vld.idx.msk [tilespmem:v53+s5+$0x0], $0xffff  }
0x3db: {  	v58 =	vld.idx.msk [tilespmem:v0+s30+$0x310 ss:$0x1], $0xffff;
	v57 =	vunpack.i.l.bf16.f32 v23  }
0x3dc: {  	[tilespmem:v1+s24+$0x310 ss:$0x1] =	vst.idx.msk $0xffff, v18;
	v18 =	vmul.f32 v54, v57  }
0x3dd: {  	v59 =	vld.idx.msk [tilespmem:v0+s25+$0x310 ss:$0x1], $0xffff;
	v60 =	vunpack.i.l.bf16.f32 v19  }
0x3de: {  	[tilespmem:v1+s26+$0x310 ss:$0x1] =	vst.idx.msk $0xffff, v18;
	v18 =	vmul.f32 v56, v60  }
0x3df: {  	v61 =	vld.idx.msk [tilespmem:v0+s0+$0x310 ss:$0x1], $0xffff;
	v62 =	vunpack.i.l.bf16.f32 v20  }
0x3e0: {  	v63 =	vadd.s32 s6, v4;
	[tilespmem:v1+s28+$0x310 ss:$0x1] =	vst.idx.msk $0xffff, v18;
	v18 =	vmul.f32 v58, v62  }
0x3e1: {  	v24 =	vunpack.i.u.bf16.f32 v51;
	v30 =	vld.idx.msk [tilespmem:v0+s3+$0x310 ss:$0x1], $0xffff  }
0x3e2: {  	v31 =	vadd.s32 s14, v4;
	v21 =	vmul.f32 v59, v24;
	[tilespmem:v1+s30+$0x310 ss:$0x1] =	vst.idx.msk $0xffff, v18  }
0x3e3: {  	v18 =	vunpack.i.u.bf16.f32 v23;
	v32 =	vld.idx.msk [tilespmem:v0+s31+$0x310 ss:$0x1], $0xffff  }
0x3e4: {  	v33 =	vadd.s32 s1, v4;
	[tilespmem:v1+s25+$0x310 ss:$0x1] =	vst.idx.msk $0xffff, v21;
	v18 =	vmul.f32 v61, v18  }
0x3e5: {  	v19 =	vunpack.i.u.bf16.f32 v19;
	v34 =	vld.idx.msk [tilespmem:v63+s5+$0x0], $0xffff  }
0x3e6: {  	v35 =	vld.idx.msk [tilespmem:v0+s24+$0x320 ss:$0x1], $0xffff;
	[tilespmem:v1+s0+$0x310 ss:$0x1] =	vst.idx.msk $0xffff, v18;
	v18 =	vmul.f32 v30, v19;
	v19 =	vadd.s32 s15, v4  }
0x3e7: {  	v20 =	vunpack.i.u.bf16.f32 v20;
	v24 =	vld.idx.msk [tilespmem:v31+s5+$0x0], $0xffff  }
0x3e8: {  	v36 =	vld.idx.msk [tilespmem:v0+s26+$0x320 ss:$0x1], $0xffff;
	[tilespmem:v1+s3+$0x310 ss:$0x1] =	vst.idx.msk $0xffff, v18;
	v18 =	vmul.f32 v32, v20  }
0x3e9: {  	v37 =	vld.idx.msk [tilespmem:v33+s5+$0x0], $0xffff  }
0x3ea: {  	v39 =	vld.idx.msk [tilespmem:v0+s28+$0x320 ss:$0x1], $0xffff;
	v38 =	vunpack.i.l.bf16.f32 v34;
	[tilespmem:v1+s31+$0x310 ss:$0x1] =	vst.idx.msk $0xffff, v18  }
0x3eb: {  	v18 =	vmul.f32 v35, v38;
	v19 =	vld.idx.msk [tilespmem:v19+s5+$0x0], $0xffff  }
0x3ec: {  	v41 =	vld.idx.msk [tilespmem:v0+s30+$0x320 ss:$0x1], $0xffff;
	v40 =	vunpack.i.l.bf16.f32 v24  }
0x3ed: {  	[tilespmem:v1+s24+$0x320 ss:$0x1] =	vst.idx.msk $0xffff, v18;
	v18 =	vmul.f32 v36, v40  }
0x3ee: {  	v42 =	vld.idx.msk [tilespmem:v0+s25+$0x320 ss:$0x1], $0xffff;
	v43 =	vunpack.i.l.bf16.f32 v37  }
0x3ef: {  	[tilespmem:v1+s26+$0x320 ss:$0x1] =	vst.idx.msk $0xffff, v18;
	v18 =	vmul.f32 v39, v43  }
0x3f0: {  	v44 =	vld.idx.msk [tilespmem:v0+s0+$0x320 ss:$0x1], $0xffff;
	v45 =	vunpack.i.l.bf16.f32 v19  }
0x3f1: {  	v46 =	vadd.s32 s6, v5;
	[tilespmem:v1+s28+$0x320 ss:$0x1] =	vst.idx.msk $0xffff, v18;
	v18 =	vmul.f32 v41, v45  }
0x3f2: {  	v22 =	vunpack.i.u.bf16.f32 v34;
	v47 =	vld.idx.msk [tilespmem:v0+s3+$0x320 ss:$0x1], $0xffff  }
0x3f3: {  	v48 =	vadd.s32 s14, v5;
	v21 =	vmul.f32 v42, v22;
	[tilespmem:v1+s30+$0x320 ss:$0x1] =	vst.idx.msk $0xffff, v18  }
0x3f4: {  	v18 =	vunpack.i.u.bf16.f32 v24;
	v49 =	vld.idx.msk [tilespmem:v0+s31+$0x320 ss:$0x1], $0xffff  }
0x3f5: {  	v50 =	vadd.s32 s1, v5;
	[tilespmem:v1+s25+$0x320 ss:$0x1] =	vst.idx.msk $0xffff, v21;
	v18 =	vmul.f32 v44, v18  }
0x3f6: {  	v20 =	vunpack.i.u.bf16.f32 v37;
	v51 =	vld.idx.msk [tilespmem:v46+s5+$0x0], $0xffff  }
0x3f7: {  	v53 =	vadd.s32 s15, v5;
	v52 =	vld.idx.msk [tilespmem:v0+s24+$0x330 ss:$0x1], $0xffff;
	[tilespmem:v1+s0+$0x320 ss:$0x1] =	vst.idx.msk $0xffff, v18;
	v18 =	vmul.f32 v47, v20  }
0x3f8: {  	v19 =	vunpack.i.u.bf16.f32 v19;
	v22 =	vld.idx.msk [tilespmem:v48+s5+$0x0], $0xffff  }
0x3f9: {  	v54 =	vld.idx.msk [tilespmem:v0+s26+$0x330 ss:$0x1], $0xffff;
	[tilespmem:v1+s3+$0x320 ss:$0x1] =	vst.idx.msk $0xffff, v18;
	v18 =	vmul.f32 v49, v19  }
0x3fa: {  	v19 =	vld.idx.msk [tilespmem:v50+s5+$0x0], $0xffff  }
0x3fb: {  	v56 =	vld.idx.msk [tilespmem:v0+s28+$0x330 ss:$0x1], $0xffff;
	v55 =	vunpack.i.l.bf16.f32 v51;
	[tilespmem:v1+s31+$0x320 ss:$0x1] =	vst.idx.msk $0xffff, v18  }
0x3fc: {  	v18 =	vmul.f32 v52, v55;
	v20 =	vld.idx.msk [tilespmem:v53+s5+$0x0], $0xffff  }
0x3fd: {  	v58 =	vld.idx.msk [tilespmem:v0+s30+$0x330 ss:$0x1], $0xffff;
	v57 =	vunpack.i.l.bf16.f32 v22  }
0x3fe: {  	[tilespmem:v1+s24+$0x330 ss:$0x1] =	vst.idx.msk $0xffff, v18;
	v18 =	vmul.f32 v54, v57  }
0x3ff: {  	v59 =	vld.idx.msk [tilespmem:v0+s25+$0x330 ss:$0x1], $0xffff;
	v60 =	vunpack.i.l.bf16.f32 v19  }
0x400: {  	[tilespmem:v1+s26+$0x330 ss:$0x1] =	vst.idx.msk $0xffff, v18;
	v18 =	vmul.f32 v56, v60  }
0x401: {  	v61 =	vld.idx.msk [tilespmem:v0+s0+$0x330 ss:$0x1], $0xffff;
	v62 =	vunpack.i.l.bf16.f32 v20  }
0x402: {  	v63 =	vadd.s32 s6, v6;
	[tilespmem:v1+s28+$0x330 ss:$0x1] =	vst.idx.msk $0xffff, v18;
	v18 =	vmul.f32 v58, v62  }
0x403: {  	v23 =	vunpack.i.u.bf16.f32 v51;
	v30 =	vld.idx.msk [tilespmem:v0+s3+$0x330 ss:$0x1], $0xffff  }
0x404: {  	v31 =	vadd.s32 s14, v6;
	v21 =	vmul.f32 v59, v23;
	[tilespmem:v1+s30+$0x330 ss:$0x1] =	vst.idx.msk $0xffff, v18  }
0x405: {  	v18 =	vunpack.i.u.bf16.f32 v22;
	v32 =	vld.idx.msk [tilespmem:v0+s31+$0x330 ss:$0x1], $0xffff  }
0x406: {  	v33 =	vadd.s32 s1, v6;
	[tilespmem:v1+s25+$0x330 ss:$0x1] =	vst.idx.msk $0xffff, v21;
	v18 =	vmul.f32 v61, v18  }
0x407: {  	v19 =	vunpack.i.u.bf16.f32 v19;
	v34 =	vld.idx.msk [tilespmem:v63+s5+$0x0], $0xffff  }
0x408: {  	v35 =	vld.idx.msk [tilespmem:v0+s24+$0x340 ss:$0x1], $0xffff;
	[tilespmem:v1+s0+$0x330 ss:$0x1] =	vst.idx.msk $0xffff, v18;
	v18 =	vmul.f32 v30, v19;
	v19 =	vadd.s32 s15, v6  }
0x409: {  	v20 =	vunpack.i.u.bf16.f32 v20;
	v23 =	vld.idx.msk [tilespmem:v31+s5+$0x0], $0xffff  }
0x40a: {  	v36 =	vld.idx.msk [tilespmem:v0+s26+$0x340 ss:$0x1], $0xffff;
	[tilespmem:v1+s3+$0x330 ss:$0x1] =	vst.idx.msk $0xffff, v18;
	v18 =	vmul.f32 v32, v20  }
0x40b: {  	v37 =	vld.idx.msk [tilespmem:v33+s5+$0x0], $0xffff  }
0x40c: {  	v39 =	vld.idx.msk [tilespmem:v0+s28+$0x340 ss:$0x1], $0xffff;
	v38 =	vunpack.i.l.bf16.f32 v34;
	[tilespmem:v1+s31+$0x330 ss:$0x1] =	vst.idx.msk $0xffff, v18  }
0x40d: {  	v18 =	vmul.f32 v35, v38;
	v19 =	vld.idx.msk [tilespmem:v19+s5+$0x0], $0xffff  }
0x40e: {  	v41 =	vld.idx.msk [tilespmem:v0+s30+$0x340 ss:$0x1], $0xffff;
	v40 =	vunpack.i.l.bf16.f32 v23  }
0x40f: {  	[tilespmem:v1+s24+$0x340 ss:$0x1] =	vst.idx.msk $0xffff, v18;
	v18 =	vmul.f32 v36, v40  }
0x410: {  	v42 =	vld.idx.msk [tilespmem:v0+s25+$0x340 ss:$0x1], $0xffff;
	v43 =	vunpack.i.l.bf16.f32 v37  }
0x411: {  	[tilespmem:v1+s26+$0x340 ss:$0x1] =	vst.idx.msk $0xffff, v18;
	v18 =	vmul.f32 v39, v43  }
0x412: {  	v44 =	vld.idx.msk [tilespmem:v0+s0+$0x340 ss:$0x1], $0xffff;
	v45 =	vunpack.i.l.bf16.f32 v19  }
0x413: {  	v46 =	vadd.s32 s6, v7;
	[tilespmem:v1+s28+$0x340 ss:$0x1] =	vst.idx.msk $0xffff, v18;
	v18 =	vmul.f32 v41, v45  }
0x414: {  	v24 =	vunpack.i.u.bf16.f32 v34;
	v47 =	vld.idx.msk [tilespmem:v0+s3+$0x340 ss:$0x1], $0xffff  }
0x415: {  	v48 =	vadd.s32 s14, v7;
	v21 =	vmul.f32 v42, v24;
	[tilespmem:v1+s30+$0x340 ss:$0x1] =	vst.idx.msk $0xffff, v18  }
0x416: {  	v18 =	vunpack.i.u.bf16.f32 v23;
	v49 =	vld.idx.msk [tilespmem:v0+s31+$0x340 ss:$0x1], $0xffff  }
0x417: {  	v50 =	vadd.s32 s1, v7;
	[tilespmem:v1+s25+$0x340 ss:$0x1] =	vst.idx.msk $0xffff, v21;
	v18 =	vmul.f32 v44, v18  }
0x418: {  	v20 =	vunpack.i.u.bf16.f32 v37;
	v51 =	vld.idx.msk [tilespmem:v46+s5+$0x0], $0xffff  }
0x419: {  	v53 =	vadd.s32 s15, v7;
	v52 =	vld.idx.msk [tilespmem:v0+s24+$0x350 ss:$0x1], $0xffff;
	[tilespmem:v1+s0+$0x340 ss:$0x1] =	vst.idx.msk $0xffff, v18;
	v18 =	vmul.f32 v47, v20  }
0x41a: {  	v19 =	vunpack.i.u.bf16.f32 v19;
	v24 =	vld.idx.msk [tilespmem:v48+s5+$0x0], $0xffff  }
0x41b: {  	v54 =	vld.idx.msk [tilespmem:v0+s26+$0x350 ss:$0x1], $0xffff;
	[tilespmem:v1+s3+$0x340 ss:$0x1] =	vst.idx.msk $0xffff, v18;
	v18 =	vmul.f32 v49, v19  }
0x41c: {  	v19 =	vld.idx.msk [tilespmem:v50+s5+$0x0], $0xffff  }
0x41d: {  	v56 =	vld.idx.msk [tilespmem:v0+s28+$0x350 ss:$0x1], $0xffff;
	v55 =	vunpack.i.l.bf16.f32 v51;
	[tilespmem:v1+s31+$0x340 ss:$0x1] =	vst.idx.msk $0xffff, v18  }
0x41e: {  	v18 =	vmul.f32 v52, v55;
	v20 =	vld.idx.msk [tilespmem:v53+s5+$0x0], $0xffff  }
0x41f: {  	v58 =	vld.idx.msk [tilespmem:v0+s30+$0x350 ss:$0x1], $0xffff;
	v57 =	vunpack.i.l.bf16.f32 v24  }
0x420: {  	[tilespmem:v1+s24+$0x350 ss:$0x1] =	vst.idx.msk $0xffff, v18;
	v18 =	vmul.f32 v54, v57  }
0x421: {  	v59 =	vld.idx.msk [tilespmem:v0+s25+$0x350 ss:$0x1], $0xffff;
	v60 =	vunpack.i.l.bf16.f32 v19  }
0x422: {  	[tilespmem:v1+s26+$0x350 ss:$0x1] =	vst.idx.msk $0xffff, v18;
	v18 =	vmul.f32 v56, v60  }
0x423: {  	v61 =	vld.idx.msk [tilespmem:v0+s0+$0x350 ss:$0x1], $0xffff;
	v62 =	vunpack.i.l.bf16.f32 v20  }
0x424: {  	v63 =	vadd.s32 s6, v8;
	[tilespmem:v1+s28+$0x350 ss:$0x1] =	vst.idx.msk $0xffff, v18;
	v18 =	vmul.f32 v58, v62  }
0x425: {  	v22 =	vunpack.i.u.bf16.f32 v51;
	v30 =	vld.idx.msk [tilespmem:v0+s3+$0x350 ss:$0x1], $0xffff  }
0x426: {  	v31 =	vadd.s32 s14, v8;
	v21 =	vmul.f32 v59, v22;
	[tilespmem:v1+s30+$0x350 ss:$0x1] =	vst.idx.msk $0xffff, v18  }
0x427: {  	v18 =	vunpack.i.u.bf16.f32 v24;
	v32 =	vld.idx.msk [tilespmem:v0+s31+$0x350 ss:$0x1], $0xffff  }
0x428: {  	v33 =	vadd.s32 s1, v8;
	[tilespmem:v1+s25+$0x350 ss:$0x1] =	vst.idx.msk $0xffff, v21;
	v18 =	vmul.f32 v61, v18  }
0x429: {  	v19 =	vunpack.i.u.bf16.f32 v19;
	v34 =	vld.idx.msk [tilespmem:v63+s5+$0x0], $0xffff  }
0x42a: {  	v35 =	vld.idx.msk [tilespmem:v0+s24+$0x360 ss:$0x1], $0xffff;
	[tilespmem:v1+s0+$0x350 ss:$0x1] =	vst.idx.msk $0xffff, v18;
	v18 =	vmul.f32 v30, v19;
	v19 =	vadd.s32 s15, v8  }
0x42b: {  	v20 =	vunpack.i.u.bf16.f32 v20;
	v22 =	vld.idx.msk [tilespmem:v31+s5+$0x0], $0xffff  }
0x42c: {  	v36 =	vld.idx.msk [tilespmem:v0+s26+$0x360 ss:$0x1], $0xffff;
	[tilespmem:v1+s3+$0x350 ss:$0x1] =	vst.idx.msk $0xffff, v18;
	v18 =	vmul.f32 v32, v20  }
0x42d: {  	v37 =	vld.idx.msk [tilespmem:v33+s5+$0x0], $0xffff  }
0x42e: {  	v39 =	vld.idx.msk [tilespmem:v0+s28+$0x360 ss:$0x1], $0xffff;
	v38 =	vunpack.i.l.bf16.f32 v34;
	[tilespmem:v1+s31+$0x350 ss:$0x1] =	vst.idx.msk $0xffff, v18  }
0x42f: {  	v18 =	vmul.f32 v35, v38;
	v19 =	vld.idx.msk [tilespmem:v19+s5+$0x0], $0xffff  }
0x430: {  	v41 =	vld.idx.msk [tilespmem:v0+s30+$0x360 ss:$0x1], $0xffff;
	v40 =	vunpack.i.l.bf16.f32 v22  }
0x431: {  	[tilespmem:v1+s24+$0x360 ss:$0x1] =	vst.idx.msk $0xffff, v18;
	v18 =	vmul.f32 v36, v40  }
0x432: {  	v42 =	vld.idx.msk [tilespmem:v0+s25+$0x360 ss:$0x1], $0xffff;
	v43 =	vunpack.i.l.bf16.f32 v37  }
0x433: {  	[tilespmem:v1+s26+$0x360 ss:$0x1] =	vst.idx.msk $0xffff, v18;
	v18 =	vmul.f32 v39, v43  }
0x434: {  	v44 =	vld.idx.msk [tilespmem:v0+s0+$0x360 ss:$0x1], $0xffff;
	v45 =	vunpack.i.l.bf16.f32 v19  }
0x435: {  	v46 =	vadd.s32 s6, v9;
	[tilespmem:v1+s28+$0x360 ss:$0x1] =	vst.idx.msk $0xffff, v18;
	v18 =	vmul.f32 v41, v45  }
0x436: {  	v23 =	vunpack.i.u.bf16.f32 v34;
	v47 =	vld.idx.msk [tilespmem:v0+s3+$0x360 ss:$0x1], $0xffff  }
0x437: {  	v48 =	vadd.s32 s14, v9;
	v21 =	vmul.f32 v42, v23;
	[tilespmem:v1+s30+$0x360 ss:$0x1] =	vst.idx.msk $0xffff, v18  }
0x438: {  	v18 =	vunpack.i.u.bf16.f32 v22;
	v49 =	vld.idx.msk [tilespmem:v0+s31+$0x360 ss:$0x1], $0xffff  }
0x439: {  	v50 =	vadd.s32 s1, v9;
	[tilespmem:v1+s25+$0x360 ss:$0x1] =	vst.idx.msk $0xffff, v21;
	v18 =	vmul.f32 v44, v18  }
0x43a: {  	v20 =	vunpack.i.u.bf16.f32 v37;
	v51 =	vld.idx.msk [tilespmem:v46+s5+$0x0], $0xffff  }
0x43b: {  	v53 =	vadd.s32 s15, v9;
	v52 =	vld.idx.msk [tilespmem:v0+s24+$0x370 ss:$0x1], $0xffff;
	[tilespmem:v1+s0+$0x360 ss:$0x1] =	vst.idx.msk $0xffff, v18;
	v18 =	vmul.f32 v47, v20  }
0x43c: {  	v19 =	vunpack.i.u.bf16.f32 v19;
	v23 =	vld.idx.msk [tilespmem:v48+s5+$0x0], $0xffff  }
0x43d: {  	v54 =	vld.idx.msk [tilespmem:v0+s26+$0x370 ss:$0x1], $0xffff;
	[tilespmem:v1+s3+$0x360 ss:$0x1] =	vst.idx.msk $0xffff, v18;
	v18 =	vmul.f32 v49, v19  }
0x43e: {  	v19 =	vld.idx.msk [tilespmem:v50+s5+$0x0], $0xffff  }
0x43f: {  	v56 =	vld.idx.msk [tilespmem:v0+s28+$0x370 ss:$0x1], $0xffff;
	v55 =	vunpack.i.l.bf16.f32 v51;
	[tilespmem:v1+s31+$0x360 ss:$0x1] =	vst.idx.msk $0xffff, v18  }
0x440: {  	v18 =	vmul.f32 v52, v55;
	v20 =	vld.idx.msk [tilespmem:v53+s5+$0x0], $0xffff  }
0x441: {  	v58 =	vld.idx.msk [tilespmem:v0+s30+$0x370 ss:$0x1], $0xffff;
	v57 =	vunpack.i.l.bf16.f32 v23  }
0x442: {  	[tilespmem:v1+s24+$0x370 ss:$0x1] =	vst.idx.msk $0xffff, v18;
	v18 =	vmul.f32 v54, v57  }
0x443: {  	v59 =	vld.idx.msk [tilespmem:v0+s25+$0x370 ss:$0x1], $0xffff;
	v60 =	vunpack.i.l.bf16.f32 v19  }
0x444: {  	[tilespmem:v1+s26+$0x370 ss:$0x1] =	vst.idx.msk $0xffff, v18;
	v18 =	vmul.f32 v56, v60  }
0x445: {  	v61 =	vld.idx.msk [tilespmem:v0+s0+$0x370 ss:$0x1], $0xffff;
	v62 =	vunpack.i.l.bf16.f32 v20  }
0x446: {  	v63 =	vadd.s32 s6, v10;
	[tilespmem:v1+s28+$0x370 ss:$0x1] =	vst.idx.msk $0xffff, v18;
	v18 =	vmul.f32 v58, v62  }
0x447: {  	v24 =	vunpack.i.u.bf16.f32 v51;
	v30 =	vld.idx.msk [tilespmem:v0+s3+$0x370 ss:$0x1], $0xffff  }
0x448: {  	v31 =	vadd.s32 s14, v10;
	v21 =	vmul.f32 v59, v24;
	[tilespmem:v1+s30+$0x370 ss:$0x1] =	vst.idx.msk $0xffff, v18  }
0x449: {  	v18 =	vunpack.i.u.bf16.f32 v23;
	v32 =	vld.idx.msk [tilespmem:v0+s31+$0x370 ss:$0x1], $0xffff  }
0x44a: {  	v33 =	vadd.s32 s1, v10;
	[tilespmem:v1+s25+$0x370 ss:$0x1] =	vst.idx.msk $0xffff, v21;
	v18 =	vmul.f32 v61, v18  }
0x44b: {  	v19 =	vunpack.i.u.bf16.f32 v19;
	v34 =	vld.idx.msk [tilespmem:v63+s5+$0x0], $0xffff  }
0x44c: {  	v35 =	vld.idx.msk [tilespmem:v0+s24+$0x380 ss:$0x1], $0xffff;
	[tilespmem:v1+s0+$0x370 ss:$0x1] =	vst.idx.msk $0xffff, v18;
	v18 =	vmul.f32 v30, v19;
	v19 =	vadd.s32 s15, v10  }
0x44d: {  	v20 =	vunpack.i.u.bf16.f32 v20;
	v24 =	vld.idx.msk [tilespmem:v31+s5+$0x0], $0xffff  }
0x44e: {  	v36 =	vld.idx.msk [tilespmem:v0+s26+$0x380 ss:$0x1], $0xffff;
	[tilespmem:v1+s3+$0x370 ss:$0x1] =	vst.idx.msk $0xffff, v18;
	v18 =	vmul.f32 v32, v20  }
0x44f: {  	v37 =	vld.idx.msk [tilespmem:v33+s5+$0x0], $0xffff  }
0x450: {  	v39 =	vld.idx.msk [tilespmem:v0+s28+$0x380 ss:$0x1], $0xffff;
	v38 =	vunpack.i.l.bf16.f32 v34;
	[tilespmem:v1+s31+$0x370 ss:$0x1] =	vst.idx.msk $0xffff, v18  }
0x451: {  	v18 =	vmul.f32 v35, v38;
	v19 =	vld.idx.msk [tilespmem:v19+s5+$0x0], $0xffff  }
0x452: {  	v41 =	vld.idx.msk [tilespmem:v0+s30+$0x380 ss:$0x1], $0xffff;
	v40 =	vunpack.i.l.bf16.f32 v24  }
0x453: {  	[tilespmem:v1+s24+$0x380 ss:$0x1] =	vst.idx.msk $0xffff, v18;
	v18 =	vmul.f32 v36, v40  }
0x454: {  	v42 =	vld.idx.msk [tilespmem:v0+s25+$0x380 ss:$0x1], $0xffff;
	v43 =	vunpack.i.l.bf16.f32 v37  }
0x455: {  	[tilespmem:v1+s26+$0x380 ss:$0x1] =	vst.idx.msk $0xffff, v18;
	v18 =	vmul.f32 v39, v43  }
0x456: {  	v44 =	vld.idx.msk [tilespmem:v0+s0+$0x380 ss:$0x1], $0xffff;
	v45 =	vunpack.i.l.bf16.f32 v19  }
0x457: {  	v46 =	vadd.s32 s6, v11;
	[tilespmem:v1+s28+$0x380 ss:$0x1] =	vst.idx.msk $0xffff, v18;
	v18 =	vmul.f32 v41, v45  }
0x458: {  	v22 =	vunpack.i.u.bf16.f32 v34;
	v47 =	vld.idx.msk [tilespmem:v0+s3+$0x380 ss:$0x1], $0xffff  }
0x459: {  	v48 =	vadd.s32 s14, v11;
	v21 =	vmul.f32 v42, v22;
	[tilespmem:v1+s30+$0x380 ss:$0x1] =	vst.idx.msk $0xffff, v18  }
0x45a: {  	v18 =	vunpack.i.u.bf16.f32 v24;
	v49 =	vld.idx.msk [tilespmem:v0+s31+$0x380 ss:$0x1], $0xffff  }
0x45b: {  	v50 =	vadd.s32 s1, v11;
	[tilespmem:v1+s25+$0x380 ss:$0x1] =	vst.idx.msk $0xffff, v21;
	v18 =	vmul.f32 v44, v18  }
0x45c: {  	v20 =	vunpack.i.u.bf16.f32 v37;
	v51 =	vld.idx.msk [tilespmem:v46+s5+$0x0], $0xffff  }
0x45d: {  	v53 =	vadd.s32 s15, v11;
	v52 =	vld.idx.msk [tilespmem:v0+s24+$0x390 ss:$0x1], $0xffff;
	[tilespmem:v1+s0+$0x380 ss:$0x1] =	vst.idx.msk $0xffff, v18;
	v18 =	vmul.f32 v47, v20  }
0x45e: {  	v19 =	vunpack.i.u.bf16.f32 v19;
	v22 =	vld.idx.msk [tilespmem:v48+s5+$0x0], $0xffff  }
0x45f: {  	v54 =	vld.idx.msk [tilespmem:v0+s26+$0x390 ss:$0x1], $0xffff;
	[tilespmem:v1+s3+$0x380 ss:$0x1] =	vst.idx.msk $0xffff, v18;
	v18 =	vmul.f32 v49, v19  }
0x460: {  	v19 =	vld.idx.msk [tilespmem:v50+s5+$0x0], $0xffff  }
0x461: {  	v56 =	vld.idx.msk [tilespmem:v0+s28+$0x390 ss:$0x1], $0xffff;
	v55 =	vunpack.i.l.bf16.f32 v51;
	[tilespmem:v1+s31+$0x380 ss:$0x1] =	vst.idx.msk $0xffff, v18  }
0x462: {  	v18 =	vmul.f32 v52, v55;
	v20 =	vld.idx.msk [tilespmem:v53+s5+$0x0], $0xffff  }
0x463: {  	v58 =	vld.idx.msk [tilespmem:v0+s30+$0x390 ss:$0x1], $0xffff;
	v57 =	vunpack.i.l.bf16.f32 v22  }
0x464: {  	[tilespmem:v1+s24+$0x390 ss:$0x1] =	vst.idx.msk $0xffff, v18;
	v18 =	vmul.f32 v54, v57  }
0x465: {  	v59 =	vld.idx.msk [tilespmem:v0+s25+$0x390 ss:$0x1], $0xffff;
	v60 =	vunpack.i.l.bf16.f32 v19  }
0x466: {  	[tilespmem:v1+s26+$0x390 ss:$0x1] =	vst.idx.msk $0xffff, v18;
	v18 =	vmul.f32 v56, v60  }
0x467: {  	v61 =	vld.idx.msk [tilespmem:v0+s0+$0x390 ss:$0x1], $0xffff;
	v62 =	vunpack.i.l.bf16.f32 v20  }
0x468: {  	v63 =	vadd.s32 s6, v12;
	[tilespmem:v1+s28+$0x390 ss:$0x1] =	vst.idx.msk $0xffff, v18;
	v18 =	vmul.f32 v58, v62  }
0x469: {  	v23 =	vunpack.i.u.bf16.f32 v51;
	v30 =	vld.idx.msk [tilespmem:v0+s3+$0x390 ss:$0x1], $0xffff  }
0x46a: {  	v31 =	vadd.s32 s14, v12;
	v21 =	vmul.f32 v59, v23;
	[tilespmem:v1+s30+$0x390 ss:$0x1] =	vst.idx.msk $0xffff, v18  }
0x46b: {  	v18 =	vunpack.i.u.bf16.f32 v22;
	v32 =	vld.idx.msk [tilespmem:v0+s31+$0x390 ss:$0x1], $0xffff  }
0x46c: {  	v33 =	vadd.s32 s1, v12;
	[tilespmem:v1+s25+$0x390 ss:$0x1] =	vst.idx.msk $0xffff, v21;
	v18 =	vmul.f32 v61, v18  }
0x46d: {  	v19 =	vunpack.i.u.bf16.f32 v19;
	v34 =	vld.idx.msk [tilespmem:v63+s5+$0x0], $0xffff  }
0x46e: {  	v35 =	vld.idx.msk [tilespmem:v0+s24+$0x3A0 ss:$0x1], $0xffff;
	[tilespmem:v1+s0+$0x390 ss:$0x1] =	vst.idx.msk $0xffff, v18;
	v18 =	vmul.f32 v30, v19;
	v19 =	vadd.s32 s15, v12  }
0x46f: {  	v20 =	vunpack.i.u.bf16.f32 v20;
	v23 =	vld.idx.msk [tilespmem:v31+s5+$0x0], $0xffff  }
0x470: {  	v36 =	vld.idx.msk [tilespmem:v0+s26+$0x3A0 ss:$0x1], $0xffff;
	[tilespmem:v1+s3+$0x390 ss:$0x1] =	vst.idx.msk $0xffff, v18;
	v18 =	vmul.f32 v32, v20  }
0x471: {  	v37 =	vld.idx.msk [tilespmem:v33+s5+$0x0], $0xffff  }
0x472: {  	v39 =	vld.idx.msk [tilespmem:v0+s28+$0x3A0 ss:$0x1], $0xffff;
	v38 =	vunpack.i.l.bf16.f32 v34;
	[tilespmem:v1+s31+$0x390 ss:$0x1] =	vst.idx.msk $0xffff, v18  }
0x473: {  	v18 =	vmul.f32 v35, v38;
	v19 =	vld.idx.msk [tilespmem:v19+s5+$0x0], $0xffff  }
0x474: {  	v41 =	vld.idx.msk [tilespmem:v0+s30+$0x3A0 ss:$0x1], $0xffff;
	v40 =	vunpack.i.l.bf16.f32 v23  }
0x475: {  	[tilespmem:v1+s24+$0x3A0 ss:$0x1] =	vst.idx.msk $0xffff, v18;
	v18 =	vmul.f32 v36, v40  }
0x476: {  	v42 =	vld.idx.msk [tilespmem:v0+s25+$0x3A0 ss:$0x1], $0xffff;
	v43 =	vunpack.i.l.bf16.f32 v37  }
0x477: {  	[tilespmem:v1+s26+$0x3A0 ss:$0x1] =	vst.idx.msk $0xffff, v18;
	v18 =	vmul.f32 v39, v43  }
0x478: {  	v44 =	vld.idx.msk [tilespmem:v0+s0+$0x3A0 ss:$0x1], $0xffff;
	v45 =	vunpack.i.l.bf16.f32 v19  }
0x479: {  	v46 =	vadd.s32 s6, v13;
	[tilespmem:v1+s28+$0x3A0 ss:$0x1] =	vst.idx.msk $0xffff, v18;
	v18 =	vmul.f32 v41, v45  }
0x47a: {  	v24 =	vunpack.i.u.bf16.f32 v34;
	v47 =	vld.idx.msk [tilespmem:v0+s3+$0x3A0 ss:$0x1], $0xffff  }
0x47b: {  	v48 =	vadd.s32 s14, v13;
	v21 =	vmul.f32 v42, v24;
	[tilespmem:v1+s30+$0x3A0 ss:$0x1] =	vst.idx.msk $0xffff, v18  }
0x47c: {  	v18 =	vunpack.i.u.bf16.f32 v23;
	v49 =	vld.idx.msk [tilespmem:v0+s31+$0x3A0 ss:$0x1], $0xffff  }
0x47d: {  	v50 =	vadd.s32 s1, v13;
	[tilespmem:v1+s25+$0x3A0 ss:$0x1] =	vst.idx.msk $0xffff, v21;
	v18 =	vmul.f32 v44, v18  }
0x47e: {  	v20 =	vunpack.i.u.bf16.f32 v37;
	v51 =	vld.idx.msk [tilespmem:v46+s5+$0x0], $0xffff  }
0x47f: {  	v53 =	vadd.s32 s15, v13;
	v52 =	vld.idx.msk [tilespmem:v0+s24+$0x3B0 ss:$0x1], $0xffff;
	[tilespmem:v1+s0+$0x3A0 ss:$0x1] =	vst.idx.msk $0xffff, v18;
	v18 =	vmul.f32 v47, v20  }
0x480: {  	v19 =	vunpack.i.u.bf16.f32 v19;
	v24 =	vld.idx.msk [tilespmem:v48+s5+$0x0], $0xffff  }
0x481: {  	v54 =	vld.idx.msk [tilespmem:v0+s26+$0x3B0 ss:$0x1], $0xffff;
	[tilespmem:v1+s3+$0x3A0 ss:$0x1] =	vst.idx.msk $0xffff, v18;
	v18 =	vmul.f32 v49, v19  }
0x482: {  	v19 =	vld.idx.msk [tilespmem:v50+s5+$0x0], $0xffff  }
0x483: {  	v56 =	vld.idx.msk [tilespmem:v0+s28+$0x3B0 ss:$0x1], $0xffff;
	v55 =	vunpack.i.l.bf16.f32 v51;
	[tilespmem:v1+s31+$0x3A0 ss:$0x1] =	vst.idx.msk $0xffff, v18  }
0x484: {  	v18 =	vmul.f32 v52, v55;
	v20 =	vld.idx.msk [tilespmem:v53+s5+$0x0], $0xffff  }
0x485: {  	v58 =	vld.idx.msk [tilespmem:v0+s30+$0x3B0 ss:$0x1], $0xffff;
	v57 =	vunpack.i.l.bf16.f32 v24  }
0x486: {  	[tilespmem:v1+s24+$0x3B0 ss:$0x1] =	vst.idx.msk $0xffff, v18;
	v18 =	vmul.f32 v54, v57  }
0x487: {  	v59 =	vld.idx.msk [tilespmem:v0+s25+$0x3B0 ss:$0x1], $0xffff;
	v60 =	vunpack.i.l.bf16.f32 v19  }
0x488: {  	[tilespmem:v1+s26+$0x3B0 ss:$0x1] =	vst.idx.msk $0xffff, v18;
	v18 =	vmul.f32 v56, v60  }
0x489: {  	v61 =	vld.idx.msk [tilespmem:v0+s0+$0x3B0 ss:$0x1], $0xffff;
	v62 =	vunpack.i.l.bf16.f32 v20  }
0x48a: {  	v63 =	vadd.s32 s6, v14;
	[tilespmem:v1+s28+$0x3B0 ss:$0x1] =	vst.idx.msk $0xffff, v18;
	v18 =	vmul.f32 v58, v62  }
0x48b: {  	v22 =	vunpack.i.u.bf16.f32 v51;
	v30 =	vld.idx.msk [tilespmem:v0+s3+$0x3B0 ss:$0x1], $0xffff  }
0x48c: {  	v31 =	vadd.s32 s14, v14;
	v21 =	vmul.f32 v59, v22;
	[tilespmem:v1+s30+$0x3B0 ss:$0x1] =	vst.idx.msk $0xffff, v18  }
0x48d: {  	v18 =	vunpack.i.u.bf16.f32 v24;
	v32 =	vld.idx.msk [tilespmem:v0+s31+$0x3B0 ss:$0x1], $0xffff  }
0x48e: {  	v33 =	vadd.s32 s1, v14;
	[tilespmem:v1+s25+$0x3B0 ss:$0x1] =	vst.idx.msk $0xffff, v21;
	v18 =	vmul.f32 v61, v18  }
0x48f: {  	v19 =	vunpack.i.u.bf16.f32 v19;
	v34 =	vld.idx.msk [tilespmem:v63+s5+$0x0], $0xffff  }
0x490: {  	v35 =	vld.idx.msk [tilespmem:v0+s24+$0x3C0 ss:$0x1], $0xffff;
	[tilespmem:v1+s0+$0x3B0 ss:$0x1] =	vst.idx.msk $0xffff, v18;
	v18 =	vmul.f32 v30, v19;
	v19 =	vadd.s32 s15, v14  }
0x491: {  	v20 =	vunpack.i.u.bf16.f32 v20;
	v22 =	vld.idx.msk [tilespmem:v31+s5+$0x0], $0xffff  }
0x492: {  	v36 =	vld.idx.msk [tilespmem:v0+s26+$0x3C0 ss:$0x1], $0xffff;
	[tilespmem:v1+s3+$0x3B0 ss:$0x1] =	vst.idx.msk $0xffff, v18;
	v18 =	vmul.f32 v32, v20  }
0x493: {  	v37 =	vld.idx.msk [tilespmem:v33+s5+$0x0], $0xffff  }
0x494: {  	v39 =	vld.idx.msk [tilespmem:v0+s28+$0x3C0 ss:$0x1], $0xffff;
	v38 =	vunpack.i.l.bf16.f32 v34;
	[tilespmem:v1+s31+$0x3B0 ss:$0x1] =	vst.idx.msk $0xffff, v18  }
0x495: {  	v18 =	vmul.f32 v35, v38;
	v19 =	vld.idx.msk [tilespmem:v19+s5+$0x0], $0xffff  }
0x496: {  	v41 =	vld.idx.msk [tilespmem:v0+s30+$0x3C0 ss:$0x1], $0xffff;
	v40 =	vunpack.i.l.bf16.f32 v22  }
0x497: {  	[tilespmem:v1+s24+$0x3C0 ss:$0x1] =	vst.idx.msk $0xffff, v18;
	v18 =	vmul.f32 v36, v40  }
0x498: {  	v42 =	vld.idx.msk [tilespmem:v0+s25+$0x3C0 ss:$0x1], $0xffff;
	v43 =	vunpack.i.l.bf16.f32 v37  }
0x499: {  	[tilespmem:v1+s26+$0x3C0 ss:$0x1] =	vst.idx.msk $0xffff, v18;
	v18 =	vmul.f32 v39, v43  }
0x49a: {  	v44 =	vld.idx.msk [tilespmem:v0+s0+$0x3C0 ss:$0x1], $0xffff;
	v45 =	vunpack.i.l.bf16.f32 v19  }
0x49b: {  	v46 =	vadd.s32 s6, v15;
	[tilespmem:v1+s28+$0x3C0 ss:$0x1] =	vst.idx.msk $0xffff, v18;
	v18 =	vmul.f32 v41, v45  }
0x49c: {  	v23 =	vunpack.i.u.bf16.f32 v34;
	v47 =	vld.idx.msk [tilespmem:v0+s3+$0x3C0 ss:$0x1], $0xffff  }
0x49d: {  	v48 =	vadd.s32 s14, v15;
	v21 =	vmul.f32 v42, v23;
	[tilespmem:v1+s30+$0x3C0 ss:$0x1] =	vst.idx.msk $0xffff, v18  }
0x49e: {  	v18 =	vunpack.i.u.bf16.f32 v22;
	v49 =	vld.idx.msk [tilespmem:v0+s31+$0x3C0 ss:$0x1], $0xffff  }
0x49f: {  	v50 =	vadd.s32 s1, v15;
	[tilespmem:v1+s25+$0x3C0 ss:$0x1] =	vst.idx.msk $0xffff, v21;
	v18 =	vmul.f32 v44, v18  }
0x4a0: {  	v20 =	vunpack.i.u.bf16.f32 v37;
	v51 =	vld.idx.msk [tilespmem:v46+s5+$0x0], $0xffff  }
0x4a1: {  	v53 =	vadd.s32 s15, v15;
	v52 =	vld.idx.msk [tilespmem:v0+s24+$0x3D0 ss:$0x1], $0xffff;
	[tilespmem:v1+s0+$0x3C0 ss:$0x1] =	vst.idx.msk $0xffff, v18;
	v18 =	vmul.f32 v47, v20  }
0x4a2: {  	v19 =	vunpack.i.u.bf16.f32 v19;
	v23 =	vld.idx.msk [tilespmem:v48+s5+$0x0], $0xffff  }
0x4a3: {  	v54 =	vld.idx.msk [tilespmem:v0+s26+$0x3D0 ss:$0x1], $0xffff;
	[tilespmem:v1+s3+$0x3C0 ss:$0x1] =	vst.idx.msk $0xffff, v18;
	v18 =	vmul.f32 v49, v19  }
0x4a4: {  	v19 =	vld.idx.msk [tilespmem:v50+s5+$0x0], $0xffff  }
0x4a5: {  	v56 =	vld.idx.msk [tilespmem:v0+s28+$0x3D0 ss:$0x1], $0xffff;
	v55 =	vunpack.i.l.bf16.f32 v51;
	[tilespmem:v1+s31+$0x3C0 ss:$0x1] =	vst.idx.msk $0xffff, v18  }
0x4a6: {  	v18 =	vmul.f32 v52, v55;
	v20 =	vld.idx.msk [tilespmem:v53+s5+$0x0], $0xffff  }
0x4a7: {  	v58 =	vld.idx.msk [tilespmem:v0+s30+$0x3D0 ss:$0x1], $0xffff;
	v57 =	vunpack.i.l.bf16.f32 v23  }
0x4a8: {  	[tilespmem:v1+s24+$0x3D0 ss:$0x1] =	vst.idx.msk $0xffff, v18;
	v18 =	vmul.f32 v54, v57  }
0x4a9: {  	v59 =	vld.idx.msk [tilespmem:v0+s25+$0x3D0 ss:$0x1], $0xffff;
	v60 =	vunpack.i.l.bf16.f32 v19  }
0x4aa: {  	[tilespmem:v1+s26+$0x3D0 ss:$0x1] =	vst.idx.msk $0xffff, v18;
	v18 =	vmul.f32 v56, v60  }
0x4ab: {  	v61 =	vld.idx.msk [tilespmem:v0+s0+$0x3D0 ss:$0x1], $0xffff;
	v62 =	vunpack.i.l.bf16.f32 v20  }
0x4ac: {  	v63 =	vadd.s32 s6, v16;
	[tilespmem:v1+s28+$0x3D0 ss:$0x1] =	vst.idx.msk $0xffff, v18;
	v18 =	vmul.f32 v58, v62  }
0x4ad: {  	v24 =	vunpack.i.u.bf16.f32 v51;
	v30 =	vld.idx.msk [tilespmem:v0+s3+$0x3D0 ss:$0x1], $0xffff  }
0x4ae: {  	v31 =	vadd.s32 s14, v16;
	v21 =	vmul.f32 v59, v24;
	[tilespmem:v1+s30+$0x3D0 ss:$0x1] =	vst.idx.msk $0xffff, v18  }
0x4af: {  	v18 =	vunpack.i.u.bf16.f32 v23;
	v32 =	vld.idx.msk [tilespmem:v0+s31+$0x3D0 ss:$0x1], $0xffff  }
0x4b0: {  	v33 =	vadd.s32 s1, v16;
	[tilespmem:v1+s25+$0x3D0 ss:$0x1] =	vst.idx.msk $0xffff, v21;
	v18 =	vmul.f32 v61, v18  }
0x4b1: {  	v19 =	vunpack.i.u.bf16.f32 v19;
	v34 =	vld.idx.msk [tilespmem:v63+s5+$0x0], $0xffff  }
0x4b2: {  	v35 =	vld.idx.msk [tilespmem:v0+s24+$0x3E0 ss:$0x1], $0xffff;
	[tilespmem:v1+s0+$0x3D0 ss:$0x1] =	vst.idx.msk $0xffff, v18;
	v18 =	vmul.f32 v30, v19;
	v19 =	vadd.s32 s15, v16  }
0x4b3: {  	v20 =	vunpack.i.u.bf16.f32 v20;
	v24 =	vld.idx.msk [tilespmem:v31+s5+$0x0], $0xffff  }
0x4b4: {  	v36 =	vld.idx.msk [tilespmem:v0+s26+$0x3E0 ss:$0x1], $0xffff;
	[tilespmem:v1+s3+$0x3D0 ss:$0x1] =	vst.idx.msk $0xffff, v18;
	v18 =	vmul.f32 v32, v20  }
0x4b5: {  	v37 =	vld.idx.msk [tilespmem:v33+s5+$0x0], $0xffff  }
0x4b6: {  	v39 =	vld.idx.msk [tilespmem:v0+s28+$0x3E0 ss:$0x1], $0xffff;
	v38 =	vunpack.i.l.bf16.f32 v34;
	[tilespmem:v1+s31+$0x3D0 ss:$0x1] =	vst.idx.msk $0xffff, v18  }
0x4b7: {  	v18 =	vmul.f32 v35, v38;
	v19 =	vld.idx.msk [tilespmem:v19+s5+$0x0], $0xffff  }
0x4b8: {  	v41 =	vld.idx.msk [tilespmem:v0+s30+$0x3E0 ss:$0x1], $0xffff;
	v40 =	vunpack.i.l.bf16.f32 v24  }
0x4b9: {  	[tilespmem:v1+s24+$0x3E0 ss:$0x1] =	vst.idx.msk $0xffff, v18;
	v18 =	vmul.f32 v36, v40  }
0x4ba: {  	v42 =	vld.idx.msk [tilespmem:v0+s25+$0x3E0 ss:$0x1], $0xffff;
	v43 =	vunpack.i.l.bf16.f32 v37  }
0x4bb: {  	[tilespmem:v1+s26+$0x3E0 ss:$0x1] =	vst.idx.msk $0xffff, v18;
	v18 =	vmul.f32 v39, v43  }
0x4bc: {  	v44 =	vld.idx.msk [tilespmem:v0+s0+$0x3E0 ss:$0x1], $0xffff;
	v45 =	vunpack.i.l.bf16.f32 v19  }
0x4bd: {  	v46 =	vadd.s32 s6, v17;
	[tilespmem:v1+s28+$0x3E0 ss:$0x1] =	vst.idx.msk $0xffff, v18;
	v18 =	vmul.f32 v41, v45  }
0x4be: {  	v22 =	vunpack.i.u.bf16.f32 v34;
	v47 =	vld.idx.msk [tilespmem:v0+s3+$0x3E0 ss:$0x1], $0xffff  }
0x4bf: {  	v48 =	vadd.s32 s14, v17;
	v21 =	vmul.f32 v42, v22;
	[tilespmem:v1+s30+$0x3E0 ss:$0x1] =	vst.idx.msk $0xffff, v18  }
0x4c0: {  	v18 =	vunpack.i.u.bf16.f32 v24;
	v49 =	vld.idx.msk [tilespmem:v0+s31+$0x3E0 ss:$0x1], $0xffff  }
0x4c1: {  	v50 =	vadd.s32 s1, v17;
	[tilespmem:v1+s25+$0x3E0 ss:$0x1] =	vst.idx.msk $0xffff, v21;
	v18 =	vmul.f32 v44, v18  }
0x4c2: {  	v20 =	vunpack.i.u.bf16.f32 v37;
	v21 =	vld.idx.msk [tilespmem:v46+s5+$0x0], $0xffff  }
0x4c3: {  	v51 =	vadd.s32 s15, v17;
	[tilespmem:v1+s0+$0x3E0 ss:$0x1] =	vst.idx.msk $0xffff, v18;
	v18 =	vld.idx.msk [tilespmem:v0+s24+$0x3F0 ss:$0x1], $0xffff;
	v20 =	vmul.f32 v47, v20  }
0x4c4: {  	v19 =	vunpack.i.u.bf16.f32 v19;
	v52 =	vld.idx.msk [tilespmem:v48+s5+$0x0], $0xffff  }
0x4c5: {  	v53 =	vld.idx.msk [tilespmem:v0+s26+$0x3F0 ss:$0x1], $0xffff;
	[tilespmem:v1+s3+$0x3E0 ss:$0x1] =	vst.idx.msk $0xffff, v20;
	v19 =	vmul.f32 v49, v19  }
0x4c6: {  	v20 =	vld.idx.msk [tilespmem:v50+s5+$0x0], $0xffff  }
0x4c7: {  	v54 =	vld.idx.msk [tilespmem:v0+s28+$0x3F0 ss:$0x1], $0xffff;
	[tilespmem:v1+s31+$0x3E0 ss:$0x1] =	vst.idx.msk $0xffff, v19  }
0x4c8: {  	v19 =	vld.idx.msk [tilespmem:v51+s5+$0x0], $0xffff  }
0x4c9: {  	v55 =	vld.idx.msk [tilespmem:v0+s30+$0x3F0 ss:$0x1], $0xffff  }
0x4ca: {  	v56 =	vunpack.i.l.bf16.f32 v21  }
0x4cb: {  	v18 =	vmul.f32 v18, v56;
	v57 =	vunpack.i.l.bf16.f32 v52  }
0x4cc: {  	v24 =	vmul.f32 v53, v57;
	v58 =	vunpack.i.l.bf16.f32 v20  }
0x4cd: {  	[tilespmem:v1+s24+$0x3F0 ss:$0x1] =	vst.idx.msk $0xffff, v18;
	v18 =	vmul.f32 v54, v58;
	v59 =	vunpack.i.l.bf16.f32 v19  }
0x4ce: {  	v60 =	vld.idx.msk [tilespmem:v0+s25+$0x3F0 ss:$0x1], $0xffff;
	[tilespmem:v1+s26+$0x3F0 ss:$0x1] =	vst.idx.msk $0xffff, v24;
	v22 =	vmul.f32 v55, v59  }
0x4cf: {  	[tilespmem:v1+s28+$0x3F0 ss:$0x1] =	vst.idx.msk $0xffff, v18;
	v18 =	vld.idx.msk [tilespmem:v0+s0+$0x3F0 ss:$0x1], $0xffff  }
0x4d0: {  	v61 =	vld.idx.msk [tilespmem:v0+s3+$0x3F0 ss:$0x1], $0xffff;
	[tilespmem:v1+s30+$0x3F0 ss:$0x1] =	vst.idx.msk $0xffff, v22  }
0x4d1: {  	v62 =	vld.idx.msk [tilespmem:v0+s31+$0x3F0 ss:$0x1], $0xffff  }
0x4d2: {  	v21 =	vunpack.i.u.bf16.f32 v21  }
0x4d3: {  	p2 =	por p1, p1;
	v63 =	vunpack.i.u.bf16.f32 v52;
	v21 =	vmul.f32 v60, v21  }
.Ltmp3:
0x4d4: {  	v20 =	vunpack.i.u.bf16.f32 v20;
	v18 =	vmul.f32 v18, v63;
	(pc) =	sbr.rel @p2 .LBB2_11-.Ltmp3, $4  }
0x4d5: {  	v19 =	vunpack.i.u.bf16.f32 v19;
	[tilespmem:v1+s25+$0x3F0 ss:$0x1] =	vst.idx.msk $0xffff, v21;
	v20 =	vmul.f32 v61, v20  }
0x4d6: {  	[tilespmem:v1+s0+$0x3F0 ss:$0x1] =	vst.idx.msk $0xffff, v18;
	v18 =	vmul.f32 v62, v19  }
0x4d7: {  	[tilespmem:v1+s3+$0x3F0 ss:$0x1] =	vst.idx.msk $0xffff, v20  }
0x4d8: {  	p1 =	por $0x0, $0x0;
	s0 =	simm.s32 $0x4;
	[tilespmem:v1+s31+$0x3F0 ss:$0x1] =	vst.idx.msk $0xffff, v18  }
0x4d9: {  	s0 =	sshll.u32 s22, $0x14;
	s22 =	sadd.s32 $0x1, s22  }
0x4da: {  	p1 =	seq.s32 s22, $0x8  }
.Ltmp4:
0x4db: {  	_ = 	snop;
	(pc) =	sbr.rel @!p1 .LBB2_4-.Ltmp4, $4  }
0x4dc: {  	s0 =	sadd.s32 s21, s0  }
0x4dd: {  	s0 =	sshrl.u32 s0, $0x3  }
0x4de: {  	s0 =	sadd.s32 s4, s0  }
0x4df: {  	[hbm4b:s0+s12] =	stream.strided.scatter [tilespmem:s23], [sflag:$0x1], $0x4000, s13, s12, $0x38;
	[tilespmem:$0x1A000] =	vst v63  }
0x4e0: {  	p0 =	seq.s32 s19, $0x4  }
.Ltmp5:
0x4e1: {  	_ = 	snop;
	(pc) =	sbr.rel @!p0 .LBB2_3-.Ltmp5, $1  }
0x4e2: {  	_ =	sdelay $0x3  }
0x4e3: {  	s18 =	sadd.s32 $0x1, s18  }
0x4e4: {  	_ =	swait.ge [sflag:s17], $0x4000;
	p0 =	sne.s32 s18, s10  }
.Ltmp6:
0x4e5: {  	[sflag:s17] =	ssyncset.done $0x0;
	(pc) =	sbr.rel @p0 .LBB2_1-.Ltmp6, $4  }
0x4e6: {  	[sflag:s17] =	ssyncadd.s32 $0xFFFFC000  }
0x4e7: {  	_ =	swait.ge [sflag:s17], $0x4000  }
0x4e8: {  	[sflag:s17] =	ssyncset.done $0x0  }
0x4e9: {  	[sflag:s17] =	ssyncadd.s32 $0xFFFFC000  }
0x4ea: {  	_ =	sfence.sel $0x180000  }
0x4eb: {  	[bflag:$0x0] =	sbarrier.arrive $0xFFFF  }
0x4ec: {  	_ =	strace $0x90000047  }
0x4ed: {  	s0 =	stileid.u32;
	[bflag:$0x2] =	sbarrier.arrive $0xFFFF  }
0x4ee: {  	p0 =	sne.s32 s0, $0x0;
	s0 =	rddreg [dreg:$0x4]  }
0x4ef: {  	s0 =	sadd.s32 @!p0 $0x100000, s0  }
0x4f0: {  	[sflag:s0] =	ssyncadd.tile.s32 @!p0 $0x1;
	_ =	shalt  }
.Lfunc_end2:
_tile_overlayer_lowered:
.L_overlay_start_2:
0x4f1: {  	(tag) =	ssettag $0x2  }
0x4f2: {  	s0 =	rddreg [dreg:$0x0];
	s2 =	stileid.u32  }
0x4f3: {  	s1 =	rddreg [dreg:$0x1];
	p0 =	sne.s32 s2, $0x0  }
0x4f4: {  	s3 =	rddreg [dreg:$0x2];
	[bflag:$0x3] =	sbarrier.arrive $0xFFFF;
	s2 =	simm.s32 @!p0 $0x1C03  }
0x4f5: {  	[timem:s3], [sflag:s2] =	dma.local @!p0 [hbm:s0], s1  }
0x4f6: {  	s0 =	simm.s32 @!p0 $0x3  }
0x4f7: {  	_ =	swait.ge @!p0 [sflag:s0], s1  }
0x4f8: {  	s1 =	ssub.s32 @!p0 $0x0, s1;
	[sflag:s0] =	ssyncset.done @!p0 $0x0  }
0x4f9: {  	[sflag:s0] =	ssyncadd.s32 @!p0 s1  }
0x4fa: {  	[bflag:$0x3] =	sbarrier.arrive $0xFFFF  }
0x4fb: {  	_ =	shalt  }

</sc_bundles>
